<compile_context>
chip_gen: v7x
topology: tpu7x:2x2x1
jax: 0.10.2.dev20260603
libtpu: 0.0.44.dev20260713+nightly
codegen_flags: <defaults>
</compile_context>

<pallas_src>
import functools

import jax
import jax.numpy as jnp
from jax import lax
from jax.experimental import pallas as pl
from jax.experimental.pallas import tpu as pltpu
from jax.experimental.pallas import tpu_sc as plsc

_N = 10000
_E = 320000
_D = 128
_F = 128

_NC = 2
_NS = 16
_NW = _NC * _NS
_EPW = _E // _NW
_WIN = 80
_NWIN = _EPW // _WIN
_NMAC = 5
_MWIN = _NWIN // _NMAC
_OCH = 400
_NOCH = _N // _OCH
_ZCH = 80
_DCH = 2000


def _mesh():
    return plsc.VectorSubcoreMesh(core_axis_name="c", subcore_axis_name="s")


def _deg_body(dst_hbm, deg0, deg1, didx_st, ones_v, zb, acc, sem_a, sem_b):
    cid = lax.axis_index("c")
    sid = lax.axis_index("s")
    wid = sid * _NC + cid

    def fill_ones(i, c):
        ones_v[pl.ds(i * 16, 16)] = jnp.ones((16,), jnp.float32)
        return c

    lax.fori_loop(0, _WIN // 16, fill_ones, 0)

    def fill_z(i, c):
        zb[pl.ds(i * 16, 16)] = jnp.zeros((16,), jnp.float32)
        return c

    lax.fori_loop(0, _DCH // 16, fill_z, 0)

    pltpu.sync_copy(dst_hbm.at[wid], didx_st)

    @pl.when(sid == 0)
    def _():
        def zc(k, c):
            pltpu.sync_copy(zb, acc.at[pl.ds(k * _DCH, _DCH)])
            return c

        lax.fori_loop(0, _N // _DCH, zc, 0)

    plsc.subcore_barrier()

    def fire(w, sem):
        return pltpu.async_copy(
            ones_v, acc.at[didx_st.at[w // _MWIN, w % _MWIN]], sem, add=True)

    def drain(sem):
        pltpu.make_async_copy(ones_v, acc.at[didx_st.at[0, 0]], sem).wait()

    fire(0, sem_a)

    def pair(g, c):
        w0 = 2 * g
        fire(w0 + 1, sem_b)
        drain(sem_a)
        fire(w0 + 2, sem_a)
        drain(sem_b)
        return c

    lax.fori_loop(0, (_NWIN - 1) // 2, pair, 0)
    drain(sem_a)

    plsc.subcore_barrier()

    @pl.when(sid == 0)
    def _():
        @pl.when(cid == 0)
        def _():
            pltpu.sync_copy(acc, deg0)

        @pl.when(cid == 1)
        def _():
            pltpu.sync_copy(acc, deg1)


def _degrees(dst):
    k = pl.kernel(
        _deg_body,
        out_type=[
            jax.ShapeDtypeStruct((_N,), jnp.float32),
            jax.ShapeDtypeStruct((_N,), jnp.float32),
        ],
        mesh=_mesh(),
        scratch_types=[
            pltpu.VMEM((_NMAC, _MWIN, _WIN), jnp.int32),
            pltpu.VMEM((_WIN,), jnp.float32),
            pltpu.VMEM((_DCH,), jnp.float32),
            pltpu.VMEM_SHARED((_N,), jnp.float32),
            pltpu.SemaphoreType.DMA,
            pltpu.SemaphoreType.DMA,
        ],
    )
    return k(dst)


def _agg_body(src_hbm, dst_hbm, h1_hbm, p0, p1, sidx_st, didx_st, rows_a,
              rows_b, rows_c, acc, sg_a, sg_b, sg_c, ss_a, ss_b, ss_c):
    cid = lax.axis_index("c")
    sid = lax.axis_index("s")
    wid = sid * _NC + cid

    def fill_z(i, c):
        r = i // (_D // 16)
        q = i % (_D // 16)
        rows_a[r, pl.ds(q * 16, 16)] = jnp.zeros((16,), jnp.float32)
        return c

    lax.fori_loop(0, _ZCH * (_D // 16), fill_z, 0)

    for rnd in range(2):
        ch = sid + rnd * _NS

        @pl.when(ch < _NOCH)
        def _():
            def zc(j, c):
                pltpu.sync_copy(
                    rows_a, acc.at[pl.ds(ch * _OCH + j * _ZCH, _ZCH)])
                return c

            lax.fori_loop(0, _OCH // _ZCH, zc, 0)

    plsc.subcore_barrier()

    bufs = (rows_a, rows_b, rows_c)
    gsem = (sg_a, sg_b, sg_c)
    ssem = (ss_a, ss_b, ss_c)

    def fire_g(j, b):
        pltpu.async_copy(h1_hbm.at[sidx_st.at[j]], bufs[b], gsem[b])

    def wait_g(b):
        pltpu.make_async_copy(h1_hbm.at[sidx_st.at[0]], bufs[b],
                              gsem[b]).wait()

    def fire_s(j, b):
        pltpu.async_copy(bufs[b], acc.at[didx_st.at[j]], ssem[b], add=True)

    def wait_s(b):
        pltpu.make_async_copy(bufs[b], acc.at[didx_st.at[0]], ssem[b]).wait()

    for m in range(_NMAC):
        pltpu.sync_copy(src_hbm.at[wid, m], sidx_st)
        pltpu.sync_copy(dst_hbm.at[wid, m], didx_st)

        fire_g(0, 0)
        fire_g(1, 1)
        wait_g(0)
        fire_s(0, 0)
        fire_g(2, 2)
        wait_g(1)
        fire_s(1, 1)
        wait_s(0)
        fire_g(3, 0)

        def steady(g, c):
            j = 3 * g + 2
            for t, (b, b2) in enumerate(((2, 1), (0, 2), (1, 0))):
                wait_g(b)
                fire_s(j + t, b)
                wait_s(b2)
                fire_g(j + t + 2, b2)
            return c

        lax.fori_loop(0, (_MWIN - 4) // 3, steady, 0)

        wait_g(2)
        fire_s(_MWIN - 2, 2)
        wait_g(0)
        fire_s(_MWIN - 1, 0)
        wait_s(1)
        wait_s(2)
        wait_s(0)

    plsc.subcore_barrier()

    for rnd in range(2):
        ch = sid + rnd * _NS

        @pl.when(ch < _NOCH)
        def _():
            sl = pl.ds(ch * _OCH, _OCH)

            @pl.when(cid == 0)
            def _():
                pltpu.sync_copy(acc.at[sl], p0.at[sl])

            @pl.when(cid == 1)
            def _():
                pltpu.sync_copy(acc.at[sl], p1.at[sl])


def _aggregate(src, dst, h1):
    k = pl.kernel(
        _agg_body,
        out_type=[
            jax.ShapeDtypeStruct((_N, _F), jnp.float32),
            jax.ShapeDtypeStruct((_N, _F), jnp.float32),
        ],
        mesh=_mesh(),
        scratch_types=[
            pltpu.VMEM((_MWIN, _WIN), jnp.int32),
            pltpu.VMEM((_MWIN, _WIN), jnp.int32),
            pltpu.VMEM((_WIN, _F), jnp.float32),
            pltpu.VMEM((_WIN, _F), jnp.float32),
            pltpu.VMEM((_WIN, _F), jnp.float32),
            pltpu.VMEM_SHARED((_N, _F), jnp.float32),
            pltpu.SemaphoreType.DMA,
            pltpu.SemaphoreType.DMA,
            pltpu.SemaphoreType.DMA,
            pltpu.SemaphoreType.DMA,
            pltpu.SemaphoreType.DMA,
            pltpu.SemaphoreType.DMA,
        ],
    )
    return k(src, dst, h1)


_B = 512


def _proj_body(h_ref, w_ref, d0_ref, d1_ref, o_ref):
    deg = d0_ref[...] + d1_ref[...]
    nrm = lax.rsqrt(deg)
    hs = h_ref[...] * nrm[:, None]
    o_ref[...] = jnp.dot(
        hs, w_ref[...],
        preferred_element_type=jnp.float32,
        precision=lax.Precision.HIGHEST,
    )


def _project(h, W, d0, d1):
    return pl.pallas_call(
        _proj_body,
        out_shape=jax.ShapeDtypeStruct((_N, _F), jnp.float32),
    )(h, W, d0, d1)


def _fin_body(p0_ref, p1_ref, d0_ref, d1_ref, o_ref):
    deg = d0_ref[...] + d1_ref[...]
    nrm = lax.rsqrt(deg)
    o_ref[...] = (p0_ref[...] + p1_ref[...]) * nrm[:, None]


def _finalize(p0, p1, d0, d1):
    return pl.pallas_call(
        _fin_body,
        out_shape=jax.ShapeDtypeStruct((_N, _F), jnp.float32),
    )(p0, p1, d0, d1)


def kernel(edge_index, h, W):
    dst = edge_index[0].astype(jnp.int32).reshape(_NW, _NMAC, _MWIN, _WIN)
    src = edge_index[1].astype(jnp.int32).reshape(_NW, _NMAC, _MWIN, _WIN)
    d0, d1 = _degrees(dst)
    h1 = _project(h, W, d0, d1)
    p0, p1 = _aggregate(src, dst, h1)
    return _finalize(p0, p1, d0, d1)

# --- scband reference (transcript-rebuilt; emitter-appended) ---
"""Pipeline reference for scband-gcn-24318104830750 (READ-ONLY COPY).

The authoritative reference and input builder live on the scoring server;
editing this copy changes nothing except your own understanding.
"""

import jax, jax.numpy as jnp
import numpy as np

N_NODES = 10000
N_EDGES = 320000
D_FEAT = 128
FEATURES = 128


def setup_inputs(seed: int = 0) -> dict:
    key = jax.random.key(seed)
    k1, k2, k3 = jax.random.split(key, 3)
    edge_index = jax.random.randint(k1, (2, N_EDGES), 0, N_NODES, dtype=jnp.int64 if jax.config.jax_enable_x64 else jnp.int32)
    h = jax.random.normal(k2, (N_NODES, D_FEAT), dtype=jnp.float32)
    W = jax.nn.initializers.glorot_uniform()(k3, (D_FEAT, FEATURES), jnp.float32)
    return {"edge_index": edge_index, "h": h, "W": W}


def reference(edge_index, h, W):
    # a is an N x N sparse adjacency with a[dst, src] = 1 for each edge.
    dst = edge_index[0]
    src = edge_index[1]
    n = h.shape[0]
    ones = jnp.ones(edge_index.shape[1], dtype=h.dtype)
    # degrees = a.sum(-1).todense()
    degrees = jax.ops.segment_sum(ones, dst, num_segments=n)
    norm = jnp.expand_dims(degrees ** (-0.5), -1)
    h = h * norm
    # Dense(features, use_bias=False)
    h = h @ W
    # h = a @ h  (scatter-add message passing)
    msg = jnp.take(h, src, axis=0)
    h = jax.ops.segment_sum(msg, dst, num_segments=n)
    h = h * norm
    # activation is None (default), so no nonlinearity
    return h

if __name__ == "__main__":
    import jax
    _d = setup_inputs()
    print(jax.jit(kernel)(*tuple(_d.values())))

</pallas_src>

<mosaic_0001>
#map = affine_map<(d0, d1) -> (0, 0, 0, 0)>
#map1 = affine_map<(d0, d1) -> (0)>
module attributes {stable_mosaic.version = 14 : i64} {
  func.func @_deg_body(%arg0: i32, %arg1: i32, %arg2: memref<32x5x25x80xi32, #tpu.memory_space<hbm>>, %arg3: memref<10000xf32, #tpu.memory_space<hbm>>, %arg4: memref<10000xf32, #tpu.memory_space<hbm>>, %arg5: memref<5x25x80xi32, #tpu.memory_space<vmem>>, %arg6: memref<80xf32, #tpu.memory_space<vmem>>, %arg7: memref<2000xf32, #tpu.memory_space<vmem>>, %arg8: memref<10000xf32, #tpu.memory_space<vmem_shared>>, %arg9: memref<!tpu.dma_semaphore, #tpu.memory_space<semaphore_mem>>, %arg10: memref<!tpu.dma_semaphore, #tpu.memory_space<semaphore_mem>>) attributes {dimension_semantics = [#tpu.dimension_semantics<core_parallel>, #tpu.dimension_semantics<subcore_parallel>], iteration_bounds = array<i64: 2, 16>, scalar_prefetch = 0 : i64, scratch_operands = 6 : i64, tpu.core_type = #tpu.core_type<sc_vector_subcore>, window_params = [{transform_indices = #map}, {transform_indices = #map1}, {transform_indices = #map1}]} {
    %mul3A = arith.constant 2 : i32
    %mul3A_0 = arith.muli %arg1, %mul3A : i32
    %add3A = arith.addi %mul3A_0, %arg0 : i32
    %scan3A = arith.constant 0 : i32
    %scan3A_1 = arith.constant 0 : i32
    %scan3A_2 = arith.constant 5 : i32
    %scan3A_3 = arith.addi %scan3A_1, %scan3A_2 : i32
    %scan3A_4 = arith.constant 1 : i32
    scf.for %scan3A_38 = %scan3A_1 to %scan3A_3 step %scan3A_4  : i32 {
      %broadcast_in_dim3A = arith.constant 1.000000e+00 : f32
      %broadcast_in_dim3A_39 = vector.broadcast %broadcast_in_dim3A : f32 to vector<16xf32>
      %mul3A_40 = arith.constant 16 : i32
      %mul3A_41 = arith.muli %scan3A_38, %mul3A_40 : i32
      %swap3A = arith.index_cast %mul3A_41 : i32 to index
      %swap3A_42 = tpu.vector_load %arg6[%swap3A] {strides = array<i32>} : memref<80xf32, #tpu.memory_space<vmem>>, vector<16xf32>,
      %swap3A_43 = vector.shape_cast %swap3A_42 : vector<16xf32> to vector<16xf32>
      %swap3A_44 = vector.shape_cast %broadcast_in_dim3A_39 : vector<16xf32> to vector<16xf32>
      tpu.vector_store %arg6[%swap3A], %swap3A_44 {strides = array<i32>} : memref<80xf32, #tpu.memory_space<vmem>>, vector<16xf32>,
    }
    %scan3A_5 = arith.constant 5 : i32
    %scan3A_6 = arith.constant 0 : i32
    %scan3A_7 = arith.constant 0 : i32
    %scan3A_8 = arith.constant 125 : i32
    %scan3A_9 = arith.addi %scan3A_7, %scan3A_8 : i32
    %scan3A_10 = arith.constant 1 : i32
    scf.for %scan3A_38 = %scan3A_7 to %scan3A_9 step %scan3A_10  : i32 {
      %broadcast_in_dim3A = arith.constant 0.000000e+00 : f32
      %broadcast_in_dim3A_39 = vector.broadcast %broadcast_in_dim3A : f32 to vector<16xf32>
      %mul3A_40 = arith.constant 16 : i32
      %mul3A_41 = arith.muli %scan3A_38, %mul3A_40 : i32
      %swap3A = arith.index_cast %mul3A_41 : i32 to index
      %swap3A_42 = tpu.vector_load %arg7[%swap3A] {strides = array<i32>} : memref<2000xf32, #tpu.memory_space<vmem>>, vector<16xf32>,
      %swap3A_43 = vector.shape_cast %swap3A_42 : vector<16xf32> to vector<16xf32>
      %swap3A_44 = vector.shape_cast %broadcast_in_dim3A_39 : vector<16xf32> to vector<16xf32>
      tpu.vector_store %arg7[%swap3A], %swap3A_44 {strides = array<i32>} : memref<2000xf32, #tpu.memory_space<vmem>>, vector<16xf32>,
    }
    %scan3A_11 = arith.constant 125 : i32
    "tpu.region"() ({
      %run_scoped3A = tpu.sem_alloc : memref<!tpu.dma_semaphore, #tpu.memory_space<semaphore_mem>>
      %dma_start3A_38 = arith.constant 0 : i32
      %dma_start3A_39 = arith.constant 0 : i32
      %dma_start3A_40 = arith.constant 0 : i32
      %dma_start3A_41 = tpu.memref_slice %arg2[%add3A, %dma_start3A_38, %dma_start3A_39, %dma_start3A_40] : memref<32x5x25x80xi32, #tpu.memory_space<hbm>> -> memref<1x5x25x80xi32, #tpu.memory_space<hbm>>
      %dma_start3A_42 = tpu.memref_squeeze %dma_start3A_41 : memref<1x5x25x80xi32, #tpu.memory_space<hbm>> -> memref<5x25x80xi32, #tpu.memory_space<hbm>>
      %dma_start3A_43 = arith.constant 0 : i32
      %dma_start3A_44 = arith.constant 0 : i32
      %dma_start3A_45 = arith.constant 0 : i32
      %dma_start3A_46 = tpu.memref_slice %arg2[%add3A, %dma_start3A_43, %dma_start3A_44, %dma_start3A_45] : memref<32x5x25x80xi32, #tpu.memory_space<hbm>> -> memref<1x5x25x80xi32, #tpu.memory_space<hbm>>
      %dma_start3A_47 = tpu.memref_squeeze %dma_start3A_46 : memref<1x5x25x80xi32, #tpu.memory_space<hbm>> -> memref<5x25x80xi32, #tpu.memory_space<hbm>>
      tpu.enqueue_dma source(%dma_start3A_47 : memref<5x25x80xi32, #tpu.memory_space<hbm>>) target(%arg5 : memref<5x25x80xi32, #tpu.memory_space<vmem>>) target_semaphore(%run_scoped3A : memref<!tpu.dma_semaphore, #tpu.memory_space<semaphore_mem>>)
      %dma_wait3A_48 = arith.constant 0 : i32
      %dma_wait3A_49 = arith.constant 0 : i32
      %dma_wait3A_50 = arith.constant 0 : i32
      %dma_wait3A_51 = tpu.memref_slice %arg2[%add3A, %dma_wait3A_48, %dma_wait3A_49, %dma_wait3A_50] : memref<32x5x25x80xi32, #tpu.memory_space<hbm>> -> memref<1x5x25x80xi32, #tpu.memory_space<hbm>>
      %dma_wait3A_52 = tpu.memref_squeeze %dma_wait3A_51 : memref<1x5x25x80xi32, #tpu.memory_space<hbm>> -> memref<5x25x80xi32, #tpu.memory_space<hbm>>
      %dma_wait3A_53 = arith.constant 0 : i32
      %dma_wait3A_54 = arith.constant 0 : i32
      %dma_wait3A_55 = arith.constant 0 : i32
      %dma_wait3A_56 = tpu.memref_slice %arg2[%add3A, %dma_wait3A_53, %dma_wait3A_54, %dma_wait3A_55] : memref<32x5x25x80xi32, #tpu.memory_space<hbm>> -> memref<1x5x25x80xi32, #tpu.memory_space<hbm>>
      %dma_wait3A_57 = tpu.memref_squeeze %dma_wait3A_56 : memref<1x5x25x80xi32, #tpu.memory_space<hbm>> -> memref<5x25x80xi32, #tpu.memory_space<hbm>>
      tpu.wait_dma2 semaphore(%run_scoped3A : memref<!tpu.dma_semaphore, #tpu.memory_space<semaphore_mem>>) src(%dma_wait3A_57 : memref<5x25x80xi32, #tpu.memory_space<hbm>>) dst(%arg5 : memref<5x25x80xi32, #tpu.memory_space<vmem>>)
      tpu.yield
    }) : () -> ()
    %eq3A = arith.constant 0 : i32
    %eq3A_12 = arith.cmpi eq, %arg1, %eq3A : i32
    %convert_element_type3A = arith.extui %eq3A_12 : i1 to i32
    %cond3A = arith.constant 0 : i32
    %cond3A_13 = arith.cmpi ne, %convert_element_type3A, %cond3A : i32
    scf.if %cond3A_13 {
      %scan3A_38 = arith.constant 0 : i32
      %scan3A_39 = arith.constant 0 : i32
      %scan3A_40 = arith.constant 5 : i32
      %scan3A_41 = arith.addi %scan3A_39, %scan3A_40 : i32
      %scan3A_42 = arith.constant 1 : i32
      scf.for %scan3A_44 = %scan3A_39 to %scan3A_41 step %scan3A_42  : i32 {
        %mul3A_45 = arith.constant 2000 : i32
        %mul3A_46 = arith.muli %scan3A_44, %mul3A_45 : i32
        "tpu.region"() ({
          %run_scoped3A = tpu.sem_alloc : memref<!tpu.dma_semaphore, #tpu.memory_space<semaphore_mem>>
          %dma_start3A_47 = tpu.memref_slice %arg8[%mul3A_46] : memref<10000xf32, #tpu.memory_space<vmem_shared>> -> memref<2000xf32, #tpu.memory_space<vmem_shared>>
          %dma_start3A_48 = tpu.memref_slice %arg8[%mul3A_46] : memref<10000xf32, #tpu.memory_space<vmem_shared>> -> memref<2000xf32, #tpu.memory_space<vmem_shared>>
          tpu.enqueue_dma source(%arg7 : memref<2000xf32, #tpu.memory_space<vmem>>) target(%dma_start3A_48 : memref<2000xf32, #tpu.memory_space<vmem_shared>>) target_semaphore(%run_scoped3A : memref<!tpu.dma_semaphore, #tpu.memory_space<semaphore_mem>>)
          %dma_wait3A_49 = tpu.memref_slice %arg8[%mul3A_46] : memref<10000xf32, #tpu.memory_space<vmem_shared>> -> memref<2000xf32, #tpu.memory_space<vmem_shared>>
          %dma_wait3A_50 = tpu.memref_slice %arg8[%mul3A_46] : memref<10000xf32, #tpu.memory_space<vmem_shared>> -> memref<2000xf32, #tpu.memory_space<vmem_shared>>
          tpu.wait_dma2 semaphore(%run_scoped3A : memref<!tpu.dma_semaphore, #tpu.memory_space<semaphore_mem>>) src(%arg7 : memref<2000xf32, #tpu.memory_space<vmem>>) dst(%dma_wait3A_50 : memref<2000xf32, #tpu.memory_space<vmem_shared>>)
          tpu.yield
        }) : () -> ()
      }
      %scan3A_43 = arith.constant 5 : i32
    } else {
    }
    %barrier3A = arith.constant 0 : index
    tpu.barrier barrier_id(%barrier3A)
    %dma_start3A = arith.constant 0 : i32
    %dma_start3A_14 = arith.constant 0 : i32
    %dma_start3A_15 = arith.constant 0 : i32
    %dma_start3A_16 = tpu.memref_slice %arg5[%dma_start3A, %dma_start3A_14, %dma_start3A_15] : memref<5x25x80xi32, #tpu.memory_space<vmem>> -> memref<1x1x80xi32, #tpu.memory_space<vmem>>
    %dma_start3A_17 = tpu.memref_squeeze %dma_start3A_16 : memref<1x1x80xi32, #tpu.memory_space<vmem>> -> memref<80xi32, #tpu.memory_space<vmem>>
    %dma_start3A_18 = arith.constant 0 : i32
    %dma_start3A_19 = tpu.memref_slice %arg8[%dma_start3A_18] : memref<10000xf32, #tpu.memory_space<vmem_shared>> -> memref<10000xf32, #tpu.memory_space<vmem_shared>>
    tpu.enqueue_indirect_dma source(%arg6 : memref<80xf32, #tpu.memory_space<vmem>>) target(%dma_start3A_19 : memref<10000xf32, #tpu.memory_space<vmem_shared>>) offsets(%dma_start3A_17 : memref<80xi32, #tpu.memory_space<vmem>>) semaphore(%arg9 : memref<!tpu.dma_semaphore, #tpu.memory_space<semaphore_mem>>) {add = true}
    %scan3A_20 = arith.constant 0 : i32
    %scan3A_21 = arith.constant 0 : i32
    %scan3A_22 = arith.constant 62 : i32
    %scan3A_23 = arith.addi %scan3A_21, %scan3A_22 : i32
    %scan3A_24 = arith.constant 1 : i32
    scf.for %scan3A_38 = %scan3A_21 to %scan3A_23 step %scan3A_24  : i32 {
      %mul3A_39 = arith.constant 2 : i32
      %mul3A_40 = arith.muli %mul3A_39, %scan3A_38 : i32
      %add3A_41 = arith.constant 1 : i32
      %add3A_42 = arith.addi %mul3A_40, %add3A_41 : i32
      %jit3A = arith.constant 25 : i32
      %div3A = arith.divsi %add3A_42, %jit3A : i32
      %sign3A = arith.constant 0 : i32
      %sign3A_43 = arith.cmpi sgt, %add3A_42, %sign3A : i32
      %sign3A_44 = arith.extui %sign3A_43 : i1 to i32
      %sign3A_45 = arith.constant 0 : i32
      %sign3A_46 = arith.cmpi slt, %add3A_42, %sign3A_45 : i32
      %sign3A_47 = arith.extui %sign3A_46 : i1 to i32
      %sign3A_48 = arith.subi %sign3A_44, %sign3A_47 : i32
      %sign3A_49 = arith.constant 0 : i32
      %sign3A_50 = arith.cmpi sgt, %jit3A, %sign3A_49 : i32
      %sign3A_51 = arith.extui %sign3A_50 : i1 to i32
      %sign3A_52 = arith.constant 0 : i32
      %sign3A_53 = arith.cmpi slt, %jit3A, %sign3A_52 : i32
      %sign3A_54 = arith.extui %sign3A_53 : i1 to i32
      %sign3A_55 = arith.subi %sign3A_51, %sign3A_54 : i32
      %ne3A = arith.cmpi ne, %sign3A_48, %sign3A_55 : i32
      %rem3A = arith.remsi %add3A_42, %jit3A : i32
      %ne3A_56 = arith.constant 0 : i32
      %ne3A_57 = arith.cmpi ne, %rem3A, %ne3A_56 : i32
      %and3A = arith.andi %ne3A, %ne3A_57 : i1
      %sub3A = arith.constant 1 : i32
      %sub3A_58 = arith.subi %div3A, %sub3A : i32
      %select_n3A = arith.select %and3A, %sub3A_58, %div3A : i32
      %jit3A_59 = arith.constant 25 : i32
      %eq3A_60 = arith.constant 0 : i32
      %eq3A_61 = arith.cmpi eq, %jit3A_59, %eq3A_60 : i32
      %jit3A_62 = arith.constant 1 : i32
      %select_n3A_63 = arith.select %eq3A_61, %jit3A_62, %jit3A_59 : i32
      %rem3A_64 = arith.remsi %add3A_42, %select_n3A_63 : i32
      %ne3A_65 = arith.constant 0 : i32
      %ne3A_66 = arith.cmpi ne, %rem3A_64, %ne3A_65 : i32
      %lt3A = arith.constant 0 : i32
      %lt3A_67 = arith.cmpi slt, %rem3A_64, %lt3A : i32
      %lt3A_68 = arith.constant 0 : i32
      %lt3A_69 = arith.cmpi slt, %select_n3A_63, %lt3A_68 : i32
      %ne3A_70 = arith.xori %lt3A_67, %lt3A_69 : i1
      %and3A_71 = arith.andi %ne3A_70, %ne3A_66 : i1
      %add3A_72 = arith.addi %rem3A_64, %select_n3A_63 : i32
      %select_n3A_73 = arith.select %and3A_71, %add3A_72, %rem3A_64 : i32
      %dma_start3A_74 = arith.constant 0 : i32
      %dma_start3A_75 = tpu.memref_slice %arg5[%select_n3A, %select_n3A_73, %dma_start3A_74] : memref<5x25x80xi32, #tpu.memory_space<vmem>> -> memref<1x1x80xi32, #tpu.memory_space<vmem>>
      %dma_start3A_76 = tpu.memref_squeeze %dma_start3A_75 : memref<1x1x80xi32, #tpu.memory_space<vmem>> -> memref<80xi32, #tpu.memory_space<vmem>>
      %dma_start3A_77 = arith.constant 0 : i32
      %dma_start3A_78 = tpu.memref_slice %arg8[%dma_start3A_77] : memref<10000xf32, #tpu.memory_space<vmem_shared>> -> memref<10000xf32, #tpu.memory_space<vmem_shared>>
      tpu.enqueue_indirect_dma source(%arg6 : memref<80xf32, #tpu.memory_space<vmem>>) target(%dma_start3A_78 : memref<10000xf32, #tpu.memory_space<vmem_shared>>) offsets(%dma_start3A_76 : memref<80xi32, #tpu.memory_space<vmem>>) semaphore(%arg10 : memref<!tpu.dma_semaphore, #tpu.memory_space<semaphore_mem>>) {add = true}
      %dma_wait3A_79 = arith.constant 0 : i32
      %dma_wait3A_80 = arith.constant 0 : i32
      %dma_wait3A_81 = arith.constant 0 : i32
      %dma_wait3A_82 = tpu.memref_slice %arg5[%dma_wait3A_79, %dma_wait3A_80, %dma_wait3A_81] : memref<5x25x80xi32, #tpu.memory_space<vmem>> -> memref<1x1x80xi32, #tpu.memory_space<vmem>>
      %dma_wait3A_83 = tpu.memref_squeeze %dma_wait3A_82 : memref<1x1x80xi32, #tpu.memory_space<vmem>> -> memref<80xi32, #tpu.memory_space<vmem>>
      %dma_wait3A_84 = arith.constant 0 : i32
      %dma_wait3A_85 = tpu.memref_slice %arg8[%dma_wait3A_84] : memref<10000xf32, #tpu.memory_space<vmem_shared>> -> memref<10000xf32, #tpu.memory_space<vmem_shared>>
      tpu.wait_indirect_dma semaphore(%arg9 : memref<!tpu.dma_semaphore, #tpu.memory_space<semaphore_mem>>) src(%arg6 : memref<80xf32, #tpu.memory_space<vmem>>) dst(%dma_wait3A_85 : memref<10000xf32, #tpu.memory_space<vmem_shared>>)
      %add3A_86 = arith.constant 2 : i32
      %add3A_87 = arith.addi %mul3A_40, %add3A_86 : i32
      %jit3A_88 = arith.constant 25 : i32
      %div3A_89 = arith.divsi %add3A_87, %jit3A_88 : i32
      %sign3A_90 = arith.constant 0 : i32
      %sign3A_91 = arith.cmpi sgt, %add3A_87, %sign3A_90 : i32
      %sign3A_92 = arith.extui %sign3A_91 : i1 to i32
      %sign3A_93 = arith.constant 0 : i32
      %sign3A_94 = arith.cmpi slt, %add3A_87, %sign3A_93 : i32
      %sign3A_95 = arith.extui %sign3A_94 : i1 to i32
      %sign3A_96 = arith.subi %sign3A_92, %sign3A_95 : i32
      %sign3A_97 = arith.constant 0 : i32
      %sign3A_98 = arith.cmpi sgt, %jit3A_88, %sign3A_97 : i32
      %sign3A_99 = arith.extui %sign3A_98 : i1 to i32
      %sign3A_100 = arith.constant 0 : i32
      %sign3A_101 = arith.cmpi slt, %jit3A_88, %sign3A_100 : i32
      %sign3A_102 = arith.extui %sign3A_101 : i1 to i32
      %sign3A_103 = arith.subi %sign3A_99, %sign3A_102 : i32
      %ne3A_104 = arith.cmpi ne, %sign3A_96, %sign3A_103 : i32
      %rem3A_105 = arith.remsi %add3A_87, %jit3A_88 : i32
      %ne3A_106 = arith.constant 0 : i32
      %ne3A_107 = arith.cmpi ne, %rem3A_105, %ne3A_106 : i32
      %and3A_108 = arith.andi %ne3A_104, %ne3A_107 : i1
      %sub3A_109 = arith.constant 1 : i32
      %sub3A_110 = arith.subi %div3A_89, %sub3A_109 : i32
      %select_n3A_111 = arith.select %and3A_108, %sub3A_110, %div3A_89 : i32
      %jit3A_112 = arith.constant 25 : i32
      %eq3A_113 = arith.constant 0 : i32
      %eq3A_114 = arith.cmpi eq, %jit3A_112, %eq3A_113 : i32
      %jit3A_115 = arith.constant 1 : i32
      %select_n3A_116 = arith.select %eq3A_114, %jit3A_115, %jit3A_112 : i32
      %rem3A_117 = arith.remsi %add3A_87, %select_n3A_116 : i32
      %ne3A_118 = arith.constant 0 : i32
      %ne3A_119 = arith.cmpi ne, %rem3A_117, %ne3A_118 : i32
      %lt3A_120 = arith.constant 0 : i32
      %lt3A_121 = arith.cmpi slt, %rem3A_117, %lt3A_120 : i32
      %lt3A_122 = arith.constant 0 : i32
      %lt3A_123 = arith.cmpi slt, %select_n3A_116, %lt3A_122 : i32
      %ne3A_124 = arith.xori %lt3A_121, %lt3A_123 : i1
      %and3A_125 = arith.andi %ne3A_124, %ne3A_119 : i1
      %add3A_126 = arith.addi %rem3A_117, %select_n3A_116 : i32
      %select_n3A_127 = arith.select %and3A_125, %add3A_126, %rem3A_117 : i32
      %dma_start3A_128 = arith.constant 0 : i32
      %dma_start3A_129 = tpu.memref_slice %arg5[%select_n3A_111, %select_n3A_127, %dma_start3A_128] : memref<5x25x80xi32, #tpu.memory_space<vmem>> -> memref<1x1x80xi32, #tpu.memory_space<vmem>>
      %dma_start3A_130 = tpu.memref_squeeze %dma_start3A_129 : memref<1x1x80xi32, #tpu.memory_space<vmem>> -> memref<80xi32, #tpu.memory_space<vmem>>
      %dma_start3A_131 = arith.constant 0 : i32
      %dma_start3A_132 = tpu.memref_slice %arg8[%dma_start3A_131] : memref<10000xf32, #tpu.memory_space<vmem_shared>> -> memref<10000xf32, #tpu.memory_space<vmem_shared>>
      tpu.enqueue_indirect_dma source(%arg6 : memref<80xf32, #tpu.memory_space<vmem>>) target(%dma_start3A_132 : memref<10000xf32, #tpu.memory_space<vmem_shared>>) offsets(%dma_start3A_130 : memref<80xi32, #tpu.memory_space<vmem>>) semaphore(%arg9 : memref<!tpu.dma_semaphore, #tpu.memory_space<semaphore_mem>>) {add = true}
      %dma_wait3A_133 = arith.constant 0 : i32
      %dma_wait3A_134 = arith.constant 0 : i32
      %dma_wait3A_135 = arith.constant 0 : i32
      %dma_wait3A_136 = tpu.memref_slice %arg5[%dma_wait3A_133, %dma_wait3A_134, %dma_wait3A_135] : memref<5x25x80xi32, #tpu.memory_space<vmem>> -> memref<1x1x80xi32, #tpu.memory_space<vmem>>
      %dma_wait3A_137 = tpu.memref_squeeze %dma_wait3A_136 : memref<1x1x80xi32, #tpu.memory_space<vmem>> -> memref<80xi32, #tpu.memory_space<vmem>>
      %dma_wait3A_138 = arith.constant 0 : i32
      %dma_wait3A_139 = tpu.memref_slice %arg8[%dma_wait3A_138] : memref<10000xf32, #tpu.memory_space<vmem_shared>> -> memref<10000xf32, #tpu.memory_space<vmem_shared>>
      tpu.wait_indirect_dma semaphore(%arg10 : memref<!tpu.dma_semaphore, #tpu.memory_space<semaphore_mem>>) src(%arg6 : memref<80xf32, #tpu.memory_space<vmem>>) dst(%dma_wait3A_139 : memref<10000xf32, #tpu.memory_space<vmem_shared>>)
    }
    %scan3A_25 = arith.constant 62 : i32
    %dma_wait3A = arith.constant 0 : i32
    %dma_wait3A_26 = arith.constant 0 : i32
    %dma_wait3A_27 = arith.constant 0 : i32
    %dma_wait3A_28 = tpu.memref_slice %arg5[%dma_wait3A, %dma_wait3A_26, %dma_wait3A_27] : memref<5x25x80xi32, #tpu.memory_space<vmem>> -> memref<1x1x80xi32, #tpu.memory_space<vmem>>
    %dma_wait3A_29 = tpu.memref_squeeze %dma_wait3A_28 : memref<1x1x80xi32, #tpu.memory_space<vmem>> -> memref<80xi32, #tpu.memory_space<vmem>>
    %dma_wait3A_30 = arith.constant 0 : i32
    %dma_wait3A_31 = tpu.memref_slice %arg8[%dma_wait3A_30] : memref<10000xf32, #tpu.memory_space<vmem_shared>> -> memref<10000xf32, #tpu.memory_space<vmem_shared>>
    tpu.wait_indirect_dma semaphore(%arg9 : memref<!tpu.dma_semaphore, #tpu.memory_space<semaphore_mem>>) src(%arg6 : memref<80xf32, #tpu.memory_space<vmem>>) dst(%dma_wait3A_31 : memref<10000xf32, #tpu.memory_space<vmem_shared>>)
    %barrier3A_32 = arith.constant 0 : index
    tpu.barrier barrier_id(%barrier3A_32)
    %eq3A_33 = arith.constant 0 : i32
    %eq3A_34 = arith.cmpi eq, %arg1, %eq3A_33 : i32
    %convert_element_type3A_35 = arith.extui %eq3A_34 : i1 to i32
    %cond3A_36 = arith.constant 0 : i32
    %cond3A_37 = arith.cmpi ne, %convert_element_type3A_35, %cond3A_36 : i32
    scf.if %cond3A_37 {
      %eq3A_38 = arith.constant 0 : i32
      %eq3A_39 = arith.cmpi eq, %arg0, %eq3A_38 : i32
      %convert_element_type3A_40 = arith.extui %eq3A_39 : i1 to i32
      %cond3A_41 = arith.constant 0 : i32
      %cond3A_42 = arith.cmpi ne, %convert_element_type3A_40, %cond3A_41 : i32
      scf.if %cond3A_42 {
        "tpu.region"() ({
          %run_scoped3A = tpu.sem_alloc : memref<!tpu.dma_semaphore, #tpu.memory_space<semaphore_mem>>
          tpu.enqueue_dma source(%arg8 : memref<10000xf32, #tpu.memory_space<vmem_shared>>) target(%arg3 : memref<10000xf32, #tpu.memory_space<hbm>>) target_semaphore(%run_scoped3A : memref<!tpu.dma_semaphore, #tpu.memory_space<semaphore_mem>>)
          tpu.wait_dma2 semaphore(%run_scoped3A : memref<!tpu.dma_semaphore, #tpu.memory_space<semaphore_mem>>) src(%arg8 : memref<10000xf32, #tpu.memory_space<vmem_shared>>) dst(%arg3 : memref<10000xf32, #tpu.memory_space<hbm>>)
          tpu.yield
        }) : () -> ()
      } else {
      }
      %eq3A_43 = arith.constant 1 : i32
      %eq3A_44 = arith.cmpi eq, %arg0, %eq3A_43 : i32
      %convert_element_type3A_45 = arith.extui %eq3A_44 : i1 to i32
      %cond3A_46 = arith.constant 0 : i32
      %cond3A_47 = arith.cmpi ne, %convert_element_type3A_45, %cond3A_46 : i32
      scf.if %cond3A_47 {
        "tpu.region"() ({
          %run_scoped3A = tpu.sem_alloc : memref<!tpu.dma_semaphore, #tpu.memory_space<semaphore_mem>>
          tpu.enqueue_dma source(%arg8 : memref<10000xf32, #tpu.memory_space<vmem_shared>>) target(%arg4 : memref<10000xf32, #tpu.memory_space<hbm>>) target_semaphore(%run_scoped3A : memref<!tpu.dma_semaphore, #tpu.memory_space<semaphore_mem>>)
          tpu.wait_dma2 semaphore(%run_scoped3A : memref<!tpu.dma_semaphore, #tpu.memory_space<semaphore_mem>>) src(%arg8 : memref<10000xf32, #tpu.memory_space<vmem_shared>>) dst(%arg4 : memref<10000xf32, #tpu.memory_space<hbm>>)
          tpu.yield
        }) : () -> ()
      } else {
      }
    } else {
    }
    return
  }
}

#map = affine_map<(d0, d1) -> (0, 0, 0, 0)>
#map1 = affine_map<(d0, d1) -> (0, 0)>
module attributes {stable_mosaic.version = 14 : i64} {
  func.func @_agg_body(%arg0: i32, %arg1: i32, %arg2: memref<32x5x25x80xi32, #tpu.memory_space<hbm>>, %arg3: memref<32x5x25x80xi32, #tpu.memory_space<hbm>>, %arg4: memref<10000x128xf32, #tpu.memory_space<hbm>>, %arg5: memref<10000x128xf32, #tpu.memory_space<hbm>>, %arg6: memref<10000x128xf32, #tpu.memory_space<hbm>>, %arg7: memref<25x80xi32, #tpu.memory_space<vmem>>, %arg8: memref<25x80xi32, #tpu.memory_space<vmem>>, %arg9: memref<80x128xf32, #tpu.memory_space<vmem>>, %arg10: memref<80x128xf32, #tpu.memory_space<vmem>>, %arg11: memref<80x128xf32, #tpu.memory_space<vmem>>, %arg12: memref<10000x128xf32, #tpu.memory_space<vmem_shared>>, %arg13: memref<!tpu.dma_semaphore, #tpu.memory_space<semaphore_mem>>, %arg14: memref<!tpu.dma_semaphore, #tpu.memory_space<semaphore_mem>>, %arg15: memref<!tpu.dma_semaphore, #tpu.memory_space<semaphore_mem>>, %arg16: memref<!tpu.dma_semaphore, #tpu.memory_space<semaphore_mem>>, %arg17: memref<!tpu.dma_semaphore, #tpu.memory_space<semaphore_mem>>, %arg18: memref<!tpu.dma_semaphore, #tpu.memory_space<semaphore_mem>>) attributes {dimension_semantics = [#tpu.dimension_semantics<core_parallel>, #tpu.dimension_semantics<subcore_parallel>], iteration_bounds = array<i64: 2, 16>, scalar_prefetch = 0 : i64, scratch_operands = 12 : i64, tpu.core_type = #tpu.core_type<sc_vector_subcore>, window_params = [{transform_indices = #map}, {transform_indices = #map}, {transform_indices = #map1}, {transform_indices = #map1}, {transform_indices = #map1}]} {
    %mul3A = arith.constant 2 : i32
    %mul3A_0 = arith.muli %arg1, %mul3A : i32
    %add3A = arith.addi %mul3A_0, %arg0 : i32
    %scan3A = arith.constant 0 : i32
    %scan3A_1 = arith.constant 0 : i32
    %scan3A_2 = arith.constant 640 : i32
    %scan3A_3 = arith.addi %scan3A_1, %scan3A_2 : i32
    %scan3A_4 = arith.constant 1 : i32
    scf.for %scan3A_629 = %scan3A_1 to %scan3A_3 step %scan3A_4  : i32 {
      %jit3A = arith.constant 8 : i32
      %div3A = arith.divsi %scan3A_629, %jit3A : i32
      %sign3A = arith.constant 0 : i32
      %sign3A_630 = arith.cmpi sgt, %scan3A_629, %sign3A : i32
      %sign3A_631 = arith.extui %sign3A_630 : i1 to i32
      %sign3A_632 = arith.constant 0 : i32
      %sign3A_633 = arith.cmpi slt, %scan3A_629, %sign3A_632 : i32
      %sign3A_634 = arith.extui %sign3A_633 : i1 to i32
      %sign3A_635 = arith.subi %sign3A_631, %sign3A_634 : i32
      %sign3A_636 = arith.constant 0 : i32
      %sign3A_637 = arith.cmpi sgt, %jit3A, %sign3A_636 : i32
      %sign3A_638 = arith.extui %sign3A_637 : i1 to i32
      %sign3A_639 = arith.constant 0 : i32
      %sign3A_640 = arith.cmpi slt, %jit3A, %sign3A_639 : i32
      %sign3A_641 = arith.extui %sign3A_640 : i1 to i32
      %sign3A_642 = arith.subi %sign3A_638, %sign3A_641 : i32
      %ne3A = arith.cmpi ne, %sign3A_635, %sign3A_642 : i32
      %rem3A = arith.remsi %scan3A_629, %jit3A : i32
      %ne3A_643 = arith.constant 0 : i32
      %ne3A_644 = arith.cmpi ne, %rem3A, %ne3A_643 : i32
      %and3A = arith.andi %ne3A, %ne3A_644 : i1
      %sub3A = arith.constant 1 : i32
      %sub3A_645 = arith.subi %div3A, %sub3A : i32
      %select_n3A = arith.select %and3A, %sub3A_645, %div3A : i32
      %jit3A_646 = arith.constant 8 : i32
      %eq3A = arith.constant 0 : i32
      %eq3A_647 = arith.cmpi eq, %jit3A_646, %eq3A : i32
      %jit3A_648 = arith.constant 1 : i32
      %select_n3A_649 = arith.select %eq3A_647, %jit3A_648, %jit3A_646 : i32
      %rem3A_650 = arith.remsi %scan3A_629, %select_n3A_649 : i32
      %ne3A_651 = arith.constant 0 : i32
      %ne3A_652 = arith.cmpi ne, %rem3A_650, %ne3A_651 : i32
      %lt3A_653 = arith.constant 0 : i32
      %lt3A_654 = arith.cmpi slt, %rem3A_650, %lt3A_653 : i32
      %lt3A_655 = arith.constant 0 : i32
      %lt3A_656 = arith.cmpi slt, %select_n3A_649, %lt3A_655 : i32
      %ne3A_657 = arith.xori %lt3A_654, %lt3A_656 : i1
      %and3A_658 = arith.andi %ne3A_657, %ne3A_652 : i1
      %add3A_659 = arith.addi %rem3A_650, %select_n3A_649 : i32
      %select_n3A_660 = arith.select %and3A_658, %add3A_659, %rem3A_650 : i32
      %broadcast_in_dim3A = arith.constant 0.000000e+00 : f32
      %broadcast_in_dim3A_661 = vector.broadcast %broadcast_in_dim3A : f32 to vector<16xf32>
      %mul3A_662 = arith.constant 16 : i32
      %mul3A_663 = arith.muli %select_n3A_660, %mul3A_662 : i32
      %swap3A = arith.index_cast %select_n3A : i32 to index
      %swap3A_664 = arith.index_cast %mul3A_663 : i32 to index
      %swap3A_665 = tpu.vector_load %arg9[%swap3A, %swap3A_664] {strides = array<i32>} : memref<80x128xf32, #tpu.memory_space<vmem>>, vector<1x16xf32>,
      %swap3A_666 = vector.shape_cast %swap3A_665 : vector<1x16xf32> to vector<16xf32>
      %swap3A_667 = vector.shape_cast %broadcast_in_dim3A_661 : vector<16xf32> to vector<1x16xf32>
      tpu.vector_store %arg9[%swap3A, %swap3A_664], %swap3A_667 {strides = array<i32>} : memref<80x128xf32, #tpu.memory_space<vmem>>, vector<1x16xf32>,
    }
    %scan3A_5 = arith.constant 640 : i32
    %add3A_6 = arith.constant 0 : i32
    %add3A_7 = arith.addi %arg1, %add3A_6 : i32
    %lt3A = arith.constant 25 : i32
    %lt3A_8 = arith.cmpi slt, %add3A_7, %lt3A : i32
    %convert_element_type3A = arith.extui %lt3A_8 : i1 to i32
    %cond3A = arith.constant 0 : i32
    %cond3A_9 = arith.cmpi ne, %convert_element_type3A, %cond3A : i32
    scf.if %cond3A_9 {
      %scan3A_629 = arith.constant 0 : i32
      %scan3A_630 = arith.constant 0 : i32
      %scan3A_631 = arith.constant 5 : i32
      %scan3A_632 = arith.addi %scan3A_630, %scan3A_631 : i32
      %scan3A_633 = arith.constant 1 : i32
      scf.for %scan3A_635 = %scan3A_630 to %scan3A_632 step %scan3A_633  : i32 {
        %mul3A_636 = arith.constant 400 : i32
        %mul3A_637 = arith.muli %add3A_7, %mul3A_636 : i32
        %mul3A_638 = arith.constant 80 : i32
        %mul3A_639 = arith.muli %scan3A_635, %mul3A_638 : i32
        %add3A_640 = arith.addi %mul3A_637, %mul3A_639 : i32
        "tpu.region"() ({
          %run_scoped3A_641 = tpu.sem_alloc : memref<!tpu.dma_semaphore, #tpu.memory_space<semaphore_mem>>
          %dma_start3A_642 = arith.constant 0 : i32
          %dma_start3A_643 = tpu.memref_slice %arg12[%add3A_640, %dma_start3A_642] : memref<10000x128xf32, #tpu.memory_space<vmem_shared>> -> memref<80x128xf32, #tpu.memory_space<vmem_shared>>
          %dma_start3A_644 = arith.constant 0 : i32
          %dma_start3A_645 = tpu.memref_slice %arg12[%add3A_640, %dma_start3A_644] : memref<10000x128xf32, #tpu.memory_space<vmem_shared>> -> memref<80x128xf32, #tpu.memory_space<vmem_shared>>
          tpu.enqueue_dma source(%arg9 : memref<80x128xf32, #tpu.memory_space<vmem>>) target(%dma_start3A_645 : memref<80x128xf32, #tpu.memory_space<vmem_shared>>) target_semaphore(%run_scoped3A_641 : memref<!tpu.dma_semaphore, #tpu.memory_space<semaphore_mem>>)
          %dma_wait3A_646 = arith.constant 0 : i32
          %dma_wait3A_647 = tpu.memref_slice %arg12[%add3A_640, %dma_wait3A_646] : memref<10000x128xf32, #tpu.memory_space<vmem_shared>> -> memref<80x128xf32, #tpu.memory_space<vmem_shared>>
          %dma_wait3A_648 = arith.constant 0 : i32
          %dma_wait3A_649 = tpu.memref_slice %arg12[%add3A_640, %dma_wait3A_648] : memref<10000x128xf32, #tpu.memory_space<vmem_shared>> -> memref<80x128xf32, #tpu.memory_space<vmem_shared>>
          tpu.wait_dma2 semaphore(%run_scoped3A_641 : memref<!tpu.dma_semaphore, #tpu.memory_space<semaphore_mem>>) src(%arg9 : memref<80x128xf32, #tpu.memory_space<vmem>>) dst(%dma_wait3A_649 : memref<80x128xf32, #tpu.memory_space<vmem_shared>>)
          tpu.yield
        }) : () -> ()
      }
      %scan3A_634 = arith.constant 5 : i32
    } else {
    }
    %add3A_10 = arith.constant 16 : i32
    %add3A_11 = arith.addi %arg1, %add3A_10 : i32
    %lt3A_12 = arith.constant 25 : i32
    %lt3A_13 = arith.cmpi slt, %add3A_11, %lt3A_12 : i32
    %convert_element_type3A_14 = arith.extui %lt3A_13 : i1 to i32
    %cond3A_15 = arith.constant 0 : i32
    %cond3A_16 = arith.cmpi ne, %convert_element_type3A_14, %cond3A_15 : i32
    scf.if %cond3A_16 {
      %scan3A_629 = arith.constant 0 : i32
      %scan3A_630 = arith.constant 0 : i32
      %scan3A_631 = arith.constant 5 : i32
      %scan3A_632 = arith.addi %scan3A_630, %scan3A_631 : i32
      %scan3A_633 = arith.constant 1 : i32
      scf.for %scan3A_635 = %scan3A_630 to %scan3A_632 step %scan3A_633  : i32 {
        %mul3A_636 = arith.constant 400 : i32
        %mul3A_637 = arith.muli %add3A_11, %mul3A_636 : i32
        %mul3A_638 = arith.constant 80 : i32
        %mul3A_639 = arith.muli %scan3A_635, %mul3A_638 : i32
        %add3A_640 = arith.addi %mul3A_637, %mul3A_639 : i32
        "tpu.region"() ({
          %run_scoped3A_641 = tpu.sem_alloc : memref<!tpu.dma_semaphore, #tpu.memory_space<semaphore_mem>>
          %dma_start3A_642 = arith.constant 0 : i32
          %dma_start3A_643 = tpu.memref_slice %arg12[%add3A_640, %dma_start3A_642] : memref<10000x128xf32, #tpu.memory_space<vmem_shared>> -> memref<80x128xf32, #tpu.memory_space<vmem_shared>>
          %dma_start3A_644 = arith.constant 0 : i32
          %dma_start3A_645 = tpu.memref_slice %arg12[%add3A_640, %dma_start3A_644] : memref<10000x128xf32, #tpu.memory_space<vmem_shared>> -> memref<80x128xf32, #tpu.memory_space<vmem_shared>>
          tpu.enqueue_dma source(%arg9 : memref<80x128xf32, #tpu.memory_space<vmem>>) target(%dma_start3A_645 : memref<80x128xf32, #tpu.memory_space<vmem_shared>>) target_semaphore(%run_scoped3A_641 : memref<!tpu.dma_semaphore, #tpu.memory_space<semaphore_mem>>)
          %dma_wait3A_646 = arith.constant 0 : i32
          %dma_wait3A_647 = tpu.memref_slice %arg12[%add3A_640, %dma_wait3A_646] : memref<10000x128xf32, #tpu.memory_space<vmem_shared>> -> memref<80x128xf32, #tpu.memory_space<vmem_shared>>
          %dma_wait3A_648 = arith.constant 0 : i32
          %dma_wait3A_649 = tpu.memref_slice %arg12[%add3A_640, %dma_wait3A_648] : memref<10000x128xf32, #tpu.memory_space<vmem_shared>> -> memref<80x128xf32, #tpu.memory_space<vmem_shared>>
          tpu.wait_dma2 semaphore(%run_scoped3A_641 : memref<!tpu.dma_semaphore, #tpu.memory_space<semaphore_mem>>) src(%arg9 : memref<80x128xf32, #tpu.memory_space<vmem>>) dst(%dma_wait3A_649 : memref<80x128xf32, #tpu.memory_space<vmem_shared>>)
          tpu.yield
        }) : () -> ()
      }
      %scan3A_634 = arith.constant 5 : i32
    } else {
    }
    %barrier3A = arith.constant 0 : index
    tpu.barrier barrier_id(%barrier3A)
    %run_scoped3A = arith.constant 0 : i32
    "tpu.region"() ({
      %run_scoped3A_629 = tpu.sem_alloc : memref<!tpu.dma_semaphore, #tpu.memory_space<semaphore_mem>>
      %dma_start3A_630 = arith.constant 0 : i32
      %dma_start3A_631 = arith.constant 0 : i32
      %dma_start3A_632 = tpu.memref_slice %arg2[%add3A, %run_scoped3A, %dma_start3A_630, %dma_start3A_631] : memref<32x5x25x80xi32, #tpu.memory_space<hbm>> -> memref<1x1x25x80xi32, #tpu.memory_space<hbm>>
      %dma_start3A_633 = tpu.memref_squeeze %dma_start3A_632 : memref<1x1x25x80xi32, #tpu.memory_space<hbm>> -> memref<25x80xi32, #tpu.memory_space<hbm>>
      %dma_start3A_634 = arith.constant 0 : i32
      %dma_start3A_635 = arith.constant 0 : i32
      %dma_start3A_636 = tpu.memref_slice %arg2[%add3A, %run_scoped3A, %dma_start3A_634, %dma_start3A_635] : memref<32x5x25x80xi32, #tpu.memory_space<hbm>> -> memref<1x1x25x80xi32, #tpu.memory_space<hbm>>
      %dma_start3A_637 = tpu.memref_squeeze %dma_start3A_636 : memref<1x1x25x80xi32, #tpu.memory_space<hbm>> -> memref<25x80xi32, #tpu.memory_space<hbm>>
      tpu.enqueue_dma source(%dma_start3A_637 : memref<25x80xi32, #tpu.memory_space<hbm>>) target(%arg7 : memref<25x80xi32, #tpu.memory_space<vmem>>) target_semaphore(%run_scoped3A_629 : memref<!tpu.dma_semaphore, #tpu.memory_space<semaphore_mem>>)
      %dma_wait3A_638 = arith.constant 0 : i32
      %dma_wait3A_639 = arith.constant 0 : i32
      %dma_wait3A_640 = tpu.memref_slice %arg2[%add3A, %run_scoped3A, %dma_wait3A_638, %dma_wait3A_639] : memref<32x5x25x80xi32, #tpu.memory_space<hbm>> -> memref<1x1x25x80xi32, #tpu.memory_space<hbm>>
      %dma_wait3A_641 = tpu.memref_squeeze %dma_wait3A_640 : memref<1x1x25x80xi32, #tpu.memory_space<hbm>> -> memref<25x80xi32, #tpu.memory_space<hbm>>
      %dma_wait3A_642 = arith.constant 0 : i32
      %dma_wait3A_643 = arith.constant 0 : i32
      %dma_wait3A_644 = tpu.memref_slice %arg2[%add3A, %run_scoped3A, %dma_wait3A_642, %dma_wait3A_643] : memref<32x5x25x80xi32, #tpu.memory_space<hbm>> -> memref<1x1x25x80xi32, #tpu.memory_space<hbm>>
      %dma_wait3A_645 = tpu.memref_squeeze %dma_wait3A_644 : memref<1x1x25x80xi32, #tpu.memory_space<hbm>> -> memref<25x80xi32, #tpu.memory_space<hbm>>
      tpu.wait_dma2 semaphore(%run_scoped3A_629 : memref<!tpu.dma_semaphore, #tpu.memory_space<semaphore_mem>>) src(%dma_wait3A_645 : memref<25x80xi32, #tpu.memory_space<hbm>>) dst(%arg7 : memref<25x80xi32, #tpu.memory_space<vmem>>)
      tpu.yield
    }) : () -> ()
    %run_scoped3A_17 = arith.constant 0 : i32
    "tpu.region"() ({
      %run_scoped3A_629 = tpu.sem_alloc : memref<!tpu.dma_semaphore, #tpu.memory_space<semaphore_mem>>
      %dma_start3A_630 = arith.constant 0 : i32
      %dma_start3A_631 = arith.constant 0 : i32
      %dma_start3A_632 = tpu.memref_slice %arg3[%add3A, %run_scoped3A_17, %dma_start3A_630, %dma_start3A_631] : memref<32x5x25x80xi32, #tpu.memory_space<hbm>> -> memref<1x1x25x80xi32, #tpu.memory_space<hbm>>
      %dma_start3A_633 = tpu.memref_squeeze %dma_start3A_632 : memref<1x1x25x80xi32, #tpu.memory_space<hbm>> -> memref<25x80xi32, #tpu.memory_space<hbm>>
      %dma_start3A_634 = arith.constant 0 : i32
      %dma_start3A_635 = arith.constant 0 : i32
      %dma_start3A_636 = tpu.memref_slice %arg3[%add3A, %run_scoped3A_17, %dma_start3A_634, %dma_start3A_635] : memref<32x5x25x80xi32, #tpu.memory_space<hbm>> -> memref<1x1x25x80xi32, #tpu.memory_space<hbm>>
      %dma_start3A_637 = tpu.memref_squeeze %dma_start3A_636 : memref<1x1x25x80xi32, #tpu.memory_space<hbm>> -> memref<25x80xi32, #tpu.memory_space<hbm>>
      tpu.enqueue_dma source(%dma_start3A_637 : memref<25x80xi32, #tpu.memory_space<hbm>>) target(%arg8 : memref<25x80xi32, #tpu.memory_space<vmem>>) target_semaphore(%run_scoped3A_629 : memref<!tpu.dma_semaphore, #tpu.memory_space<semaphore_mem>>)
      %dma_wait3A_638 = arith.constant 0 : i32
      %dma_wait3A_639 = arith.constant 0 : i32
      %dma_wait3A_640 = tpu.memref_slice %arg3[%add3A, %run_scoped3A_17, %dma_wait3A_638, %dma_wait3A_639] : memref<32x5x25x80xi32, #tpu.memory_space<hbm>> -> memref<1x1x25x80xi32, #tpu.memory_space<hbm>>
      %dma_wait3A_641 = tpu.memref_squeeze %dma_wait3A_640 : memref<1x1x25x80xi32, #tpu.memory_space<hbm>> -> memref<25x80xi32, #tpu.memory_space<hbm>>
      %dma_wait3A_642 = arith.constant 0 : i32
      %dma_wait3A_643 = arith.constant 0 : i32
      %dma_wait3A_644 = tpu.memref_slice %arg3[%add3A, %run_scoped3A_17, %dma_wait3A_642, %dma_wait3A_643] : memref<32x5x25x80xi32, #tpu.memory_space<hbm>> -> memref<1x1x25x80xi32, #tpu.memory_space<hbm>>
      %dma_wait3A_645 = tpu.memref_squeeze %dma_wait3A_644 : memref<1x1x25x80xi32, #tpu.memory_space<hbm>> -> memref<25x80xi32, #tpu.memory_space<hbm>>
      tpu.wait_dma2 semaphore(%run_scoped3A_629 : memref<!tpu.dma_semaphore, #tpu.memory_space<semaphore_mem>>) src(%dma_wait3A_645 : memref<25x80xi32, #tpu.memory_space<hbm>>) dst(%arg8 : memref<25x80xi32, #tpu.memory_space<vmem>>)
      tpu.yield
    }) : () -> ()
    %dma_start3A = arith.constant 0 : i32
    %dma_start3A_18 = arith.constant 0 : i32
    %dma_start3A_19 = tpu.memref_slice %arg7[%dma_start3A, %dma_start3A_18] : memref<25x80xi32, #tpu.memory_space<vmem>> -> memref<1x80xi32, #tpu.memory_space<vmem>>
    %dma_start3A_20 = tpu.memref_squeeze %dma_start3A_19 : memref<1x80xi32, #tpu.memory_space<vmem>> -> memref<80xi32, #tpu.memory_space<vmem>>
    %dma_start3A_21 = arith.constant 0 : i32
    %dma_start3A_22 = arith.constant 0 : i32
    %dma_start3A_23 = tpu.memref_slice %arg4[%dma_start3A_21, %dma_start3A_22] : memref<10000x128xf32, #tpu.memory_space<hbm>> -> memref<10000x128xf32, #tpu.memory_space<hbm>>
    tpu.enqueue_indirect_dma source(%dma_start3A_23 : memref<10000x128xf32, #tpu.memory_space<hbm>>) target(%arg9 : memref<80x128xf32, #tpu.memory_space<vmem>>) offsets(%dma_start3A_20 : memref<80xi32, #tpu.memory_space<vmem>>) semaphore(%arg13 : memref<!tpu.dma_semaphore, #tpu.memory_space<semaphore_mem>>)
    %dma_start3A_24 = arith.constant 1 : i32
    %dma_start3A_25 = arith.constant 0 : i32
    %dma_start3A_26 = tpu.memref_slice %arg7[%dma_start3A_24, %dma_start3A_25] : memref<25x80xi32, #tpu.memory_space<vmem>> -> memref<1x80xi32, #tpu.memory_space<vmem>>
    %dma_start3A_27 = tpu.memref_squeeze %dma_start3A_26 : memref<1x80xi32, #tpu.memory_space<vmem>> -> memref<80xi32, #tpu.memory_space<vmem>>
    %dma_start3A_28 = arith.constant 0 : i32
    %dma_start3A_29 = arith.constant 0 : i32
    %dma_start3A_30 = tpu.memref_slice %arg4[%dma_start3A_28, %dma_start3A_29] : memref<10000x128xf32, #tpu.memory_space<hbm>> -> memref<10000x128xf32, #tpu.memory_space<hbm>>
    tpu.enqueue_indirect_dma source(%dma_start3A_30 : memref<10000x128xf32, #tpu.memory_space<hbm>>) target(%arg10 : memref<80x128xf32, #tpu.memory_space<vmem>>) offsets(%dma_start3A_27 : memref<80xi32, #tpu.memory_space<vmem>>) semaphore(%arg14 : memref<!tpu.dma_semaphore, #tpu.memory_space<semaphore_mem>>)
    %dma_wait3A = arith.constant 0 : i32
    %dma_wait3A_31 = arith.constant 0 : i32
    %dma_wait3A_32 = tpu.memref_slice %arg7[%dma_wait3A, %dma_wait3A_31] : memref<25x80xi32, #tpu.memory_space<vmem>> -> memref<1x80xi32, #tpu.memory_space<vmem>>
    %dma_wait3A_33 = tpu.memref_squeeze %dma_wait3A_32 : memref<1x80xi32, #tpu.memory_space<vmem>> -> memref<80xi32, #tpu.memory_space<vmem>>
    %dma_wait3A_34 = arith.constant 0 : i32
    %dma_wait3A_35 = arith.constant 0 : i32
    %dma_wait3A_36 = tpu.memref_slice %arg4[%dma_wait3A_34, %dma_wait3A_35] : memref<10000x128xf32, #tpu.memory_space<hbm>> -> memref<10000x128xf32, #tpu.memory_space<hbm>>
    tpu.wait_indirect_dma semaphore(%arg13 : memref<!tpu.dma_semaphore, #tpu.memory_space<semaphore_mem>>) src(%dma_wait3A_36 : memref<10000x128xf32, #tpu.memory_space<hbm>>) dst(%arg9 : memref<80x128xf32, #tpu.memory_space<vmem>>)
    %dma_start3A_37 = arith.constant 0 : i32
    %dma_start3A_38 = arith.constant 0 : i32
    %dma_start3A_39 = tpu.memref_slice %arg8[%dma_start3A_37, %dma_start3A_38] : memref<25x80xi32, #tpu.memory_space<vmem>> -> memref<1x80xi32, #tpu.memory_space<vmem>>
    %dma_start3A_40 = tpu.memref_squeeze %dma_start3A_39 : memref<1x80xi32, #tpu.memory_space<vmem>> -> memref<80xi32, #tpu.memory_space<vmem>>
    %dma_start3A_41 = arith.constant 0 : i32
    %dma_start3A_42 = arith.constant 0 : i32
    %dma_start3A_43 = tpu.memref_slice %arg12[%dma_start3A_41, %dma_start3A_42] : memref<10000x128xf32, #tpu.memory_space<vmem_shared>> -> memref<10000x128xf32, #tpu.memory_space<vmem_shared>>
    tpu.enqueue_indirect_dma source(%arg9 : memref<80x128xf32, #tpu.memory_space<vmem>>) target(%dma_start3A_43 : memref<10000x128xf32, #tpu.memory_space<vmem_shared>>) offsets(%dma_start3A_40 : memref<80xi32, #tpu.memory_space<vmem>>) semaphore(%arg16 : memref<!tpu.dma_semaphore, #tpu.memory_space<semaphore_mem>>) {add = true}
    %dma_start3A_44 = arith.constant 2 : i32
    %dma_start3A_45 = arith.constant 0 : i32
    %dma_start3A_46 = tpu.memref_slice %arg7[%dma_start3A_44, %dma_start3A_45] : memref<25x80xi32, #tpu.memory_space<vmem>> -> memref<1x80xi32, #tpu.memory_space<vmem>>
    %dma_start3A_47 = tpu.memref_squeeze %dma_start3A_46 : memref<1x80xi32, #tpu.memory_space<vmem>> -> memref<80xi32, #tpu.memory_space<vmem>>
    %dma_start3A_48 = arith.constant 0 : i32
    %dma_start3A_49 = arith.constant 0 : i32
    %dma_start3A_50 = tpu.memref_slice %arg4[%dma_start3A_48, %dma_start3A_49] : memref<10000x128xf32, #tpu.memory_space<hbm>> -> memref<10000x128xf32, #tpu.memory_space<hbm>>
    tpu.enqueue_indirect_dma source(%dma_start3A_50 : memref<10000x128xf32, #tpu.memory_space<hbm>>) target(%arg11 : memref<80x128xf32, #tpu.memory_space<vmem>>) offsets(%dma_start3A_47 : memref<80xi32, #tpu.memory_space<vmem>>) semaphore(%arg15 : memref<!tpu.dma_semaphore, #tpu.memory_space<semaphore_mem>>)
    %dma_wait3A_51 = arith.constant 0 : i32
    %dma_wait3A_52 = arith.constant 0 : i32
    %dma_wait3A_53 = tpu.memref_slice %arg7[%dma_wait3A_51, %dma_wait3A_52] : memref<25x80xi32, #tpu.memory_space<vmem>> -> memref<1x80xi32, #tpu.memory_space<vmem>>
    %dma_wait3A_54 = tpu.memref_squeeze %dma_wait3A_53 : memref<1x80xi32, #tpu.memory_space<vmem>> -> memref<80xi32, #tpu.memory_space<vmem>>
    %dma_wait3A_55 = arith.constant 0 : i32
    %dma_wait3A_56 = arith.constant 0 : i32
    %dma_wait3A_57 = tpu.memref_slice %arg4[%dma_wait3A_55, %dma_wait3A_56] : memref<10000x128xf32, #tpu.memory_space<hbm>> -> memref<10000x128xf32, #tpu.memory_space<hbm>>
    tpu.wait_indirect_dma semaphore(%arg14 : memref<!tpu.dma_semaphore, #tpu.memory_space<semaphore_mem>>) src(%dma_wait3A_57 : memref<10000x128xf32, #tpu.memory_space<hbm>>) dst(%arg10 : memref<80x128xf32, #tpu.memory_space<vmem>>)
    %dma_start3A_58 = arith.constant 1 : i32
    %dma_start3A_59 = arith.constant 0 : i32
    %dma_start3A_60 = tpu.memref_slice %arg8[%dma_start3A_58, %dma_start3A_59] : memref<25x80xi32, #tpu.memory_space<vmem>> -> memref<1x80xi32, #tpu.memory_space<vmem>>
    %dma_start3A_61 = tpu.memref_squeeze %dma_start3A_60 : memref<1x80xi32, #tpu.memory_space<vmem>> -> memref<80xi32, #tpu.memory_space<vmem>>
    %dma_start3A_62 = arith.constant 0 : i32
    %dma_start3A_63 = arith.constant 0 : i32
    %dma_start3A_64 = tpu.memref_slice %arg12[%dma_start3A_62, %dma_start3A_63] : memref<10000x128xf32, #tpu.memory_space<vmem_shared>> -> memref<10000x128xf32, #tpu.memory_space<vmem_shared>>
    tpu.enqueue_indirect_dma source(%arg10 : memref<80x128xf32, #tpu.memory_space<vmem>>) target(%dma_start3A_64 : memref<10000x128xf32, #tpu.memory_space<vmem_shared>>) offsets(%dma_start3A_61 : memref<80xi32, #tpu.memory_space<vmem>>) semaphore(%arg17 : memref<!tpu.dma_semaphore, #tpu.memory_space<semaphore_mem>>) {add = true}
    %dma_wait3A_65 = arith.constant 0 : i32
    %dma_wait3A_66 = arith.constant 0 : i32
    %dma_wait3A_67 = tpu.memref_slice %arg8[%dma_wait3A_65, %dma_wait3A_66] : memref<25x80xi32, #tpu.memory_space<vmem>> -> memref<1x80xi32, #tpu.memory_space<vmem>>
    %dma_wait3A_68 = tpu.memref_squeeze %dma_wait3A_67 : memref<1x80xi32, #tpu.memory_space<vmem>> -> memref<80xi32, #tpu.memory_space<vmem>>
    %dma_wait3A_69 = arith.constant 0 : i32
    %dma_wait3A_70 = arith.constant 0 : i32
    %dma_wait3A_71 = tpu.memref_slice %arg12[%dma_wait3A_69, %dma_wait3A_70] : memref<10000x128xf32, #tpu.memory_space<vmem_shared>> -> memref<10000x128xf32, #tpu.memory_space<vmem_shared>>
    tpu.wait_indirect_dma semaphore(%arg16 : memref<!tpu.dma_semaphore, #tpu.memory_space<semaphore_mem>>) src(%arg9 : memref<80x128xf32, #tpu.memory_space<vmem>>) dst(%dma_wait3A_71 : memref<10000x128xf32, #tpu.memory_space<vmem_shared>>)
    %dma_start3A_72 = arith.constant 3 : i32
    %dma_start3A_73 = arith.constant 0 : i32
    %dma_start3A_74 = tpu.memref_slice %arg7[%dma_start3A_72, %dma_start3A_73] : memref<25x80xi32, #tpu.memory_space<vmem>> -> memref<1x80xi32, #tpu.memory_space<vmem>>
    %dma_start3A_75 = tpu.memref_squeeze %dma_start3A_74 : memref<1x80xi32, #tpu.memory_space<vmem>> -> memref<80xi32, #tpu.memory_space<vmem>>
    %dma_start3A_76 = arith.constant 0 : i32
    %dma_start3A_77 = arith.constant 0 : i32
    %dma_start3A_78 = tpu.memref_slice %arg4[%dma_start3A_76, %dma_start3A_77] : memref<10000x128xf32, #tpu.memory_space<hbm>> -> memref<10000x128xf32, #tpu.memory_space<hbm>>
    tpu.enqueue_indirect_dma source(%dma_start3A_78 : memref<10000x128xf32, #tpu.memory_space<hbm>>) target(%arg9 : memref<80x128xf32, #tpu.memory_space<vmem>>) offsets(%dma_start3A_75 : memref<80xi32, #tpu.memory_space<vmem>>) semaphore(%arg13 : memref<!tpu.dma_semaphore, #tpu.memory_space<semaphore_mem>>)
    %scan3A_79 = arith.constant 0 : i32
    %scan3A_80 = arith.constant 0 : i32
    %scan3A_81 = arith.constant 7 : i32
    %scan3A_82 = arith.addi %scan3A_80, %scan3A_81 : i32
    %scan3A_83 = arith.constant 1 : i32
    scf.for %scan3A_629 = %scan3A_80 to %scan3A_82 step %scan3A_83  : i32 {
      %mul3A_630 = arith.constant 3 : i32
      %mul3A_631 = arith.muli %mul3A_630, %scan3A_629 : i32
      %add3A_632 = arith.constant 2 : i32
      %add3A_633 = arith.addi %mul3A_631, %add3A_632 : i32
      %dma_wait3A_634 = arith.constant 0 : i32
      %dma_wait3A_635 = arith.constant 0 : i32
      %dma_wait3A_636 = tpu.memref_slice %arg7[%dma_wait3A_634, %dma_wait3A_635] : memref<25x80xi32, #tpu.memory_space<vmem>> -> memref<1x80xi32, #tpu.memory_space<vmem>>
      %dma_wait3A_637 = tpu.memref_squeeze %dma_wait3A_636 : memref<1x80xi32, #tpu.memory_space<vmem>> -> memref<80xi32, #tpu.memory_space<vmem>>
      %dma_wait3A_638 = arith.constant 0 : i32
      %dma_wait3A_639 = arith.constant 0 : i32
      %dma_wait3A_640 = tpu.memref_slice %arg4[%dma_wait3A_638, %dma_wait3A_639] : memref<10000x128xf32, #tpu.memory_space<hbm>> -> memref<10000x128xf32, #tpu.memory_space<hbm>>
      tpu.wait_indirect_dma semaphore(%arg15 : memref<!tpu.dma_semaphore, #tpu.memory_space<semaphore_mem>>) src(%dma_wait3A_640 : memref<10000x128xf32, #tpu.memory_space<hbm>>) dst(%arg11 : memref<80x128xf32, #tpu.memory_space<vmem>>)
      %add3A_641 = arith.constant 0 : i32
      %add3A_642 = arith.addi %add3A_633, %add3A_641 : i32
      %dma_start3A_643 = arith.constant 0 : i32
      %dma_start3A_644 = tpu.memref_slice %arg8[%add3A_642, %dma_start3A_643] : memref<25x80xi32, #tpu.memory_space<vmem>> -> memref<1x80xi32, #tpu.memory_space<vmem>>
      %dma_start3A_645 = tpu.memref_squeeze %dma_start3A_644 : memref<1x80xi32, #tpu.memory_space<vmem>> -> memref<80xi32, #tpu.memory_space<vmem>>
      %dma_start3A_646 = arith.constant 0 : i32
      %dma_start3A_647 = arith.constant 0 : i32
      %dma_start3A_648 = tpu.memref_slice %arg12[%dma_start3A_646, %dma_start3A_647] : memref<10000x128xf32, #tpu.memory_space<vmem_shared>> -> memref<10000x128xf32, #tpu.memory_space<vmem_shared>>
      tpu.enqueue_indirect_dma source(%arg11 : memref<80x128xf32, #tpu.memory_space<vmem>>) target(%dma_start3A_648 : memref<10000x128xf32, #tpu.memory_space<vmem_shared>>) offsets(%dma_start3A_645 : memref<80xi32, #tpu.memory_space<vmem>>) semaphore(%arg18 : memref<!tpu.dma_semaphore, #tpu.memory_space<semaphore_mem>>) {add = true}
      %dma_wait3A_649 = arith.constant 0 : i32
      %dma_wait3A_650 = arith.constant 0 : i32
      %dma_wait3A_651 = tpu.memref_slice %arg8[%dma_wait3A_649, %dma_wait3A_650] : memref<25x80xi32, #tpu.memory_space<vmem>> -> memref<1x80xi32, #tpu.memory_space<vmem>>
      %dma_wait3A_652 = tpu.memref_squeeze %dma_wait3A_651 : memref<1x80xi32, #tpu.memory_space<vmem>> -> memref<80xi32, #tpu.memory_space<vmem>>
      %dma_wait3A_653 = arith.constant 0 : i32
      %dma_wait3A_654 = arith.constant 0 : i32
      %dma_wait3A_655 = tpu.memref_slice %arg12[%dma_wait3A_653, %dma_wait3A_654] : memref<10000x128xf32, #tpu.memory_space<vmem_shared>> -> memref<10000x128xf32, #tpu.memory_space<vmem_shared>>
      tpu.wait_indirect_dma semaphore(%arg17 : memref<!tpu.dma_semaphore, #tpu.memory_space<semaphore_mem>>) src(%arg10 : memref<80x128xf32, #tpu.memory_space<vmem>>) dst(%dma_wait3A_655 : memref<10000x128xf32, #tpu.memory_space<vmem_shared>>)
      %add3A_656 = arith.constant 0 : i32
      %add3A_657 = arith.addi %add3A_633, %add3A_656 : i32
      %add3A_658 = arith.constant 2 : i32
      %add3A_659 = arith.addi %add3A_657, %add3A_658 : i32
      %dma_start3A_660 = arith.constant 0 : i32
      %dma_start3A_661 = tpu.memref_slice %arg7[%add3A_659, %dma_start3A_660] : memref<25x80xi32, #tpu.memory_space<vmem>> -> memref<1x80xi32, #tpu.memory_space<vmem>>
      %dma_start3A_662 = tpu.memref_squeeze %dma_start3A_661 : memref<1x80xi32, #tpu.memory_space<vmem>> -> memref<80xi32, #tpu.memory_space<vmem>>
      %dma_start3A_663 = arith.constant 0 : i32
      %dma_start3A_664 = arith.constant 0 : i32
      %dma_start3A_665 = tpu.memref_slice %arg4[%dma_start3A_663, %dma_start3A_664] : memref<10000x128xf32, #tpu.memory_space<hbm>> -> memref<10000x128xf32, #tpu.memory_space<hbm>>
      tpu.enqueue_indirect_dma source(%dma_start3A_665 : memref<10000x128xf32, #tpu.memory_space<hbm>>) target(%arg10 : memref<80x128xf32, #tpu.memory_space<vmem>>) offsets(%dma_start3A_662 : memref<80xi32, #tpu.memory_space<vmem>>) semaphore(%arg14 : memref<!tpu.dma_semaphore, #tpu.memory_space<semaphore_mem>>)
      %dma_wait3A_666 = arith.constant 0 : i32
      %dma_wait3A_667 = arith.constant 0 : i32
      %dma_wait3A_668 = tpu.memref_slice %arg7[%dma_wait3A_666, %dma_wait3A_667] : memref<25x80xi32, #tpu.memory_space<vmem>> -> memref<1x80xi32, #tpu.memory_space<vmem>>
      %dma_wait3A_669 = tpu.memref_squeeze %dma_wait3A_668 : memref<1x80xi32, #tpu.memory_space<vmem>> -> memref<80xi32, #tpu.memory_space<vmem>>
      %dma_wait3A_670 = arith.constant 0 : i32
      %dma_wait3A_671 = arith.constant 0 : i32
      %dma_wait3A_672 = tpu.memref_slice %arg4[%dma_wait3A_670, %dma_wait3A_671] : memref<10000x128xf32, #tpu.memory_space<hbm>> -> memref<10000x128xf32, #tpu.memory_space<hbm>>
      tpu.wait_indirect_dma semaphore(%arg13 : memref<!tpu.dma_semaphore, #tpu.memory_space<semaphore_mem>>) src(%dma_wait3A_672 : memref<10000x128xf32, #tpu.memory_space<hbm>>) dst(%arg9 : memref<80x128xf32, #tpu.memory_space<vmem>>)
      %add3A_673 = arith.constant 1 : i32
      %add3A_674 = arith.addi %add3A_633, %add3A_673 : i32
      %dma_start3A_675 = arith.constant 0 : i32
      %dma_start3A_676 = tpu.memref_slice %arg8[%add3A_674, %dma_start3A_675] : memref<25x80xi32, #tpu.memory_space<vmem>> -> memref<1x80xi32, #tpu.memory_space<vmem>>
      %dma_start3A_677 = tpu.memref_squeeze %dma_start3A_676 : memref<1x80xi32, #tpu.memory_space<vmem>> -> memref<80xi32, #tpu.memory_space<vmem>>
      %dma_start3A_678 = arith.constant 0 : i32
      %dma_start3A_679 = arith.constant 0 : i32
      %dma_start3A_680 = tpu.memref_slice %arg12[%dma_start3A_678, %dma_start3A_679] : memref<10000x128xf32, #tpu.memory_space<vmem_shared>> -> memref<10000x128xf32, #tpu.memory_space<vmem_shared>>
      tpu.enqueue_indirect_dma source(%arg9 : memref<80x128xf32, #tpu.memory_space<vmem>>) target(%dma_start3A_680 : memref<10000x128xf32, #tpu.memory_space<vmem_shared>>) offsets(%dma_start3A_677 : memref<80xi32, #tpu.memory_space<vmem>>) semaphore(%arg16 : memref<!tpu.dma_semaphore, #tpu.memory_space<semaphore_mem>>) {add = true}
      %dma_wait3A_681 = arith.constant 0 : i32
      %dma_wait3A_682 = arith.constant 0 : i32
      %dma_wait3A_683 = tpu.memref_slice %arg8[%dma_wait3A_681, %dma_wait3A_682] : memref<25x80xi32, #tpu.memory_space<vmem>> -> memref<1x80xi32, #tpu.memory_space<vmem>>
      %dma_wait3A_684 = tpu.memref_squeeze %dma_wait3A_683 : memref<1x80xi32, #tpu.memory_space<vmem>> -> memref<80xi32, #tpu.memory_space<vmem>>
      %dma_wait3A_685 = arith.constant 0 : i32
      %dma_wait3A_686 = arith.constant 0 : i32
      %dma_wait3A_687 = tpu.memref_slice %arg12[%dma_wait3A_685, %dma_wait3A_686] : memref<10000x128xf32, #tpu.memory_space<vmem_shared>> -> memref<10000x128xf32, #tpu.memory_space<vmem_shared>>
      tpu.wait_indirect_dma semaphore(%arg18 : memref<!tpu.dma_semaphore, #tpu.memory_space<semaphore_mem>>) src(%arg11 : memref<80x128xf32, #tpu.memory_space<vmem>>) dst(%dma_wait3A_687 : memref<10000x128xf32, #tpu.memory_space<vmem_shared>>)
      %add3A_688 = arith.constant 1 : i32
      %add3A_689 = arith.addi %add3A_633, %add3A_688 : i32
      %add3A_690 = arith.constant 2 : i32
      %add3A_691 = arith.addi %add3A_689, %add3A_690 : i32
      %dma_start3A_692 = arith.constant 0 : i32
      %dma_start3A_693 = tpu.memref_slice %arg7[%add3A_691, %dma_start3A_692] : memref<25x80xi32, #tpu.memory_space<vmem>> -> memref<1x80xi32, #tpu.memory_space<vmem>>
      %dma_start3A_694 = tpu.memref_squeeze %dma_start3A_693 : memref<1x80xi32, #tpu.memory_space<vmem>> -> memref<80xi32, #tpu.memory_space<vmem>>
      %dma_start3A_695 = arith.constant 0 : i32
      %dma_start3A_696 = arith.constant 0 : i32
      %dma_start3A_697 = tpu.memref_slice %arg4[%dma_start3A_695, %dma_start3A_696] : memref<10000x128xf32, #tpu.memory_space<hbm>> -> memref<10000x128xf32, #tpu.memory_space<hbm>>
      tpu.enqueue_indirect_dma source(%dma_start3A_697 : memref<10000x128xf32, #tpu.memory_space<hbm>>) target(%arg11 : memref<80x128xf32, #tpu.memory_space<vmem>>) offsets(%dma_start3A_694 : memref<80xi32, #tpu.memory_space<vmem>>) semaphore(%arg15 : memref<!tpu.dma_semaphore, #tpu.memory_space<semaphore_mem>>)
      %dma_wait3A_698 = arith.constant 0 : i32
      %dma_wait3A_699 = arith.constant 0 : i32
      %dma_wait3A_700 = tpu.memref_slice %arg7[%dma_wait3A_698, %dma_wait3A_699] : memref<25x80xi32, #tpu.memory_space<vmem>> -> memref<1x80xi32, #tpu.memory_space<vmem>>
      %dma_wait3A_701 = tpu.memref_squeeze %dma_wait3A_700 : memref<1x80xi32, #tpu.memory_space<vmem>> -> memref<80xi32, #tpu.memory_space<vmem>>
      %dma_wait3A_702 = arith.constant 0 : i32
      %dma_wait3A_703 = arith.constant 0 : i32
      %dma_wait3A_704 = tpu.memref_slice %arg4[%dma_wait3A_702, %dma_wait3A_703] : memref<10000x128xf32, #tpu.memory_space<hbm>> -> memref<10000x128xf32, #tpu.memory_space<hbm>>
      tpu.wait_indirect_dma semaphore(%arg14 : memref<!tpu.dma_semaphore, #tpu.memory_space<semaphore_mem>>) src(%dma_wait3A_704 : memref<10000x128xf32, #tpu.memory_space<hbm>>) dst(%arg10 : memref<80x128xf32, #tpu.memory_space<vmem>>)
      %add3A_705 = arith.constant 2 : i32
      %add3A_706 = arith.addi %add3A_633, %add3A_705 : i32
      %dma_start3A_707 = arith.constant 0 : i32
      %dma_start3A_708 = tpu.memref_slice %arg8[%add3A_706, %dma_start3A_707] : memref<25x80xi32, #tpu.memory_space<vmem>> -> memref<1x80xi32, #tpu.memory_space<vmem>>
      %dma_start3A_709 = tpu.memref_squeeze %dma_start3A_708 : memref<1x80xi32, #tpu.memory_space<vmem>> -> memref<80xi32, #tpu.memory_space<vmem>>
      %dma_start3A_710 = arith.constant 0 : i32
      %dma_start3A_711 = arith.constant 0 : i32
      %dma_start3A_712 = tpu.memref_slice %arg12[%dma_start3A_710, %dma_start3A_711] : memref<10000x128xf32, #tpu.memory_space<vmem_shared>> -> memref<10000x128xf32, #tpu.memory_space<vmem_shared>>
      tpu.enqueue_indirect_dma source(%arg10 : memref<80x128xf32, #tpu.memory_space<vmem>>) target(%dma_start3A_712 : memref<10000x128xf32, #tpu.memory_space<vmem_shared>>) offsets(%dma_start3A_709 : memref<80xi32, #tpu.memory_space<vmem>>) semaphore(%arg17 : memref<!tpu.dma_semaphore, #tpu.memory_space<semaphore_mem>>) {add = true}
      %dma_wait3A_713 = arith.constant 0 : i32
      %dma_wait3A_714 = arith.constant 0 : i32
      %dma_wait3A_715 = tpu.memref_slice %arg8[%dma_wait3A_713, %dma_wait3A_714] : memref<25x80xi32, #tpu.memory_space<vmem>> -> memref<1x80xi32, #tpu.memory_space<vmem>>
      %dma_wait3A_716 = tpu.memref_squeeze %dma_wait3A_715 : memref<1x80xi32, #tpu.memory_space<vmem>> -> memref<80xi32, #tpu.memory_space<vmem>>
      %dma_wait3A_717 = arith.constant 0 : i32
      %dma_wait3A_718 = arith.constant 0 : i32
      %dma_wait3A_719 = tpu.memref_slice %arg12[%dma_wait3A_717, %dma_wait3A_718] : memref<10000x128xf32, #tpu.memory_space<vmem_shared>> -> memref<10000x128xf32, #tpu.memory_space<vmem_shared>>
      tpu.wait_indirect_dma semaphore(%arg16 : memref<!tpu.dma_semaphore, #tpu.memory_space<semaphore_mem>>) src(%arg9 : memref<80x128xf32, #tpu.memory_space<vmem>>) dst(%dma_wait3A_719 : memref<10000x128xf32, #tpu.memory_space<vmem_shared>>)
      %add3A_720 = arith.constant 2 : i32
      %add3A_721 = arith.addi %add3A_633, %add3A_720 : i32
      %add3A_722 = arith.constant 2 : i32
      %add3A_723 = arith.addi %add3A_721, %add3A_722 : i32
      %dma_start3A_724 = arith.constant 0 : i32
      %dma_start3A_725 = tpu.memref_slice %arg7[%add3A_723, %dma_start3A_724] : memref<25x80xi32, #tpu.memory_space<vmem>> -> memref<1x80xi32, #tpu.memory_space<vmem>>
      %dma_start3A_726 = tpu.memref_squeeze %dma_start3A_725 : memref<1x80xi32, #tpu.memory_space<vmem>> -> memref<80xi32, #tpu.memory_space<vmem>>
      %dma_start3A_727 = arith.constant 0 : i32
      %dma_start3A_728 = arith.constant 0 : i32
      %dma_start3A_729 = tpu.memref_slice %arg4[%dma_start3A_727, %dma_start3A_728] : memref<10000x128xf32, #tpu.memory_space<hbm>> -> memref<10000x128xf32, #tpu.memory_space<hbm>>
      tpu.enqueue_indirect_dma source(%dma_start3A_729 : memref<10000x128xf32, #tpu.memory_space<hbm>>) target(%arg9 : memref<80x128xf32, #tpu.memory_space<vmem>>) offsets(%dma_start3A_726 : memref<80xi32, #tpu.memory_space<vmem>>) semaphore(%arg13 : memref<!tpu.dma_semaphore, #tpu.memory_space<semaphore_mem>>)
    }
    %scan3A_84 = arith.constant 7 : i32
    %dma_wait3A_85 = arith.constant 0 : i32
    %dma_wait3A_86 = arith.constant 0 : i32
    %dma_wait3A_87 = tpu.memref_slice %arg7[%dma_wait3A_85, %dma_wait3A_86] : memref<25x80xi32, #tpu.memory_space<vmem>> -> memref<1x80xi32, #tpu.memory_space<vmem>>
    %dma_wait3A_88 = tpu.memref_squeeze %dma_wait3A_87 : memref<1x80xi32, #tpu.memory_space<vmem>> -> memref<80xi32, #tpu.memory_space<vmem>>
    %dma_wait3A_89 = arith.constant 0 : i32
    %dma_wait3A_90 = arith.constant 0 : i32
    %dma_wait3A_91 = tpu.memref_slice %arg4[%dma_wait3A_89, %dma_wait3A_90] : memref<10000x128xf32, #tpu.memory_space<hbm>> -> memref<10000x128xf32, #tpu.memory_space<hbm>>
    tpu.wait_indirect_dma semaphore(%arg15 : memref<!tpu.dma_semaphore, #tpu.memory_space<semaphore_mem>>) src(%dma_wait3A_91 : memref<10000x128xf32, #tpu.memory_space<hbm>>) dst(%arg11 : memref<80x128xf32, #tpu.memory_space<vmem>>)
    %dma_start3A_92 = arith.constant 23 : i32
    %dma_start3A_93 = arith.constant 0 : i32
    %dma_start3A_94 = tpu.memref_slice %arg8[%dma_start3A_92, %dma_start3A_93] : memref<25x80xi32, #tpu.memory_space<vmem>> -> memref<1x80xi32, #tpu.memory_space<vmem>>
    %dma_start3A_95 = tpu.memref_squeeze %dma_start3A_94 : memref<1x80xi32, #tpu.memory_space<vmem>> -> memref<80xi32, #tpu.memory_space<vmem>>
    %dma_start3A_96 = arith.constant 0 : i32
    %dma_start3A_97 = arith.constant 0 : i32
    %dma_start3A_98 = tpu.memref_slice %arg12[%dma_start3A_96, %dma_start3A_97] : memref<10000x128xf32, #tpu.memory_space<vmem_shared>> -> memref<10000x128xf32, #tpu.memory_space<vmem_shared>>
    tpu.enqueue_indirect_dma source(%arg11 : memref<80x128xf32, #tpu.memory_space<vmem>>) target(%dma_start3A_98 : memref<10000x128xf32, #tpu.memory_space<vmem_shared>>) offsets(%dma_start3A_95 : memref<80xi32, #tpu.memory_space<vmem>>) semaphore(%arg18 : memref<!tpu.dma_semaphore, #tpu.memory_space<semaphore_mem>>) {add = true}
    %dma_wait3A_99 = arith.constant 0 : i32
    %dma_wait3A_100 = arith.constant 0 : i32
    %dma_wait3A_101 = tpu.memref_slice %arg7[%dma_wait3A_99, %dma_wait3A_100] : memref<25x80xi32, #tpu.memory_space<vmem>> -> memref<1x80xi32, #tpu.memory_space<vmem>>
    %dma_wait3A_102 = tpu.memref_squeeze %dma_wait3A_101 : memref<1x80xi32, #tpu.memory_space<vmem>> -> memref<80xi32, #tpu.memory_space<vmem>>
    %dma_wait3A_103 = arith.constant 0 : i32
    %dma_wait3A_104 = arith.constant 0 : i32
    %dma_wait3A_105 = tpu.memref_slice %arg4[%dma_wait3A_103, %dma_wait3A_104] : memref<10000x128xf32, #tpu.memory_space<hbm>> -> memref<10000x128xf32, #tpu.memory_space<hbm>>
    tpu.wait_indirect_dma semaphore(%arg13 : memref<!tpu.dma_semaphore, #tpu.memory_space<semaphore_mem>>) src(%dma_wait3A_105 : memref<10000x128xf32, #tpu.memory_space<hbm>>) dst(%arg9 : memref<80x128xf32, #tpu.memory_space<vmem>>)
    %dma_start3A_106 = arith.constant 24 : i32
    %dma_start3A_107 = arith.constant 0 : i32
    %dma_start3A_108 = tpu.memref_slice %arg8[%dma_start3A_106, %dma_start3A_107] : memref<25x80xi32, #tpu.memory_space<vmem>> -> memref<1x80xi32, #tpu.memory_space<vmem>>
    %dma_start3A_109 = tpu.memref_squeeze %dma_start3A_108 : memref<1x80xi32, #tpu.memory_space<vmem>> -> memref<80xi32, #tpu.memory_space<vmem>>
    %dma_start3A_110 = arith.constant 0 : i32
    %dma_start3A_111 = arith.constant 0 : i32
    %dma_start3A_112 = tpu.memref_slice %arg12[%dma_start3A_110, %dma_start3A_111] : memref<10000x128xf32, #tpu.memory_space<vmem_shared>> -> memref<10000x128xf32, #tpu.memory_space<vmem_shared>>
    tpu.enqueue_indirect_dma source(%arg9 : memref<80x128xf32, #tpu.memory_space<vmem>>) target(%dma_start3A_112 : memref<10000x128xf32, #tpu.memory_space<vmem_shared>>) offsets(%dma_start3A_109 : memref<80xi32, #tpu.memory_space<vmem>>) semaphore(%arg16 : memref<!tpu.dma_semaphore, #tpu.memory_space<semaphore_mem>>) {add = true}
    %dma_wait3A_113 = arith.constant 0 : i32
    %dma_wait3A_114 = arith.constant 0 : i32
    %dma_wait3A_115 = tpu.memref_slice %arg8[%dma_wait3A_113, %dma_wait3A_114] : memref<25x80xi32, #tpu.memory_space<vmem>> -> memref<1x80xi32, #tpu.memory_space<vmem>>
    %dma_wait3A_116 = tpu.memref_squeeze %dma_wait3A_115 : memref<1x80xi32, #tpu.memory_space<vmem>> -> memref<80xi32, #tpu.memory_space<vmem>>
    %dma_wait3A_117 = arith.constant 0 : i32
    %dma_wait3A_118 = arith.constant 0 : i32
    %dma_wait3A_119 = tpu.memref_slice %arg12[%dma_wait3A_117, %dma_wait3A_118] : memref<10000x128xf32, #tpu.memory_space<vmem_shared>> -> memref<10000x128xf32, #tpu.memory_space<vmem_shared>>
    tpu.wait_indirect_dma semaphore(%arg17 : memref<!tpu.dma_semaphore, #tpu.memory_space<semaphore_mem>>) src(%arg10 : memref<80x128xf32, #tpu.memory_space<vmem>>) dst(%dma_wait3A_119 : memref<10000x128xf32, #tpu.memory_space<vmem_shared>>)
    %dma_wait3A_120 = arith.constant 0 : i32
    %dma_wait3A_121 = arith.constant 0 : i32
    %dma_wait3A_122 = tpu.memref_slice %arg8[%dma_wait3A_120, %dma_wait3A_121] : memref<25x80xi32, #tpu.memory_space<vmem>> -> memref<1x80xi32, #tpu.memory_space<vmem>>
    %dma_wait3A_123 = tpu.memref_squeeze %dma_wait3A_122 : memref<1x80xi32, #tpu.memory_space<vmem>> -> memref<80xi32, #tpu.memory_space<vmem>>
    %dma_wait3A_124 = arith.constant 0 : i32
    %dma_wait3A_125 = arith.constant 0 : i32
    %dma_wait3A_126 = tpu.memref_slice %arg12[%dma_wait3A_124, %dma_wait3A_125] : memref<10000x128xf32, #tpu.memory_space<vmem_shared>> -> memref<10000x128xf32, #tpu.memory_space<vmem_shared>>
    tpu.wait_indirect_dma semaphore(%arg18 : memref<!tpu.dma_semaphore, #tpu.memory_space<semaphore_mem>>) src(%arg11 : memref<80x128xf32, #tpu.memory_space<vmem>>) dst(%dma_wait3A_126 : memref<10000x128xf32, #tpu.memory_space<vmem_shared>>)
    %dma_wait3A_127 = arith.constant 0 : i32
    %dma_wait3A_128 = arith.constant 0 : i32
    %dma_wait3A_129 = tpu.memref_slice %arg8[%dma_wait3A_127, %dma_wait3A_128] : memref<25x80xi32, #tpu.memory_space<vmem>> -> memref<1x80xi32, #tpu.memory_space<vmem>>
    %dma_wait3A_130 = tpu.memref_squeeze %dma_wait3A_129 : memref<1x80xi32, #tpu.memory_space<vmem>> -> memref<80xi32, #tpu.memory_space<vmem>>
    %dma_wait3A_131 = arith.constant 0 : i32
    %dma_wait3A_132 = arith.constant 0 : i32
    %dma_wait3A_133 = tpu.memref_slice %arg12[%dma_wait3A_131, %dma_wait3A_132] : memref<10000x128xf32, #tpu.memory_space<vmem_shared>> -> memref<10000x128xf32, #tpu.memory_space<vmem_shared>>
    tpu.wait_indirect_dma semaphore(%arg16 : memref<!tpu.dma_semaphore, #tpu.memory_space<semaphore_mem>>) src(%arg9 : memref<80x128xf32, #tpu.memory_space<vmem>>) dst(%dma_wait3A_133 : memref<10000x128xf32, #tpu.memory_space<vmem_shared>>)
    %run_scoped3A_134 = arith.constant 1 : i32
    "tpu.region"() ({
      %run_scoped3A_629 = tpu.sem_alloc : memref<!tpu.dma_semaphore, #tpu.memory_space<semaphore_mem>>
      %dma_start3A_630 = arith.constant 0 : i32
      %dma_start3A_631 = arith.constant 0 : i32
      %dma_start3A_632 = tpu.memref_slice %arg2[%add3A, %run_scoped3A_134, %dma_start3A_630, %dma_start3A_631] : memref<32x5x25x80xi32, #tpu.memory_space<hbm>> -> memref<1x1x25x80xi32, #tpu.memory_space<hbm>>
      %dma_start3A_633 = tpu.memref_squeeze %dma_start3A_632 : memref<1x1x25x80xi32, #tpu.memory_space<hbm>> -> memref<25x80xi32, #tpu.memory_space<hbm>>
      %dma_start3A_634 = arith.constant 0 : i32
      %dma_start3A_635 = arith.constant 0 : i32
      %dma_start3A_636 = tpu.memref_slice %arg2[%add3A, %run_scoped3A_134, %dma_start3A_634, %dma_start3A_635] : memref<32x5x25x80xi32, #tpu.memory_space<hbm>> -> memref<1x1x25x80xi32, #tpu.memory_space<hbm>>
      %dma_start3A_637 = tpu.memref_squeeze %dma_start3A_636 : memref<1x1x25x80xi32, #tpu.memory_space<hbm>> -> memref<25x80xi32, #tpu.memory_space<hbm>>
      tpu.enqueue_dma source(%dma_start3A_637 : memref<25x80xi32, #tpu.memory_space<hbm>>) target(%arg7 : memref<25x80xi32, #tpu.memory_space<vmem>>) target_semaphore(%run_scoped3A_629 : memref<!tpu.dma_semaphore, #tpu.memory_space<semaphore_mem>>)
      %dma_wait3A_638 = arith.constant 0 : i32
      %dma_wait3A_639 = arith.constant 0 : i32
      %dma_wait3A_640 = tpu.memref_slice %arg2[%add3A, %run_scoped3A_134, %dma_wait3A_638, %dma_wait3A_639] : memref<32x5x25x80xi32, #tpu.memory_space<hbm>> -> memref<1x1x25x80xi32, #tpu.memory_space<hbm>>
      %dma_wait3A_641 = tpu.memref_squeeze %dma_wait3A_640 : memref<1x1x25x80xi32, #tpu.memory_space<hbm>> -> memref<25x80xi32, #tpu.memory_space<hbm>>
      %dma_wait3A_642 = arith.constant 0 : i32
      %dma_wait3A_643 = arith.constant 0 : i32
      %dma_wait3A_644 = tpu.memref_slice %arg2[%add3A, %run_scoped3A_134, %dma_wait3A_642, %dma_wait3A_643] : memref<32x5x25x80xi32, #tpu.memory_space<hbm>> -> memref<1x1x25x80xi32, #tpu.memory_space<hbm>>
      %dma_wait3A_645 = tpu.memref_squeeze %dma_wait3A_644 : memref<1x1x25x80xi32, #tpu.memory_space<hbm>> -> memref<25x80xi32, #tpu.memory_space<hbm>>
      tpu.wait_dma2 semaphore(%run_scoped3A_629 : memref<!tpu.dma_semaphore, #tpu.memory_space<semaphore_mem>>) src(%dma_wait3A_645 : memref<25x80xi32, #tpu.memory_space<hbm>>) dst(%arg7 : memref<25x80xi32, #tpu.memory_space<vmem>>)
      tpu.yield
    }) : () -> ()
    %run_scoped3A_135 = arith.constant 1 : i32
    "tpu.region"() ({
      %run_scoped3A_629 = tpu.sem_alloc : memref<!tpu.dma_semaphore, #tpu.memory_space<semaphore_mem>>
      %dma_start3A_630 = arith.constant 0 : i32
      %dma_start3A_631 = arith.constant 0 : i32
      %dma_start3A_632 = tpu.memref_slice %arg3[%add3A, %run_scoped3A_135, %dma_start3A_630, %dma_start3A_631] : memref<32x5x25x80xi32, #tpu.memory_space<hbm>> -> memref<1x1x25x80xi32, #tpu.memory_space<hbm>>
      %dma_start3A_633 = tpu.memref_squeeze %dma_start3A_632 : memref<1x1x25x80xi32, #tpu.memory_space<hbm>> -> memref<25x80xi32, #tpu.memory_space<hbm>>
      %dma_start3A_634 = arith.constant 0 : i32
      %dma_start3A_635 = arith.constant 0 : i32
      %dma_start3A_636 = tpu.memref_slice %arg3[%add3A, %run_scoped3A_135, %dma_start3A_634, %dma_start3A_635] : memref<32x5x25x80xi32, #tpu.memory_space<hbm>> -> memref<1x1x25x80xi32, #tpu.memory_space<hbm>>
      %dma_start3A_637 = tpu.memref_squeeze %dma_start3A_636 : memref<1x1x25x80xi32, #tpu.memory_space<hbm>> -> memref<25x80xi32, #tpu.memory_space<hbm>>
      tpu.enqueue_dma source(%dma_start3A_637 : memref<25x80xi32, #tpu.memory_space<hbm>>) target(%arg8 : memref<25x80xi32, #tpu.memory_space<vmem>>) target_semaphore(%run_scoped3A_629 : memref<!tpu.dma_semaphore, #tpu.memory_space<semaphore_mem>>)
      %dma_wait3A_638 = arith.constant 0 : i32
      %dma_wait3A_639 = arith.constant 0 : i32
      %dma_wait3A_640 = tpu.memref_slice %arg3[%add3A, %run_scoped3A_135, %dma_wait3A_638, %dma_wait3A_639] : memref<32x5x25x80xi32, #tpu.memory_space<hbm>> -> memref<1x1x25x80xi32, #tpu.memory_space<hbm>>
      %dma_wait3A_641 = tpu.memref_squeeze %dma_wait3A_640 : memref<1x1x25x80xi32, #tpu.memory_space<hbm>> -> memref<25x80xi32, #tpu.memory_space<hbm>>
      %dma_wait3A_642 = arith.constant 0 : i32
      %dma_wait3A_643 = arith.constant 0 : i32
      %dma_wait3A_644 = tpu.memref_slice %arg3[%add3A, %run_scoped3A_135, %dma_wait3A_642, %dma_wait3A_643] : memref<32x5x25x80xi32, #tpu.memory_space<hbm>> -> memref<1x1x25x80xi32, #tpu.memory_space<hbm>>
      %dma_wait3A_645 = tpu.memref_squeeze %dma_wait3A_644 : memref<1x1x25x80xi32, #tpu.memory_space<hbm>> -> memref<25x80xi32, #tpu.memory_space<hbm>>
      tpu.wait_dma2 semaphore(%run_scoped3A_629 : memref<!tpu.dma_semaphore, #tpu.memory_space<semaphore_mem>>) src(%dma_wait3A_645 : memref<25x80xi32, #tpu.memory_space<hbm>>) dst(%arg8 : memref<25x80xi32, #tpu.memory_space<vmem>>)
      tpu.yield
    }) : () -> ()
    %dma_start3A_136 = arith.constant 0 : i32
    %dma_start3A_137 = arith.constant 0 : i32
    %dma_start3A_138 = tpu.memref_slice %arg7[%dma_start3A_136, %dma_start3A_137] : memref<25x80xi32, #tpu.memory_space<vmem>> -> memref<1x80xi32, #tpu.memory_space<vmem>>
    %dma_start3A_139 = tpu.memref_squeeze %dma_start3A_138 : memref<1x80xi32, #tpu.memory_space<vmem>> -> memref<80xi32, #tpu.memory_space<vmem>>
    %dma_start3A_140 = arith.constant 0 : i32
    %dma_start3A_141 = arith.constant 0 : i32
    %dma_start3A_142 = tpu.memref_slice %arg4[%dma_start3A_140, %dma_start3A_141] : memref<10000x128xf32, #tpu.memory_space<hbm>> -> memref<10000x128xf32, #tpu.memory_space<hbm>>
    tpu.enqueue_indirect_dma source(%dma_start3A_142 : memref<10000x128xf32, #tpu.memory_space<hbm>>) target(%arg9 : memref<80x128xf32, #tpu.memory_space<vmem>>) offsets(%dma_start3A_139 : memref<80xi32, #tpu.memory_space<vmem>>) semaphore(%arg13 : memref<!tpu.dma_semaphore, #tpu.memory_space<semaphore_mem>>)
    %dma_start3A_143 = arith.constant 1 : i32
    %dma_start3A_144 = arith.constant 0 : i32
    %dma_start3A_145 = tpu.memref_slice %arg7[%dma_start3A_143, %dma_start3A_144] : memref<25x80xi32, #tpu.memory_space<vmem>> -> memref<1x80xi32, #tpu.memory_space<vmem>>
    %dma_start3A_146 = tpu.memref_squeeze %dma_start3A_145 : memref<1x80xi32, #tpu.memory_space<vmem>> -> memref<80xi32, #tpu.memory_space<vmem>>
    %dma_start3A_147 = arith.constant 0 : i32
    %dma_start3A_148 = arith.constant 0 : i32
    %dma_start3A_149 = tpu.memref_slice %arg4[%dma_start3A_147, %dma_start3A_148] : memref<10000x128xf32, #tpu.memory_space<hbm>> -> memref<10000x128xf32, #tpu.memory_space<hbm>>
    tpu.enqueue_indirect_dma source(%dma_start3A_149 : memref<10000x128xf32, #tpu.memory_space<hbm>>) target(%arg10 : memref<80x128xf32, #tpu.memory_space<vmem>>) offsets(%dma_start3A_146 : memref<80xi32, #tpu.memory_space<vmem>>) semaphore(%arg14 : memref<!tpu.dma_semaphore, #tpu.memory_space<semaphore_mem>>)
    %dma_wait3A_150 = arith.constant 0 : i32
    %dma_wait3A_151 = arith.constant 0 : i32
    %dma_wait3A_152 = tpu.memref_slice %arg7[%dma_wait3A_150, %dma_wait3A_151] : memref<25x80xi32, #tpu.memory_space<vmem>> -> memref<1x80xi32, #tpu.memory_space<vmem>>
    %dma_wait3A_153 = tpu.memref_squeeze %dma_wait3A_152 : memref<1x80xi32, #tpu.memory_space<vmem>> -> memref<80xi32, #tpu.memory_space<vmem>>
    %dma_wait3A_154 = arith.constant 0 : i32
    %dma_wait3A_155 = arith.constant 0 : i32
    %dma_wait3A_156 = tpu.memref_slice %arg4[%dma_wait3A_154, %dma_wait3A_155] : memref<10000x128xf32, #tpu.memory_space<hbm>> -> memref<10000x128xf32, #tpu.memory_space<hbm>>
    tpu.wait_indirect_dma semaphore(%arg13 : memref<!tpu.dma_semaphore, #tpu.memory_space<semaphore_mem>>) src(%dma_wait3A_156 : memref<10000x128xf32, #tpu.memory_space<hbm>>) dst(%arg9 : memref<80x128xf32, #tpu.memory_space<vmem>>)
    %dma_start3A_157 = arith.constant 0 : i32
    %dma_start3A_158 = arith.constant 0 : i32
    %dma_start3A_159 = tpu.memref_slice %arg8[%dma_start3A_157, %dma_start3A_158] : memref<25x80xi32, #tpu.memory_space<vmem>> -> memref<1x80xi32, #tpu.memory_space<vmem>>
    %dma_start3A_160 = tpu.memref_squeeze %dma_start3A_159 : memref<1x80xi32, #tpu.memory_space<vmem>> -> memref<80xi32, #tpu.memory_space<vmem>>
    %dma_start3A_161 = arith.constant 0 : i32
    %dma_start3A_162 = arith.constant 0 : i32
    %dma_start3A_163 = tpu.memref_slice %arg12[%dma_start3A_161, %dma_start3A_162] : memref<10000x128xf32, #tpu.memory_space<vmem_shared>> -> memref<10000x128xf32, #tpu.memory_space<vmem_shared>>
    tpu.enqueue_indirect_dma source(%arg9 : memref<80x128xf32, #tpu.memory_space<vmem>>) target(%dma_start3A_163 : memref<10000x128xf32, #tpu.memory_space<vmem_shared>>) offsets(%dma_start3A_160 : memref<80xi32, #tpu.memory_space<vmem>>) semaphore(%arg16 : memref<!tpu.dma_semaphore, #tpu.memory_space<semaphore_mem>>) {add = true}
    %dma_start3A_164 = arith.constant 2 : i32
    %dma_start3A_165 = arith.constant 0 : i32
    %dma_start3A_166 = tpu.memref_slice %arg7[%dma_start3A_164, %dma_start3A_165] : memref<25x80xi32, #tpu.memory_space<vmem>> -> memref<1x80xi32, #tpu.memory_space<vmem>>
    %dma_start3A_167 = tpu.memref_squeeze %dma_start3A_166 : memref<1x80xi32, #tpu.memory_space<vmem>> -> memref<80xi32, #tpu.memory_space<vmem>>
    %dma_start3A_168 = arith.constant 0 : i32
    %dma_start3A_169 = arith.constant 0 : i32
    %dma_start3A_170 = tpu.memref_slice %arg4[%dma_start3A_168, %dma_start3A_169] : memref<10000x128xf32, #tpu.memory_space<hbm>> -> memref<10000x128xf32, #tpu.memory_space<hbm>>
    tpu.enqueue_indirect_dma source(%dma_start3A_170 : memref<10000x128xf32, #tpu.memory_space<hbm>>) target(%arg11 : memref<80x128xf32, #tpu.memory_space<vmem>>) offsets(%dma_start3A_167 : memref<80xi32, #tpu.memory_space<vmem>>) semaphore(%arg15 : memref<!tpu.dma_semaphore, #tpu.memory_space<semaphore_mem>>)
    %dma_wait3A_171 = arith.constant 0 : i32
    %dma_wait3A_172 = arith.constant 0 : i32
    %dma_wait3A_173 = tpu.memref_slice %arg7[%dma_wait3A_171, %dma_wait3A_172] : memref<25x80xi32, #tpu.memory_space<vmem>> -> memref<1x80xi32, #tpu.memory_space<vmem>>
    %dma_wait3A_174 = tpu.memref_squeeze %dma_wait3A_173 : memref<1x80xi32, #tpu.memory_space<vmem>> -> memref<80xi32, #tpu.memory_space<vmem>>
    %dma_wait3A_175 = arith.constant 0 : i32
    %dma_wait3A_176 = arith.constant 0 : i32
    %dma_wait3A_177 = tpu.memref_slice %arg4[%dma_wait3A_175, %dma_wait3A_176] : memref<10000x128xf32, #tpu.memory_space<hbm>> -> memref<10000x128xf32, #tpu.memory_space<hbm>>
    tpu.wait_indirect_dma semaphore(%arg14 : memref<!tpu.dma_semaphore, #tpu.memory_space<semaphore_mem>>) src(%dma_wait3A_177 : memref<10000x128xf32, #tpu.memory_space<hbm>>) dst(%arg10 : memref<80x128xf32, #tpu.memory_space<vmem>>)
    %dma_start3A_178 = arith.constant 1 : i32
    %dma_start3A_179 = arith.constant 0 : i32
    %dma_start3A_180 = tpu.memref_slice %arg8[%dma_start3A_178, %dma_start3A_179] : memref<25x80xi32, #tpu.memory_space<vmem>> -> memref<1x80xi32, #tpu.memory_space<vmem>>
    %dma_start3A_181 = tpu.memref_squeeze %dma_start3A_180 : memref<1x80xi32, #tpu.memory_space<vmem>> -> memref<80xi32, #tpu.memory_space<vmem>>
    %dma_start3A_182 = arith.constant 0 : i32
    %dma_start3A_183 = arith.constant 0 : i32
    %dma_start3A_184 = tpu.memref_slice %arg12[%dma_start3A_182, %dma_start3A_183] : memref<10000x128xf32, #tpu.memory_space<vmem_shared>> -> memref<10000x128xf32, #tpu.memory_space<vmem_shared>>
    tpu.enqueue_indirect_dma source(%arg10 : memref<80x128xf32, #tpu.memory_space<vmem>>) target(%dma_start3A_184 : memref<10000x128xf32, #tpu.memory_space<vmem_shared>>) offsets(%dma_start3A_181 : memref<80xi32, #tpu.memory_space<vmem>>) semaphore(%arg17 : memref<!tpu.dma_semaphore, #tpu.memory_space<semaphore_mem>>) {add = true}
    %dma_wait3A_185 = arith.constant 0 : i32
    %dma_wait3A_186 = arith.constant 0 : i32
    %dma_wait3A_187 = tpu.memref_slice %arg8[%dma_wait3A_185, %dma_wait3A_186] : memref<25x80xi32, #tpu.memory_space<vmem>> -> memref<1x80xi32, #tpu.memory_space<vmem>>
    %dma_wait3A_188 = tpu.memref_squeeze %dma_wait3A_187 : memref<1x80xi32, #tpu.memory_space<vmem>> -> memref<80xi32, #tpu.memory_space<vmem>>
    %dma_wait3A_189 = arith.constant 0 : i32
    %dma_wait3A_190 = arith.constant 0 : i32
    %dma_wait3A_191 = tpu.memref_slice %arg12[%dma_wait3A_189, %dma_wait3A_190] : memref<10000x128xf32, #tpu.memory_space<vmem_shared>> -> memref<10000x128xf32, #tpu.memory_space<vmem_shared>>
    tpu.wait_indirect_dma semaphore(%arg16 : memref<!tpu.dma_semaphore, #tpu.memory_space<semaphore_mem>>) src(%arg9 : memref<80x128xf32, #tpu.memory_space<vmem>>) dst(%dma_wait3A_191 : memref<10000x128xf32, #tpu.memory_space<vmem_shared>>)
    %dma_start3A_192 = arith.constant 3 : i32
    %dma_start3A_193 = arith.constant 0 : i32
    %dma_start3A_194 = tpu.memref_slice %arg7[%dma_start3A_192, %dma_start3A_193] : memref<25x80xi32, #tpu.memory_space<vmem>> -> memref<1x80xi32, #tpu.memory_space<vmem>>
    %dma_start3A_195 = tpu.memref_squeeze %dma_start3A_194 : memref<1x80xi32, #tpu.memory_space<vmem>> -> memref<80xi32, #tpu.memory_space<vmem>>
    %dma_start3A_196 = arith.constant 0 : i32
    %dma_start3A_197 = arith.constant 0 : i32
    %dma_start3A_198 = tpu.memref_slice %arg4[%dma_start3A_196, %dma_start3A_197] : memref<10000x128xf32, #tpu.memory_space<hbm>> -> memref<10000x128xf32, #tpu.memory_space<hbm>>
    tpu.enqueue_indirect_dma source(%dma_start3A_198 : memref<10000x128xf32, #tpu.memory_space<hbm>>) target(%arg9 : memref<80x128xf32, #tpu.memory_space<vmem>>) offsets(%dma_start3A_195 : memref<80xi32, #tpu.memory_space<vmem>>) semaphore(%arg13 : memref<!tpu.dma_semaphore, #tpu.memory_space<semaphore_mem>>)
    %scan3A_199 = arith.constant 0 : i32
    %scan3A_200 = arith.constant 0 : i32
    %scan3A_201 = arith.constant 7 : i32
    %scan3A_202 = arith.addi %scan3A_200, %scan3A_201 : i32
    %scan3A_203 = arith.constant 1 : i32
    scf.for %scan3A_629 = %scan3A_200 to %scan3A_202 step %scan3A_203  : i32 {
      %mul3A_630 = arith.constant 3 : i32
      %mul3A_631 = arith.muli %mul3A_630, %scan3A_629 : i32
      %add3A_632 = arith.constant 2 : i32
      %add3A_633 = arith.addi %mul3A_631, %add3A_632 : i32
      %dma_wait3A_634 = arith.constant 0 : i32
      %dma_wait3A_635 = arith.constant 0 : i32
      %dma_wait3A_636 = tpu.memref_slice %arg7[%dma_wait3A_634, %dma_wait3A_635] : memref<25x80xi32, #tpu.memory_space<vmem>> -> memref<1x80xi32, #tpu.memory_space<vmem>>
      %dma_wait3A_637 = tpu.memref_squeeze %dma_wait3A_636 : memref<1x80xi32, #tpu.memory_space<vmem>> -> memref<80xi32, #tpu.memory_space<vmem>>
      %dma_wait3A_638 = arith.constant 0 : i32
      %dma_wait3A_639 = arith.constant 0 : i32
      %dma_wait3A_640 = tpu.memref_slice %arg4[%dma_wait3A_638, %dma_wait3A_639] : memref<10000x128xf32, #tpu.memory_space<hbm>> -> memref<10000x128xf32, #tpu.memory_space<hbm>>
      tpu.wait_indirect_dma semaphore(%arg15 : memref<!tpu.dma_semaphore, #tpu.memory_space<semaphore_mem>>) src(%dma_wait3A_640 : memref<10000x128xf32, #tpu.memory_space<hbm>>) dst(%arg11 : memref<80x128xf32, #tpu.memory_space<vmem>>)
      %add3A_641 = arith.constant 0 : i32
      %add3A_642 = arith.addi %add3A_633, %add3A_641 : i32
      %dma_start3A_643 = arith.constant 0 : i32
      %dma_start3A_644 = tpu.memref_slice %arg8[%add3A_642, %dma_start3A_643] : memref<25x80xi32, #tpu.memory_space<vmem>> -> memref<1x80xi32, #tpu.memory_space<vmem>>
      %dma_start3A_645 = tpu.memref_squeeze %dma_start3A_644 : memref<1x80xi32, #tpu.memory_space<vmem>> -> memref<80xi32, #tpu.memory_space<vmem>>
      %dma_start3A_646 = arith.constant 0 : i32
      %dma_start3A_647 = arith.constant 0 : i32
      %dma_start3A_648 = tpu.memref_slice %arg12[%dma_start3A_646, %dma_start3A_647] : memref<10000x128xf32, #tpu.memory_space<vmem_shared>> -> memref<10000x128xf32, #tpu.memory_space<vmem_shared>>
      tpu.enqueue_indirect_dma source(%arg11 : memref<80x128xf32, #tpu.memory_space<vmem>>) target(%dma_start3A_648 : memref<10000x128xf32, #tpu.memory_space<vmem_shared>>) offsets(%dma_start3A_645 : memref<80xi32, #tpu.memory_space<vmem>>) semaphore(%arg18 : memref<!tpu.dma_semaphore, #tpu.memory_space<semaphore_mem>>) {add = true}
      %dma_wait3A_649 = arith.constant 0 : i32
      %dma_wait3A_650 = arith.constant 0 : i32
      %dma_wait3A_651 = tpu.memref_slice %arg8[%dma_wait3A_649, %dma_wait3A_650] : memref<25x80xi32, #tpu.memory_space<vmem>> -> memref<1x80xi32, #tpu.memory_space<vmem>>
      %dma_wait3A_652 = tpu.memref_squeeze %dma_wait3A_651 : memref<1x80xi32, #tpu.memory_space<vmem>> -> memref<80xi32, #tpu.memory_space<vmem>>
      %dma_wait3A_653 = arith.constant 0 : i32
      %dma_wait3A_654 = arith.constant 0 : i32
      %dma_wait3A_655 = tpu.memref_slice %arg12[%dma_wait3A_653, %dma_wait3A_654] : memref<10000x128xf32, #tpu.memory_space<vmem_shared>> -> memref<10000x128xf32, #tpu.memory_space<vmem_shared>>
      tpu.wait_indirect_dma semaphore(%arg17 : memref<!tpu.dma_semaphore, #tpu.memory_space<semaphore_mem>>) src(%arg10 : memref<80x128xf32, #tpu.memory_space<vmem>>) dst(%dma_wait3A_655 : memref<10000x128xf32, #tpu.memory_space<vmem_shared>>)
      %add3A_656 = arith.constant 0 : i32
      %add3A_657 = arith.addi %add3A_633, %add3A_656 : i32
      %add3A_658 = arith.constant 2 : i32
      %add3A_659 = arith.addi %add3A_657, %add3A_658 : i32
      %dma_start3A_660 = arith.constant 0 : i32
      %dma_start3A_661 = tpu.memref_slice %arg7[%add3A_659, %dma_start3A_660] : memref<25x80xi32, #tpu.memory_space<vmem>> -> memref<1x80xi32, #tpu.memory_space<vmem>>
      %dma_start3A_662 = tpu.memref_squeeze %dma_start3A_661 : memref<1x80xi32, #tpu.memory_space<vmem>> -> memref<80xi32, #tpu.memory_space<vmem>>
      %dma_start3A_663 = arith.constant 0 : i32
      %dma_start3A_664 = arith.constant 0 : i32
      %dma_start3A_665 = tpu.memref_slice %arg4[%dma_start3A_663, %dma_start3A_664] : memref<10000x128xf32, #tpu.memory_space<hbm>> -> memref<10000x128xf32, #tpu.memory_space<hbm>>
      tpu.enqueue_indirect_dma source(%dma_start3A_665 : memref<10000x128xf32, #tpu.memory_space<hbm>>) target(%arg10 : memref<80x128xf32, #tpu.memory_space<vmem>>) offsets(%dma_start3A_662 : memref<80xi32, #tpu.memory_space<vmem>>) semaphore(%arg14 : memref<!tpu.dma_semaphore, #tpu.memory_space<semaphore_mem>>)
      %dma_wait3A_666 = arith.constant 0 : i32
      %dma_wait3A_667 = arith.constant 0 : i32
      %dma_wait3A_668 = tpu.memref_slice %arg7[%dma_wait3A_666, %dma_wait3A_667] : memref<25x80xi32, #tpu.memory_space<vmem>> -> memref<1x80xi32, #tpu.memory_space<vmem>>
      %dma_wait3A_669 = tpu.memref_squeeze %dma_wait3A_668 : memref<1x80xi32, #tpu.memory_space<vmem>> -> memref<80xi32, #tpu.memory_space<vmem>>
      %dma_wait3A_670 = arith.constant 0 : i32
      %dma_wait3A_671 = arith.constant 0 : i32
      %dma_wait3A_672 = tpu.memref_slice %arg4[%dma_wait3A_670, %dma_wait3A_671] : memref<10000x128xf32, #tpu.memory_space<hbm>> -> memref<10000x128xf32, #tpu.memory_space<hbm>>
      tpu.wait_indirect_dma semaphore(%arg13 : memref<!tpu.dma_semaphore, #tpu.memory_space<semaphore_mem>>) src(%dma_wait3A_672 : memref<10000x128xf32, #tpu.memory_space<hbm>>) dst(%arg9 : memref<80x128xf32, #tpu.memory_space<vmem>>)
      %add3A_673 = arith.constant 1 : i32
      %add3A_674 = arith.addi %add3A_633, %add3A_673 : i32
      %dma_start3A_675 = arith.constant 0 : i32
      %dma_start3A_676 = tpu.memref_slice %arg8[%add3A_674, %dma_start3A_675] : memref<25x80xi32, #tpu.memory_space<vmem>> -> memref<1x80xi32, #tpu.memory_space<vmem>>
      %dma_start3A_677 = tpu.memref_squeeze %dma_start3A_676 : memref<1x80xi32, #tpu.memory_space<vmem>> -> memref<80xi32, #tpu.memory_space<vmem>>
      %dma_start3A_678 = arith.constant 0 : i32
      %dma_start3A_679 = arith.constant 0 : i32
      %dma_start3A_680 = tpu.memref_slice %arg12[%dma_start3A_678, %dma_start3A_679] : memref<10000x128xf32, #tpu.memory_space<vmem_shared>> -> memref<10000x128xf32, #tpu.memory_space<vmem_shared>>
      tpu.enqueue_indirect_dma source(%arg9 : memref<80x128xf32, #tpu.memory_space<vmem>>) target(%dma_start3A_680 : memref<10000x128xf32, #tpu.memory_space<vmem_shared>>) offsets(%dma_start3A_677 : memref<80xi32, #tpu.memory_space<vmem>>) semaphore(%arg16 : memref<!tpu.dma_semaphore, #tpu.memory_space<semaphore_mem>>) {add = true}
      %dma_wait3A_681 = arith.constant 0 : i32
      %dma_wait3A_682 = arith.constant 0 : i32
      %dma_wait3A_683 = tpu.memref_slice %arg8[%dma_wait3A_681, %dma_wait3A_682] : memref<25x80xi32, #tpu.memory_space<vmem>> -> memref<1x80xi32, #tpu.memory_space<vmem>>
      %dma_wait3A_684 = tpu.memref_squeeze %dma_wait3A_683 : memref<1x80xi32, #tpu.memory_space<vmem>> -> memref<80xi32, #tpu.memory_space<vmem>>
      %dma_wait3A_685 = arith.constant 0 : i32
      %dma_wait3A_686 = arith.constant 0 : i32
      %dma_wait3A_687 = tpu.memref_slice %arg12[%dma_wait3A_685, %dma_wait3A_686] : memref<10000x128xf32, #tpu.memory_space<vmem_shared>> -> memref<10000x128xf32, #tpu.memory_space<vmem_shared>>
      tpu.wait_indirect_dma semaphore(%arg18 : memref<!tpu.dma_semaphore, #tpu.memory_space<semaphore_mem>>) src(%arg11 : memref<80x128xf32, #tpu.memory_space<vmem>>) dst(%dma_wait3A_687 : memref<10000x128xf32, #tpu.memory_space<vmem_shared>>)
      %add3A_688 = arith.constant 1 : i32
      %add3A_689 = arith.addi %add3A_633, %add3A_688 : i32
      %add3A_690 = arith.constant 2 : i32
      %add3A_691 = arith.addi %add3A_689, %add3A_690 : i32
      %dma_start3A_692 = arith.constant 0 : i32
      %dma_start3A_693 = tpu.memref_slice %arg7[%add3A_691, %dma_start3A_692] : memref<25x80xi32, #tpu.memory_space<vmem>> -> memref<1x80xi32, #tpu.memory_space<vmem>>
      %dma_start3A_694 = tpu.memref_squeeze %dma_start3A_693 : memref<1x80xi32, #tpu.memory_space<vmem>> -> memref<80xi32, #tpu.memory_space<vmem>>
      %dma_start3A_695 = arith.constant 0 : i32
      %dma_start3A_696 = arith.constant 0 : i32
      %dma_start3A_697 = tpu.memref_slice %arg4[%dma_start3A_695, %dma_start3A_696] : memref<10000x128xf32, #tpu.memory_space<hbm>> -> memref<10000x128xf32, #tpu.memory_space<hbm>>
      tpu.enqueue_indirect_dma source(%dma_start3A_697 : memref<10000x128xf32, #tpu.memory_space<hbm>>) target(%arg11 : memref<80x128xf32, #tpu.memory_space<vmem>>) offsets(%dma_start3A_694 : memref<80xi32, #tpu.memory_space<vmem>>) semaphore(%arg15 : memref<!tpu.dma_semaphore, #tpu.memory_space<semaphore_mem>>)
      %dma_wait3A_698 = arith.constant 0 : i32
      %dma_wait3A_699 = arith.constant 0 : i32
      %dma_wait3A_700 = tpu.memref_slice %arg7[%dma_wait3A_698, %dma_wait3A_699] : memref<25x80xi32, #tpu.memory_space<vmem>> -> memref<1x80xi32, #tpu.memory_space<vmem>>
      %dma_wait3A_701 = tpu.memref_squeeze %dma_wait3A_700 : memref<1x80xi32, #tpu.memory_space<vmem>> -> memref<80xi32, #tpu.memory_space<vmem>>
      %dma_wait3A_702 = arith.constant 0 : i32
      %dma_wait3A_703 = arith.constant 0 : i32
      %dma_wait3A_704 = tpu.memref_slice %arg4[%dma_wait3A_702, %dma_wait3A_703] : memref<10000x128xf32, #tpu.memory_space<hbm>> -> memref<10000x128xf32, #tpu.memory_space<hbm>>
      tpu.wait_indirect_dma semaphore(%arg14 : memref<!tpu.dma_semaphore, #tpu.memory_space<semaphore_mem>>) src(%dma_wait3A_704 : memref<10000x128xf32, #tpu.memory_space<hbm>>) dst(%arg10 : memref<80x128xf32, #tpu.memory_space<vmem>>)
      %add3A_705 = arith.constant 2 : i32
      %add3A_706 = arith.addi %add3A_633, %add3A_705 : i32
      %dma_start3A_707 = arith.constant 0 : i32
      %dma_start3A_708 = tpu.memref_slice %arg8[%add3A_706, %dma_start3A_707] : memref<25x80xi32, #tpu.memory_space<vmem>> -> memref<1x80xi32, #tpu.memory_space<vmem>>
      %dma_start3A_709 = tpu.memref_squeeze %dma_start3A_708 : memref<1x80xi32, #tpu.memory_space<vmem>> -> memref<80xi32, #tpu.memory_space<vmem>>
      %dma_start3A_710 = arith.constant 0 : i32
      %dma_start3A_711 = arith.constant 0 : i32
      %dma_start3A_712 = tpu.memref_slice %arg12[%dma_start3A_710, %dma_start3A_711] : memref<10000x128xf32, #tpu.memory_space<vmem_shared>> -> memref<10000x128xf32, #tpu.memory_space<vmem_shared>>
      tpu.enqueue_indirect_dma source(%arg10 : memref<80x128xf32, #tpu.memory_space<vmem>>) target(%dma_start3A_712 : memref<10000x128xf32, #tpu.memory_space<vmem_shared>>) offsets(%dma_start3A_709 : memref<80xi32, #tpu.memory_space<vmem>>) semaphore(%arg17 : memref<!tpu.dma_semaphore, #tpu.memory_space<semaphore_mem>>) {add = true}
      %dma_wait3A_713 = arith.constant 0 : i32
      %dma_wait3A_714 = arith.constant 0 : i32
      %dma_wait3A_715 = tpu.memref_slice %arg8[%dma_wait3A_713, %dma_wait3A_714] : memref<25x80xi32, #tpu.memory_space<vmem>> -> memref<1x80xi32, #tpu.memory_space<vmem>>
      %dma_wait3A_716 = tpu.memref_squeeze %dma_wait3A_715 : memref<1x80xi32, #tpu.memory_space<vmem>> -> memref<80xi32, #tpu.memory_space<vmem>>
      %dma_wait3A_717 = arith.constant 0 : i32
      %dma_wait3A_718 = arith.constant 0 : i32
      %dma_wait3A_719 = tpu.memref_slice %arg12[%dma_wait3A_717, %dma_wait3A_718] : memref<10000x128xf32, #tpu.memory_space<vmem_shared>> -> memref<10000x128xf32, #tpu.memory_space<vmem_shared>>
      tpu.wait_indirect_dma semaphore(%arg16 : memref<!tpu.dma_semaphore, #tpu.memory_space<semaphore_mem>>) src(%arg9 : memref<80x128xf32, #tpu.memory_space<vmem>>) dst(%dma_wait3A_719 : memref<10000x128xf32, #tpu.memory_space<vmem_shared>>)
      %add3A_720 = arith.constant 2 : i32
      %add3A_721 = arith.addi %add3A_633, %add3A_720 : i32
      %add3A_722 = arith.constant 2 : i32
      %add3A_723 = arith.addi %add3A_721, %add3A_722 : i32
      %dma_start3A_724 = arith.constant 0 : i32
      %dma_start3A_725 = tpu.memref_slice %arg7[%add3A_723, %dma_start3A_724] : memref<25x80xi32, #tpu.memory_space<vmem>> -> memref<1x80xi32, #tpu.memory_space<vmem>>
      %dma_start3A_726 = tpu.memref_squeeze %dma_start3A_725 : memref<1x80xi32, #tpu.memory_space<vmem>> -> memref<80xi32, #tpu.memory_space<vmem>>
      %dma_start3A_727 = arith.constant 0 : i32
      %dma_start3A_728 = arith.constant 0 : i32
      %dma_start3A_729 = tpu.memref_slice %arg4[%dma_start3A_727, %dma_start3A_728] : memref<10000x128xf32, #tpu.memory_space<hbm>> -> memref<10000x128xf32, #tpu.memory_space<hbm>>
      tpu.enqueue_indirect_dma source(%dma_start3A_729 : memref<10000x128xf32, #tpu.memory_space<hbm>>) target(%arg9 : memref<80x128xf32, #tpu.memory_space<vmem>>) offsets(%dma_start3A_726 : memref<80xi32, #tpu.memory_space<vmem>>) semaphore(%arg13 : memref<!tpu.dma_semaphore, #tpu.memory_space<semaphore_mem>>)
    }
    %scan3A_204 = arith.constant 7 : i32
    %dma_wait3A_205 = arith.constant 0 : i32
    %dma_wait3A_206 = arith.constant 0 : i32
    %dma_wait3A_207 = tpu.memref_slice %arg7[%dma_wait3A_205, %dma_wait3A_206] : memref<25x80xi32, #tpu.memory_space<vmem>> -> memref<1x80xi32, #tpu.memory_space<vmem>>
    %dma_wait3A_208 = tpu.memref_squeeze %dma_wait3A_207 : memref<1x80xi32, #tpu.memory_space<vmem>> -> memref<80xi32, #tpu.memory_space<vmem>>
    %dma_wait3A_209 = arith.constant 0 : i32
    %dma_wait3A_210 = arith.constant 0 : i32
    %dma_wait3A_211 = tpu.memref_slice %arg4[%dma_wait3A_209, %dma_wait3A_210] : memref<10000x128xf32, #tpu.memory_space<hbm>> -> memref<10000x128xf32, #tpu.memory_space<hbm>>
    tpu.wait_indirect_dma semaphore(%arg15 : memref<!tpu.dma_semaphore, #tpu.memory_space<semaphore_mem>>) src(%dma_wait3A_211 : memref<10000x128xf32, #tpu.memory_space<hbm>>) dst(%arg11 : memref<80x128xf32, #tpu.memory_space<vmem>>)
    %dma_start3A_212 = arith.constant 23 : i32
    %dma_start3A_213 = arith.constant 0 : i32
    %dma_start3A_214 = tpu.memref_slice %arg8[%dma_start3A_212, %dma_start3A_213] : memref<25x80xi32, #tpu.memory_space<vmem>> -> memref<1x80xi32, #tpu.memory_space<vmem>>
    %dma_start3A_215 = tpu.memref_squeeze %dma_start3A_214 : memref<1x80xi32, #tpu.memory_space<vmem>> -> memref<80xi32, #tpu.memory_space<vmem>>
    %dma_start3A_216 = arith.constant 0 : i32
    %dma_start3A_217 = arith.constant 0 : i32
    %dma_start3A_218 = tpu.memref_slice %arg12[%dma_start3A_216, %dma_start3A_217] : memref<10000x128xf32, #tpu.memory_space<vmem_shared>> -> memref<10000x128xf32, #tpu.memory_space<vmem_shared>>
    tpu.enqueue_indirect_dma source(%arg11 : memref<80x128xf32, #tpu.memory_space<vmem>>) target(%dma_start3A_218 : memref<10000x128xf32, #tpu.memory_space<vmem_shared>>) offsets(%dma_start3A_215 : memref<80xi32, #tpu.memory_space<vmem>>) semaphore(%arg18 : memref<!tpu.dma_semaphore, #tpu.memory_space<semaphore_mem>>) {add = true}
    %dma_wait3A_219 = arith.constant 0 : i32
    %dma_wait3A_220 = arith.constant 0 : i32
    %dma_wait3A_221 = tpu.memref_slice %arg7[%dma_wait3A_219, %dma_wait3A_220] : memref<25x80xi32, #tpu.memory_space<vmem>> -> memref<1x80xi32, #tpu.memory_space<vmem>>
    %dma_wait3A_222 = tpu.memref_squeeze %dma_wait3A_221 : memref<1x80xi32, #tpu.memory_space<vmem>> -> memref<80xi32, #tpu.memory_space<vmem>>
    %dma_wait3A_223 = arith.constant 0 : i32
    %dma_wait3A_224 = arith.constant 0 : i32
    %dma_wait3A_225 = tpu.memref_slice %arg4[%dma_wait3A_223, %dma_wait3A_224] : memref<10000x128xf32, #tpu.memory_space<hbm>> -> memref<10000x128xf32, #tpu.memory_space<hbm>>
    tpu.wait_indirect_dma semaphore(%arg13 : memref<!tpu.dma_semaphore, #tpu.memory_space<semaphore_mem>>) src(%dma_wait3A_225 : memref<10000x128xf32, #tpu.memory_space<hbm>>) dst(%arg9 : memref<80x128xf32, #tpu.memory_space<vmem>>)
    %dma_start3A_226 = arith.constant 24 : i32
    %dma_start3A_227 = arith.constant 0 : i32
    %dma_start3A_228 = tpu.memref_slice %arg8[%dma_start3A_226, %dma_start3A_227] : memref<25x80xi32, #tpu.memory_space<vmem>> -> memref<1x80xi32, #tpu.memory_space<vmem>>
    %dma_start3A_229 = tpu.memref_squeeze %dma_start3A_228 : memref<1x80xi32, #tpu.memory_space<vmem>> -> memref<80xi32, #tpu.memory_space<vmem>>
    %dma_start3A_230 = arith.constant 0 : i32
    %dma_start3A_231 = arith.constant 0 : i32
    %dma_start3A_232 = tpu.memref_slice %arg12[%dma_start3A_230, %dma_start3A_231] : memref<10000x128xf32, #tpu.memory_space<vmem_shared>> -> memref<10000x128xf32, #tpu.memory_space<vmem_shared>>
    tpu.enqueue_indirect_dma source(%arg9 : memref<80x128xf32, #tpu.memory_space<vmem>>) target(%dma_start3A_232 : memref<10000x128xf32, #tpu.memory_space<vmem_shared>>) offsets(%dma_start3A_229 : memref<80xi32, #tpu.memory_space<vmem>>) semaphore(%arg16 : memref<!tpu.dma_semaphore, #tpu.memory_space<semaphore_mem>>) {add = true}
    %dma_wait3A_233 = arith.constant 0 : i32
    %dma_wait3A_234 = arith.constant 0 : i32
    %dma_wait3A_235 = tpu.memref_slice %arg8[%dma_wait3A_233, %dma_wait3A_234] : memref<25x80xi32, #tpu.memory_space<vmem>> -> memref<1x80xi32, #tpu.memory_space<vmem>>
    %dma_wait3A_236 = tpu.memref_squeeze %dma_wait3A_235 : memref<1x80xi32, #tpu.memory_space<vmem>> -> memref<80xi32, #tpu.memory_space<vmem>>
    %dma_wait3A_237 = arith.constant 0 : i32
    %dma_wait3A_238 = arith.constant 0 : i32
    %dma_wait3A_239 = tpu.memref_slice %arg12[%dma_wait3A_237, %dma_wait3A_238] : memref<10000x128xf32, #tpu.memory_space<vmem_shared>> -> memref<10000x128xf32, #tpu.memory_space<vmem_shared>>
    tpu.wait_indirect_dma semaphore(%arg17 : memref<!tpu.dma_semaphore, #tpu.memory_space<semaphore_mem>>) src(%arg10 : memref<80x128xf32, #tpu.memory_space<vmem>>) dst(%dma_wait3A_239 : memref<10000x128xf32, #tpu.memory_space<vmem_shared>>)
    %dma_wait3A_240 = arith.constant 0 : i32
    %dma_wait3A_241 = arith.constant 0 : i32
    %dma_wait3A_242 = tpu.memref_slice %arg8[%dma_wait3A_240, %dma_wait3A_241] : memref<25x80xi32, #tpu.memory_space<vmem>> -> memref<1x80xi32, #tpu.memory_space<vmem>>
    %dma_wait3A_243 = tpu.memref_squeeze %dma_wait3A_242 : memref<1x80xi32, #tpu.memory_space<vmem>> -> memref<80xi32, #tpu.memory_space<vmem>>
    %dma_wait3A_244 = arith.constant 0 : i32
    %dma_wait3A_245 = arith.constant 0 : i32
    %dma_wait3A_246 = tpu.memref_slice %arg12[%dma_wait3A_244, %dma_wait3A_245] : memref<10000x128xf32, #tpu.memory_space<vmem_shared>> -> memref<10000x128xf32, #tpu.memory_space<vmem_shared>>
    tpu.wait_indirect_dma semaphore(%arg18 : memref<!tpu.dma_semaphore, #tpu.memory_space<semaphore_mem>>) src(%arg11 : memref<80x128xf32, #tpu.memory_space<vmem>>) dst(%dma_wait3A_246 : memref<10000x128xf32, #tpu.memory_space<vmem_shared>>)
    %dma_wait3A_247 = arith.constant 0 : i32
    %dma_wait3A_248 = arith.constant 0 : i32
    %dma_wait3A_249 = tpu.memref_slice %arg8[%dma_wait3A_247, %dma_wait3A_248] : memref<25x80xi32, #tpu.memory_space<vmem>> -> memref<1x80xi32, #tpu.memory_space<vmem>>
    %dma_wait3A_250 = tpu.memref_squeeze %dma_wait3A_249 : memref<1x80xi32, #tpu.memory_space<vmem>> -> memref<80xi32, #tpu.memory_space<vmem>>
    %dma_wait3A_251 = arith.constant 0 : i32
    %dma_wait3A_252 = arith.constant 0 : i32
    %dma_wait3A_253 = tpu.memref_slice %arg12[%dma_wait3A_251, %dma_wait3A_252] : memref<10000x128xf32, #tpu.memory_space<vmem_shared>> -> memref<10000x128xf32, #tpu.memory_space<vmem_shared>>
    tpu.wait_indirect_dma semaphore(%arg16 : memref<!tpu.dma_semaphore, #tpu.memory_space<semaphore_mem>>) src(%arg9 : memref<80x128xf32, #tpu.memory_space<vmem>>) dst(%dma_wait3A_253 : memref<10000x128xf32, #tpu.memory_space<vmem_shared>>)
    %run_scoped3A_254 = arith.constant 2 : i32
    "tpu.region"() ({
      %run_scoped3A_629 = tpu.sem_alloc : memref<!tpu.dma_semaphore, #tpu.memory_space<semaphore_mem>>
      %dma_start3A_630 = arith.constant 0 : i32
      %dma_start3A_631 = arith.constant 0 : i32
      %dma_start3A_632 = tpu.memref_slice %arg2[%add3A, %run_scoped3A_254, %dma_start3A_630, %dma_start3A_631] : memref<32x5x25x80xi32, #tpu.memory_space<hbm>> -> memref<1x1x25x80xi32, #tpu.memory_space<hbm>>
      %dma_start3A_633 = tpu.memref_squeeze %dma_start3A_632 : memref<1x1x25x80xi32, #tpu.memory_space<hbm>> -> memref<25x80xi32, #tpu.memory_space<hbm>>
      %dma_start3A_634 = arith.constant 0 : i32
      %dma_start3A_635 = arith.constant 0 : i32
      %dma_start3A_636 = tpu.memref_slice %arg2[%add3A, %run_scoped3A_254, %dma_start3A_634, %dma_start3A_635] : memref<32x5x25x80xi32, #tpu.memory_space<hbm>> -> memref<1x1x25x80xi32, #tpu.memory_space<hbm>>
      %dma_start3A_637 = tpu.memref_squeeze %dma_start3A_636 : memref<1x1x25x80xi32, #tpu.memory_space<hbm>> -> memref<25x80xi32, #tpu.memory_space<hbm>>
      tpu.enqueue_dma source(%dma_start3A_637 : memref<25x80xi32, #tpu.memory_space<hbm>>) target(%arg7 : memref<25x80xi32, #tpu.memory_space<vmem>>) target_semaphore(%run_scoped3A_629 : memref<!tpu.dma_semaphore, #tpu.memory_space<semaphore_mem>>)
      %dma_wait3A_638 = arith.constant 0 : i32
      %dma_wait3A_639 = arith.constant 0 : i32
      %dma_wait3A_640 = tpu.memref_slice %arg2[%add3A, %run_scoped3A_254, %dma_wait3A_638, %dma_wait3A_639] : memref<32x5x25x80xi32, #tpu.memory_space<hbm>> -> memref<1x1x25x80xi32, #tpu.memory_space<hbm>>
      %dma_wait3A_641 = tpu.memref_squeeze %dma_wait3A_640 : memref<1x1x25x80xi32, #tpu.memory_space<hbm>> -> memref<25x80xi32, #tpu.memory_space<hbm>>
      %dma_wait3A_642 = arith.constant 0 : i32
      %dma_wait3A_643 = arith.constant 0 : i32
      %dma_wait3A_644 = tpu.memref_slice %arg2[%add3A, %run_scoped3A_254, %dma_wait3A_642, %dma_wait3A_643] : memref<32x5x25x80xi32, #tpu.memory_space<hbm>> -> memref<1x1x25x80xi32, #tpu.memory_space<hbm>>
      %dma_wait3A_645 = tpu.memref_squeeze %dma_wait3A_644 : memref<1x1x25x80xi32, #tpu.memory_space<hbm>> -> memref<25x80xi32, #tpu.memory_space<hbm>>
      tpu.wait_dma2 semaphore(%run_scoped3A_629 : memref<!tpu.dma_semaphore, #tpu.memory_space<semaphore_mem>>) src(%dma_wait3A_645 : memref<25x80xi32, #tpu.memory_space<hbm>>) dst(%arg7 : memref<25x80xi32, #tpu.memory_space<vmem>>)
      tpu.yield
    }) : () -> ()
    %run_scoped3A_255 = arith.constant 2 : i32
    "tpu.region"() ({
      %run_scoped3A_629 = tpu.sem_alloc : memref<!tpu.dma_semaphore, #tpu.memory_space<semaphore_mem>>
      %dma_start3A_630 = arith.constant 0 : i32
      %dma_start3A_631 = arith.constant 0 : i32
      %dma_start3A_632 = tpu.memref_slice %arg3[%add3A, %run_scoped3A_255, %dma_start3A_630, %dma_start3A_631] : memref<32x5x25x80xi32, #tpu.memory_space<hbm>> -> memref<1x1x25x80xi32, #tpu.memory_space<hbm>>
      %dma_start3A_633 = tpu.memref_squeeze %dma_start3A_632 : memref<1x1x25x80xi32, #tpu.memory_space<hbm>> -> memref<25x80xi32, #tpu.memory_space<hbm>>
      %dma_start3A_634 = arith.constant 0 : i32
      %dma_start3A_635 = arith.constant 0 : i32
      %dma_start3A_636 = tpu.memref_slice %arg3[%add3A, %run_scoped3A_255, %dma_start3A_634, %dma_start3A_635] : memref<32x5x25x80xi32, #tpu.memory_space<hbm>> -> memref<1x1x25x80xi32, #tpu.memory_space<hbm>>
      %dma_start3A_637 = tpu.memref_squeeze %dma_start3A_636 : memref<1x1x25x80xi32, #tpu.memory_space<hbm>> -> memref<25x80xi32, #tpu.memory_space<hbm>>
      tpu.enqueue_dma source(%dma_start3A_637 : memref<25x80xi32, #tpu.memory_space<hbm>>) target(%arg8 : memref<25x80xi32, #tpu.memory_space<vmem>>) target_semaphore(%run_scoped3A_629 : memref<!tpu.dma_semaphore, #tpu.memory_space<semaphore_mem>>)
      %dma_wait3A_638 = arith.constant 0 : i32
      %dma_wait3A_639 = arith.constant 0 : i32
      %dma_wait3A_640 = tpu.memref_slice %arg3[%add3A, %run_scoped3A_255, %dma_wait3A_638, %dma_wait3A_639] : memref<32x5x25x80xi32, #tpu.memory_space<hbm>> -> memref<1x1x25x80xi32, #tpu.memory_space<hbm>>
      %dma_wait3A_641 = tpu.memref_squeeze %dma_wait3A_640 : memref<1x1x25x80xi32, #tpu.memory_space<hbm>> -> memref<25x80xi32, #tpu.memory_space<hbm>>
      %dma_wait3A_642 = arith.constant 0 : i32
      %dma_wait3A_643 = arith.constant 0 : i32
      %dma_wait3A_644 = tpu.memref_slice %arg3[%add3A, %run_scoped3A_255, %dma_wait3A_642, %dma_wait3A_643] : memref<32x5x25x80xi32, #tpu.memory_space<hbm>> -> memref<1x1x25x80xi32, #tpu.memory_space<hbm>>
      %dma_wait3A_645 = tpu.memref_squeeze %dma_wait3A_644 : memref<1x1x25x80xi32, #tpu.memory_space<hbm>> -> memref<25x80xi32, #tpu.memory_space<hbm>>
      tpu.wait_dma2 semaphore(%run_scoped3A_629 : memref<!tpu.dma_semaphore, #tpu.memory_space<semaphore_mem>>) src(%dma_wait3A_645 : memref<25x80xi32, #tpu.memory_space<hbm>>) dst(%arg8 : memref<25x80xi32, #tpu.memory_space<vmem>>)
      tpu.yield
    }) : () -> ()
    %dma_start3A_256 = arith.constant 0 : i32
    %dma_start3A_257 = arith.constant 0 : i32
    %dma_start3A_258 = tpu.memref_slice %arg7[%dma_start3A_256, %dma_start3A_257] : memref<25x80xi32, #tpu.memory_space<vmem>> -> memref<1x80xi32, #tpu.memory_space<vmem>>
    %dma_start3A_259 = tpu.memref_squeeze %dma_start3A_258 : memref<1x80xi32, #tpu.memory_space<vmem>> -> memref<80xi32, #tpu.memory_space<vmem>>
    %dma_start3A_260 = arith.constant 0 : i32
    %dma_start3A_261 = arith.constant 0 : i32
    %dma_start3A_262 = tpu.memref_slice %arg4[%dma_start3A_260, %dma_start3A_261] : memref<10000x128xf32, #tpu.memory_space<hbm>> -> memref<10000x128xf32, #tpu.memory_space<hbm>>
    tpu.enqueue_indirect_dma source(%dma_start3A_262 : memref<10000x128xf32, #tpu.memory_space<hbm>>) target(%arg9 : memref<80x128xf32, #tpu.memory_space<vmem>>) offsets(%dma_start3A_259 : memref<80xi32, #tpu.memory_space<vmem>>) semaphore(%arg13 : memref<!tpu.dma_semaphore, #tpu.memory_space<semaphore_mem>>)
    %dma_start3A_263 = arith.constant 1 : i32
    %dma_start3A_264 = arith.constant 0 : i32
    %dma_start3A_265 = tpu.memref_slice %arg7[%dma_start3A_263, %dma_start3A_264] : memref<25x80xi32, #tpu.memory_space<vmem>> -> memref<1x80xi32, #tpu.memory_space<vmem>>
    %dma_start3A_266 = tpu.memref_squeeze %dma_start3A_265 : memref<1x80xi32, #tpu.memory_space<vmem>> -> memref<80xi32, #tpu.memory_space<vmem>>
    %dma_start3A_267 = arith.constant 0 : i32
    %dma_start3A_268 = arith.constant 0 : i32
    %dma_start3A_269 = tpu.memref_slice %arg4[%dma_start3A_267, %dma_start3A_268] : memref<10000x128xf32, #tpu.memory_space<hbm>> -> memref<10000x128xf32, #tpu.memory_space<hbm>>
    tpu.enqueue_indirect_dma source(%dma_start3A_269 : memref<10000x128xf32, #tpu.memory_space<hbm>>) target(%arg10 : memref<80x128xf32, #tpu.memory_space<vmem>>) offsets(%dma_start3A_266 : memref<80xi32, #tpu.memory_space<vmem>>) semaphore(%arg14 : memref<!tpu.dma_semaphore, #tpu.memory_space<semaphore_mem>>)
    %dma_wait3A_270 = arith.constant 0 : i32
    %dma_wait3A_271 = arith.constant 0 : i32
    %dma_wait3A_272 = tpu.memref_slice %arg7[%dma_wait3A_270, %dma_wait3A_271] : memref<25x80xi32, #tpu.memory_space<vmem>> -> memref<1x80xi32, #tpu.memory_space<vmem>>
    %dma_wait3A_273 = tpu.memref_squeeze %dma_wait3A_272 : memref<1x80xi32, #tpu.memory_space<vmem>> -> memref<80xi32, #tpu.memory_space<vmem>>
    %dma_wait3A_274 = arith.constant 0 : i32
    %dma_wait3A_275 = arith.constant 0 : i32
    %dma_wait3A_276 = tpu.memref_slice %arg4[%dma_wait3A_274, %dma_wait3A_275] : memref<10000x128xf32, #tpu.memory_space<hbm>> -> memref<10000x128xf32, #tpu.memory_space<hbm>>
    tpu.wait_indirect_dma semaphore(%arg13 : memref<!tpu.dma_semaphore, #tpu.memory_space<semaphore_mem>>) src(%dma_wait3A_276 : memref<10000x128xf32, #tpu.memory_space<hbm>>) dst(%arg9 : memref<80x128xf32, #tpu.memory_space<vmem>>)
    %dma_start3A_277 = arith.constant 0 : i32
    %dma_start3A_278 = arith.constant 0 : i32
    %dma_start3A_279 = tpu.memref_slice %arg8[%dma_start3A_277, %dma_start3A_278] : memref<25x80xi32, #tpu.memory_space<vmem>> -> memref<1x80xi32, #tpu.memory_space<vmem>>
    %dma_start3A_280 = tpu.memref_squeeze %dma_start3A_279 : memref<1x80xi32, #tpu.memory_space<vmem>> -> memref<80xi32, #tpu.memory_space<vmem>>
    %dma_start3A_281 = arith.constant 0 : i32
    %dma_start3A_282 = arith.constant 0 : i32
    %dma_start3A_283 = tpu.memref_slice %arg12[%dma_start3A_281, %dma_start3A_282] : memref<10000x128xf32, #tpu.memory_space<vmem_shared>> -> memref<10000x128xf32, #tpu.memory_space<vmem_shared>>
    tpu.enqueue_indirect_dma source(%arg9 : memref<80x128xf32, #tpu.memory_space<vmem>>) target(%dma_start3A_283 : memref<10000x128xf32, #tpu.memory_space<vmem_shared>>) offsets(%dma_start3A_280 : memref<80xi32, #tpu.memory_space<vmem>>) semaphore(%arg16 : memref<!tpu.dma_semaphore, #tpu.memory_space<semaphore_mem>>) {add = true}
    %dma_start3A_284 = arith.constant 2 : i32
    %dma_start3A_285 = arith.constant 0 : i32
    %dma_start3A_286 = tpu.memref_slice %arg7[%dma_start3A_284, %dma_start3A_285] : memref<25x80xi32, #tpu.memory_space<vmem>> -> memref<1x80xi32, #tpu.memory_space<vmem>>
    %dma_start3A_287 = tpu.memref_squeeze %dma_start3A_286 : memref<1x80xi32, #tpu.memory_space<vmem>> -> memref<80xi32, #tpu.memory_space<vmem>>
    %dma_start3A_288 = arith.constant 0 : i32
    %dma_start3A_289 = arith.constant 0 : i32
    %dma_start3A_290 = tpu.memref_slice %arg4[%dma_start3A_288, %dma_start3A_289] : memref<10000x128xf32, #tpu.memory_space<hbm>> -> memref<10000x128xf32, #tpu.memory_space<hbm>>
    tpu.enqueue_indirect_dma source(%dma_start3A_290 : memref<10000x128xf32, #tpu.memory_space<hbm>>) target(%arg11 : memref<80x128xf32, #tpu.memory_space<vmem>>) offsets(%dma_start3A_287 : memref<80xi32, #tpu.memory_space<vmem>>) semaphore(%arg15 : memref<!tpu.dma_semaphore, #tpu.memory_space<semaphore_mem>>)
    %dma_wait3A_291 = arith.constant 0 : i32
    %dma_wait3A_292 = arith.constant 0 : i32
    %dma_wait3A_293 = tpu.memref_slice %arg7[%dma_wait3A_291, %dma_wait3A_292] : memref<25x80xi32, #tpu.memory_space<vmem>> -> memref<1x80xi32, #tpu.memory_space<vmem>>
    %dma_wait3A_294 = tpu.memref_squeeze %dma_wait3A_293 : memref<1x80xi32, #tpu.memory_space<vmem>> -> memref<80xi32, #tpu.memory_space<vmem>>
    %dma_wait3A_295 = arith.constant 0 : i32
    %dma_wait3A_296 = arith.constant 0 : i32
    %dma_wait3A_297 = tpu.memref_slice %arg4[%dma_wait3A_295, %dma_wait3A_296] : memref<10000x128xf32, #tpu.memory_space<hbm>> -> memref<10000x128xf32, #tpu.memory_space<hbm>>
    tpu.wait_indirect_dma semaphore(%arg14 : memref<!tpu.dma_semaphore, #tpu.memory_space<semaphore_mem>>) src(%dma_wait3A_297 : memref<10000x128xf32, #tpu.memory_space<hbm>>) dst(%arg10 : memref<80x128xf32, #tpu.memory_space<vmem>>)
    %dma_start3A_298 = arith.constant 1 : i32
    %dma_start3A_299 = arith.constant 0 : i32
    %dma_start3A_300 = tpu.memref_slice %arg8[%dma_start3A_298, %dma_start3A_299] : memref<25x80xi32, #tpu.memory_space<vmem>> -> memref<1x80xi32, #tpu.memory_space<vmem>>
    %dma_start3A_301 = tpu.memref_squeeze %dma_start3A_300 : memref<1x80xi32, #tpu.memory_space<vmem>> -> memref<80xi32, #tpu.memory_space<vmem>>
    %dma_start3A_302 = arith.constant 0 : i32
    %dma_start3A_303 = arith.constant 0 : i32
    %dma_start3A_304 = tpu.memref_slice %arg12[%dma_start3A_302, %dma_start3A_303] : memref<10000x128xf32, #tpu.memory_space<vmem_shared>> -> memref<10000x128xf32, #tpu.memory_space<vmem_shared>>
    tpu.enqueue_indirect_dma source(%arg10 : memref<80x128xf32, #tpu.memory_space<vmem>>) target(%dma_start3A_304 : memref<10000x128xf32, #tpu.memory_space<vmem_shared>>) offsets(%dma_start3A_301 : memref<80xi32, #tpu.memory_space<vmem>>) semaphore(%arg17 : memref<!tpu.dma_semaphore, #tpu.memory_space<semaphore_mem>>) {add = true}
    %dma_wait3A_305 = arith.constant 0 : i32
    %dma_wait3A_306 = arith.constant 0 : i32
    %dma_wait3A_307 = tpu.memref_slice %arg8[%dma_wait3A_305, %dma_wait3A_306] : memref<25x80xi32, #tpu.memory_space<vmem>> -> memref<1x80xi32, #tpu.memory_space<vmem>>
    %dma_wait3A_308 = tpu.memref_squeeze %dma_wait3A_307 : memref<1x80xi32, #tpu.memory_space<vmem>> -> memref<80xi32, #tpu.memory_space<vmem>>
    %dma_wait3A_309 = arith.constant 0 : i32
    %dma_wait3A_310 = arith.constant 0 : i32
    %dma_wait3A_311 = tpu.memref_slice %arg12[%dma_wait3A_309, %dma_wait3A_310] : memref<10000x128xf32, #tpu.memory_space<vmem_shared>> -> memref<10000x128xf32, #tpu.memory_space<vmem_shared>>
    tpu.wait_indirect_dma semaphore(%arg16 : memref<!tpu.dma_semaphore, #tpu.memory_space<semaphore_mem>>) src(%arg9 : memref<80x128xf32, #tpu.memory_space<vmem>>) dst(%dma_wait3A_311 : memref<10000x128xf32, #tpu.memory_space<vmem_shared>>)
    %dma_start3A_312 = arith.constant 3 : i32
    %dma_start3A_313 = arith.constant 0 : i32
    %dma_start3A_314 = tpu.memref_slice %arg7[%dma_start3A_312, %dma_start3A_313] : memref<25x80xi32, #tpu.memory_space<vmem>> -> memref<1x80xi32, #tpu.memory_space<vmem>>
    %dma_start3A_315 = tpu.memref_squeeze %dma_start3A_314 : memref<1x80xi32, #tpu.memory_space<vmem>> -> memref<80xi32, #tpu.memory_space<vmem>>
    %dma_start3A_316 = arith.constant 0 : i32
    %dma_start3A_317 = arith.constant 0 : i32
    %dma_start3A_318 = tpu.memref_slice %arg4[%dma_start3A_316, %dma_start3A_317] : memref<10000x128xf32, #tpu.memory_space<hbm>> -> memref<10000x128xf32, #tpu.memory_space<hbm>>
    tpu.enqueue_indirect_dma source(%dma_start3A_318 : memref<10000x128xf32, #tpu.memory_space<hbm>>) target(%arg9 : memref<80x128xf32, #tpu.memory_space<vmem>>) offsets(%dma_start3A_315 : memref<80xi32, #tpu.memory_space<vmem>>) semaphore(%arg13 : memref<!tpu.dma_semaphore, #tpu.memory_space<semaphore_mem>>)
    %scan3A_319 = arith.constant 0 : i32
    %scan3A_320 = arith.constant 0 : i32
    %scan3A_321 = arith.constant 7 : i32
    %scan3A_322 = arith.addi %scan3A_320, %scan3A_321 : i32
    %scan3A_323 = arith.constant 1 : i32
    scf.for %scan3A_629 = %scan3A_320 to %scan3A_322 step %scan3A_323  : i32 {
      %mul3A_630 = arith.constant 3 : i32
      %mul3A_631 = arith.muli %mul3A_630, %scan3A_629 : i32
      %add3A_632 = arith.constant 2 : i32
      %add3A_633 = arith.addi %mul3A_631, %add3A_632 : i32
      %dma_wait3A_634 = arith.constant 0 : i32
      %dma_wait3A_635 = arith.constant 0 : i32
      %dma_wait3A_636 = tpu.memref_slice %arg7[%dma_wait3A_634, %dma_wait3A_635] : memref<25x80xi32, #tpu.memory_space<vmem>> -> memref<1x80xi32, #tpu.memory_space<vmem>>
      %dma_wait3A_637 = tpu.memref_squeeze %dma_wait3A_636 : memref<1x80xi32, #tpu.memory_space<vmem>> -> memref<80xi32, #tpu.memory_space<vmem>>
      %dma_wait3A_638 = arith.constant 0 : i32
      %dma_wait3A_639 = arith.constant 0 : i32
      %dma_wait3A_640 = tpu.memref_slice %arg4[%dma_wait3A_638, %dma_wait3A_639] : memref<10000x128xf32, #tpu.memory_space<hbm>> -> memref<10000x128xf32, #tpu.memory_space<hbm>>
      tpu.wait_indirect_dma semaphore(%arg15 : memref<!tpu.dma_semaphore, #tpu.memory_space<semaphore_mem>>) src(%dma_wait3A_640 : memref<10000x128xf32, #tpu.memory_space<hbm>>) dst(%arg11 : memref<80x128xf32, #tpu.memory_space<vmem>>)
      %add3A_641 = arith.constant 0 : i32
      %add3A_642 = arith.addi %add3A_633, %add3A_641 : i32
      %dma_start3A_643 = arith.constant 0 : i32
      %dma_start3A_644 = tpu.memref_slice %arg8[%add3A_642, %dma_start3A_643] : memref<25x80xi32, #tpu.memory_space<vmem>> -> memref<1x80xi32, #tpu.memory_space<vmem>>
      %dma_start3A_645 = tpu.memref_squeeze %dma_start3A_644 : memref<1x80xi32, #tpu.memory_space<vmem>> -> memref<80xi32, #tpu.memory_space<vmem>>
      %dma_start3A_646 = arith.constant 0 : i32
      %dma_start3A_647 = arith.constant 0 : i32
      %dma_start3A_648 = tpu.memref_slice %arg12[%dma_start3A_646, %dma_start3A_647] : memref<10000x128xf32, #tpu.memory_space<vmem_shared>> -> memref<10000x128xf32, #tpu.memory_space<vmem_shared>>
      tpu.enqueue_indirect_dma source(%arg11 : memref<80x128xf32, #tpu.memory_space<vmem>>) target(%dma_start3A_648 : memref<10000x128xf32, #tpu.memory_space<vmem_shared>>) offsets(%dma_start3A_645 : memref<80xi32, #tpu.memory_space<vmem>>) semaphore(%arg18 : memref<!tpu.dma_semaphore, #tpu.memory_space<semaphore_mem>>) {add = true}
      %dma_wait3A_649 = arith.constant 0 : i32
      %dma_wait3A_650 = arith.constant 0 : i32
      %dma_wait3A_651 = tpu.memref_slice %arg8[%dma_wait3A_649, %dma_wait3A_650] : memref<25x80xi32, #tpu.memory_space<vmem>> -> memref<1x80xi32, #tpu.memory_space<vmem>>
      %dma_wait3A_652 = tpu.memref_squeeze %dma_wait3A_651 : memref<1x80xi32, #tpu.memory_space<vmem>> -> memref<80xi32, #tpu.memory_space<vmem>>
      %dma_wait3A_653 = arith.constant 0 : i32
      %dma_wait3A_654 = arith.constant 0 : i32
      %dma_wait3A_655 = tpu.memref_slice %arg12[%dma_wait3A_653, %dma_wait3A_654] : memref<10000x128xf32, #tpu.memory_space<vmem_shared>> -> memref<10000x128xf32, #tpu.memory_space<vmem_shared>>
      tpu.wait_indirect_dma semaphore(%arg17 : memref<!tpu.dma_semaphore, #tpu.memory_space<semaphore_mem>>) src(%arg10 : memref<80x128xf32, #tpu.memory_space<vmem>>) dst(%dma_wait3A_655 : memref<10000x128xf32, #tpu.memory_space<vmem_shared>>)
      %add3A_656 = arith.constant 0 : i32
      %add3A_657 = arith.addi %add3A_633, %add3A_656 : i32
      %add3A_658 = arith.constant 2 : i32
      %add3A_659 = arith.addi %add3A_657, %add3A_658 : i32
      %dma_start3A_660 = arith.constant 0 : i32
      %dma_start3A_661 = tpu.memref_slice %arg7[%add3A_659, %dma_start3A_660] : memref<25x80xi32, #tpu.memory_space<vmem>> -> memref<1x80xi32, #tpu.memory_space<vmem>>
      %dma_start3A_662 = tpu.memref_squeeze %dma_start3A_661 : memref<1x80xi32, #tpu.memory_space<vmem>> -> memref<80xi32, #tpu.memory_space<vmem>>
      %dma_start3A_663 = arith.constant 0 : i32
      %dma_start3A_664 = arith.constant 0 : i32
      %dma_start3A_665 = tpu.memref_slice %arg4[%dma_start3A_663, %dma_start3A_664] : memref<10000x128xf32, #tpu.memory_space<hbm>> -> memref<10000x128xf32, #tpu.memory_space<hbm>>
      tpu.enqueue_indirect_dma source(%dma_start3A_665 : memref<10000x128xf32, #tpu.memory_space<hbm>>) target(%arg10 : memref<80x128xf32, #tpu.memory_space<vmem>>) offsets(%dma_start3A_662 : memref<80xi32, #tpu.memory_space<vmem>>) semaphore(%arg14 : memref<!tpu.dma_semaphore, #tpu.memory_space<semaphore_mem>>)
      %dma_wait3A_666 = arith.constant 0 : i32
      %dma_wait3A_667 = arith.constant 0 : i32
      %dma_wait3A_668 = tpu.memref_slice %arg7[%dma_wait3A_666, %dma_wait3A_667] : memref<25x80xi32, #tpu.memory_space<vmem>> -> memref<1x80xi32, #tpu.memory_space<vmem>>
      %dma_wait3A_669 = tpu.memref_squeeze %dma_wait3A_668 : memref<1x80xi32, #tpu.memory_space<vmem>> -> memref<80xi32, #tpu.memory_space<vmem>>
      %dma_wait3A_670 = arith.constant 0 : i32
      %dma_wait3A_671 = arith.constant 0 : i32
      %dma_wait3A_672 = tpu.memref_slice %arg4[%dma_wait3A_670, %dma_wait3A_671] : memref<10000x128xf32, #tpu.memory_space<hbm>> -> memref<10000x128xf32, #tpu.memory_space<hbm>>
      tpu.wait_indirect_dma semaphore(%arg13 : memref<!tpu.dma_semaphore, #tpu.memory_space<semaphore_mem>>) src(%dma_wait3A_672 : memref<10000x128xf32, #tpu.memory_space<hbm>>) dst(%arg9 : memref<80x128xf32, #tpu.memory_space<vmem>>)
      %add3A_673 = arith.constant 1 : i32
      %add3A_674 = arith.addi %add3A_633, %add3A_673 : i32
      %dma_start3A_675 = arith.constant 0 : i32
      %dma_start3A_676 = tpu.memref_slice %arg8[%add3A_674, %dma_start3A_675] : memref<25x80xi32, #tpu.memory_space<vmem>> -> memref<1x80xi32, #tpu.memory_space<vmem>>
      %dma_start3A_677 = tpu.memref_squeeze %dma_start3A_676 : memref<1x80xi32, #tpu.memory_space<vmem>> -> memref<80xi32, #tpu.memory_space<vmem>>
      %dma_start3A_678 = arith.constant 0 : i32
      %dma_start3A_679 = arith.constant 0 : i32
      %dma_start3A_680 = tpu.memref_slice %arg12[%dma_start3A_678, %dma_start3A_679] : memref<10000x128xf32, #tpu.memory_space<vmem_shared>> -> memref<10000x128xf32, #tpu.memory_space<vmem_shared>>
      tpu.enqueue_indirect_dma source(%arg9 : memref<80x128xf32, #tpu.memory_space<vmem>>) target(%dma_start3A_680 : memref<10000x128xf32, #tpu.memory_space<vmem_shared>>) offsets(%dma_start3A_677 : memref<80xi32, #tpu.memory_space<vmem>>) semaphore(%arg16 : memref<!tpu.dma_semaphore, #tpu.memory_space<semaphore_mem>>) {add = true}
      %dma_wait3A_681 = arith.constant 0 : i32
      %dma_wait3A_682 = arith.constant 0 : i32
      %dma_wait3A_683 = tpu.memref_slice %arg8[%dma_wait3A_681, %dma_wait3A_682] : memref<25x80xi32, #tpu.memory_space<vmem>> -> memref<1x80xi32, #tpu.memory_space<vmem>>
      %dma_wait3A_684 = tpu.memref_squeeze %dma_wait3A_683 : memref<1x80xi32, #tpu.memory_space<vmem>> -> memref<80xi32, #tpu.memory_space<vmem>>
      %dma_wait3A_685 = arith.constant 0 : i32
      %dma_wait3A_686 = arith.constant 0 : i32
      %dma_wait3A_687 = tpu.memref_slice %arg12[%dma_wait3A_685, %dma_wait3A_686] : memref<10000x128xf32, #tpu.memory_space<vmem_shared>> -> memref<10000x128xf32, #tpu.memory_space<vmem_shared>>
      tpu.wait_indirect_dma semaphore(%arg18 : memref<!tpu.dma_semaphore, #tpu.memory_space<semaphore_mem>>) src(%arg11 : memref<80x128xf32, #tpu.memory_space<vmem>>) dst(%dma_wait3A_687 : memref<10000x128xf32, #tpu.memory_space<vmem_shared>>)
      %add3A_688 = arith.constant 1 : i32
      %add3A_689 = arith.addi %add3A_633, %add3A_688 : i32
      %add3A_690 = arith.constant 2 : i32
      %add3A_691 = arith.addi %add3A_689, %add3A_690 : i32
      %dma_start3A_692 = arith.constant 0 : i32
      %dma_start3A_693 = tpu.memref_slice %arg7[%add3A_691, %dma_start3A_692] : memref<25x80xi32, #tpu.memory_space<vmem>> -> memref<1x80xi32, #tpu.memory_space<vmem>>
      %dma_start3A_694 = tpu.memref_squeeze %dma_start3A_693 : memref<1x80xi32, #tpu.memory_space<vmem>> -> memref<80xi32, #tpu.memory_space<vmem>>
      %dma_start3A_695 = arith.constant 0 : i32
      %dma_start3A_696 = arith.constant 0 : i32
      %dma_start3A_697 = tpu.memref_slice %arg4[%dma_start3A_695, %dma_start3A_696] : memref<10000x128xf32, #tpu.memory_space<hbm>> -> memref<10000x128xf32, #tpu.memory_space<hbm>>
      tpu.enqueue_indirect_dma source(%dma_start3A_697 : memref<10000x128xf32, #tpu.memory_space<hbm>>) target(%arg11 : memref<80x128xf32, #tpu.memory_space<vmem>>) offsets(%dma_start3A_694 : memref<80xi32, #tpu.memory_space<vmem>>) semaphore(%arg15 : memref<!tpu.dma_semaphore, #tpu.memory_space<semaphore_mem>>)
      %dma_wait3A_698 = arith.constant 0 : i32
      %dma_wait3A_699 = arith.constant 0 : i32
      %dma_wait3A_700 = tpu.memref_slice %arg7[%dma_wait3A_698, %dma_wait3A_699] : memref<25x80xi32, #tpu.memory_space<vmem>> -> memref<1x80xi32, #tpu.memory_space<vmem>>
      %dma_wait3A_701 = tpu.memref_squeeze %dma_wait3A_700 : memref<1x80xi32, #tpu.memory_space<vmem>> -> memref<80xi32, #tpu.memory_space<vmem>>
      %dma_wait3A_702 = arith.constant 0 : i32
      %dma_wait3A_703 = arith.constant 0 : i32
      %dma_wait3A_704 = tpu.memref_slice %arg4[%dma_wait3A_702, %dma_wait3A_703] : memref<10000x128xf32, #tpu.memory_space<hbm>> -> memref<10000x128xf32, #tpu.memory_space<hbm>>
      tpu.wait_indirect_dma semaphore(%arg14 : memref<!tpu.dma_semaphore, #tpu.memory_space<semaphore_mem>>) src(%dma_wait3A_704 : memref<10000x128xf32, #tpu.memory_space<hbm>>) dst(%arg10 : memref<80x128xf32, #tpu.memory_space<vmem>>)
      %add3A_705 = arith.constant 2 : i32
      %add3A_706 = arith.addi %add3A_633, %add3A_705 : i32
      %dma_start3A_707 = arith.constant 0 : i32
      %dma_start3A_708 = tpu.memref_slice %arg8[%add3A_706, %dma_start3A_707] : memref<25x80xi32, #tpu.memory_space<vmem>> -> memref<1x80xi32, #tpu.memory_space<vmem>>
      %dma_start3A_709 = tpu.memref_squeeze %dma_start3A_708 : memref<1x80xi32, #tpu.memory_space<vmem>> -> memref<80xi32, #tpu.memory_space<vmem>>
      %dma_start3A_710 = arith.constant 0 : i32
      %dma_start3A_711 = arith.constant 0 : i32
      %dma_start3A_712 = tpu.memref_slice %arg12[%dma_start3A_710, %dma_start3A_711] : memref<10000x128xf32, #tpu.memory_space<vmem_shared>> -> memref<10000x128xf32, #tpu.memory_space<vmem_shared>>
      tpu.enqueue_indirect_dma source(%arg10 : memref<80x128xf32, #tpu.memory_space<vmem>>) target(%dma_start3A_712 : memref<10000x128xf32, #tpu.memory_space<vmem_shared>>) offsets(%dma_start3A_709 : memref<80xi32, #tpu.memory_space<vmem>>) semaphore(%arg17 : memref<!tpu.dma_semaphore, #tpu.memory_space<semaphore_mem>>) {add = true}
      %dma_wait3A_713 = arith.constant 0 : i32
      %dma_wait3A_714 = arith.constant 0 : i32
      %dma_wait3A_715 = tpu.memref_slice %arg8[%dma_wait3A_713, %dma_wait3A_714] : memref<25x80xi32, #tpu.memory_space<vmem>> -> memref<1x80xi32, #tpu.memory_space<vmem>>
      %dma_wait3A_716 = tpu.memref_squeeze %dma_wait3A_715 : memref<1x80xi32, #tpu.memory_space<vmem>> -> memref<80xi32, #tpu.memory_space<vmem>>
      %dma_wait3A_717 = arith.constant 0 : i32
      %dma_wait3A_718 = arith.constant 0 : i32
      %dma_wait3A_719 = tpu.memref_slice %arg12[%dma_wait3A_717, %dma_wait3A_718] : memref<10000x128xf32, #tpu.memory_space<vmem_shared>> -> memref<10000x128xf32, #tpu.memory_space<vmem_shared>>
      tpu.wait_indirect_dma semaphore(%arg16 : memref<!tpu.dma_semaphore, #tpu.memory_space<semaphore_mem>>) src(%arg9 : memref<80x128xf32, #tpu.memory_space<vmem>>) dst(%dma_wait3A_719 : memref<10000x128xf32, #tpu.memory_space<vmem_shared>>)
      %add3A_720 = arith.constant 2 : i32
      %add3A_721 = arith.addi %add3A_633, %add3A_720 : i32
      %add3A_722 = arith.constant 2 : i32
      %add3A_723 = arith.addi %add3A_721, %add3A_722 : i32
      %dma_start3A_724 = arith.constant 0 : i32
      %dma_start3A_725 = tpu.memref_slice %arg7[%add3A_723, %dma_start3A_724] : memref<25x80xi32, #tpu.memory_space<vmem>> -> memref<1x80xi32, #tpu.memory_space<vmem>>
      %dma_start3A_726 = tpu.memref_squeeze %dma_start3A_725 : memref<1x80xi32, #tpu.memory_space<vmem>> -> memref<80xi32, #tpu.memory_space<vmem>>
      %dma_start3A_727 = arith.constant 0 : i32
      %dma_start3A_728 = arith.constant 0 : i32
      %dma_start3A_729 = tpu.memref_slice %arg4[%dma_start3A_727, %dma_start3A_728] : memref<10000x128xf32, #tpu.memory_space<hbm>> -> memref<10000x128xf32, #tpu.memory_space<hbm>>
      tpu.enqueue_indirect_dma source(%dma_start3A_729 : memref<10000x128xf32, #tpu.memory_space<hbm>>) target(%arg9 : memref<80x128xf32, #tpu.memory_space<vmem>>) offsets(%dma_start3A_726 : memref<80xi32, #tpu.memory_space<vmem>>) semaphore(%arg13 : memref<!tpu.dma_semaphore, #tpu.memory_space<semaphore_mem>>)
    }
    %scan3A_324 = arith.constant 7 : i32
    %dma_wait3A_325 = arith.constant 0 : i32
    %dma_wait3A_326 = arith.constant 0 : i32
    %dma_wait3A_327 = tpu.memref_slice %arg7[%dma_wait3A_325, %dma_wait3A_326] : memref<25x80xi32, #tpu.memory_space<vmem>> -> memref<1x80xi32, #tpu.memory_space<vmem>>
    %dma_wait3A_328 = tpu.memref_squeeze %dma_wait3A_327 : memref<1x80xi32, #tpu.memory_space<vmem>> -> memref<80xi32, #tpu.memory_space<vmem>>
    %dma_wait3A_329 = arith.constant 0 : i32
    %dma_wait3A_330 = arith.constant 0 : i32
    %dma_wait3A_331 = tpu.memref_slice %arg4[%dma_wait3A_329, %dma_wait3A_330] : memref<10000x128xf32, #tpu.memory_space<hbm>> -> memref<10000x128xf32, #tpu.memory_space<hbm>>
    tpu.wait_indirect_dma semaphore(%arg15 : memref<!tpu.dma_semaphore, #tpu.memory_space<semaphore_mem>>) src(%dma_wait3A_331 : memref<10000x128xf32, #tpu.memory_space<hbm>>) dst(%arg11 : memref<80x128xf32, #tpu.memory_space<vmem>>)
    %dma_start3A_332 = arith.constant 23 : i32
    %dma_start3A_333 = arith.constant 0 : i32
    %dma_start3A_334 = tpu.memref_slice %arg8[%dma_start3A_332, %dma_start3A_333] : memref<25x80xi32, #tpu.memory_space<vmem>> -> memref<1x80xi32, #tpu.memory_space<vmem>>
    %dma_start3A_335 = tpu.memref_squeeze %dma_start3A_334 : memref<1x80xi32, #tpu.memory_space<vmem>> -> memref<80xi32, #tpu.memory_space<vmem>>
    %dma_start3A_336 = arith.constant 0 : i32
    %dma_start3A_337 = arith.constant 0 : i32
    %dma_start3A_338 = tpu.memref_slice %arg12[%dma_start3A_336, %dma_start3A_337] : memref<10000x128xf32, #tpu.memory_space<vmem_shared>> -> memref<10000x128xf32, #tpu.memory_space<vmem_shared>>
    tpu.enqueue_indirect_dma source(%arg11 : memref<80x128xf32, #tpu.memory_space<vmem>>) target(%dma_start3A_338 : memref<10000x128xf32, #tpu.memory_space<vmem_shared>>) offsets(%dma_start3A_335 : memref<80xi32, #tpu.memory_space<vmem>>) semaphore(%arg18 : memref<!tpu.dma_semaphore, #tpu.memory_space<semaphore_mem>>) {add = true}
    %dma_wait3A_339 = arith.constant 0 : i32
    %dma_wait3A_340 = arith.constant 0 : i32
    %dma_wait3A_341 = tpu.memref_slice %arg7[%dma_wait3A_339, %dma_wait3A_340] : memref<25x80xi32, #tpu.memory_space<vmem>> -> memref<1x80xi32, #tpu.memory_space<vmem>>
    %dma_wait3A_342 = tpu.memref_squeeze %dma_wait3A_341 : memref<1x80xi32, #tpu.memory_space<vmem>> -> memref<80xi32, #tpu.memory_space<vmem>>
    %dma_wait3A_343 = arith.constant 0 : i32
    %dma_wait3A_344 = arith.constant 0 : i32
    %dma_wait3A_345 = tpu.memref_slice %arg4[%dma_wait3A_343, %dma_wait3A_344] : memref<10000x128xf32, #tpu.memory_space<hbm>> -> memref<10000x128xf32, #tpu.memory_space<hbm>>
    tpu.wait_indirect_dma semaphore(%arg13 : memref<!tpu.dma_semaphore, #tpu.memory_space<semaphore_mem>>) src(%dma_wait3A_345 : memref<10000x128xf32, #tpu.memory_space<hbm>>) dst(%arg9 : memref<80x128xf32, #tpu.memory_space<vmem>>)
    %dma_start3A_346 = arith.constant 24 : i32
    %dma_start3A_347 = arith.constant 0 : i32
    %dma_start3A_348 = tpu.memref_slice %arg8[%dma_start3A_346, %dma_start3A_347] : memref<25x80xi32, #tpu.memory_space<vmem>> -> memref<1x80xi32, #tpu.memory_space<vmem>>
    %dma_start3A_349 = tpu.memref_squeeze %dma_start3A_348 : memref<1x80xi32, #tpu.memory_space<vmem>> -> memref<80xi32, #tpu.memory_space<vmem>>
    %dma_start3A_350 = arith.constant 0 : i32
    %dma_start3A_351 = arith.constant 0 : i32
    %dma_start3A_352 = tpu.memref_slice %arg12[%dma_start3A_350, %dma_start3A_351] : memref<10000x128xf32, #tpu.memory_space<vmem_shared>> -> memref<10000x128xf32, #tpu.memory_space<vmem_shared>>
    tpu.enqueue_indirect_dma source(%arg9 : memref<80x128xf32, #tpu.memory_space<vmem>>) target(%dma_start3A_352 : memref<10000x128xf32, #tpu.memory_space<vmem_shared>>) offsets(%dma_start3A_349 : memref<80xi32, #tpu.memory_space<vmem>>) semaphore(%arg16 : memref<!tpu.dma_semaphore, #tpu.memory_space<semaphore_mem>>) {add = true}
    %dma_wait3A_353 = arith.constant 0 : i32
    %dma_wait3A_354 = arith.constant 0 : i32
    %dma_wait3A_355 = tpu.memref_slice %arg8[%dma_wait3A_353, %dma_wait3A_354] : memref<25x80xi32, #tpu.memory_space<vmem>> -> memref<1x80xi32, #tpu.memory_space<vmem>>
    %dma_wait3A_356 = tpu.memref_squeeze %dma_wait3A_355 : memref<1x80xi32, #tpu.memory_space<vmem>> -> memref<80xi32, #tpu.memory_space<vmem>>
    %dma_wait3A_357 = arith.constant 0 : i32
    %dma_wait3A_358 = arith.constant 0 : i32
    %dma_wait3A_359 = tpu.memref_slice %arg12[%dma_wait3A_357, %dma_wait3A_358] : memref<10000x128xf32, #tpu.memory_space<vmem_shared>> -> memref<10000x128xf32, #tpu.memory_space<vmem_shared>>
    tpu.wait_indirect_dma semaphore(%arg17 : memref<!tpu.dma_semaphore, #tpu.memory_space<semaphore_mem>>) src(%arg10 : memref<80x128xf32, #tpu.memory_space<vmem>>) dst(%dma_wait3A_359 : memref<10000x128xf32, #tpu.memory_space<vmem_shared>>)
    %dma_wait3A_360 = arith.constant 0 : i32
    %dma_wait3A_361 = arith.constant 0 : i32
    %dma_wait3A_362 = tpu.memref_slice %arg8[%dma_wait3A_360, %dma_wait3A_361] : memref<25x80xi32, #tpu.memory_space<vmem>> -> memref<1x80xi32, #tpu.memory_space<vmem>>
    %dma_wait3A_363 = tpu.memref_squeeze %dma_wait3A_362 : memref<1x80xi32, #tpu.memory_space<vmem>> -> memref<80xi32, #tpu.memory_space<vmem>>
    %dma_wait3A_364 = arith.constant 0 : i32
    %dma_wait3A_365 = arith.constant 0 : i32
    %dma_wait3A_366 = tpu.memref_slice %arg12[%dma_wait3A_364, %dma_wait3A_365] : memref<10000x128xf32, #tpu.memory_space<vmem_shared>> -> memref<10000x128xf32, #tpu.memory_space<vmem_shared>>
    tpu.wait_indirect_dma semaphore(%arg18 : memref<!tpu.dma_semaphore, #tpu.memory_space<semaphore_mem>>) src(%arg11 : memref<80x128xf32, #tpu.memory_space<vmem>>) dst(%dma_wait3A_366 : memref<10000x128xf32, #tpu.memory_space<vmem_shared>>)
    %dma_wait3A_367 = arith.constant 0 : i32
    %dma_wait3A_368 = arith.constant 0 : i32
    %dma_wait3A_369 = tpu.memref_slice %arg8[%dma_wait3A_367, %dma_wait3A_368] : memref<25x80xi32, #tpu.memory_space<vmem>> -> memref<1x80xi32, #tpu.memory_space<vmem>>
    %dma_wait3A_370 = tpu.memref_squeeze %dma_wait3A_369 : memref<1x80xi32, #tpu.memory_space<vmem>> -> memref<80xi32, #tpu.memory_space<vmem>>
    %dma_wait3A_371 = arith.constant 0 : i32
    %dma_wait3A_372 = arith.constant 0 : i32
    %dma_wait3A_373 = tpu.memref_slice %arg12[%dma_wait3A_371, %dma_wait3A_372] : memref<10000x128xf32, #tpu.memory_space<vmem_shared>> -> memref<10000x128xf32, #tpu.memory_space<vmem_shared>>
    tpu.wait_indirect_dma semaphore(%arg16 : memref<!tpu.dma_semaphore, #tpu.memory_space<semaphore_mem>>) src(%arg9 : memref<80x128xf32, #tpu.memory_space<vmem>>) dst(%dma_wait3A_373 : memref<10000x128xf32, #tpu.memory_space<vmem_shared>>)
    %run_scoped3A_374 = arith.constant 3 : i32
    "tpu.region"() ({
      %run_scoped3A_629 = tpu.sem_alloc : memref<!tpu.dma_semaphore, #tpu.memory_space<semaphore_mem>>
      %dma_start3A_630 = arith.constant 0 : i32
      %dma_start3A_631 = arith.constant 0 : i32
      %dma_start3A_632 = tpu.memref_slice %arg2[%add3A, %run_scoped3A_374, %dma_start3A_630, %dma_start3A_631] : memref<32x5x25x80xi32, #tpu.memory_space<hbm>> -> memref<1x1x25x80xi32, #tpu.memory_space<hbm>>
      %dma_start3A_633 = tpu.memref_squeeze %dma_start3A_632 : memref<1x1x25x80xi32, #tpu.memory_space<hbm>> -> memref<25x80xi32, #tpu.memory_space<hbm>>
      %dma_start3A_634 = arith.constant 0 : i32
      %dma_start3A_635 = arith.constant 0 : i32
      %dma_start3A_636 = tpu.memref_slice %arg2[%add3A, %run_scoped3A_374, %dma_start3A_634, %dma_start3A_635] : memref<32x5x25x80xi32, #tpu.memory_space<hbm>> -> memref<1x1x25x80xi32, #tpu.memory_space<hbm>>
      %dma_start3A_637 = tpu.memref_squeeze %dma_start3A_636 : memref<1x1x25x80xi32, #tpu.memory_space<hbm>> -> memref<25x80xi32, #tpu.memory_space<hbm>>
      tpu.enqueue_dma source(%dma_start3A_637 : memref<25x80xi32, #tpu.memory_space<hbm>>) target(%arg7 : memref<25x80xi32, #tpu.memory_space<vmem>>) target_semaphore(%run_scoped3A_629 : memref<!tpu.dma_semaphore, #tpu.memory_space<semaphore_mem>>)
      %dma_wait3A_638 = arith.constant 0 : i32
      %dma_wait3A_639 = arith.constant 0 : i32
      %dma_wait3A_640 = tpu.memref_slice %arg2[%add3A, %run_scoped3A_374, %dma_wait3A_638, %dma_wait3A_639] : memref<32x5x25x80xi32, #tpu.memory_space<hbm>> -> memref<1x1x25x80xi32, #tpu.memory_space<hbm>>
      %dma_wait3A_641 = tpu.memref_squeeze %dma_wait3A_640 : memref<1x1x25x80xi32, #tpu.memory_space<hbm>> -> memref<25x80xi32, #tpu.memory_space<hbm>>
      %dma_wait3A_642 = arith.constant 0 : i32
      %dma_wait3A_643 = arith.constant 0 : i32
      %dma_wait3A_644 = tpu.memref_slice %arg2[%add3A, %run_scoped3A_374, %dma_wait3A_642, %dma_wait3A_643] : memref<32x5x25x80xi32, #tpu.memory_space<hbm>> -> memref<1x1x25x80xi32, #tpu.memory_space<hbm>>
      %dma_wait3A_645 = tpu.memref_squeeze %dma_wait3A_644 : memref<1x1x25x80xi32, #tpu.memory_space<hbm>> -> memref<25x80xi32, #tpu.memory_space<hbm>>
      tpu.wait_dma2 semaphore(%run_scoped3A_629 : memref<!tpu.dma_semaphore, #tpu.memory_space<semaphore_mem>>) src(%dma_wait3A_645 : memref<25x80xi32, #tpu.memory_space<hbm>>) dst(%arg7 : memref<25x80xi32, #tpu.memory_space<vmem>>)
      tpu.yield
    }) : () -> ()
    %run_scoped3A_375 = arith.constant 3 : i32
    "tpu.region"() ({
      %run_scoped3A_629 = tpu.sem_alloc : memref<!tpu.dma_semaphore, #tpu.memory_space<semaphore_mem>>
      %dma_start3A_630 = arith.constant 0 : i32
      %dma_start3A_631 = arith.constant 0 : i32
      %dma_start3A_632 = tpu.memref_slice %arg3[%add3A, %run_scoped3A_375, %dma_start3A_630, %dma_start3A_631] : memref<32x5x25x80xi32, #tpu.memory_space<hbm>> -> memref<1x1x25x80xi32, #tpu.memory_space<hbm>>
      %dma_start3A_633 = tpu.memref_squeeze %dma_start3A_632 : memref<1x1x25x80xi32, #tpu.memory_space<hbm>> -> memref<25x80xi32, #tpu.memory_space<hbm>>
      %dma_start3A_634 = arith.constant 0 : i32
      %dma_start3A_635 = arith.constant 0 : i32
      %dma_start3A_636 = tpu.memref_slice %arg3[%add3A, %run_scoped3A_375, %dma_start3A_634, %dma_start3A_635] : memref<32x5x25x80xi32, #tpu.memory_space<hbm>> -> memref<1x1x25x80xi32, #tpu.memory_space<hbm>>
      %dma_start3A_637 = tpu.memref_squeeze %dma_start3A_636 : memref<1x1x25x80xi32, #tpu.memory_space<hbm>> -> memref<25x80xi32, #tpu.memory_space<hbm>>
      tpu.enqueue_dma source(%dma_start3A_637 : memref<25x80xi32, #tpu.memory_space<hbm>>) target(%arg8 : memref<25x80xi32, #tpu.memory_space<vmem>>) target_semaphore(%run_scoped3A_629 : memref<!tpu.dma_semaphore, #tpu.memory_space<semaphore_mem>>)
      %dma_wait3A_638 = arith.constant 0 : i32
      %dma_wait3A_639 = arith.constant 0 : i32
      %dma_wait3A_640 = tpu.memref_slice %arg3[%add3A, %run_scoped3A_375, %dma_wait3A_638, %dma_wait3A_639] : memref<32x5x25x80xi32, #tpu.memory_space<hbm>> -> memref<1x1x25x80xi32, #tpu.memory_space<hbm>>
      %dma_wait3A_641 = tpu.memref_squeeze %dma_wait3A_640 : memref<1x1x25x80xi32, #tpu.memory_space<hbm>> -> memref<25x80xi32, #tpu.memory_space<hbm>>
      %dma_wait3A_642 = arith.constant 0 : i32
      %dma_wait3A_643 = arith.constant 0 : i32
      %dma_wait3A_644 = tpu.memref_slice %arg3[%add3A, %run_scoped3A_375, %dma_wait3A_642, %dma_wait3A_643] : memref<32x5x25x80xi32, #tpu.memory_space<hbm>> -> memref<1x1x25x80xi32, #tpu.memory_space<hbm>>
      %dma_wait3A_645 = tpu.memref_squeeze %dma_wait3A_644 : memref<1x1x25x80xi32, #tpu.memory_space<hbm>> -> memref<25x80xi32, #tpu.memory_space<hbm>>
      tpu.wait_dma2 semaphore(%run_scoped3A_629 : memref<!tpu.dma_semaphore, #tpu.memory_space<semaphore_mem>>) src(%dma_wait3A_645 : memref<25x80xi32, #tpu.memory_space<hbm>>) dst(%arg8 : memref<25x80xi32, #tpu.memory_space<vmem>>)
      tpu.yield
    }) : () -> ()
    %dma_start3A_376 = arith.constant 0 : i32
    %dma_start3A_377 = arith.constant 0 : i32
    %dma_start3A_378 = tpu.memref_slice %arg7[%dma_start3A_376, %dma_start3A_377] : memref<25x80xi32, #tpu.memory_space<vmem>> -> memref<1x80xi32, #tpu.memory_space<vmem>>
    %dma_start3A_379 = tpu.memref_squeeze %dma_start3A_378 : memref<1x80xi32, #tpu.memory_space<vmem>> -> memref<80xi32, #tpu.memory_space<vmem>>
    %dma_start3A_380 = arith.constant 0 : i32
    %dma_start3A_381 = arith.constant 0 : i32
    %dma_start3A_382 = tpu.memref_slice %arg4[%dma_start3A_380, %dma_start3A_381] : memref<10000x128xf32, #tpu.memory_space<hbm>> -> memref<10000x128xf32, #tpu.memory_space<hbm>>
    tpu.enqueue_indirect_dma source(%dma_start3A_382 : memref<10000x128xf32, #tpu.memory_space<hbm>>) target(%arg9 : memref<80x128xf32, #tpu.memory_space<vmem>>) offsets(%dma_start3A_379 : memref<80xi32, #tpu.memory_space<vmem>>) semaphore(%arg13 : memref<!tpu.dma_semaphore, #tpu.memory_space<semaphore_mem>>)
    %dma_start3A_383 = arith.constant 1 : i32
    %dma_start3A_384 = arith.constant 0 : i32
    %dma_start3A_385 = tpu.memref_slice %arg7[%dma_start3A_383, %dma_start3A_384] : memref<25x80xi32, #tpu.memory_space<vmem>> -> memref<1x80xi32, #tpu.memory_space<vmem>>
    %dma_start3A_386 = tpu.memref_squeeze %dma_start3A_385 : memref<1x80xi32, #tpu.memory_space<vmem>> -> memref<80xi32, #tpu.memory_space<vmem>>
    %dma_start3A_387 = arith.constant 0 : i32
    %dma_start3A_388 = arith.constant 0 : i32
    %dma_start3A_389 = tpu.memref_slice %arg4[%dma_start3A_387, %dma_start3A_388] : memref<10000x128xf32, #tpu.memory_space<hbm>> -> memref<10000x128xf32, #tpu.memory_space<hbm>>
    tpu.enqueue_indirect_dma source(%dma_start3A_389 : memref<10000x128xf32, #tpu.memory_space<hbm>>) target(%arg10 : memref<80x128xf32, #tpu.memory_space<vmem>>) offsets(%dma_start3A_386 : memref<80xi32, #tpu.memory_space<vmem>>) semaphore(%arg14 : memref<!tpu.dma_semaphore, #tpu.memory_space<semaphore_mem>>)
    %dma_wait3A_390 = arith.constant 0 : i32
    %dma_wait3A_391 = arith.constant 0 : i32
    %dma_wait3A_392 = tpu.memref_slice %arg7[%dma_wait3A_390, %dma_wait3A_391] : memref<25x80xi32, #tpu.memory_space<vmem>> -> memref<1x80xi32, #tpu.memory_space<vmem>>
    %dma_wait3A_393 = tpu.memref_squeeze %dma_wait3A_392 : memref<1x80xi32, #tpu.memory_space<vmem>> -> memref<80xi32, #tpu.memory_space<vmem>>
    %dma_wait3A_394 = arith.constant 0 : i32
    %dma_wait3A_395 = arith.constant 0 : i32
    %dma_wait3A_396 = tpu.memref_slice %arg4[%dma_wait3A_394, %dma_wait3A_395] : memref<10000x128xf32, #tpu.memory_space<hbm>> -> memref<10000x128xf32, #tpu.memory_space<hbm>>
    tpu.wait_indirect_dma semaphore(%arg13 : memref<!tpu.dma_semaphore, #tpu.memory_space<semaphore_mem>>) src(%dma_wait3A_396 : memref<10000x128xf32, #tpu.memory_space<hbm>>) dst(%arg9 : memref<80x128xf32, #tpu.memory_space<vmem>>)
    %dma_start3A_397 = arith.constant 0 : i32
    %dma_start3A_398 = arith.constant 0 : i32
    %dma_start3A_399 = tpu.memref_slice %arg8[%dma_start3A_397, %dma_start3A_398] : memref<25x80xi32, #tpu.memory_space<vmem>> -> memref<1x80xi32, #tpu.memory_space<vmem>>
    %dma_start3A_400 = tpu.memref_squeeze %dma_start3A_399 : memref<1x80xi32, #tpu.memory_space<vmem>> -> memref<80xi32, #tpu.memory_space<vmem>>
    %dma_start3A_401 = arith.constant 0 : i32
    %dma_start3A_402 = arith.constant 0 : i32
    %dma_start3A_403 = tpu.memref_slice %arg12[%dma_start3A_401, %dma_start3A_402] : memref<10000x128xf32, #tpu.memory_space<vmem_shared>> -> memref<10000x128xf32, #tpu.memory_space<vmem_shared>>
    tpu.enqueue_indirect_dma source(%arg9 : memref<80x128xf32, #tpu.memory_space<vmem>>) target(%dma_start3A_403 : memref<10000x128xf32, #tpu.memory_space<vmem_shared>>) offsets(%dma_start3A_400 : memref<80xi32, #tpu.memory_space<vmem>>) semaphore(%arg16 : memref<!tpu.dma_semaphore, #tpu.memory_space<semaphore_mem>>) {add = true}
    %dma_start3A_404 = arith.constant 2 : i32
    %dma_start3A_405 = arith.constant 0 : i32
    %dma_start3A_406 = tpu.memref_slice %arg7[%dma_start3A_404, %dma_start3A_405] : memref<25x80xi32, #tpu.memory_space<vmem>> -> memref<1x80xi32, #tpu.memory_space<vmem>>
    %dma_start3A_407 = tpu.memref_squeeze %dma_start3A_406 : memref<1x80xi32, #tpu.memory_space<vmem>> -> memref<80xi32, #tpu.memory_space<vmem>>
    %dma_start3A_408 = arith.constant 0 : i32
    %dma_start3A_409 = arith.constant 0 : i32
    %dma_start3A_410 = tpu.memref_slice %arg4[%dma_start3A_408, %dma_start3A_409] : memref<10000x128xf32, #tpu.memory_space<hbm>> -> memref<10000x128xf32, #tpu.memory_space<hbm>>
    tpu.enqueue_indirect_dma source(%dma_start3A_410 : memref<10000x128xf32, #tpu.memory_space<hbm>>) target(%arg11 : memref<80x128xf32, #tpu.memory_space<vmem>>) offsets(%dma_start3A_407 : memref<80xi32, #tpu.memory_space<vmem>>) semaphore(%arg15 : memref<!tpu.dma_semaphore, #tpu.memory_space<semaphore_mem>>)
    %dma_wait3A_411 = arith.constant 0 : i32
    %dma_wait3A_412 = arith.constant 0 : i32
    %dma_wait3A_413 = tpu.memref_slice %arg7[%dma_wait3A_411, %dma_wait3A_412] : memref<25x80xi32, #tpu.memory_space<vmem>> -> memref<1x80xi32, #tpu.memory_space<vmem>>
    %dma_wait3A_414 = tpu.memref_squeeze %dma_wait3A_413 : memref<1x80xi32, #tpu.memory_space<vmem>> -> memref<80xi32, #tpu.memory_space<vmem>>
    %dma_wait3A_415 = arith.constant 0 : i32
    %dma_wait3A_416 = arith.constant 0 : i32
    %dma_wait3A_417 = tpu.memref_slice %arg4[%dma_wait3A_415, %dma_wait3A_416] : memref<10000x128xf32, #tpu.memory_space<hbm>> -> memref<10000x128xf32, #tpu.memory_space<hbm>>
    tpu.wait_indirect_dma semaphore(%arg14 : memref<!tpu.dma_semaphore, #tpu.memory_space<semaphore_mem>>) src(%dma_wait3A_417 : memref<10000x128xf32, #tpu.memory_space<hbm>>) dst(%arg10 : memref<80x128xf32, #tpu.memory_space<vmem>>)
    %dma_start3A_418 = arith.constant 1 : i32
    %dma_start3A_419 = arith.constant 0 : i32
    %dma_start3A_420 = tpu.memref_slice %arg8[%dma_start3A_418, %dma_start3A_419] : memref<25x80xi32, #tpu.memory_space<vmem>> -> memref<1x80xi32, #tpu.memory_space<vmem>>
    %dma_start3A_421 = tpu.memref_squeeze %dma_start3A_420 : memref<1x80xi32, #tpu.memory_space<vmem>> -> memref<80xi32, #tpu.memory_space<vmem>>
    %dma_start3A_422 = arith.constant 0 : i32
    %dma_start3A_423 = arith.constant 0 : i32
    %dma_start3A_424 = tpu.memref_slice %arg12[%dma_start3A_422, %dma_start3A_423] : memref<10000x128xf32, #tpu.memory_space<vmem_shared>> -> memref<10000x128xf32, #tpu.memory_space<vmem_shared>>
    tpu.enqueue_indirect_dma source(%arg10 : memref<80x128xf32, #tpu.memory_space<vmem>>) target(%dma_start3A_424 : memref<10000x128xf32, #tpu.memory_space<vmem_shared>>) offsets(%dma_start3A_421 : memref<80xi32, #tpu.memory_space<vmem>>) semaphore(%arg17 : memref<!tpu.dma_semaphore, #tpu.memory_space<semaphore_mem>>) {add = true}
    %dma_wait3A_425 = arith.constant 0 : i32
    %dma_wait3A_426 = arith.constant 0 : i32
    %dma_wait3A_427 = tpu.memref_slice %arg8[%dma_wait3A_425, %dma_wait3A_426] : memref<25x80xi32, #tpu.memory_space<vmem>> -> memref<1x80xi32, #tpu.memory_space<vmem>>
    %dma_wait3A_428 = tpu.memref_squeeze %dma_wait3A_427 : memref<1x80xi32, #tpu.memory_space<vmem>> -> memref<80xi32, #tpu.memory_space<vmem>>
    %dma_wait3A_429 = arith.constant 0 : i32
    %dma_wait3A_430 = arith.constant 0 : i32
    %dma_wait3A_431 = tpu.memref_slice %arg12[%dma_wait3A_429, %dma_wait3A_430] : memref<10000x128xf32, #tpu.memory_space<vmem_shared>> -> memref<10000x128xf32, #tpu.memory_space<vmem_shared>>
    tpu.wait_indirect_dma semaphore(%arg16 : memref<!tpu.dma_semaphore, #tpu.memory_space<semaphore_mem>>) src(%arg9 : memref<80x128xf32, #tpu.memory_space<vmem>>) dst(%dma_wait3A_431 : memref<10000x128xf32, #tpu.memory_space<vmem_shared>>)
    %dma_start3A_432 = arith.constant 3 : i32
    %dma_start3A_433 = arith.constant 0 : i32
    %dma_start3A_434 = tpu.memref_slice %arg7[%dma_start3A_432, %dma_start3A_433] : memref<25x80xi32, #tpu.memory_space<vmem>> -> memref<1x80xi32, #tpu.memory_space<vmem>>
    %dma_start3A_435 = tpu.memref_squeeze %dma_start3A_434 : memref<1x80xi32, #tpu.memory_space<vmem>> -> memref<80xi32, #tpu.memory_space<vmem>>
    %dma_start3A_436 = arith.constant 0 : i32
    %dma_start3A_437 = arith.constant 0 : i32
    %dma_start3A_438 = tpu.memref_slice %arg4[%dma_start3A_436, %dma_start3A_437] : memref<10000x128xf32, #tpu.memory_space<hbm>> -> memref<10000x128xf32, #tpu.memory_space<hbm>>
    tpu.enqueue_indirect_dma source(%dma_start3A_438 : memref<10000x128xf32, #tpu.memory_space<hbm>>) target(%arg9 : memref<80x128xf32, #tpu.memory_space<vmem>>) offsets(%dma_start3A_435 : memref<80xi32, #tpu.memory_space<vmem>>) semaphore(%arg13 : memref<!tpu.dma_semaphore, #tpu.memory_space<semaphore_mem>>)
    %scan3A_439 = arith.constant 0 : i32
    %scan3A_440 = arith.constant 0 : i32
    %scan3A_441 = arith.constant 7 : i32
    %scan3A_442 = arith.addi %scan3A_440, %scan3A_441 : i32
    %scan3A_443 = arith.constant 1 : i32
    scf.for %scan3A_629 = %scan3A_440 to %scan3A_442 step %scan3A_443  : i32 {
      %mul3A_630 = arith.constant 3 : i32
      %mul3A_631 = arith.muli %mul3A_630, %scan3A_629 : i32
      %add3A_632 = arith.constant 2 : i32
      %add3A_633 = arith.addi %mul3A_631, %add3A_632 : i32
      %dma_wait3A_634 = arith.constant 0 : i32
      %dma_wait3A_635 = arith.constant 0 : i32
      %dma_wait3A_636 = tpu.memref_slice %arg7[%dma_wait3A_634, %dma_wait3A_635] : memref<25x80xi32, #tpu.memory_space<vmem>> -> memref<1x80xi32, #tpu.memory_space<vmem>>
      %dma_wait3A_637 = tpu.memref_squeeze %dma_wait3A_636 : memref<1x80xi32, #tpu.memory_space<vmem>> -> memref<80xi32, #tpu.memory_space<vmem>>
      %dma_wait3A_638 = arith.constant 0 : i32
      %dma_wait3A_639 = arith.constant 0 : i32
      %dma_wait3A_640 = tpu.memref_slice %arg4[%dma_wait3A_638, %dma_wait3A_639] : memref<10000x128xf32, #tpu.memory_space<hbm>> -> memref<10000x128xf32, #tpu.memory_space<hbm>>
      tpu.wait_indirect_dma semaphore(%arg15 : memref<!tpu.dma_semaphore, #tpu.memory_space<semaphore_mem>>) src(%dma_wait3A_640 : memref<10000x128xf32, #tpu.memory_space<hbm>>) dst(%arg11 : memref<80x128xf32, #tpu.memory_space<vmem>>)
      %add3A_641 = arith.constant 0 : i32
      %add3A_642 = arith.addi %add3A_633, %add3A_641 : i32
      %dma_start3A_643 = arith.constant 0 : i32
      %dma_start3A_644 = tpu.memref_slice %arg8[%add3A_642, %dma_start3A_643] : memref<25x80xi32, #tpu.memory_space<vmem>> -> memref<1x80xi32, #tpu.memory_space<vmem>>
      %dma_start3A_645 = tpu.memref_squeeze %dma_start3A_644 : memref<1x80xi32, #tpu.memory_space<vmem>> -> memref<80xi32, #tpu.memory_space<vmem>>
      %dma_start3A_646 = arith.constant 0 : i32
      %dma_start3A_647 = arith.constant 0 : i32
      %dma_start3A_648 = tpu.memref_slice %arg12[%dma_start3A_646, %dma_start3A_647] : memref<10000x128xf32, #tpu.memory_space<vmem_shared>> -> memref<10000x128xf32, #tpu.memory_space<vmem_shared>>
      tpu.enqueue_indirect_dma source(%arg11 : memref<80x128xf32, #tpu.memory_space<vmem>>) target(%dma_start3A_648 : memref<10000x128xf32, #tpu.memory_space<vmem_shared>>) offsets(%dma_start3A_645 : memref<80xi32, #tpu.memory_space<vmem>>) semaphore(%arg18 : memref<!tpu.dma_semaphore, #tpu.memory_space<semaphore_mem>>) {add = true}
      %dma_wait3A_649 = arith.constant 0 : i32
      %dma_wait3A_650 = arith.constant 0 : i32
      %dma_wait3A_651 = tpu.memref_slice %arg8[%dma_wait3A_649, %dma_wait3A_650] : memref<25x80xi32, #tpu.memory_space<vmem>> -> memref<1x80xi32, #tpu.memory_space<vmem>>
      %dma_wait3A_652 = tpu.memref_squeeze %dma_wait3A_651 : memref<1x80xi32, #tpu.memory_space<vmem>> -> memref<80xi32, #tpu.memory_space<vmem>>
      %dma_wait3A_653 = arith.constant 0 : i32
      %dma_wait3A_654 = arith.constant 0 : i32
      %dma_wait3A_655 = tpu.memref_slice %arg12[%dma_wait3A_653, %dma_wait3A_654] : memref<10000x128xf32, #tpu.memory_space<vmem_shared>> -> memref<10000x128xf32, #tpu.memory_space<vmem_shared>>
      tpu.wait_indirect_dma semaphore(%arg17 : memref<!tpu.dma_semaphore, #tpu.memory_space<semaphore_mem>>) src(%arg10 : memref<80x128xf32, #tpu.memory_space<vmem>>) dst(%dma_wait3A_655 : memref<10000x128xf32, #tpu.memory_space<vmem_shared>>)
      %add3A_656 = arith.constant 0 : i32
      %add3A_657 = arith.addi %add3A_633, %add3A_656 : i32
      %add3A_658 = arith.constant 2 : i32
      %add3A_659 = arith.addi %add3A_657, %add3A_658 : i32
      %dma_start3A_660 = arith.constant 0 : i32
      %dma_start3A_661 = tpu.memref_slice %arg7[%add3A_659, %dma_start3A_660] : memref<25x80xi32, #tpu.memory_space<vmem>> -> memref<1x80xi32, #tpu.memory_space<vmem>>
      %dma_start3A_662 = tpu.memref_squeeze %dma_start3A_661 : memref<1x80xi32, #tpu.memory_space<vmem>> -> memref<80xi32, #tpu.memory_space<vmem>>
      %dma_start3A_663 = arith.constant 0 : i32
      %dma_start3A_664 = arith.constant 0 : i32
      %dma_start3A_665 = tpu.memref_slice %arg4[%dma_start3A_663, %dma_start3A_664] : memref<10000x128xf32, #tpu.memory_space<hbm>> -> memref<10000x128xf32, #tpu.memory_space<hbm>>
      tpu.enqueue_indirect_dma source(%dma_start3A_665 : memref<10000x128xf32, #tpu.memory_space<hbm>>) target(%arg10 : memref<80x128xf32, #tpu.memory_space<vmem>>) offsets(%dma_start3A_662 : memref<80xi32, #tpu.memory_space<vmem>>) semaphore(%arg14 : memref<!tpu.dma_semaphore, #tpu.memory_space<semaphore_mem>>)
      %dma_wait3A_666 = arith.constant 0 : i32
      %dma_wait3A_667 = arith.constant 0 : i32
      %dma_wait3A_668 = tpu.memref_slice %arg7[%dma_wait3A_666, %dma_wait3A_667] : memref<25x80xi32, #tpu.memory_space<vmem>> -> memref<1x80xi32, #tpu.memory_space<vmem>>
      %dma_wait3A_669 = tpu.memref_squeeze %dma_wait3A_668 : memref<1x80xi32, #tpu.memory_space<vmem>> -> memref<80xi32, #tpu.memory_space<vmem>>
      %dma_wait3A_670 = arith.constant 0 : i32
      %dma_wait3A_671 = arith.constant 0 : i32
      %dma_wait3A_672 = tpu.memref_slice %arg4[%dma_wait3A_670, %dma_wait3A_671] : memref<10000x128xf32, #tpu.memory_space<hbm>> -> memref<10000x128xf32, #tpu.memory_space<hbm>>
      tpu.wait_indirect_dma semaphore(%arg13 : memref<!tpu.dma_semaphore, #tpu.memory_space<semaphore_mem>>) src(%dma_wait3A_672 : memref<10000x128xf32, #tpu.memory_space<hbm>>) dst(%arg9 : memref<80x128xf32, #tpu.memory_space<vmem>>)
      %add3A_673 = arith.constant 1 : i32
      %add3A_674 = arith.addi %add3A_633, %add3A_673 : i32
      %dma_start3A_675 = arith.constant 0 : i32
      %dma_start3A_676 = tpu.memref_slice %arg8[%add3A_674, %dma_start3A_675] : memref<25x80xi32, #tpu.memory_space<vmem>> -> memref<1x80xi32, #tpu.memory_space<vmem>>
      %dma_start3A_677 = tpu.memref_squeeze %dma_start3A_676 : memref<1x80xi32, #tpu.memory_space<vmem>> -> memref<80xi32, #tpu.memory_space<vmem>>
      %dma_start3A_678 = arith.constant 0 : i32
      %dma_start3A_679 = arith.constant 0 : i32
      %dma_start3A_680 = tpu.memref_slice %arg12[%dma_start3A_678, %dma_start3A_679] : memref<10000x128xf32, #tpu.memory_space<vmem_shared>> -> memref<10000x128xf32, #tpu.memory_space<vmem_shared>>
      tpu.enqueue_indirect_dma source(%arg9 : memref<80x128xf32, #tpu.memory_space<vmem>>) target(%dma_start3A_680 : memref<10000x128xf32, #tpu.memory_space<vmem_shared>>) offsets(%dma_start3A_677 : memref<80xi32, #tpu.memory_space<vmem>>) semaphore(%arg16 : memref<!tpu.dma_semaphore, #tpu.memory_space<semaphore_mem>>) {add = true}
      %dma_wait3A_681 = arith.constant 0 : i32
      %dma_wait3A_682 = arith.constant 0 : i32
      %dma_wait3A_683 = tpu.memref_slice %arg8[%dma_wait3A_681, %dma_wait3A_682] : memref<25x80xi32, #tpu.memory_space<vmem>> -> memref<1x80xi32, #tpu.memory_space<vmem>>
      %dma_wait3A_684 = tpu.memref_squeeze %dma_wait3A_683 : memref<1x80xi32, #tpu.memory_space<vmem>> -> memref<80xi32, #tpu.memory_space<vmem>>
      %dma_wait3A_685 = arith.constant 0 : i32
      %dma_wait3A_686 = arith.constant 0 : i32
      %dma_wait3A_687 = tpu.memref_slice %arg12[%dma_wait3A_685, %dma_wait3A_686] : memref<10000x128xf32, #tpu.memory_space<vmem_shared>> -> memref<10000x128xf32, #tpu.memory_space<vmem_shared>>
      tpu.wait_indirect_dma semaphore(%arg18 : memref<!tpu.dma_semaphore, #tpu.memory_space<semaphore_mem>>) src(%arg11 : memref<80x128xf32, #tpu.memory_space<vmem>>) dst(%dma_wait3A_687 : memref<10000x128xf32, #tpu.memory_space<vmem_shared>>)
      %add3A_688 = arith.constant 1 : i32
      %add3A_689 = arith.addi %add3A_633, %add3A_688 : i32
      %add3A_690 = arith.constant 2 : i32
      %add3A_691 = arith.addi %add3A_689, %add3A_690 : i32
      %dma_start3A_692 = arith.constant 0 : i32
      %dma_start3A_693 = tpu.memref_slice %arg7[%add3A_691, %dma_start3A_692] : memref<25x80xi32, #tpu.memory_space<vmem>> -> memref<1x80xi32, #tpu.memory_space<vmem>>
      %dma_start3A_694 = tpu.memref_squeeze %dma_start3A_693 : memref<1x80xi32, #tpu.memory_space<vmem>> -> memref<80xi32, #tpu.memory_space<vmem>>
      %dma_start3A_695 = arith.constant 0 : i32
      %dma_start3A_696 = arith.constant 0 : i32
      %dma_start3A_697 = tpu.memref_slice %arg4[%dma_start3A_695, %dma_start3A_696] : memref<10000x128xf32, #tpu.memory_space<hbm>> -> memref<10000x128xf32, #tpu.memory_space<hbm>>
      tpu.enqueue_indirect_dma source(%dma_start3A_697 : memref<10000x128xf32, #tpu.memory_space<hbm>>) target(%arg11 : memref<80x128xf32, #tpu.memory_space<vmem>>) offsets(%dma_start3A_694 : memref<80xi32, #tpu.memory_space<vmem>>) semaphore(%arg15 : memref<!tpu.dma_semaphore, #tpu.memory_space<semaphore_mem>>)
      %dma_wait3A_698 = arith.constant 0 : i32
      %dma_wait3A_699 = arith.constant 0 : i32
      %dma_wait3A_700 = tpu.memref_slice %arg7[%dma_wait3A_698, %dma_wait3A_699] : memref<25x80xi32, #tpu.memory_space<vmem>> -> memref<1x80xi32, #tpu.memory_space<vmem>>
      %dma_wait3A_701 = tpu.memref_squeeze %dma_wait3A_700 : memref<1x80xi32, #tpu.memory_space<vmem>> -> memref<80xi32, #tpu.memory_space<vmem>>
      %dma_wait3A_702 = arith.constant 0 : i32
      %dma_wait3A_703 = arith.constant 0 : i32
      %dma_wait3A_704 = tpu.memref_slice %arg4[%dma_wait3A_702, %dma_wait3A_703] : memref<10000x128xf32, #tpu.memory_space<hbm>> -> memref<10000x128xf32, #tpu.memory_space<hbm>>
      tpu.wait_indirect_dma semaphore(%arg14 : memref<!tpu.dma_semaphore, #tpu.memory_space<semaphore_mem>>) src(%dma_wait3A_704 : memref<10000x128xf32, #tpu.memory_space<hbm>>) dst(%arg10 : memref<80x128xf32, #tpu.memory_space<vmem>>)
      %add3A_705 = arith.constant 2 : i32
      %add3A_706 = arith.addi %add3A_633, %add3A_705 : i32
      %dma_start3A_707 = arith.constant 0 : i32
      %dma_start3A_708 = tpu.memref_slice %arg8[%add3A_706, %dma_start3A_707] : memref<25x80xi32, #tpu.memory_space<vmem>> -> memref<1x80xi32, #tpu.memory_space<vmem>>
      %dma_start3A_709 = tpu.memref_squeeze %dma_start3A_708 : memref<1x80xi32, #tpu.memory_space<vmem>> -> memref<80xi32, #tpu.memory_space<vmem>>
      %dma_start3A_710 = arith.constant 0 : i32
      %dma_start3A_711 = arith.constant 0 : i32
      %dma_start3A_712 = tpu.memref_slice %arg12[%dma_start3A_710, %dma_start3A_711] : memref<10000x128xf32, #tpu.memory_space<vmem_shared>> -> memref<10000x128xf32, #tpu.memory_space<vmem_shared>>
      tpu.enqueue_indirect_dma source(%arg10 : memref<80x128xf32, #tpu.memory_space<vmem>>) target(%dma_start3A_712 : memref<10000x128xf32, #tpu.memory_space<vmem_shared>>) offsets(%dma_start3A_709 : memref<80xi32, #tpu.memory_space<vmem>>) semaphore(%arg17 : memref<!tpu.dma_semaphore, #tpu.memory_space<semaphore_mem>>) {add = true}
      %dma_wait3A_713 = arith.constant 0 : i32
      %dma_wait3A_714 = arith.constant 0 : i32
      %dma_wait3A_715 = tpu.memref_slice %arg8[%dma_wait3A_713, %dma_wait3A_714] : memref<25x80xi32, #tpu.memory_space<vmem>> -> memref<1x80xi32, #tpu.memory_space<vmem>>
      %dma_wait3A_716 = tpu.memref_squeeze %dma_wait3A_715 : memref<1x80xi32, #tpu.memory_space<vmem>> -> memref<80xi32, #tpu.memory_space<vmem>>
      %dma_wait3A_717 = arith.constant 0 : i32
      %dma_wait3A_718 = arith.constant 0 : i32
      %dma_wait3A_719 = tpu.memref_slice %arg12[%dma_wait3A_717, %dma_wait3A_718] : memref<10000x128xf32, #tpu.memory_space<vmem_shared>> -> memref<10000x128xf32, #tpu.memory_space<vmem_shared>>
      tpu.wait_indirect_dma semaphore(%arg16 : memref<!tpu.dma_semaphore, #tpu.memory_space<semaphore_mem>>) src(%arg9 : memref<80x128xf32, #tpu.memory_space<vmem>>) dst(%dma_wait3A_719 : memref<10000x128xf32, #tpu.memory_space<vmem_shared>>)
      %add3A_720 = arith.constant 2 : i32
      %add3A_721 = arith.addi %add3A_633, %add3A_720 : i32
      %add3A_722 = arith.constant 2 : i32
      %add3A_723 = arith.addi %add3A_721, %add3A_722 : i32
      %dma_start3A_724 = arith.constant 0 : i32
      %dma_start3A_725 = tpu.memref_slice %arg7[%add3A_723, %dma_start3A_724] : memref<25x80xi32, #tpu.memory_space<vmem>> -> memref<1x80xi32, #tpu.memory_space<vmem>>
      %dma_start3A_726 = tpu.memref_squeeze %dma_start3A_725 : memref<1x80xi32, #tpu.memory_space<vmem>> -> memref<80xi32, #tpu.memory_space<vmem>>
      %dma_start3A_727 = arith.constant 0 : i32
      %dma_start3A_728 = arith.constant 0 : i32
      %dma_start3A_729 = tpu.memref_slice %arg4[%dma_start3A_727, %dma_start3A_728] : memref<10000x128xf32, #tpu.memory_space<hbm>> -> memref<10000x128xf32, #tpu.memory_space<hbm>>
      tpu.enqueue_indirect_dma source(%dma_start3A_729 : memref<10000x128xf32, #tpu.memory_space<hbm>>) target(%arg9 : memref<80x128xf32, #tpu.memory_space<vmem>>) offsets(%dma_start3A_726 : memref<80xi32, #tpu.memory_space<vmem>>) semaphore(%arg13 : memref<!tpu.dma_semaphore, #tpu.memory_space<semaphore_mem>>)
    }
    %scan3A_444 = arith.constant 7 : i32
    %dma_wait3A_445 = arith.constant 0 : i32
    %dma_wait3A_446 = arith.constant 0 : i32
    %dma_wait3A_447 = tpu.memref_slice %arg7[%dma_wait3A_445, %dma_wait3A_446] : memref<25x80xi32, #tpu.memory_space<vmem>> -> memref<1x80xi32, #tpu.memory_space<vmem>>
    %dma_wait3A_448 = tpu.memref_squeeze %dma_wait3A_447 : memref<1x80xi32, #tpu.memory_space<vmem>> -> memref<80xi32, #tpu.memory_space<vmem>>
    %dma_wait3A_449 = arith.constant 0 : i32
    %dma_wait3A_450 = arith.constant 0 : i32
    %dma_wait3A_451 = tpu.memref_slice %arg4[%dma_wait3A_449, %dma_wait3A_450] : memref<10000x128xf32, #tpu.memory_space<hbm>> -> memref<10000x128xf32, #tpu.memory_space<hbm>>
    tpu.wait_indirect_dma semaphore(%arg15 : memref<!tpu.dma_semaphore, #tpu.memory_space<semaphore_mem>>) src(%dma_wait3A_451 : memref<10000x128xf32, #tpu.memory_space<hbm>>) dst(%arg11 : memref<80x128xf32, #tpu.memory_space<vmem>>)
    %dma_start3A_452 = arith.constant 23 : i32
    %dma_start3A_453 = arith.constant 0 : i32
    %dma_start3A_454 = tpu.memref_slice %arg8[%dma_start3A_452, %dma_start3A_453] : memref<25x80xi32, #tpu.memory_space<vmem>> -> memref<1x80xi32, #tpu.memory_space<vmem>>
    %dma_start3A_455 = tpu.memref_squeeze %dma_start3A_454 : memref<1x80xi32, #tpu.memory_space<vmem>> -> memref<80xi32, #tpu.memory_space<vmem>>
    %dma_start3A_456 = arith.constant 0 : i32
    %dma_start3A_457 = arith.constant 0 : i32
    %dma_start3A_458 = tpu.memref_slice %arg12[%dma_start3A_456, %dma_start3A_457] : memref<10000x128xf32, #tpu.memory_space<vmem_shared>> -> memref<10000x128xf32, #tpu.memory_space<vmem_shared>>
    tpu.enqueue_indirect_dma source(%arg11 : memref<80x128xf32, #tpu.memory_space<vmem>>) target(%dma_start3A_458 : memref<10000x128xf32, #tpu.memory_space<vmem_shared>>) offsets(%dma_start3A_455 : memref<80xi32, #tpu.memory_space<vmem>>) semaphore(%arg18 : memref<!tpu.dma_semaphore, #tpu.memory_space<semaphore_mem>>) {add = true}
    %dma_wait3A_459 = arith.constant 0 : i32
    %dma_wait3A_460 = arith.constant 0 : i32
    %dma_wait3A_461 = tpu.memref_slice %arg7[%dma_wait3A_459, %dma_wait3A_460] : memref<25x80xi32, #tpu.memory_space<vmem>> -> memref<1x80xi32, #tpu.memory_space<vmem>>
    %dma_wait3A_462 = tpu.memref_squeeze %dma_wait3A_461 : memref<1x80xi32, #tpu.memory_space<vmem>> -> memref<80xi32, #tpu.memory_space<vmem>>
    %dma_wait3A_463 = arith.constant 0 : i32
    %dma_wait3A_464 = arith.constant 0 : i32
    %dma_wait3A_465 = tpu.memref_slice %arg4[%dma_wait3A_463, %dma_wait3A_464] : memref<10000x128xf32, #tpu.memory_space<hbm>> -> memref<10000x128xf32, #tpu.memory_space<hbm>>
    tpu.wait_indirect_dma semaphore(%arg13 : memref<!tpu.dma_semaphore, #tpu.memory_space<semaphore_mem>>) src(%dma_wait3A_465 : memref<10000x128xf32, #tpu.memory_space<hbm>>) dst(%arg9 : memref<80x128xf32, #tpu.memory_space<vmem>>)
    %dma_start3A_466 = arith.constant 24 : i32
    %dma_start3A_467 = arith.constant 0 : i32
    %dma_start3A_468 = tpu.memref_slice %arg8[%dma_start3A_466, %dma_start3A_467] : memref<25x80xi32, #tpu.memory_space<vmem>> -> memref<1x80xi32, #tpu.memory_space<vmem>>
    %dma_start3A_469 = tpu.memref_squeeze %dma_start3A_468 : memref<1x80xi32, #tpu.memory_space<vmem>> -> memref<80xi32, #tpu.memory_space<vmem>>
    %dma_start3A_470 = arith.constant 0 : i32
    %dma_start3A_471 = arith.constant 0 : i32
    %dma_start3A_472 = tpu.memref_slice %arg12[%dma_start3A_470, %dma_start3A_471] : memref<10000x128xf32, #tpu.memory_space<vmem_shared>> -> memref<10000x128xf32, #tpu.memory_space<vmem_shared>>
    tpu.enqueue_indirect_dma source(%arg9 : memref<80x128xf32, #tpu.memory_space<vmem>>) target(%dma_start3A_472 : memref<10000x128xf32, #tpu.memory_space<vmem_shared>>) offsets(%dma_start3A_469 : memref<80xi32, #tpu.memory_space<vmem>>) semaphore(%arg16 : memref<!tpu.dma_semaphore, #tpu.memory_space<semaphore_mem>>) {add = true}
    %dma_wait3A_473 = arith.constant 0 : i32
    %dma_wait3A_474 = arith.constant 0 : i32
    %dma_wait3A_475 = tpu.memref_slice %arg8[%dma_wait3A_473, %dma_wait3A_474] : memref<25x80xi32, #tpu.memory_space<vmem>> -> memref<1x80xi32, #tpu.memory_space<vmem>>
    %dma_wait3A_476 = tpu.memref_squeeze %dma_wait3A_475 : memref<1x80xi32, #tpu.memory_space<vmem>> -> memref<80xi32, #tpu.memory_space<vmem>>
    %dma_wait3A_477 = arith.constant 0 : i32
    %dma_wait3A_478 = arith.constant 0 : i32
    %dma_wait3A_479 = tpu.memref_slice %arg12[%dma_wait3A_477, %dma_wait3A_478] : memref<10000x128xf32, #tpu.memory_space<vmem_shared>> -> memref<10000x128xf32, #tpu.memory_space<vmem_shared>>
    tpu.wait_indirect_dma semaphore(%arg17 : memref<!tpu.dma_semaphore, #tpu.memory_space<semaphore_mem>>) src(%arg10 : memref<80x128xf32, #tpu.memory_space<vmem>>) dst(%dma_wait3A_479 : memref<10000x128xf32, #tpu.memory_space<vmem_shared>>)
    %dma_wait3A_480 = arith.constant 0 : i32
    %dma_wait3A_481 = arith.constant 0 : i32
    %dma_wait3A_482 = tpu.memref_slice %arg8[%dma_wait3A_480, %dma_wait3A_481] : memref<25x80xi32, #tpu.memory_space<vmem>> -> memref<1x80xi32, #tpu.memory_space<vmem>>
    %dma_wait3A_483 = tpu.memref_squeeze %dma_wait3A_482 : memref<1x80xi32, #tpu.memory_space<vmem>> -> memref<80xi32, #tpu.memory_space<vmem>>
    %dma_wait3A_484 = arith.constant 0 : i32
    %dma_wait3A_485 = arith.constant 0 : i32
    %dma_wait3A_486 = tpu.memref_slice %arg12[%dma_wait3A_484, %dma_wait3A_485] : memref<10000x128xf32, #tpu.memory_space<vmem_shared>> -> memref<10000x128xf32, #tpu.memory_space<vmem_shared>>
    tpu.wait_indirect_dma semaphore(%arg18 : memref<!tpu.dma_semaphore, #tpu.memory_space<semaphore_mem>>) src(%arg11 : memref<80x128xf32, #tpu.memory_space<vmem>>) dst(%dma_wait3A_486 : memref<10000x128xf32, #tpu.memory_space<vmem_shared>>)
    %dma_wait3A_487 = arith.constant 0 : i32
    %dma_wait3A_488 = arith.constant 0 : i32
    %dma_wait3A_489 = tpu.memref_slice %arg8[%dma_wait3A_487, %dma_wait3A_488] : memref<25x80xi32, #tpu.memory_space<vmem>> -> memref<1x80xi32, #tpu.memory_space<vmem>>
    %dma_wait3A_490 = tpu.memref_squeeze %dma_wait3A_489 : memref<1x80xi32, #tpu.memory_space<vmem>> -> memref<80xi32, #tpu.memory_space<vmem>>
    %dma_wait3A_491 = arith.constant 0 : i32
    %dma_wait3A_492 = arith.constant 0 : i32
    %dma_wait3A_493 = tpu.memref_slice %arg12[%dma_wait3A_491, %dma_wait3A_492] : memref<10000x128xf32, #tpu.memory_space<vmem_shared>> -> memref<10000x128xf32, #tpu.memory_space<vmem_shared>>
    tpu.wait_indirect_dma semaphore(%arg16 : memref<!tpu.dma_semaphore, #tpu.memory_space<semaphore_mem>>) src(%arg9 : memref<80x128xf32, #tpu.memory_space<vmem>>) dst(%dma_wait3A_493 : memref<10000x128xf32, #tpu.memory_space<vmem_shared>>)
    %run_scoped3A_494 = arith.constant 4 : i32
    "tpu.region"() ({
      %run_scoped3A_629 = tpu.sem_alloc : memref<!tpu.dma_semaphore, #tpu.memory_space<semaphore_mem>>
      %dma_start3A_630 = arith.constant 0 : i32
      %dma_start3A_631 = arith.constant 0 : i32
      %dma_start3A_632 = tpu.memref_slice %arg2[%add3A, %run_scoped3A_494, %dma_start3A_630, %dma_start3A_631] : memref<32x5x25x80xi32, #tpu.memory_space<hbm>> -> memref<1x1x25x80xi32, #tpu.memory_space<hbm>>
      %dma_start3A_633 = tpu.memref_squeeze %dma_start3A_632 : memref<1x1x25x80xi32, #tpu.memory_space<hbm>> -> memref<25x80xi32, #tpu.memory_space<hbm>>
      %dma_start3A_634 = arith.constant 0 : i32
      %dma_start3A_635 = arith.constant 0 : i32
      %dma_start3A_636 = tpu.memref_slice %arg2[%add3A, %run_scoped3A_494, %dma_start3A_634, %dma_start3A_635] : memref<32x5x25x80xi32, #tpu.memory_space<hbm>> -> memref<1x1x25x80xi32, #tpu.memory_space<hbm>>
      %dma_start3A_637 = tpu.memref_squeeze %dma_start3A_636 : memref<1x1x25x80xi32, #tpu.memory_space<hbm>> -> memref<25x80xi32, #tpu.memory_space<hbm>>
      tpu.enqueue_dma source(%dma_start3A_637 : memref<25x80xi32, #tpu.memory_space<hbm>>) target(%arg7 : memref<25x80xi32, #tpu.memory_space<vmem>>) target_semaphore(%run_scoped3A_629 : memref<!tpu.dma_semaphore, #tpu.memory_space<semaphore_mem>>)
      %dma_wait3A_638 = arith.constant 0 : i32
      %dma_wait3A_639 = arith.constant 0 : i32
      %dma_wait3A_640 = tpu.memref_slice %arg2[%add3A, %run_scoped3A_494, %dma_wait3A_638, %dma_wait3A_639] : memref<32x5x25x80xi32, #tpu.memory_space<hbm>> -> memref<1x1x25x80xi32, #tpu.memory_space<hbm>>
      %dma_wait3A_641 = tpu.memref_squeeze %dma_wait3A_640 : memref<1x1x25x80xi32, #tpu.memory_space<hbm>> -> memref<25x80xi32, #tpu.memory_space<hbm>>
      %dma_wait3A_642 = arith.constant 0 : i32
      %dma_wait3A_643 = arith.constant 0 : i32
      %dma_wait3A_644 = tpu.memref_slice %arg2[%add3A, %run_scoped3A_494, %dma_wait3A_642, %dma_wait3A_643] : memref<32x5x25x80xi32, #tpu.memory_space<hbm>> -> memref<1x1x25x80xi32, #tpu.memory_space<hbm>>
      %dma_wait3A_645 = tpu.memref_squeeze %dma_wait3A_644 : memref<1x1x25x80xi32, #tpu.memory_space<hbm>> -> memref<25x80xi32, #tpu.memory_space<hbm>>
      tpu.wait_dma2 semaphore(%run_scoped3A_629 : memref<!tpu.dma_semaphore, #tpu.memory_space<semaphore_mem>>) src(%dma_wait3A_645 : memref<25x80xi32, #tpu.memory_space<hbm>>) dst(%arg7 : memref<25x80xi32, #tpu.memory_space<vmem>>)
      tpu.yield
    }) : () -> ()
    %run_scoped3A_495 = arith.constant 4 : i32
    "tpu.region"() ({
      %run_scoped3A_629 = tpu.sem_alloc : memref<!tpu.dma_semaphore, #tpu.memory_space<semaphore_mem>>
      %dma_start3A_630 = arith.constant 0 : i32
      %dma_start3A_631 = arith.constant 0 : i32
      %dma_start3A_632 = tpu.memref_slice %arg3[%add3A, %run_scoped3A_495, %dma_start3A_630, %dma_start3A_631] : memref<32x5x25x80xi32, #tpu.memory_space<hbm>> -> memref<1x1x25x80xi32, #tpu.memory_space<hbm>>
      %dma_start3A_633 = tpu.memref_squeeze %dma_start3A_632 : memref<1x1x25x80xi32, #tpu.memory_space<hbm>> -> memref<25x80xi32, #tpu.memory_space<hbm>>
      %dma_start3A_634 = arith.constant 0 : i32
      %dma_start3A_635 = arith.constant 0 : i32
      %dma_start3A_636 = tpu.memref_slice %arg3[%add3A, %run_scoped3A_495, %dma_start3A_634, %dma_start3A_635] : memref<32x5x25x80xi32, #tpu.memory_space<hbm>> -> memref<1x1x25x80xi32, #tpu.memory_space<hbm>>
      %dma_start3A_637 = tpu.memref_squeeze %dma_start3A_636 : memref<1x1x25x80xi32, #tpu.memory_space<hbm>> -> memref<25x80xi32, #tpu.memory_space<hbm>>
      tpu.enqueue_dma source(%dma_start3A_637 : memref<25x80xi32, #tpu.memory_space<hbm>>) target(%arg8 : memref<25x80xi32, #tpu.memory_space<vmem>>) target_semaphore(%run_scoped3A_629 : memref<!tpu.dma_semaphore, #tpu.memory_space<semaphore_mem>>)
      %dma_wait3A_638 = arith.constant 0 : i32
      %dma_wait3A_639 = arith.constant 0 : i32
      %dma_wait3A_640 = tpu.memref_slice %arg3[%add3A, %run_scoped3A_495, %dma_wait3A_638, %dma_wait3A_639] : memref<32x5x25x80xi32, #tpu.memory_space<hbm>> -> memref<1x1x25x80xi32, #tpu.memory_space<hbm>>
      %dma_wait3A_641 = tpu.memref_squeeze %dma_wait3A_640 : memref<1x1x25x80xi32, #tpu.memory_space<hbm>> -> memref<25x80xi32, #tpu.memory_space<hbm>>
      %dma_wait3A_642 = arith.constant 0 : i32
      %dma_wait3A_643 = arith.constant 0 : i32
      %dma_wait3A_644 = tpu.memref_slice %arg3[%add3A, %run_scoped3A_495, %dma_wait3A_642, %dma_wait3A_643] : memref<32x5x25x80xi32, #tpu.memory_space<hbm>> -> memref<1x1x25x80xi32, #tpu.memory_space<hbm>>
      %dma_wait3A_645 = tpu.memref_squeeze %dma_wait3A_644 : memref<1x1x25x80xi32, #tpu.memory_space<hbm>> -> memref<25x80xi32, #tpu.memory_space<hbm>>
      tpu.wait_dma2 semaphore(%run_scoped3A_629 : memref<!tpu.dma_semaphore, #tpu.memory_space<semaphore_mem>>) src(%dma_wait3A_645 : memref<25x80xi32, #tpu.memory_space<hbm>>) dst(%arg8 : memref<25x80xi32, #tpu.memory_space<vmem>>)
      tpu.yield
    }) : () -> ()
    %dma_start3A_496 = arith.constant 0 : i32
    %dma_start3A_497 = arith.constant 0 : i32
    %dma_start3A_498 = tpu.memref_slice %arg7[%dma_start3A_496, %dma_start3A_497] : memref<25x80xi32, #tpu.memory_space<vmem>> -> memref<1x80xi32, #tpu.memory_space<vmem>>
    %dma_start3A_499 = tpu.memref_squeeze %dma_start3A_498 : memref<1x80xi32, #tpu.memory_space<vmem>> -> memref<80xi32, #tpu.memory_space<vmem>>
    %dma_start3A_500 = arith.constant 0 : i32
    %dma_start3A_501 = arith.constant 0 : i32
    %dma_start3A_502 = tpu.memref_slice %arg4[%dma_start3A_500, %dma_start3A_501] : memref<10000x128xf32, #tpu.memory_space<hbm>> -> memref<10000x128xf32, #tpu.memory_space<hbm>>
    tpu.enqueue_indirect_dma source(%dma_start3A_502 : memref<10000x128xf32, #tpu.memory_space<hbm>>) target(%arg9 : memref<80x128xf32, #tpu.memory_space<vmem>>) offsets(%dma_start3A_499 : memref<80xi32, #tpu.memory_space<vmem>>) semaphore(%arg13 : memref<!tpu.dma_semaphore, #tpu.memory_space<semaphore_mem>>)
    %dma_start3A_503 = arith.constant 1 : i32
    %dma_start3A_504 = arith.constant 0 : i32
    %dma_start3A_505 = tpu.memref_slice %arg7[%dma_start3A_503, %dma_start3A_504] : memref<25x80xi32, #tpu.memory_space<vmem>> -> memref<1x80xi32, #tpu.memory_space<vmem>>
    %dma_start3A_506 = tpu.memref_squeeze %dma_start3A_505 : memref<1x80xi32, #tpu.memory_space<vmem>> -> memref<80xi32, #tpu.memory_space<vmem>>
    %dma_start3A_507 = arith.constant 0 : i32
    %dma_start3A_508 = arith.constant 0 : i32
    %dma_start3A_509 = tpu.memref_slice %arg4[%dma_start3A_507, %dma_start3A_508] : memref<10000x128xf32, #tpu.memory_space<hbm>> -> memref<10000x128xf32, #tpu.memory_space<hbm>>
    tpu.enqueue_indirect_dma source(%dma_start3A_509 : memref<10000x128xf32, #tpu.memory_space<hbm>>) target(%arg10 : memref<80x128xf32, #tpu.memory_space<vmem>>) offsets(%dma_start3A_506 : memref<80xi32, #tpu.memory_space<vmem>>) semaphore(%arg14 : memref<!tpu.dma_semaphore, #tpu.memory_space<semaphore_mem>>)
    %dma_wait3A_510 = arith.constant 0 : i32
    %dma_wait3A_511 = arith.constant 0 : i32
    %dma_wait3A_512 = tpu.memref_slice %arg7[%dma_wait3A_510, %dma_wait3A_511] : memref<25x80xi32, #tpu.memory_space<vmem>> -> memref<1x80xi32, #tpu.memory_space<vmem>>
    %dma_wait3A_513 = tpu.memref_squeeze %dma_wait3A_512 : memref<1x80xi32, #tpu.memory_space<vmem>> -> memref<80xi32, #tpu.memory_space<vmem>>
    %dma_wait3A_514 = arith.constant 0 : i32
    %dma_wait3A_515 = arith.constant 0 : i32
    %dma_wait3A_516 = tpu.memref_slice %arg4[%dma_wait3A_514, %dma_wait3A_515] : memref<10000x128xf32, #tpu.memory_space<hbm>> -> memref<10000x128xf32, #tpu.memory_space<hbm>>
    tpu.wait_indirect_dma semaphore(%arg13 : memref<!tpu.dma_semaphore, #tpu.memory_space<semaphore_mem>>) src(%dma_wait3A_516 : memref<10000x128xf32, #tpu.memory_space<hbm>>) dst(%arg9 : memref<80x128xf32, #tpu.memory_space<vmem>>)
    %dma_start3A_517 = arith.constant 0 : i32
    %dma_start3A_518 = arith.constant 0 : i32
    %dma_start3A_519 = tpu.memref_slice %arg8[%dma_start3A_517, %dma_start3A_518] : memref<25x80xi32, #tpu.memory_space<vmem>> -> memref<1x80xi32, #tpu.memory_space<vmem>>
    %dma_start3A_520 = tpu.memref_squeeze %dma_start3A_519 : memref<1x80xi32, #tpu.memory_space<vmem>> -> memref<80xi32, #tpu.memory_space<vmem>>
    %dma_start3A_521 = arith.constant 0 : i32
    %dma_start3A_522 = arith.constant 0 : i32
    %dma_start3A_523 = tpu.memref_slice %arg12[%dma_start3A_521, %dma_start3A_522] : memref<10000x128xf32, #tpu.memory_space<vmem_shared>> -> memref<10000x128xf32, #tpu.memory_space<vmem_shared>>
    tpu.enqueue_indirect_dma source(%arg9 : memref<80x128xf32, #tpu.memory_space<vmem>>) target(%dma_start3A_523 : memref<10000x128xf32, #tpu.memory_space<vmem_shared>>) offsets(%dma_start3A_520 : memref<80xi32, #tpu.memory_space<vmem>>) semaphore(%arg16 : memref<!tpu.dma_semaphore, #tpu.memory_space<semaphore_mem>>) {add = true}
    %dma_start3A_524 = arith.constant 2 : i32
    %dma_start3A_525 = arith.constant 0 : i32
    %dma_start3A_526 = tpu.memref_slice %arg7[%dma_start3A_524, %dma_start3A_525] : memref<25x80xi32, #tpu.memory_space<vmem>> -> memref<1x80xi32, #tpu.memory_space<vmem>>
    %dma_start3A_527 = tpu.memref_squeeze %dma_start3A_526 : memref<1x80xi32, #tpu.memory_space<vmem>> -> memref<80xi32, #tpu.memory_space<vmem>>
    %dma_start3A_528 = arith.constant 0 : i32
    %dma_start3A_529 = arith.constant 0 : i32
    %dma_start3A_530 = tpu.memref_slice %arg4[%dma_start3A_528, %dma_start3A_529] : memref<10000x128xf32, #tpu.memory_space<hbm>> -> memref<10000x128xf32, #tpu.memory_space<hbm>>
    tpu.enqueue_indirect_dma source(%dma_start3A_530 : memref<10000x128xf32, #tpu.memory_space<hbm>>) target(%arg11 : memref<80x128xf32, #tpu.memory_space<vmem>>) offsets(%dma_start3A_527 : memref<80xi32, #tpu.memory_space<vmem>>) semaphore(%arg15 : memref<!tpu.dma_semaphore, #tpu.memory_space<semaphore_mem>>)
    %dma_wait3A_531 = arith.constant 0 : i32
    %dma_wait3A_532 = arith.constant 0 : i32
    %dma_wait3A_533 = tpu.memref_slice %arg7[%dma_wait3A_531, %dma_wait3A_532] : memref<25x80xi32, #tpu.memory_space<vmem>> -> memref<1x80xi32, #tpu.memory_space<vmem>>
    %dma_wait3A_534 = tpu.memref_squeeze %dma_wait3A_533 : memref<1x80xi32, #tpu.memory_space<vmem>> -> memref<80xi32, #tpu.memory_space<vmem>>
    %dma_wait3A_535 = arith.constant 0 : i32
    %dma_wait3A_536 = arith.constant 0 : i32
    %dma_wait3A_537 = tpu.memref_slice %arg4[%dma_wait3A_535, %dma_wait3A_536] : memref<10000x128xf32, #tpu.memory_space<hbm>> -> memref<10000x128xf32, #tpu.memory_space<hbm>>
    tpu.wait_indirect_dma semaphore(%arg14 : memref<!tpu.dma_semaphore, #tpu.memory_space<semaphore_mem>>) src(%dma_wait3A_537 : memref<10000x128xf32, #tpu.memory_space<hbm>>) dst(%arg10 : memref<80x128xf32, #tpu.memory_space<vmem>>)
    %dma_start3A_538 = arith.constant 1 : i32
    %dma_start3A_539 = arith.constant 0 : i32
    %dma_start3A_540 = tpu.memref_slice %arg8[%dma_start3A_538, %dma_start3A_539] : memref<25x80xi32, #tpu.memory_space<vmem>> -> memref<1x80xi32, #tpu.memory_space<vmem>>
    %dma_start3A_541 = tpu.memref_squeeze %dma_start3A_540 : memref<1x80xi32, #tpu.memory_space<vmem>> -> memref<80xi32, #tpu.memory_space<vmem>>
    %dma_start3A_542 = arith.constant 0 : i32
    %dma_start3A_543 = arith.constant 0 : i32
    %dma_start3A_544 = tpu.memref_slice %arg12[%dma_start3A_542, %dma_start3A_543] : memref<10000x128xf32, #tpu.memory_space<vmem_shared>> -> memref<10000x128xf32, #tpu.memory_space<vmem_shared>>
    tpu.enqueue_indirect_dma source(%arg10 : memref<80x128xf32, #tpu.memory_space<vmem>>) target(%dma_start3A_544 : memref<10000x128xf32, #tpu.memory_space<vmem_shared>>) offsets(%dma_start3A_541 : memref<80xi32, #tpu.memory_space<vmem>>) semaphore(%arg17 : memref<!tpu.dma_semaphore, #tpu.memory_space<semaphore_mem>>) {add = true}
    %dma_wait3A_545 = arith.constant 0 : i32
    %dma_wait3A_546 = arith.constant 0 : i32
    %dma_wait3A_547 = tpu.memref_slice %arg8[%dma_wait3A_545, %dma_wait3A_546] : memref<25x80xi32, #tpu.memory_space<vmem>> -> memref<1x80xi32, #tpu.memory_space<vmem>>
    %dma_wait3A_548 = tpu.memref_squeeze %dma_wait3A_547 : memref<1x80xi32, #tpu.memory_space<vmem>> -> memref<80xi32, #tpu.memory_space<vmem>>
    %dma_wait3A_549 = arith.constant 0 : i32
    %dma_wait3A_550 = arith.constant 0 : i32
    %dma_wait3A_551 = tpu.memref_slice %arg12[%dma_wait3A_549, %dma_wait3A_550] : memref<10000x128xf32, #tpu.memory_space<vmem_shared>> -> memref<10000x128xf32, #tpu.memory_space<vmem_shared>>
    tpu.wait_indirect_dma semaphore(%arg16 : memref<!tpu.dma_semaphore, #tpu.memory_space<semaphore_mem>>) src(%arg9 : memref<80x128xf32, #tpu.memory_space<vmem>>) dst(%dma_wait3A_551 : memref<10000x128xf32, #tpu.memory_space<vmem_shared>>)
    %dma_start3A_552 = arith.constant 3 : i32
    %dma_start3A_553 = arith.constant 0 : i32
    %dma_start3A_554 = tpu.memref_slice %arg7[%dma_start3A_552, %dma_start3A_553] : memref<25x80xi32, #tpu.memory_space<vmem>> -> memref<1x80xi32, #tpu.memory_space<vmem>>
    %dma_start3A_555 = tpu.memref_squeeze %dma_start3A_554 : memref<1x80xi32, #tpu.memory_space<vmem>> -> memref<80xi32, #tpu.memory_space<vmem>>
    %dma_start3A_556 = arith.constant 0 : i32
    %dma_start3A_557 = arith.constant 0 : i32
    %dma_start3A_558 = tpu.memref_slice %arg4[%dma_start3A_556, %dma_start3A_557] : memref<10000x128xf32, #tpu.memory_space<hbm>> -> memref<10000x128xf32, #tpu.memory_space<hbm>>
    tpu.enqueue_indirect_dma source(%dma_start3A_558 : memref<10000x128xf32, #tpu.memory_space<hbm>>) target(%arg9 : memref<80x128xf32, #tpu.memory_space<vmem>>) offsets(%dma_start3A_555 : memref<80xi32, #tpu.memory_space<vmem>>) semaphore(%arg13 : memref<!tpu.dma_semaphore, #tpu.memory_space<semaphore_mem>>)
    %scan3A_559 = arith.constant 0 : i32
    %scan3A_560 = arith.constant 0 : i32
    %scan3A_561 = arith.constant 7 : i32
    %scan3A_562 = arith.addi %scan3A_560, %scan3A_561 : i32
    %scan3A_563 = arith.constant 1 : i32
    scf.for %scan3A_629 = %scan3A_560 to %scan3A_562 step %scan3A_563  : i32 {
      %mul3A_630 = arith.constant 3 : i32
      %mul3A_631 = arith.muli %mul3A_630, %scan3A_629 : i32
      %add3A_632 = arith.constant 2 : i32
      %add3A_633 = arith.addi %mul3A_631, %add3A_632 : i32
      %dma_wait3A_634 = arith.constant 0 : i32
      %dma_wait3A_635 = arith.constant 0 : i32
      %dma_wait3A_636 = tpu.memref_slice %arg7[%dma_wait3A_634, %dma_wait3A_635] : memref<25x80xi32, #tpu.memory_space<vmem>> -> memref<1x80xi32, #tpu.memory_space<vmem>>
      %dma_wait3A_637 = tpu.memref_squeeze %dma_wait3A_636 : memref<1x80xi32, #tpu.memory_space<vmem>> -> memref<80xi32, #tpu.memory_space<vmem>>
      %dma_wait3A_638 = arith.constant 0 : i32
      %dma_wait3A_639 = arith.constant 0 : i32
      %dma_wait3A_640 = tpu.memref_slice %arg4[%dma_wait3A_638, %dma_wait3A_639] : memref<10000x128xf32, #tpu.memory_space<hbm>> -> memref<10000x128xf32, #tpu.memory_space<hbm>>
      tpu.wait_indirect_dma semaphore(%arg15 : memref<!tpu.dma_semaphore, #tpu.memory_space<semaphore_mem>>) src(%dma_wait3A_640 : memref<10000x128xf32, #tpu.memory_space<hbm>>) dst(%arg11 : memref<80x128xf32, #tpu.memory_space<vmem>>)
      %add3A_641 = arith.constant 0 : i32
      %add3A_642 = arith.addi %add3A_633, %add3A_641 : i32
      %dma_start3A_643 = arith.constant 0 : i32
      %dma_start3A_644 = tpu.memref_slice %arg8[%add3A_642, %dma_start3A_643] : memref<25x80xi32, #tpu.memory_space<vmem>> -> memref<1x80xi32, #tpu.memory_space<vmem>>
      %dma_start3A_645 = tpu.memref_squeeze %dma_start3A_644 : memref<1x80xi32, #tpu.memory_space<vmem>> -> memref<80xi32, #tpu.memory_space<vmem>>
      %dma_start3A_646 = arith.constant 0 : i32
      %dma_start3A_647 = arith.constant 0 : i32
      %dma_start3A_648 = tpu.memref_slice %arg12[%dma_start3A_646, %dma_start3A_647] : memref<10000x128xf32, #tpu.memory_space<vmem_shared>> -> memref<10000x128xf32, #tpu.memory_space<vmem_shared>>
      tpu.enqueue_indirect_dma source(%arg11 : memref<80x128xf32, #tpu.memory_space<vmem>>) target(%dma_start3A_648 : memref<10000x128xf32, #tpu.memory_space<vmem_shared>>) offsets(%dma_start3A_645 : memref<80xi32, #tpu.memory_space<vmem>>) semaphore(%arg18 : memref<!tpu.dma_semaphore, #tpu.memory_space<semaphore_mem>>) {add = true}
      %dma_wait3A_649 = arith.constant 0 : i32
      %dma_wait3A_650 = arith.constant 0 : i32
      %dma_wait3A_651 = tpu.memref_slice %arg8[%dma_wait3A_649, %dma_wait3A_650] : memref<25x80xi32, #tpu.memory_space<vmem>> -> memref<1x80xi32, #tpu.memory_space<vmem>>
      %dma_wait3A_652 = tpu.memref_squeeze %dma_wait3A_651 : memref<1x80xi32, #tpu.memory_space<vmem>> -> memref<80xi32, #tpu.memory_space<vmem>>
      %dma_wait3A_653 = arith.constant 0 : i32
      %dma_wait3A_654 = arith.constant 0 : i32
      %dma_wait3A_655 = tpu.memref_slice %arg12[%dma_wait3A_653, %dma_wait3A_654] : memref<10000x128xf32, #tpu.memory_space<vmem_shared>> -> memref<10000x128xf32, #tpu.memory_space<vmem_shared>>
      tpu.wait_indirect_dma semaphore(%arg17 : memref<!tpu.dma_semaphore, #tpu.memory_space<semaphore_mem>>) src(%arg10 : memref<80x128xf32, #tpu.memory_space<vmem>>) dst(%dma_wait3A_655 : memref<10000x128xf32, #tpu.memory_space<vmem_shared>>)
      %add3A_656 = arith.constant 0 : i32
      %add3A_657 = arith.addi %add3A_633, %add3A_656 : i32
      %add3A_658 = arith.constant 2 : i32
      %add3A_659 = arith.addi %add3A_657, %add3A_658 : i32
      %dma_start3A_660 = arith.constant 0 : i32
      %dma_start3A_661 = tpu.memref_slice %arg7[%add3A_659, %dma_start3A_660] : memref<25x80xi32, #tpu.memory_space<vmem>> -> memref<1x80xi32, #tpu.memory_space<vmem>>
      %dma_start3A_662 = tpu.memref_squeeze %dma_start3A_661 : memref<1x80xi32, #tpu.memory_space<vmem>> -> memref<80xi32, #tpu.memory_space<vmem>>
      %dma_start3A_663 = arith.constant 0 : i32
      %dma_start3A_664 = arith.constant 0 : i32
      %dma_start3A_665 = tpu.memref_slice %arg4[%dma_start3A_663, %dma_start3A_664] : memref<10000x128xf32, #tpu.memory_space<hbm>> -> memref<10000x128xf32, #tpu.memory_space<hbm>>
      tpu.enqueue_indirect_dma source(%dma_start3A_665 : memref<10000x128xf32, #tpu.memory_space<hbm>>) target(%arg10 : memref<80x128xf32, #tpu.memory_space<vmem>>) offsets(%dma_start3A_662 : memref<80xi32, #tpu.memory_space<vmem>>) semaphore(%arg14 : memref<!tpu.dma_semaphore, #tpu.memory_space<semaphore_mem>>)
      %dma_wait3A_666 = arith.constant 0 : i32
      %dma_wait3A_667 = arith.constant 0 : i32
      %dma_wait3A_668 = tpu.memref_slice %arg7[%dma_wait3A_666, %dma_wait3A_667] : memref<25x80xi32, #tpu.memory_space<vmem>> -> memref<1x80xi32, #tpu.memory_space<vmem>>
      %dma_wait3A_669 = tpu.memref_squeeze %dma_wait3A_668 : memref<1x80xi32, #tpu.memory_space<vmem>> -> memref<80xi32, #tpu.memory_space<vmem>>
      %dma_wait3A_670 = arith.constant 0 : i32
      %dma_wait3A_671 = arith.constant 0 : i32
      %dma_wait3A_672 = tpu.memref_slice %arg4[%dma_wait3A_670, %dma_wait3A_671] : memref<10000x128xf32, #tpu.memory_space<hbm>> -> memref<10000x128xf32, #tpu.memory_space<hbm>>
      tpu.wait_indirect_dma semaphore(%arg13 : memref<!tpu.dma_semaphore, #tpu.memory_space<semaphore_mem>>) src(%dma_wait3A_672 : memref<10000x128xf32, #tpu.memory_space<hbm>>) dst(%arg9 : memref<80x128xf32, #tpu.memory_space<vmem>>)
      %add3A_673 = arith.constant 1 : i32
      %add3A_674 = arith.addi %add3A_633, %add3A_673 : i32
      %dma_start3A_675 = arith.constant 0 : i32
      %dma_start3A_676 = tpu.memref_slice %arg8[%add3A_674, %dma_start3A_675] : memref<25x80xi32, #tpu.memory_space<vmem>> -> memref<1x80xi32, #tpu.memory_space<vmem>>
      %dma_start3A_677 = tpu.memref_squeeze %dma_start3A_676 : memref<1x80xi32, #tpu.memory_space<vmem>> -> memref<80xi32, #tpu.memory_space<vmem>>
      %dma_start3A_678 = arith.constant 0 : i32
      %dma_start3A_679 = arith.constant 0 : i32
      %dma_start3A_680 = tpu.memref_slice %arg12[%dma_start3A_678, %dma_start3A_679] : memref<10000x128xf32, #tpu.memory_space<vmem_shared>> -> memref<10000x128xf32, #tpu.memory_space<vmem_shared>>
      tpu.enqueue_indirect_dma source(%arg9 : memref<80x128xf32, #tpu.memory_space<vmem>>) target(%dma_start3A_680 : memref<10000x128xf32, #tpu.memory_space<vmem_shared>>) offsets(%dma_start3A_677 : memref<80xi32, #tpu.memory_space<vmem>>) semaphore(%arg16 : memref<!tpu.dma_semaphore, #tpu.memory_space<semaphore_mem>>) {add = true}
      %dma_wait3A_681 = arith.constant 0 : i32
      %dma_wait3A_682 = arith.constant 0 : i32
      %dma_wait3A_683 = tpu.memref_slice %arg8[%dma_wait3A_681, %dma_wait3A_682] : memref<25x80xi32, #tpu.memory_space<vmem>> -> memref<1x80xi32, #tpu.memory_space<vmem>>
      %dma_wait3A_684 = tpu.memref_squeeze %dma_wait3A_683 : memref<1x80xi32, #tpu.memory_space<vmem>> -> memref<80xi32, #tpu.memory_space<vmem>>
      %dma_wait3A_685 = arith.constant 0 : i32
      %dma_wait3A_686 = arith.constant 0 : i32
      %dma_wait3A_687 = tpu.memref_slice %arg12[%dma_wait3A_685, %dma_wait3A_686] : memref<10000x128xf32, #tpu.memory_space<vmem_shared>> -> memref<10000x128xf32, #tpu.memory_space<vmem_shared>>
      tpu.wait_indirect_dma semaphore(%arg18 : memref<!tpu.dma_semaphore, #tpu.memory_space<semaphore_mem>>) src(%arg11 : memref<80x128xf32, #tpu.memory_space<vmem>>) dst(%dma_wait3A_687 : memref<10000x128xf32, #tpu.memory_space<vmem_shared>>)
      %add3A_688 = arith.constant 1 : i32
      %add3A_689 = arith.addi %add3A_633, %add3A_688 : i32
      %add3A_690 = arith.constant 2 : i32
      %add3A_691 = arith.addi %add3A_689, %add3A_690 : i32
      %dma_start3A_692 = arith.constant 0 : i32
      %dma_start3A_693 = tpu.memref_slice %arg7[%add3A_691, %dma_start3A_692] : memref<25x80xi32, #tpu.memory_space<vmem>> -> memref<1x80xi32, #tpu.memory_space<vmem>>
      %dma_start3A_694 = tpu.memref_squeeze %dma_start3A_693 : memref<1x80xi32, #tpu.memory_space<vmem>> -> memref<80xi32, #tpu.memory_space<vmem>>
      %dma_start3A_695 = arith.constant 0 : i32
      %dma_start3A_696 = arith.constant 0 : i32
      %dma_start3A_697 = tpu.memref_slice %arg4[%dma_start3A_695, %dma_start3A_696] : memref<10000x128xf32, #tpu.memory_space<hbm>> -> memref<10000x128xf32, #tpu.memory_space<hbm>>
      tpu.enqueue_indirect_dma source(%dma_start3A_697 : memref<10000x128xf32, #tpu.memory_space<hbm>>) target(%arg11 : memref<80x128xf32, #tpu.memory_space<vmem>>) offsets(%dma_start3A_694 : memref<80xi32, #tpu.memory_space<vmem>>) semaphore(%arg15 : memref<!tpu.dma_semaphore, #tpu.memory_space<semaphore_mem>>)
      %dma_wait3A_698 = arith.constant 0 : i32
      %dma_wait3A_699 = arith.constant 0 : i32
      %dma_wait3A_700 = tpu.memref_slice %arg7[%dma_wait3A_698, %dma_wait3A_699] : memref<25x80xi32, #tpu.memory_space<vmem>> -> memref<1x80xi32, #tpu.memory_space<vmem>>
      %dma_wait3A_701 = tpu.memref_squeeze %dma_wait3A_700 : memref<1x80xi32, #tpu.memory_space<vmem>> -> memref<80xi32, #tpu.memory_space<vmem>>
      %dma_wait3A_702 = arith.constant 0 : i32
      %dma_wait3A_703 = arith.constant 0 : i32
      %dma_wait3A_704 = tpu.memref_slice %arg4[%dma_wait3A_702, %dma_wait3A_703] : memref<10000x128xf32, #tpu.memory_space<hbm>> -> memref<10000x128xf32, #tpu.memory_space<hbm>>
      tpu.wait_indirect_dma semaphore(%arg14 : memref<!tpu.dma_semaphore, #tpu.memory_space<semaphore_mem>>) src(%dma_wait3A_704 : memref<10000x128xf32, #tpu.memory_space<hbm>>) dst(%arg10 : memref<80x128xf32, #tpu.memory_space<vmem>>)
      %add3A_705 = arith.constant 2 : i32
      %add3A_706 = arith.addi %add3A_633, %add3A_705 : i32
      %dma_start3A_707 = arith.constant 0 : i32
      %dma_start3A_708 = tpu.memref_slice %arg8[%add3A_706, %dma_start3A_707] : memref<25x80xi32, #tpu.memory_space<vmem>> -> memref<1x80xi32, #tpu.memory_space<vmem>>
      %dma_start3A_709 = tpu.memref_squeeze %dma_start3A_708 : memref<1x80xi32, #tpu.memory_space<vmem>> -> memref<80xi32, #tpu.memory_space<vmem>>
      %dma_start3A_710 = arith.constant 0 : i32
      %dma_start3A_711 = arith.constant 0 : i32
      %dma_start3A_712 = tpu.memref_slice %arg12[%dma_start3A_710, %dma_start3A_711] : memref<10000x128xf32, #tpu.memory_space<vmem_shared>> -> memref<10000x128xf32, #tpu.memory_space<vmem_shared>>
      tpu.enqueue_indirect_dma source(%arg10 : memref<80x128xf32, #tpu.memory_space<vmem>>) target(%dma_start3A_712 : memref<10000x128xf32, #tpu.memory_space<vmem_shared>>) offsets(%dma_start3A_709 : memref<80xi32, #tpu.memory_space<vmem>>) semaphore(%arg17 : memref<!tpu.dma_semaphore, #tpu.memory_space<semaphore_mem>>) {add = true}
      %dma_wait3A_713 = arith.constant 0 : i32
      %dma_wait3A_714 = arith.constant 0 : i32
      %dma_wait3A_715 = tpu.memref_slice %arg8[%dma_wait3A_713, %dma_wait3A_714] : memref<25x80xi32, #tpu.memory_space<vmem>> -> memref<1x80xi32, #tpu.memory_space<vmem>>
      %dma_wait3A_716 = tpu.memref_squeeze %dma_wait3A_715 : memref<1x80xi32, #tpu.memory_space<vmem>> -> memref<80xi32, #tpu.memory_space<vmem>>
      %dma_wait3A_717 = arith.constant 0 : i32
      %dma_wait3A_718 = arith.constant 0 : i32
      %dma_wait3A_719 = tpu.memref_slice %arg12[%dma_wait3A_717, %dma_wait3A_718] : memref<10000x128xf32, #tpu.memory_space<vmem_shared>> -> memref<10000x128xf32, #tpu.memory_space<vmem_shared>>
      tpu.wait_indirect_dma semaphore(%arg16 : memref<!tpu.dma_semaphore, #tpu.memory_space<semaphore_mem>>) src(%arg9 : memref<80x128xf32, #tpu.memory_space<vmem>>) dst(%dma_wait3A_719 : memref<10000x128xf32, #tpu.memory_space<vmem_shared>>)
      %add3A_720 = arith.constant 2 : i32
      %add3A_721 = arith.addi %add3A_633, %add3A_720 : i32
      %add3A_722 = arith.constant 2 : i32
      %add3A_723 = arith.addi %add3A_721, %add3A_722 : i32
      %dma_start3A_724 = arith.constant 0 : i32
      %dma_start3A_725 = tpu.memref_slice %arg7[%add3A_723, %dma_start3A_724] : memref<25x80xi32, #tpu.memory_space<vmem>> -> memref<1x80xi32, #tpu.memory_space<vmem>>
      %dma_start3A_726 = tpu.memref_squeeze %dma_start3A_725 : memref<1x80xi32, #tpu.memory_space<vmem>> -> memref<80xi32, #tpu.memory_space<vmem>>
      %dma_start3A_727 = arith.constant 0 : i32
      %dma_start3A_728 = arith.constant 0 : i32
      %dma_start3A_729 = tpu.memref_slice %arg4[%dma_start3A_727, %dma_start3A_728] : memref<10000x128xf32, #tpu.memory_space<hbm>> -> memref<10000x128xf32, #tpu.memory_space<hbm>>
      tpu.enqueue_indirect_dma source(%dma_start3A_729 : memref<10000x128xf32, #tpu.memory_space<hbm>>) target(%arg9 : memref<80x128xf32, #tpu.memory_space<vmem>>) offsets(%dma_start3A_726 : memref<80xi32, #tpu.memory_space<vmem>>) semaphore(%arg13 : memref<!tpu.dma_semaphore, #tpu.memory_space<semaphore_mem>>)
    }
    %scan3A_564 = arith.constant 7 : i32
    %dma_wait3A_565 = arith.constant 0 : i32
    %dma_wait3A_566 = arith.constant 0 : i32
    %dma_wait3A_567 = tpu.memref_slice %arg7[%dma_wait3A_565, %dma_wait3A_566] : memref<25x80xi32, #tpu.memory_space<vmem>> -> memref<1x80xi32, #tpu.memory_space<vmem>>
    %dma_wait3A_568 = tpu.memref_squeeze %dma_wait3A_567 : memref<1x80xi32, #tpu.memory_space<vmem>> -> memref<80xi32, #tpu.memory_space<vmem>>
    %dma_wait3A_569 = arith.constant 0 : i32
    %dma_wait3A_570 = arith.constant 0 : i32
    %dma_wait3A_571 = tpu.memref_slice %arg4[%dma_wait3A_569, %dma_wait3A_570] : memref<10000x128xf32, #tpu.memory_space<hbm>> -> memref<10000x128xf32, #tpu.memory_space<hbm>>
    tpu.wait_indirect_dma semaphore(%arg15 : memref<!tpu.dma_semaphore, #tpu.memory_space<semaphore_mem>>) src(%dma_wait3A_571 : memref<10000x128xf32, #tpu.memory_space<hbm>>) dst(%arg11 : memref<80x128xf32, #tpu.memory_space<vmem>>)
    %dma_start3A_572 = arith.constant 23 : i32
    %dma_start3A_573 = arith.constant 0 : i32
    %dma_start3A_574 = tpu.memref_slice %arg8[%dma_start3A_572, %dma_start3A_573] : memref<25x80xi32, #tpu.memory_space<vmem>> -> memref<1x80xi32, #tpu.memory_space<vmem>>
    %dma_start3A_575 = tpu.memref_squeeze %dma_start3A_574 : memref<1x80xi32, #tpu.memory_space<vmem>> -> memref<80xi32, #tpu.memory_space<vmem>>
    %dma_start3A_576 = arith.constant 0 : i32
    %dma_start3A_577 = arith.constant 0 : i32
    %dma_start3A_578 = tpu.memref_slice %arg12[%dma_start3A_576, %dma_start3A_577] : memref<10000x128xf32, #tpu.memory_space<vmem_shared>> -> memref<10000x128xf32, #tpu.memory_space<vmem_shared>>
    tpu.enqueue_indirect_dma source(%arg11 : memref<80x128xf32, #tpu.memory_space<vmem>>) target(%dma_start3A_578 : memref<10000x128xf32, #tpu.memory_space<vmem_shared>>) offsets(%dma_start3A_575 : memref<80xi32, #tpu.memory_space<vmem>>) semaphore(%arg18 : memref<!tpu.dma_semaphore, #tpu.memory_space<semaphore_mem>>) {add = true}
    %dma_wait3A_579 = arith.constant 0 : i32
    %dma_wait3A_580 = arith.constant 0 : i32
    %dma_wait3A_581 = tpu.memref_slice %arg7[%dma_wait3A_579, %dma_wait3A_580] : memref<25x80xi32, #tpu.memory_space<vmem>> -> memref<1x80xi32, #tpu.memory_space<vmem>>
    %dma_wait3A_582 = tpu.memref_squeeze %dma_wait3A_581 : memref<1x80xi32, #tpu.memory_space<vmem>> -> memref<80xi32, #tpu.memory_space<vmem>>
    %dma_wait3A_583 = arith.constant 0 : i32
    %dma_wait3A_584 = arith.constant 0 : i32
    %dma_wait3A_585 = tpu.memref_slice %arg4[%dma_wait3A_583, %dma_wait3A_584] : memref<10000x128xf32, #tpu.memory_space<hbm>> -> memref<10000x128xf32, #tpu.memory_space<hbm>>
    tpu.wait_indirect_dma semaphore(%arg13 : memref<!tpu.dma_semaphore, #tpu.memory_space<semaphore_mem>>) src(%dma_wait3A_585 : memref<10000x128xf32, #tpu.memory_space<hbm>>) dst(%arg9 : memref<80x128xf32, #tpu.memory_space<vmem>>)
    %dma_start3A_586 = arith.constant 24 : i32
    %dma_start3A_587 = arith.constant 0 : i32
    %dma_start3A_588 = tpu.memref_slice %arg8[%dma_start3A_586, %dma_start3A_587] : memref<25x80xi32, #tpu.memory_space<vmem>> -> memref<1x80xi32, #tpu.memory_space<vmem>>
    %dma_start3A_589 = tpu.memref_squeeze %dma_start3A_588 : memref<1x80xi32, #tpu.memory_space<vmem>> -> memref<80xi32, #tpu.memory_space<vmem>>
    %dma_start3A_590 = arith.constant 0 : i32
    %dma_start3A_591 = arith.constant 0 : i32
    %dma_start3A_592 = tpu.memref_slice %arg12[%dma_start3A_590, %dma_start3A_591] : memref<10000x128xf32, #tpu.memory_space<vmem_shared>> -> memref<10000x128xf32, #tpu.memory_space<vmem_shared>>
    tpu.enqueue_indirect_dma source(%arg9 : memref<80x128xf32, #tpu.memory_space<vmem>>) target(%dma_start3A_592 : memref<10000x128xf32, #tpu.memory_space<vmem_shared>>) offsets(%dma_start3A_589 : memref<80xi32, #tpu.memory_space<vmem>>) semaphore(%arg16 : memref<!tpu.dma_semaphore, #tpu.memory_space<semaphore_mem>>) {add = true}
    %dma_wait3A_593 = arith.constant 0 : i32
    %dma_wait3A_594 = arith.constant 0 : i32
    %dma_wait3A_595 = tpu.memref_slice %arg8[%dma_wait3A_593, %dma_wait3A_594] : memref<25x80xi32, #tpu.memory_space<vmem>> -> memref<1x80xi32, #tpu.memory_space<vmem>>
    %dma_wait3A_596 = tpu.memref_squeeze %dma_wait3A_595 : memref<1x80xi32, #tpu.memory_space<vmem>> -> memref<80xi32, #tpu.memory_space<vmem>>
    %dma_wait3A_597 = arith.constant 0 : i32
    %dma_wait3A_598 = arith.constant 0 : i32
    %dma_wait3A_599 = tpu.memref_slice %arg12[%dma_wait3A_597, %dma_wait3A_598] : memref<10000x128xf32, #tpu.memory_space<vmem_shared>> -> memref<10000x128xf32, #tpu.memory_space<vmem_shared>>
    tpu.wait_indirect_dma semaphore(%arg17 : memref<!tpu.dma_semaphore, #tpu.memory_space<semaphore_mem>>) src(%arg10 : memref<80x128xf32, #tpu.memory_space<vmem>>) dst(%dma_wait3A_599 : memref<10000x128xf32, #tpu.memory_space<vmem_shared>>)
    %dma_wait3A_600 = arith.constant 0 : i32
    %dma_wait3A_601 = arith.constant 0 : i32
    %dma_wait3A_602 = tpu.memref_slice %arg8[%dma_wait3A_600, %dma_wait3A_601] : memref<25x80xi32, #tpu.memory_space<vmem>> -> memref<1x80xi32, #tpu.memory_space<vmem>>
    %dma_wait3A_603 = tpu.memref_squeeze %dma_wait3A_602 : memref<1x80xi32, #tpu.memory_space<vmem>> -> memref<80xi32, #tpu.memory_space<vmem>>
    %dma_wait3A_604 = arith.constant 0 : i32
    %dma_wait3A_605 = arith.constant 0 : i32
    %dma_wait3A_606 = tpu.memref_slice %arg12[%dma_wait3A_604, %dma_wait3A_605] : memref<10000x128xf32, #tpu.memory_space<vmem_shared>> -> memref<10000x128xf32, #tpu.memory_space<vmem_shared>>
    tpu.wait_indirect_dma semaphore(%arg18 : memref<!tpu.dma_semaphore, #tpu.memory_space<semaphore_mem>>) src(%arg11 : memref<80x128xf32, #tpu.memory_space<vmem>>) dst(%dma_wait3A_606 : memref<10000x128xf32, #tpu.memory_space<vmem_shared>>)
    %dma_wait3A_607 = arith.constant 0 : i32
    %dma_wait3A_608 = arith.constant 0 : i32
    %dma_wait3A_609 = tpu.memref_slice %arg8[%dma_wait3A_607, %dma_wait3A_608] : memref<25x80xi32, #tpu.memory_space<vmem>> -> memref<1x80xi32, #tpu.memory_space<vmem>>
    %dma_wait3A_610 = tpu.memref_squeeze %dma_wait3A_609 : memref<1x80xi32, #tpu.memory_space<vmem>> -> memref<80xi32, #tpu.memory_space<vmem>>
    %dma_wait3A_611 = arith.constant 0 : i32
    %dma_wait3A_612 = arith.constant 0 : i32
    %dma_wait3A_613 = tpu.memref_slice %arg12[%dma_wait3A_611, %dma_wait3A_612] : memref<10000x128xf32, #tpu.memory_space<vmem_shared>> -> memref<10000x128xf32, #tpu.memory_space<vmem_shared>>
    tpu.wait_indirect_dma semaphore(%arg16 : memref<!tpu.dma_semaphore, #tpu.memory_space<semaphore_mem>>) src(%arg9 : memref<80x128xf32, #tpu.memory_space<vmem>>) dst(%dma_wait3A_613 : memref<10000x128xf32, #tpu.memory_space<vmem_shared>>)
    %barrier3A_614 = arith.constant 0 : index
    tpu.barrier barrier_id(%barrier3A_614)
    %add3A_615 = arith.constant 0 : i32
    %add3A_616 = arith.addi %arg1, %add3A_615 : i32
    %lt3A_617 = arith.constant 25 : i32
    %lt3A_618 = arith.cmpi slt, %add3A_616, %lt3A_617 : i32
    %convert_element_type3A_619 = arith.extui %lt3A_618 : i1 to i32
    %cond3A_620 = arith.constant 0 : i32
    %cond3A_621 = arith.cmpi ne, %convert_element_type3A_619, %cond3A_620 : i32
    scf.if %cond3A_621 {
      %mul3A_629 = arith.constant 400 : i32
      %mul3A_630 = arith.muli %add3A_616, %mul3A_629 : i32
      %eq3A = arith.constant 0 : i32
      %eq3A_631 = arith.cmpi eq, %arg0, %eq3A : i32
      %convert_element_type3A_632 = arith.extui %eq3A_631 : i1 to i32
      %cond3A_633 = arith.constant 0 : i32
      %cond3A_634 = arith.cmpi ne, %convert_element_type3A_632, %cond3A_633 : i32
      scf.if %cond3A_634 {
        "tpu.region"() ({
          %run_scoped3A_640 = tpu.sem_alloc : memref<!tpu.dma_semaphore, #tpu.memory_space<semaphore_mem>>
          %dma_start3A_641 = arith.constant 0 : i32
          %dma_start3A_642 = tpu.memref_slice %arg5[%mul3A_630, %dma_start3A_641] : memref<10000x128xf32, #tpu.memory_space<hbm>> -> memref<400x128xf32, #tpu.memory_space<hbm>>
          %dma_start3A_643 = arith.constant 0 : i32
          %dma_start3A_644 = tpu.memref_slice %arg12[%mul3A_630, %dma_start3A_643] : memref<10000x128xf32, #tpu.memory_space<vmem_shared>> -> memref<400x128xf32, #tpu.memory_space<vmem_shared>>
          tpu.enqueue_dma source(%dma_start3A_644 : memref<400x128xf32, #tpu.memory_space<vmem_shared>>) target(%dma_start3A_642 : memref<400x128xf32, #tpu.memory_space<hbm>>) target_semaphore(%run_scoped3A_640 : memref<!tpu.dma_semaphore, #tpu.memory_space<semaphore_mem>>)
          %dma_wait3A_645 = arith.constant 0 : i32
          %dma_wait3A_646 = tpu.memref_slice %arg5[%mul3A_630, %dma_wait3A_645] : memref<10000x128xf32, #tpu.memory_space<hbm>> -> memref<400x128xf32, #tpu.memory_space<hbm>>
          %dma_wait3A_647 = arith.constant 0 : i32
          %dma_wait3A_648 = tpu.memref_slice %arg12[%mul3A_630, %dma_wait3A_647] : memref<10000x128xf32, #tpu.memory_space<vmem_shared>> -> memref<400x128xf32, #tpu.memory_space<vmem_shared>>
          tpu.wait_dma2 semaphore(%run_scoped3A_640 : memref<!tpu.dma_semaphore, #tpu.memory_space<semaphore_mem>>) src(%dma_wait3A_648 : memref<400x128xf32, #tpu.memory_space<vmem_shared>>) dst(%dma_wait3A_646 : memref<400x128xf32, #tpu.memory_space<hbm>>)
          tpu.yield
        }) : () -> ()
      } else {
      }
      %eq3A_635 = arith.constant 1 : i32
      %eq3A_636 = arith.cmpi eq, %arg0, %eq3A_635 : i32
      %convert_element_type3A_637 = arith.extui %eq3A_636 : i1 to i32
      %cond3A_638 = arith.constant 0 : i32
      %cond3A_639 = arith.cmpi ne, %convert_element_type3A_637, %cond3A_638 : i32
      scf.if %cond3A_639 {
        "tpu.region"() ({
          %run_scoped3A_640 = tpu.sem_alloc : memref<!tpu.dma_semaphore, #tpu.memory_space<semaphore_mem>>
          %dma_start3A_641 = arith.constant 0 : i32
          %dma_start3A_642 = tpu.memref_slice %arg6[%mul3A_630, %dma_start3A_641] : memref<10000x128xf32, #tpu.memory_space<hbm>> -> memref<400x128xf32, #tpu.memory_space<hbm>>
          %dma_start3A_643 = arith.constant 0 : i32
          %dma_start3A_644 = tpu.memref_slice %arg12[%mul3A_630, %dma_start3A_643] : memref<10000x128xf32, #tpu.memory_space<vmem_shared>> -> memref<400x128xf32, #tpu.memory_space<vmem_shared>>
          tpu.enqueue_dma source(%dma_start3A_644 : memref<400x128xf32, #tpu.memory_space<vmem_shared>>) target(%dma_start3A_642 : memref<400x128xf32, #tpu.memory_space<hbm>>) target_semaphore(%run_scoped3A_640 : memref<!tpu.dma_semaphore, #tpu.memory_space<semaphore_mem>>)
          %dma_wait3A_645 = arith.constant 0 : i32
          %dma_wait3A_646 = tpu.memref_slice %arg6[%mul3A_630, %dma_wait3A_645] : memref<10000x128xf32, #tpu.memory_space<hbm>> -> memref<400x128xf32, #tpu.memory_space<hbm>>
          %dma_wait3A_647 = arith.constant 0 : i32
          %dma_wait3A_648 = tpu.memref_slice %arg12[%mul3A_630, %dma_wait3A_647] : memref<10000x128xf32, #tpu.memory_space<vmem_shared>> -> memref<400x128xf32, #tpu.memory_space<vmem_shared>>
          tpu.wait_dma2 semaphore(%run_scoped3A_640 : memref<!tpu.dma_semaphore, #tpu.memory_space<semaphore_mem>>) src(%dma_wait3A_648 : memref<400x128xf32, #tpu.memory_space<vmem_shared>>) dst(%dma_wait3A_646 : memref<400x128xf32, #tpu.memory_space<hbm>>)
          tpu.yield
        }) : () -> ()
      } else {
      }
    } else {
    }
    %add3A_622 = arith.constant 16 : i32
    %add3A_623 = arith.addi %arg1, %add3A_622 : i32
    %lt3A_624 = arith.constant 25 : i32
    %lt3A_625 = arith.cmpi slt, %add3A_623, %lt3A_624 : i32
    %convert_element_type3A_626 = arith.extui %lt3A_625 : i1 to i32
    %cond3A_627 = arith.constant 0 : i32
    %cond3A_628 = arith.cmpi ne, %convert_element_type3A_626, %cond3A_627 : i32
    scf.if %cond3A_628 {
      %mul3A_629 = arith.constant 400 : i32
      %mul3A_630 = arith.muli %add3A_623, %mul3A_629 : i32
      %eq3A = arith.constant 0 : i32
      %eq3A_631 = arith.cmpi eq, %arg0, %eq3A : i32
      %convert_element_type3A_632 = arith.extui %eq3A_631 : i1 to i32
      %cond3A_633 = arith.constant 0 : i32
      %cond3A_634 = arith.cmpi ne, %convert_element_type3A_632, %cond3A_633 : i32
      scf.if %cond3A_634 {
        "tpu.region"() ({
          %run_scoped3A_640 = tpu.sem_alloc : memref<!tpu.dma_semaphore, #tpu.memory_space<semaphore_mem>>
          %dma_start3A_641 = arith.constant 0 : i32
          %dma_start3A_642 = tpu.memref_slice %arg5[%mul3A_630, %dma_start3A_641] : memref<10000x128xf32, #tpu.memory_space<hbm>> -> memref<400x128xf32, #tpu.memory_space<hbm>>
          %dma_start3A_643 = arith.constant 0 : i32
          %dma_start3A_644 = tpu.memref_slice %arg12[%mul3A_630, %dma_start3A_643] : memref<10000x128xf32, #tpu.memory_space<vmem_shared>> -> memref<400x128xf32, #tpu.memory_space<vmem_shared>>
          tpu.enqueue_dma source(%dma_start3A_644 : memref<400x128xf32, #tpu.memory_space<vmem_shared>>) target(%dma_start3A_642 : memref<400x128xf32, #tpu.memory_space<hbm>>) target_semaphore(%run_scoped3A_640 : memref<!tpu.dma_semaphore, #tpu.memory_space<semaphore_mem>>)
          %dma_wait3A_645 = arith.constant 0 : i32
          %dma_wait3A_646 = tpu.memref_slice %arg5[%mul3A_630, %dma_wait3A_645] : memref<10000x128xf32, #tpu.memory_space<hbm>> -> memref<400x128xf32, #tpu.memory_space<hbm>>
          %dma_wait3A_647 = arith.constant 0 : i32
          %dma_wait3A_648 = tpu.memref_slice %arg12[%mul3A_630, %dma_wait3A_647] : memref<10000x128xf32, #tpu.memory_space<vmem_shared>> -> memref<400x128xf32, #tpu.memory_space<vmem_shared>>
          tpu.wait_dma2 semaphore(%run_scoped3A_640 : memref<!tpu.dma_semaphore, #tpu.memory_space<semaphore_mem>>) src(%dma_wait3A_648 : memref<400x128xf32, #tpu.memory_space<vmem_shared>>) dst(%dma_wait3A_646 : memref<400x128xf32, #tpu.memory_space<hbm>>)
          tpu.yield
        }) : () -> ()
      } else {
      }
      %eq3A_635 = arith.constant 1 : i32
      %eq3A_636 = arith.cmpi eq, %arg0, %eq3A_635 : i32
      %convert_element_type3A_637 = arith.extui %eq3A_636 : i1 to i32
      %cond3A_638 = arith.constant 0 : i32
      %cond3A_639 = arith.cmpi ne, %convert_element_type3A_637, %cond3A_638 : i32
      scf.if %cond3A_639 {
        "tpu.region"() ({
          %run_scoped3A_640 = tpu.sem_alloc : memref<!tpu.dma_semaphore, #tpu.memory_space<semaphore_mem>>
          %dma_start3A_641 = arith.constant 0 : i32
          %dma_start3A_642 = tpu.memref_slice %arg6[%mul3A_630, %dma_start3A_641] : memref<10000x128xf32, #tpu.memory_space<hbm>> -> memref<400x128xf32, #tpu.memory_space<hbm>>
          %dma_start3A_643 = arith.constant 0 : i32
          %dma_start3A_644 = tpu.memref_slice %arg12[%mul3A_630, %dma_start3A_643] : memref<10000x128xf32, #tpu.memory_space<vmem_shared>> -> memref<400x128xf32, #tpu.memory_space<vmem_shared>>
          tpu.enqueue_dma source(%dma_start3A_644 : memref<400x128xf32, #tpu.memory_space<vmem_shared>>) target(%dma_start3A_642 : memref<400x128xf32, #tpu.memory_space<hbm>>) target_semaphore(%run_scoped3A_640 : memref<!tpu.dma_semaphore, #tpu.memory_space<semaphore_mem>>)
          %dma_wait3A_645 = arith.constant 0 : i32
          %dma_wait3A_646 = tpu.memref_slice %arg6[%mul3A_630, %dma_wait3A_645] : memref<10000x128xf32, #tpu.memory_space<hbm>> -> memref<400x128xf32, #tpu.memory_space<hbm>>
          %dma_wait3A_647 = arith.constant 0 : i32
          %dma_wait3A_648 = tpu.memref_slice %arg12[%mul3A_630, %dma_wait3A_647] : memref<10000x128xf32, #tpu.memory_space<vmem_shared>> -> memref<400x128xf32, #tpu.memory_space<vmem_shared>>
          tpu.wait_dma2 semaphore(%run_scoped3A_640 : memref<!tpu.dma_semaphore, #tpu.memory_space<semaphore_mem>>) src(%dma_wait3A_648 : memref<400x128xf32, #tpu.memory_space<vmem_shared>>) dst(%dma_wait3A_646 : memref<400x128xf32, #tpu.memory_space<hbm>>)
          tpu.yield
        }) : () -> ()
      } else {
      }
    } else {
    }
    return
  }
}

module attributes {stable_mosaic.version = 14 : i64} {
  func.func @_proj_body(%arg0: memref<10000x128xf32, #tpu.memory_space<vmem>>, %arg1: memref<128x128xf32, #tpu.memory_space<vmem>>, %arg2: memref<10000xf32, #tpu.memory_space<vmem>>, %arg3: memref<10000xf32, #tpu.memory_space<vmem>>, %arg4: memref<10000x128xf32, #tpu.memory_space<vmem>>) attributes {dimension_semantics = [], scalar_prefetch = 0 : i64, scratch_operands = 0 : i64, tpu.core_type = #tpu.core_type<tc>} {
    %get3A = arith.constant 0 : index
    %get3A_0 = vector.load %arg2[%get3A] : memref<10000xf32, #tpu.memory_space<vmem>>, vector<10000xf32>
    %get3A_1 = arith.constant 0 : index
    %get3A_2 = vector.load %arg3[%get3A_1] : memref<10000xf32, #tpu.memory_space<vmem>>, vector<10000xf32>
    %add3A = arith.addf %get3A_0, %get3A_2 : vector<10000xf32>
    %rsqrt3A = math.rsqrt %add3A : vector<10000xf32>
    %get3A_3 = arith.constant 0 : index
    %get3A_4 = arith.constant 0 : index
    %get3A_5 = vector.load %arg0[%get3A_3, %get3A_4] : memref<10000x128xf32, #tpu.memory_space<vmem>>, vector<10000x128xf32>
    %broadcast_in_dim3A = vector.shape_cast %rsqrt3A : vector<10000xf32> to vector<10000x1xf32>
    %mul3A = vector.broadcast %broadcast_in_dim3A : vector<10000x1xf32> to vector<10000x128xf32>
    %mul3A_6 = arith.mulf %get3A_5, %mul3A : vector<10000x128xf32>
    %get3A_7 = arith.constant 0 : index
    %get3A_8 = arith.constant 0 : index
    %get3A_9 = vector.load %arg1[%get3A_7, %get3A_8] : memref<128x128xf32, #tpu.memory_space<vmem>>, vector<128x128xf32>
    %dot_general3A = arith.constant dense<0.000000e+00> : vector<10000x128xf32>
    %dot_general3A_10 = tpu.matmul %mul3A_6, %get3A_9, %dot_general3A {dimension_numbers = #tpu.dot_dimension_numbers<[1], [0], [0], [1], [0, 0, 1, 1], [], []>, precision = #tpu.contract_precision<fp32>, transpose_lhs_hint = false} : vector<10000x128xf32>, vector<128x128xf32>, vector<10000x128xf32> -> vector<10000x128xf32>
    %swap3A = arith.constant 0 : index
    %swap3A_11 = arith.constant 0 : index
    %swap3A_12 = vector.load %arg4[%swap3A, %swap3A_11] : memref<10000x128xf32, #tpu.memory_space<vmem>>, vector<10000x128xf32>
    tpu.vector_store %arg4[%swap3A, %swap3A_11], %dot_general3A_10 {strides = array<i32>} : memref<10000x128xf32, #tpu.memory_space<vmem>>, vector<10000x128xf32>,
    return
  }
}

module attributes {stable_mosaic.version = 14 : i64} {
  func.func @_fin_body(%arg0: memref<10000x128xf32, #tpu.memory_space<vmem>>, %arg1: memref<10000x128xf32, #tpu.memory_space<vmem>>, %arg2: memref<10000xf32, #tpu.memory_space<vmem>>, %arg3: memref<10000xf32, #tpu.memory_space<vmem>>, %arg4: memref<10000x128xf32, #tpu.memory_space<vmem>>) attributes {dimension_semantics = [], scalar_prefetch = 0 : i64, scratch_operands = 0 : i64, tpu.core_type = #tpu.core_type<tc>} {
    %get3A = arith.constant 0 : index
    %get3A_0 = vector.load %arg2[%get3A] : memref<10000xf32, #tpu.memory_space<vmem>>, vector<10000xf32>
    %get3A_1 = arith.constant 0 : index
    %get3A_2 = vector.load %arg3[%get3A_1] : memref<10000xf32, #tpu.memory_space<vmem>>, vector<10000xf32>
    %add3A = arith.addf %get3A_0, %get3A_2 : vector<10000xf32>
    %rsqrt3A = math.rsqrt %add3A : vector<10000xf32>
    %get3A_3 = arith.constant 0 : index
    %get3A_4 = arith.constant 0 : index
    %get3A_5 = vector.load %arg0[%get3A_3, %get3A_4] : memref<10000x128xf32, #tpu.memory_space<vmem>>, vector<10000x128xf32>
    %get3A_6 = arith.constant 0 : index
    %get3A_7 = arith.constant 0 : index
    %get3A_8 = vector.load %arg1[%get3A_6, %get3A_7] : memref<10000x128xf32, #tpu.memory_space<vmem>>, vector<10000x128xf32>
    %add3A_9 = arith.addf %get3A_5, %get3A_8 : vector<10000x128xf32>
    %broadcast_in_dim3A = vector.shape_cast %rsqrt3A : vector<10000xf32> to vector<10000x1xf32>
    %mul3A = vector.broadcast %broadcast_in_dim3A : vector<10000x1xf32> to vector<10000x128xf32>
    %mul3A_10 = arith.mulf %add3A_9, %mul3A : vector<10000x128xf32>
    %swap3A = arith.constant 0 : index
    %swap3A_11 = arith.constant 0 : index
    %swap3A_12 = vector.load %arg4[%swap3A, %swap3A_11] : memref<10000x128xf32, #tpu.memory_space<vmem>>, vector<10000x128xf32>
    tpu.vector_store %arg4[%swap3A, %swap3A_11], %mul3A_10 {strides = array<i32>} : memref<10000x128xf32, #tpu.memory_space<vmem>>, vector<10000x128xf32>,
    return
  }
}

</mosaic_0001>

<sc_bundles>
// kernel: kernel.6.cloned.1.call-start
scs
__scs_entry_jumppad:
0x0: {  	(pc) =	sbr.rel $0x88, $3  }
0x1: {  	(tag) =	ssettag $0x0;
	lr =	simm.s32 $0x1  }
0x2: {  	[smem:$0x3F9E] =	sst lr;
	_ =	strace $0xD0000000  }
0x3: {  	_ = 	snop  }
0x4: {  	_ = 	snop  }
0x5: {  	_ = 	snop  }
0x6: {  	_ = 	snop  }
0x7: {  	_ = 	snop  }
__scs_overlays_trampoline_lowered:
0x8: {  	[smem:$0x3FAD] =	sst s0  }
0x9: {  	[smem:$0x3FAE] =	sst s1  }
0xa: {  	[smem:$0x3FAF] =	sst s2  }
0xb: {  	[smem:$0x3FB0] =	sst s3  }
0xc: {  	[smem:$0x3FB1] =	sst s4  }
0xd: {  	[smem:$0x3FB2] =	sst s5  }
0xe: {  	[smem:$0x3FB3] =	sst s6  }
0xf: {  	[smem:$0x3FB4] =	sst s7  }
0x10: {  	[smem:$0x3FB5] =	sst s8  }
0x11: {  	[smem:$0x3FB6] =	sst s9;
	s0 =	simm.s32 @!p0 $0x0  }
0x12: {  	s1 =	sld [smem:$0x3F9C];
	s0 =	simm.s32 @p0 $0x1  }
0x13: {  	[smem:$0x3FB7] =	sst s0;
	s0 =	simm.s32 @!p1 $0x0  }
0x14: {  	s2 =	sld [smem:$0x3F9B];
	s0 =	simm.s32 @p1 $0x1  }
0x15: {  	[smem:$0x3FB8] =	sst s0;
	s0 =	simm.s32 @!p2 $0x0  }
0x16: {  	s3 =	sld [smem:$0x3FDB];
	s0 =	simm.s32 @p2 $0x1  }
0x17: {  	s4 =	simm.s32 $0x1BF5;
	[smem:$0x3FBA] =	sst s0  }
0x18: {  	s0 =	sld [smem:$0x3F9D];
	_ =	swait.ge [sflag:s4], $0x0  }
0x19: {  	s7 =	sld [smem:$0x3F9E]  }
0x1a: {  	s8 =	sadd.s32 $0xFFFFE003, lr  }
0x1b: {  	s9 =	sadd.s32 $0xFFFFFEF7, lr;
	s5 =	simm.s32 $0xFFFFFFFF;
	p2 =	slt.u32 s8, $0xFFFFF086  }
0x1c: {  	p1 =	slt.u32 s9, $0xF7A;
	s5 =	simm.s32 @!p2 $0x0  }
0x1d: {  	s5 =	simm.s32 @p1 $0x1;
	p0 =	seq.s32 s7, s2  }
0x1e: {  	s7 =	smul.u32 @!p0 $0xF7A, s2;
	p2 =	seq.s32 @!p0 s5, $0x0  }
0x1f: {  	s9 =	smul.u32 $0xF7A, s1;
	s8 =	simm.s32 @!p0 $0x1BF5;
	p2 =	por !p2, p0  }
0x20: {  	[sflag:s8] =	ssyncset.s32 @!p0 $0xFFFFF086;
	s6 =	sadd.s32 @!p0 s3, s7;
	s7 =	simm.s32 @!p0 $0x108  }
0x21: {  	s3 =	sadd.s32 s3, s9;
	s6 =	sadd.s32 @!p0 $0x88, s6;
	s7 =	simm.s32 @p2 $0x1082  }
0x22: {  	[simem:s7], [sflag:s8] =	dma.local @!p0 [hbm:s6], $0xF7A  }
0x23: {  	s9 =	sor.u32 $0xD0000000, s2;
	s6 =	simm.s32 $0x108;
	_ =	swait.ge @!p0 [sflag:s8], $0x0  }
0x24: {  	s3 =	sadd.s32 $0x88, s3;
	s6 =	simm.s32 @!p1 $0x1082;
	[sflag:s4] =	ssyncset.s32 $0xFFFFF086  }
0x25: {  	[simem:s6], [sflag:s4] =	dma.local [hbm:s3], $0xF7A  }
0x26: {  	[smem:$0x3F9E] =	sst s1;
	(tag) =	ssettag s2;
	_ =	strace s9  }
0x27: {  	s1 =	sld [smem:$0x3FAE]  }
0x28: {  	s2 =	sld [smem:$0x3FAF]  }
0x29: {  	s4 =	sld [smem:$0x3FB1]  }
0x2a: {  	p0 =	seq.s32 s5, $0x0;
	s5 =	sld [smem:$0x3FB2]  }
0x2b: {  	s6 =	sld [smem:$0x3FB3]  }
0x2c: {  	s7 =	sld [smem:$0x3FB4]  }
0x2d: {  	s3 =	simm.s32 $0x108;
	s8 =	sld [smem:$0x3FB5]  }
0x2e: {  	s3 =	simm.s32 @!p0 $0x1082;
	s9 =	sld [smem:$0x3FB6]  }
0x2f: {  	lr =	sadd.s32 s0, s3;
	s0 =	sld [smem:$0x3FAD]  }
0x30: {  	s3 =	sld [smem:$0x3FB0]  }
0x31: {  	[smem:$0x3FB9] =	sst s10  }
0x32: {  	s10 =	sld [smem:$0x3FB7];
	_ =	sdelay $0x3  }
0x33: {  	p0 =	seq.s32 s10, $0x1;
	s10 =	sld [smem:$0x3FB9];
	_ =	sdelay $0x3  }
0x34: {  	[smem:$0x3FB9] =	sst s10  }
0x35: {  	s10 =	sld [smem:$0x3FB8];
	_ =	sdelay $0x3  }
0x36: {  	p1 =	seq.s32 s10, $0x1;
	s10 =	sld [smem:$0x3FB9];
	_ =	sdelay $0x3  }
0x37: {  	[smem:$0x3FB9] =	sst s10  }
0x38: {  	s10 =	sld [smem:$0x3FBA]  }
0x39: {  	_ = 	snop;
	(pc) =	sbr.ind lr, $3  }
0x3a: {  	_ = 	snop  }
0x3b: {  	_ = 	snop  }
0x3c: {  	p2 =	seq.s32 s10, $0x1;
	s10 =	sld [smem:$0x3FB9]  }
0x3d: {  	_ =	shalt  }
0x3e: {  	_ =	shalt  }
0x3f: {  	_ =	shalt  }
0x40: {  	_ =	shalt  }
0x41: {  	_ =	shalt  }
0x42: {  	_ =	shalt  }
0x43: {  	_ =	shalt  }
0x44: {  	_ =	shalt  }
0x45: {  	_ =	shalt  }
0x46: {  	_ =	shalt  }
0x47: {  	_ =	shalt  }
0x48: {  	_ =	shalt  }
0x49: {  	_ =	shalt  }
0x4a: {  	_ =	shalt  }
0x4b: {  	_ =	shalt  }
0x4c: {  	_ =	shalt  }
0x4d: {  	_ =	shalt  }
0x4e: {  	_ =	shalt  }
0x4f: {  	_ =	shalt  }
0x50: {  	_ =	shalt  }
0x51: {  	_ =	shalt  }
0x52: {  	_ =	shalt  }
0x53: {  	_ =	shalt  }
0x54: {  	_ =	shalt  }
0x55: {  	_ =	shalt  }
0x56: {  	_ =	shalt  }
0x57: {  	_ =	shalt  }
0x58: {  	_ =	shalt  }
0x59: {  	_ =	shalt  }
0x5a: {  	_ =	shalt  }
0x5b: {  	_ =	shalt  }
0x5c: {  	_ =	shalt  }
0x5d: {  	_ =	shalt  }
0x5e: {  	_ =	shalt  }
0x5f: {  	_ =	shalt  }
0x60: {  	_ =	shalt  }
0x61: {  	_ =	shalt  }
0x62: {  	_ =	shalt  }
0x63: {  	_ =	shalt  }
0x64: {  	_ =	shalt  }
0x65: {  	_ =	shalt  }
0x66: {  	_ =	shalt  }
0x67: {  	_ =	shalt  }
0x68: {  	_ =	shalt  }
0x69: {  	_ =	shalt  }
0x6a: {  	_ =	shalt  }
0x6b: {  	_ =	shalt  }
0x6c: {  	_ =	shalt  }
0x6d: {  	_ =	shalt  }
0x6e: {  	_ =	shalt  }
0x6f: {  	_ =	shalt  }
0x70: {  	_ =	shalt  }
0x71: {  	_ =	shalt  }
0x72: {  	_ =	shalt  }
0x73: {  	_ =	shalt  }
0x74: {  	_ =	shalt  }
0x75: {  	_ =	shalt  }
0x76: {  	_ =	shalt  }
0x77: {  	_ =	shalt  }
0x78: {  	_ =	shalt  }
0x79: {  	_ =	shalt  }
0x7a: {  	_ =	shalt  }
0x7b: {  	_ =	shalt  }
0x7c: {  	_ =	shalt  }
0x7d: {  	_ =	shalt  }
0x7e: {  	_ =	shalt  }
0x7f: {  	_ =	shalt  }
0x80: {  	_ =	shalt  }
0x81: {  	_ =	shalt  }
0x82: {  	_ =	shalt  }
0x83: {  	_ =	shalt  }
0x84: {  	_ =	shalt  }
0x85: {  	_ =	shalt  }
0x86: {  	_ =	shalt  }
0x87: {  	_ =	shalt  }
.Lfunc_end0:
.L_simem_size_0:
called_computation_lowered:
.L_overlay_start_0:
0x88: {  	s2 =	sld [smem:$0x3FD9]  }
0x89: {  	s3 =	sld [smem:$0x3FFE];
	_ =	sdelay $0x1  }
0x8a: {  	s1 =	srdreg.scid  }
0x8b: {  	s0 =	sand.u32 $0x1, s1  }
0x8c: {  	s17 =	sshll.u32 s0, $0xA;
	s2 =	sadd.s32 s3, s2  }
0x8d: {  	s2 =	sadd.s32 s2, s17  }
0x8e: {  	[smem:$0x3FC5] =	sst s2  }
0x8f: {  	_ = 	snop  }
0x90: {  	s2 =	sld [smem:$0x3FD0];
	(tm) =	ssettm $0x1  }
0x91: {  	s18 =	sld [smem:$0x3FFB];
	_ =	sdelay $0x3  }
0x92: {  	_ =	strace s18  }
0x93: {  	s3 =	sld [smem:$0x3FFC];
	_ =	sdelay $0x3  }
0x94: {  	_ =	strace s3  }
0x95: {  	s3 =	sld [smem:$0x3FFD];
	_ =	sdelay $0x3  }
0x96: {  	_ =	strace s3  }
0x97: {  	_ =	strace $0x8FFFFFFF  }
0x98: {  	s19 =	sld [smem:$0x3FDB];
	_ =	sdelay $0x1  }
0x99: {  	s4 =	simm.s32 $_scs_section_size  }
0x9a: {  	s5 =	simm.s32 $_size__tile_overlayer_lowered;
	s6 =	simm.s32 $_tile_overlayer_lowered  }
0x9b: {  	s22 =	simm.s32 $0x1BFF;
	s21 =	sshll.u32 s6, $0x1;
	s3 =	sadd.s32 s4, s19  }
0x9c: {  	s7 =	simm.s32 $0x0;
	s20 =	sshll.u32 s5, $0x1;
	s5 =	sadd.s32 s21, s3  }
0x9d: {  	[timem:s7], [sflag:s22] =	dma.local [hbm:s5], s20  }
0x9e: {  	_ =	swait.ge [sflag:s22], s20  }
0x9f: {  	s4 =	ssub.s32 $0x0, s20;
	[sflag:s22] =	ssyncset.done $0x0  }
0xa0: {  	[sflag:s22] =	ssyncadd.s32 s4;
	_ =	sdelay $0x1  }
0xa1: {  	s23 =	simm.s32 $0x1B8B  }
0xa2: {  	_ =	swait.ge [sflag:s23], $0x1  }
0xa3: {  	[sflag:s23] =	ssyncset.done $0x0  }
0xa4: {  	s25 =	simm.s32 $0x1B8E;
	s24 =	sld [smem:$0x3FFE];
	[sflag:s23] =	ssyncadd.s32 $0xFFFFFFFF  }
0xa5: {  	s26 =	simm.s32 $execute0_lowered;
	[smem:$0x3FD2] =	sst s25  }
0xa6: {  	s5 =	sshll.u32 s26, $0x1;
	_ =	strace $0x80000046;
	[dreg:$0x1] =	wrdreg $0xFFFFFFFF  }
0xa7: {  	s28 =	simm.s32 $_size_execute0_lowered;
	s3 =	sadd.s32 s3, s5;
	[dreg:$0x0] =	wrdreg $0x0  }
0xa8: {  	s5 =	sshll.u32 s28, $0x1;
	[dreg:$0x2] =	wrdreg s3  }
0xa9: {  	[dreg:$0x3] =	wrdreg s5  }
0xaa: {  	[dreg:$0x4] =	wrdreg $0xC0  }
0xab: {  	_ =	task [dreg:s7], $0x5FFFF  }
0xac: {  	[dreg:$0x1] =	wrdreg $0xFFFFFFFF  }
0xad: {  	[dreg:$0x0] =	wrdreg $0x60  }
0xae: {  	[dreg:$0x2] =	wrdreg s24  }
0xaf: {  	[dreg:$0x3] =	wrdreg s2  }
0xb0: {  	[dreg:$0x4] =	wrdreg $0x58800  }
0xb1: {  	[dreg:$0x5] =	wrdreg $0x9  }
0xb2: {  	_ =	task.clear_ibuf [dreg:s7], $0x6FFFF;
	_ =	strace $0x90000046  }
0xb3: {  	s29 =	simm.s32 $0x9;
	_ =	strace $0x80000048  }
0xb4: {  	_ =	swait.ge [sflag:s29], $0x1  }
0xb5: {  	[sflag:s29] =	ssyncadd.s32 $0xFFFFFFFF  }
0xb6: {  	_ =	strace $0x90000048  }
0xb7: {  	_ =	sfence  }
0xb8: {  	s30 =	sld [smem:$0x0];
	_ =	sdelay $0x2  }
0xb9: {  	s31 =	sshll.u32 s1, $0xD;
	s1 =	sshrl.u32 s1, $0x2  }
0xba: {  	s3 =	sand.u32 $0x4000, s31;
	s1 =	sadd.s32 s1, s30  }
0xbb: {  	s0 =	sor.u32 s3, s0;
	s1 =	sshll.u32 s1, $0x11  }
0xbc: {  	s0 =	sor.u32 s1, s0  }
0xbd: {  	s0 =	sadd.s32 $0x8F2B, s0  }
0xbe: {  	[sflag:s0] =	ssyncadd.remote.s32 $0x1  }
0xbf: {  	_ =	sfence.sel $0xFFFF  }
0xc0: {  	[dreg:$0x0] =	wrdreg $0xFFFFFFFF;
	(pc) =	sbr.abs _section_cstart, $3  }
0xc1: {  	[dreg:$0x1] =	wrdreg $0xFFFFFFFF  }
0xc2: {  	_ =	task.clear_ibuf [dreg:s7], $0x2FFFF;
	_ =	strace $0x9FFFFFFF  }
0xc3: {  	(tm) =	ssettm $0x7FFFFFFF  }
tec
execute0_lowered:
.L_overlay_start_1:
0x0: {  	(tag) =	ssettag $0x1  }
0x1: {  	s4 =	rddreg [dreg:$0x0]  }
0x2: {  	s0 =	rddreg [dreg:$0x1]  }
0x3: {  	s1 =	srdreg.scid;
	s14 =	stileid.u32  }
0x4: {  	s2 =	rddreg [dreg:$0x2];
	s3 =	simm.s32 $0x0;
	s16 =	simm.s32 $0x3000  }
0x5: {  	s17 =	simm.s32 $0x4000;
	s18 =	simm.s32 $0x3;
	s19 =	simm.s32 $0x50  }
0x6: {  	s20 =	simm.s32 $0x5000;
	s21 =	simm.s32 $0x1;
	s22 =	simm.s32 $0x2  }
0x7: {  	s23 =	simm.s32 $0x0;
	s5 =	sand.u32 $0x1, s1;
	s6 =	sshll.u32 s14, $0x1  }
0x8: {  	[smem:$0x7FF] =	sst s3;
	s15 =	sadd.s32 $0x15C00, s4;
	s10 =	sadd.s32 $0x7D0, s2  }
0x9: {  	s11 =	sadd.s32 $0xFA0, s2;
	s12 =	sadd.s32 $0x1770, s2;
	s13 =	sadd.s32 $0x1F40, s2  }
0xa: {  	s6 =	sor.u32 s5, s6;
	_ =	strace $0x80000047;
	s7 =	ssub.s32 $0x2, s5  }
0xb: {  	p0 =	seq.s32 s5, $0x1;
	s6 =	smul.u32 $0xA00, s6;
	s30 =	sshrl.u32 s7, $0x1  }
0xc: {  	s0 =	smov.u32 @p0 s15;
	p0 =	sne.s32 s14, $0x0;
	s14 =	simm.s32 $0x1000  }
0xd: {  	s15 =	simm.s32 $0x2000;
	s31 =	ssub.s32 s7, s30;
	s9 =	sadd.s32 s6, s4  }
0xe: {  	s5 =	smax.u32 s31, $0x1;
	s4 =	sadd.s32 $0x1C00, s9;
	s6 =	sadd.s32 $0x1E00, s9  }
0xf: {  	v0 =	vimm.f32 $1.000000000e+00;
	v1 =	vimm.f32 $0.0e+00;
	s7 =	sadd.s32 $0x2000, s9;
	s8 =	sadd.s32 $0x2200, s9;
	s9 =	sadd.s32 $0x2400, s9  }
.LBB2_1:
0x10: {  	[tilespmem:$0x5000] =	vst v0  }
0x11: {  	[tilespmem:$0x5010] =	vst v0  }
0x12: {  	[tilespmem:$0x5020] =	vst v0  }
0x13: {  	[tilespmem:$0x5030] =	vst v0  }
0x14: {  	[tilespmem:$0x5040] =	vst v0;
	s24 =	simm.s32 $0x40;
	s25 =	simm.s32 $0x0  }
.LBB2_2:
0x15: {  	p1 =	sne.s32 s24, $0x1F00;
	[tilespmem:s25+$0x5080] =	vst v1;
	s25 =	smov.u32 s24;
	s24 =	sadd.s32 $0x40, s24  }
.Ltmp0:
0x16: {  	(pc) =	sbr.rel @p1 .LBB2_2-.Ltmp0, $2  }
0x17: {  	_ =	sdelay $0x2  }
0x18: {  	s25 =	sshra.s32 s25, $0x2  }
0x19: {  	[tilespmem:s25+$0x5080] =	vst v1  }
0x1a: {  	[tilespmem:s3], [sflag:$0x3] =	stream.linear.gather [hbm4b:s4+s3], $0xC80, $0x38;
	[tilespmem:$0x5AF8] =	vst v63  }
0x1b: {  	_ = 	snop  }
0x1c: {  	[tilespmem:s14], [sflag:$0x3] =	stream.linear.gather [hbm4b:s6+s3], $0xC80, $0x38;
	[tilespmem:$0x5AF8] =	vst v63  }
0x1d: {  	_ = 	snop  }
0x1e: {  	[tilespmem:s15], [sflag:$0x3] =	stream.linear.gather [hbm4b:s7+s3], $0xC80, $0x38;
	[tilespmem:$0x5AF8] =	vst v63  }
0x1f: {  	_ = 	snop  }
0x20: {  	[tilespmem:s16], [sflag:$0x3] =	stream.linear.gather [hbm4b:s8+s3], $0xC80, $0x38;
	[tilespmem:$0x5AF8] =	vst v63  }
0x21: {  	_ = 	snop  }
0x22: {  	[tilespmem:s17], [sflag:$0x3] =	stream.linear.gather [hbm4b:s9+s3], $0xC80, $0x38;
	[tilespmem:$0x5AF8] =	vst v63  }
0x23: {  	_ =	swait.ge [sflag:s18], $0x3E80  }
0x24: {  	[sflag:s18] =	ssyncset.done $0x0  }
0x25: {  	s24 =	simm.s32 @!p0 $0x5080;
	s25 =	simm.s32 @!p0 $0x3;
	[sflag:s18] =	ssyncadd.s32 $0xFFFFC180  }
0x26: {  	[spmem:s2] =	stream.linear.scatter @!p0 [tilespmem:s24], [sflag:$0x3], $0x7D0, $0x38;
	[tilespmem:$0x5AF8] =	vst v63  }
0x27: {  	_ =	swait.ge @!p0 [sflag:s25], $0x7D0  }
0x28: {  	[sflag:s25] =	ssyncset.done @!p0 $0x0  }
0x29: {  	[sflag:s25] =	ssyncadd.s32 @!p0 $0xFFFFF830  }
0x2a: {  	[spmem:s10] =	stream.linear.scatter @!p0 [tilespmem:s24], [sflag:$0x3], $0x7D0, $0x38;
	[tilespmem:$0x5AF8] =	vst v63  }
0x2b: {  	_ =	swait.ge @!p0 [sflag:s25], $0x7D0  }
0x2c: {  	[sflag:s25] =	ssyncset.done @!p0 $0x0  }
0x2d: {  	[sflag:s25] =	ssyncadd.s32 @!p0 $0xFFFFF830  }
0x2e: {  	[spmem:s11] =	stream.linear.scatter @!p0 [tilespmem:s24], [sflag:$0x3], $0x7D0, $0x38;
	[tilespmem:$0x5AF8] =	vst v63  }
0x2f: {  	_ =	swait.ge @!p0 [sflag:s25], $0x7D0  }
0x30: {  	[sflag:s25] =	ssyncset.done @!p0 $0x0  }
0x31: {  	[sflag:s25] =	ssyncadd.s32 @!p0 $0xFFFFF830  }
0x32: {  	[spmem:s12] =	stream.linear.scatter @!p0 [tilespmem:s24], [sflag:$0x3], $0x7D0, $0x38;
	[tilespmem:$0x5AF8] =	vst v63  }
0x33: {  	_ =	swait.ge @!p0 [sflag:s25], $0x7D0  }
0x34: {  	[sflag:s25] =	ssyncset.done @!p0 $0x0  }
0x35: {  	[sflag:s25] =	ssyncadd.s32 @!p0 $0xFFFFF830  }
0x36: {  	[spmem:s13] =	stream.linear.scatter @!p0 [tilespmem:s24], [sflag:$0x3], $0x7D0, $0x38;
	[tilespmem:$0x5AF8] =	vst v63  }
0x37: {  	s30 =	simm.s32 $0x0;
	_ =	swait.ge @!p0 [sflag:s25], $0x7D0  }
0x38: {  	s26 =	sshllo.u32 s30, $0x1;
	[sflag:s25] =	ssyncset.done @!p0 $0x0  }
0x39: {  	s31 =	sand.u32 $0xFF, s26;
	[sflag:s25] =	ssyncadd.s32 @!p0 $0xFFFFF830  }
0x3a: {  	s25 =	smul.u32 $0x29, s31;
	[bflag:$0x0] =	sbarrier.arrive $0xFFFF  }
0x3b: {  	[spmem:s2] =	stream.indirect.scatter.add.f32 [tilespmem:s20], [sflag:$0x1], $0x1, s30, s19, $0xb8;
	[tilespmem:$0x5AF8] =	vst v63  }
0x3c: {  	s1 =	sshrl.u32 s25, $0xA  }
0x3d: {  	s29 =	simm.s32 $0x2;
	s28 =	smul.u32 $0x19, s1  }
0x3e: {  	s25 =	sand.u32 $0xFE, s29  }
0x3f: {  	s25 =	smul.u32 $0x29, s25;
	s26 =	ssub.s32 s26, s28  }
0x40: {  	s26 =	sand.u32 $0xFF, s26  }
0x41: {  	s24 =	sshll.u32 s1, $0xC;
	s25 =	sshrl.u32 s25, $0xA;
	s26 =	sshll.u32 s26, $0x7  }
0x42: {  	s30 =	simm.s32 $0x1;
	s28 =	smul.u32 $0x19, s25;
	s24 =	sor.u32 s26, s24  }
0x43: {  	[spmem:s2] =	stream.indirect.scatter.add.f32 [tilespmem:s20], [sflag:$0x2], $0x1, s24, s19, $0xb8;
	[tilespmem:$0x5AF8] =	vst v63  }
0x44: {  	s25 =	sshll.u32 s25, $0xC;
	s31 =	ssub.s32 $0x2, s28;
	s24 =	sshllo.u32 s30, $0x1  }
0x45: {  	s26 =	sand.u32 $0xFF, s31;
	_ =	swait.ge [sflag:s21], $0x50;
	s28 =	sand.u32 $0xFF, s24  }
0x46: {  	s26 =	sshll.u32 s26, $0x7;
	[sflag:s21] =	ssyncset.done $0x0;
	s29 =	smul.u32 $0x29, s28  }
0x47: {  	s25 =	sor.u32 s26, s25;
	s28 =	simm.s32 $0x2;
	[sflag:s21] =	ssyncadd.s32 $0xFFFFFFB0  }
0x48: {  	[spmem:s2] =	stream.indirect.scatter.add.f32 [tilespmem:s20], [sflag:$0x1], $0x1, s25, s19, $0xb8;
	[tilespmem:$0x5AF8] =	vst v63  }
0x49: {  	s26 =	sshrl.u32 s29, $0xA;
	s25 =	simm.s32 $0x4;
	_ =	swait.ge [sflag:s22], $0x50  }
.LBB2_4:
0x4a: {  	s29 =	smul.u32 $0x19, s26  }
0x4b: {  	s30 =	sand.u32 $0xFE, s25;
	[sflag:s22] =	ssyncset.done $0x0;
	s31 =	smov.u32 s28  }
0x4c: {  	s1 =	sadd.s32 $0x1, s28;
	s30 =	smul.u32 $0x29, s30;
	[sflag:s22] =	ssyncadd.s32 $0xFFFFFFB0  }
0x4d: {  	p1 =	sne.s32 s28, $0x3D;
	s24 =	ssub.s32 s24, s29  }
0x4e: {  	s24 =	sand.u32 $0xFF, s24;
	s28 =	sshrl.u32 s30, $0xA  }
0x4f: {  	s26 =	sshll.u32 s26, $0xC;
	s24 =	sshll.u32 s24, $0x7;
	s29 =	smul.u32 $0x19, s28  }
0x50: {  	s24 =	sor.u32 s24, s26  }
0x51: {  	[spmem:s2] =	stream.indirect.scatter.add.f32 [tilespmem:s20], [sflag:$0x2], $0x1, s24, s19, $0xb8;
	[tilespmem:$0x5AF8] =	vst v63  }
0x52: {  	s24 =	sshllo.u32 s31, $0x1  }
0x53: {  	s26 =	sshll.u32 s28, $0xC;
	s28 =	sand.u32 $0xFF, s24  }
0x54: {  	s25 =	ssub.s32 s25, s29;
	_ =	swait.ge [sflag:s21], $0x50;
	s28 =	smul.u32 $0x29, s28  }
.Ltmp1:
0x55: {  	s25 =	sand.u32 $0xFF, s25;
	[sflag:s21] =	ssyncset.done $0x0;
	(pc) =	sbr.rel @p1 .LBB2_4-.Ltmp1, $4  }
0x56: {  	s25 =	sshll.u32 s25, $0x7;
	[sflag:s21] =	ssyncadd.s32 $0xFFFFFFB0  }
0x57: {  	s29 =	sshll.u32 s31, $0x1;
	s25 =	sor.u32 s25, s26;
	s26 =	sshrl.u32 s28, $0xA  }
0x58: {  	[spmem:s2] =	stream.indirect.scatter.add.f32 [tilespmem:s20], [sflag:$0x1], $0x1, s25, s19, $0xb8;
	[tilespmem:$0x5AF8] =	vst v63  }
0x59: {  	s28 =	smov.u32 s1;
	s25 =	sadd.s32 $0x2, s29;
	_ =	swait.ge [sflag:s22], $0x50  }
0x5a: {  	s1 =	smul.u32 $0x19, s26  }
0x5b: {  	s28 =	sand.u32 $0xFE, s25  }
0x5c: {  	s28 =	smul.u32 $0x29, s28;
	s1 =	ssub.s32 s24, s1  }
0x5d: {  	[sflag:s22] =	ssyncset.done $0x0;
	s1 =	sand.u32 $0xFF, s1  }
0x5e: {  	s30 =	sshll.u32 s26, $0xC;
	s29 =	sshrl.u32 s28, $0xA;
	s1 =	sshll.u32 s1, $0x7  }
0x5f: {  	[sflag:s22] =	ssyncadd.s32 $0xFFFFFFB0;
	s28 =	smul.u32 $0x19, s29;
	s1 =	sor.u32 s1, s30  }
0x60: {  	[spmem:s2] =	stream.indirect.scatter.add.f32 [tilespmem:s20], [sflag:$0x2], $0x1, s1, s19, $0xb8;
	[tilespmem:$0x5AF8] =	vst v63  }
0x61: {  	s31 =	ssub.s32 s25, s28  }
0x62: {  	_ =	swait.ge [sflag:s21], $0x50;
	s1 =	sand.u32 $0xFF, s31  }
0x63: {  	s24 =	sshll.u32 s29, $0xC;
	[sflag:s21] =	ssyncset.done $0x0;
	s1 =	sshll.u32 s1, $0x7  }
0x64: {  	[sflag:s21] =	ssyncadd.s32 $0xFFFFFFB0;
	s1 =	sor.u32 s1, s24  }
0x65: {  	[spmem:s2] =	stream.indirect.scatter.add.f32 [tilespmem:s20], [sflag:$0x1], $0x1, s1, s19, $0xb8;
	[tilespmem:$0x5AF8] =	vst v63  }
0x66: {  	_ =	swait.ge [sflag:s22], $0x50  }
0x67: {  	[sflag:s22] =	ssyncset.done $0x0  }
0x68: {  	[sflag:s22] =	ssyncadd.s32 $0xFFFFFFB0  }
0x69: {  	_ =	swait.ge [sflag:s21], $0x50  }
0x6a: {  	s23 =	sadd.s32 $0x1, s23;
	[sflag:s21] =	ssyncset.done $0x0  }
0x6b: {  	p1 =	sne.s32 s23, s5;
	[sflag:s21] =	ssyncadd.s32 $0xFFFFFFB0  }
0x6c: {  	s24 =	simm.s32 @!p0 $0x1C03;
	s1 =	sshrl.u32 @!p0 s2, $0x3;
	[bflag:$0x0] =	sbarrier.arrive $0xFFFF  }
0x6d: {  	[hbm:s0], [sflag:s24] =	dma.local @!p0 [spmem:s1], $0x4F0  }
.Ltmp2:
0x6e: {  	_ = 	snop;
	(pc) =	sbr.rel @p1 .LBB2_1-.Ltmp2, $4  }
0x6f: {  	s1 =	simm.s32 @!p0 $0x3  }
0x70: {  	_ =	swait.ge @!p0 [sflag:s1], $0x4F0  }
0x71: {  	[sflag:s1] =	ssyncset.done @!p0 $0x0  }
0x72: {  	[sflag:s1] =	ssyncadd.s32 @!p0 $0xFFFFFB10  }
0x73: {  	_ =	sfence.sel $0x180000  }
0x74: {  	[bflag:$0x0] =	sbarrier.arrive $0xFFFF  }
0x75: {  	_ =	strace $0x90000047  }
0x76: {  	[bflag:$0x2] =	sbarrier.arrive $0xFFFF  }
0x77: {  	s0 =	rddreg [dreg:$0x3]  }
0x78: {  	s0 =	sadd.s32 @!p0 $0x100000, s0  }
0x79: {  	[sflag:s0] =	ssyncadd.tile.s32 @!p0 $0x1;
	_ =	shalt  }
.Lfunc_end2:
_tile_overlayer_lowered:
.L_overlay_start_2:
0x7a: {  	(tag) =	ssettag $0x2  }
0x7b: {  	s0 =	rddreg [dreg:$0x0];
	s2 =	stileid.u32  }
0x7c: {  	s1 =	rddreg [dreg:$0x1];
	p0 =	sne.s32 s2, $0x0  }
0x7d: {  	s3 =	rddreg [dreg:$0x2];
	[bflag:$0x3] =	sbarrier.arrive $0xFFFF;
	s2 =	simm.s32 @!p0 $0x1C03  }
0x7e: {  	[timem:s3], [sflag:s2] =	dma.local @!p0 [hbm:s0], s1  }
0x7f: {  	s0 =	simm.s32 @!p0 $0x3  }
0x80: {  	_ =	swait.ge @!p0 [sflag:s0], s1  }
0x81: {  	s1 =	ssub.s32 @!p0 $0x0, s1;
	[sflag:s0] =	ssyncset.done @!p0 $0x0  }
0x82: {  	[sflag:s0] =	ssyncadd.s32 @!p0 s1  }
0x83: {  	[bflag:$0x3] =	sbarrier.arrive $0xFFFF  }
0x84: {  	_ =	shalt  }

// kernel: kernel.9.cloned.1.call-start
scs
__scs_entry_jumppad:
0x0: {  	(pc) =	sbr.rel $0x88, $3  }
0x1: {  	(tag) =	ssettag $0x0;
	lr =	simm.s32 $0x1  }
0x2: {  	[smem:$0x3F9E] =	sst lr;
	_ =	strace $0xD0000000  }
0x3: {  	_ = 	snop  }
0x4: {  	_ = 	snop  }
0x5: {  	_ = 	snop  }
0x6: {  	_ = 	snop  }
0x7: {  	_ = 	snop  }
__scs_overlays_trampoline_lowered:
0x8: {  	[smem:$0x3FAD] =	sst s0  }
0x9: {  	[smem:$0x3FAE] =	sst s1  }
0xa: {  	[smem:$0x3FAF] =	sst s2  }
0xb: {  	[smem:$0x3FB0] =	sst s3  }
0xc: {  	[smem:$0x3FB1] =	sst s4  }
0xd: {  	[smem:$0x3FB2] =	sst s5  }
0xe: {  	[smem:$0x3FB3] =	sst s6  }
0xf: {  	[smem:$0x3FB4] =	sst s7  }
0x10: {  	[smem:$0x3FB5] =	sst s8  }
0x11: {  	[smem:$0x3FB6] =	sst s9;
	s0 =	simm.s32 @!p0 $0x0  }
0x12: {  	s1 =	sld [smem:$0x3F9C];
	s0 =	simm.s32 @p0 $0x1  }
0x13: {  	[smem:$0x3FB7] =	sst s0;
	s0 =	simm.s32 @!p1 $0x0  }
0x14: {  	s2 =	sld [smem:$0x3F9B];
	s0 =	simm.s32 @p1 $0x1  }
0x15: {  	[smem:$0x3FB8] =	sst s0;
	s0 =	simm.s32 @!p2 $0x0  }
0x16: {  	s3 =	sld [smem:$0x3FDB];
	s0 =	simm.s32 @p2 $0x1  }
0x17: {  	s4 =	simm.s32 $0x1BF5;
	[smem:$0x3FBA] =	sst s0  }
0x18: {  	s0 =	sld [smem:$0x3F9D];
	_ =	swait.ge [sflag:s4], $0x0  }
0x19: {  	s7 =	sld [smem:$0x3F9E]  }
0x1a: {  	s8 =	sadd.s32 $0xFFFFE003, lr  }
0x1b: {  	s9 =	sadd.s32 $0xFFFFFEF7, lr;
	s5 =	simm.s32 $0xFFFFFFFF;
	p2 =	slt.u32 s8, $0xFFFFF086  }
0x1c: {  	p1 =	slt.u32 s9, $0xF7A;
	s5 =	simm.s32 @!p2 $0x0  }
0x1d: {  	s5 =	simm.s32 @p1 $0x1;
	p0 =	seq.s32 s7, s2  }
0x1e: {  	s7 =	smul.u32 @!p0 $0xF7A, s2;
	p2 =	seq.s32 @!p0 s5, $0x0  }
0x1f: {  	s9 =	smul.u32 $0xF7A, s1;
	s8 =	simm.s32 @!p0 $0x1BF5;
	p2 =	por !p2, p0  }
0x20: {  	[sflag:s8] =	ssyncset.s32 @!p0 $0xFFFFF086;
	s6 =	sadd.s32 @!p0 s3, s7;
	s7 =	simm.s32 @!p0 $0x108  }
0x21: {  	s3 =	sadd.s32 s3, s9;
	s6 =	sadd.s32 @!p0 $0x88, s6;
	s7 =	simm.s32 @p2 $0x1082  }
0x22: {  	[simem:s7], [sflag:s8] =	dma.local @!p0 [hbm:s6], $0xF7A  }
0x23: {  	s9 =	sor.u32 $0xD0000000, s2;
	s6 =	simm.s32 $0x108;
	_ =	swait.ge @!p0 [sflag:s8], $0x0  }
0x24: {  	s3 =	sadd.s32 $0x88, s3;
	s6 =	simm.s32 @!p1 $0x1082;
	[sflag:s4] =	ssyncset.s32 $0xFFFFF086  }
0x25: {  	[simem:s6], [sflag:s4] =	dma.local [hbm:s3], $0xF7A  }
0x26: {  	[smem:$0x3F9E] =	sst s1;
	(tag) =	ssettag s2;
	_ =	strace s9  }
0x27: {  	s1 =	sld [smem:$0x3FAE]  }
0x28: {  	s2 =	sld [smem:$0x3FAF]  }
0x29: {  	s4 =	sld [smem:$0x3FB1]  }
0x2a: {  	p0 =	seq.s32 s5, $0x0;
	s5 =	sld [smem:$0x3FB2]  }
0x2b: {  	s6 =	sld [smem:$0x3FB3]  }
0x2c: {  	s7 =	sld [smem:$0x3FB4]  }
0x2d: {  	s3 =	simm.s32 $0x108;
	s8 =	sld [smem:$0x3FB5]  }
0x2e: {  	s3 =	simm.s32 @!p0 $0x1082;
	s9 =	sld [smem:$0x3FB6]  }
0x2f: {  	lr =	sadd.s32 s0, s3;
	s0 =	sld [smem:$0x3FAD]  }
0x30: {  	s3 =	sld [smem:$0x3FB0]  }
0x31: {  	[smem:$0x3FB9] =	sst s10  }
0x32: {  	s10 =	sld [smem:$0x3FB7];
	_ =	sdelay $0x3  }
0x33: {  	p0 =	seq.s32 s10, $0x1;
	s10 =	sld [smem:$0x3FB9];
	_ =	sdelay $0x3  }
0x34: {  	[smem:$0x3FB9] =	sst s10  }
0x35: {  	s10 =	sld [smem:$0x3FB8];
	_ =	sdelay $0x3  }
0x36: {  	p1 =	seq.s32 s10, $0x1;
	s10 =	sld [smem:$0x3FB9];
	_ =	sdelay $0x3  }
0x37: {  	[smem:$0x3FB9] =	sst s10  }
0x38: {  	s10 =	sld [smem:$0x3FBA]  }
0x39: {  	_ = 	snop;
	(pc) =	sbr.ind lr, $3  }
0x3a: {  	_ = 	snop  }
0x3b: {  	_ = 	snop  }
0x3c: {  	p2 =	seq.s32 s10, $0x1;
	s10 =	sld [smem:$0x3FB9]  }
0x3d: {  	_ =	shalt  }
0x3e: {  	_ =	shalt  }
0x3f: {  	_ =	shalt  }
0x40: {  	_ =	shalt  }
0x41: {  	_ =	shalt  }
0x42: {  	_ =	shalt  }
0x43: {  	_ =	shalt  }
0x44: {  	_ =	shalt  }
0x45: {  	_ =	shalt  }
0x46: {  	_ =	shalt  }
0x47: {  	_ =	shalt  }
0x48: {  	_ =	shalt  }
0x49: {  	_ =	shalt  }
0x4a: {  	_ =	shalt  }
0x4b: {  	_ =	shalt  }
0x4c: {  	_ =	shalt  }
0x4d: {  	_ =	shalt  }
0x4e: {  	_ =	shalt  }
0x4f: {  	_ =	shalt  }
0x50: {  	_ =	shalt  }
0x51: {  	_ =	shalt  }
0x52: {  	_ =	shalt  }
0x53: {  	_ =	shalt  }
0x54: {  	_ =	shalt  }
0x55: {  	_ =	shalt  }
0x56: {  	_ =	shalt  }
0x57: {  	_ =	shalt  }
0x58: {  	_ =	shalt  }
0x59: {  	_ =	shalt  }
0x5a: {  	_ =	shalt  }
0x5b: {  	_ =	shalt  }
0x5c: {  	_ =	shalt  }
0x5d: {  	_ =	shalt  }
0x5e: {  	_ =	shalt  }
0x5f: {  	_ =	shalt  }
0x60: {  	_ =	shalt  }
0x61: {  	_ =	shalt  }
0x62: {  	_ =	shalt  }
0x63: {  	_ =	shalt  }
0x64: {  	_ =	shalt  }
0x65: {  	_ =	shalt  }
0x66: {  	_ =	shalt  }
0x67: {  	_ =	shalt  }
0x68: {  	_ =	shalt  }
0x69: {  	_ =	shalt  }
0x6a: {  	_ =	shalt  }
0x6b: {  	_ =	shalt  }
0x6c: {  	_ =	shalt  }
0x6d: {  	_ =	shalt  }
0x6e: {  	_ =	shalt  }
0x6f: {  	_ =	shalt  }
0x70: {  	_ =	shalt  }
0x71: {  	_ =	shalt  }
0x72: {  	_ =	shalt  }
0x73: {  	_ =	shalt  }
0x74: {  	_ =	shalt  }
0x75: {  	_ =	shalt  }
0x76: {  	_ =	shalt  }
0x77: {  	_ =	shalt  }
0x78: {  	_ =	shalt  }
0x79: {  	_ =	shalt  }
0x7a: {  	_ =	shalt  }
0x7b: {  	_ =	shalt  }
0x7c: {  	_ =	shalt  }
0x7d: {  	_ =	shalt  }
0x7e: {  	_ =	shalt  }
0x7f: {  	_ =	shalt  }
0x80: {  	_ =	shalt  }
0x81: {  	_ =	shalt  }
0x82: {  	_ =	shalt  }
0x83: {  	_ =	shalt  }
0x84: {  	_ =	shalt  }
0x85: {  	_ =	shalt  }
0x86: {  	_ =	shalt  }
0x87: {  	_ =	shalt  }
.Lfunc_end0:
.L_simem_size_0:
called_computation.1_lowered:
.L_overlay_start_0:
0x88: {  	s2 =	sld [smem:$0x3FD9]  }
0x89: {  	s3 =	sld [smem:$0x3FFE];
	_ =	sdelay $0x1  }
0x8a: {  	s1 =	srdreg.scid  }
0x8b: {  	s0 =	sand.u32 $0x1, s1  }
0x8c: {  	s17 =	sshll.u32 s0, $0xA;
	s2 =	sadd.s32 s3, s2  }
0x8d: {  	s2 =	sadd.s32 s2, s17  }
0x8e: {  	[smem:$0x3FC5] =	sst s2  }
0x8f: {  	_ = 	snop  }
0x90: {  	s2 =	sld [smem:$0x3FD0];
	(tm) =	ssettm $0x1  }
0x91: {  	s18 =	sld [smem:$0x3FFB];
	_ =	sdelay $0x3  }
0x92: {  	_ =	strace s18  }
0x93: {  	s3 =	sld [smem:$0x3FFC];
	_ =	sdelay $0x3  }
0x94: {  	_ =	strace s3  }
0x95: {  	s3 =	sld [smem:$0x3FFD];
	_ =	sdelay $0x3  }
0x96: {  	_ =	strace s3  }
0x97: {  	_ =	strace $0x8FFFFFFF  }
0x98: {  	s19 =	sld [smem:$0x3FDB];
	_ =	sdelay $0x1  }
0x99: {  	s4 =	simm.s32 $_scs_section_size  }
0x9a: {  	s5 =	simm.s32 $_size__tile_overlayer_lowered;
	s6 =	simm.s32 $_tile_overlayer_lowered  }
0x9b: {  	s22 =	simm.s32 $0x1BFF;
	s21 =	sshll.u32 s6, $0x1;
	s3 =	sadd.s32 s4, s19  }
0x9c: {  	s7 =	simm.s32 $0x0;
	s20 =	sshll.u32 s5, $0x1;
	s5 =	sadd.s32 s21, s3  }
0x9d: {  	[timem:s7], [sflag:s22] =	dma.local [hbm:s5], s20  }
0x9e: {  	_ =	swait.ge [sflag:s22], s20  }
0x9f: {  	s4 =	ssub.s32 $0x0, s20;
	[sflag:s22] =	ssyncset.done $0x0  }
0xa0: {  	[sflag:s22] =	ssyncadd.s32 s4;
	_ =	sdelay $0x1  }
0xa1: {  	s23 =	simm.s32 $0x1B8B  }
0xa2: {  	_ =	swait.ge [sflag:s23], $0x1  }
0xa3: {  	[sflag:s23] =	ssyncset.done $0x0  }
0xa4: {  	s25 =	simm.s32 $0x1B8E;
	s24 =	sld [smem:$0x3FFE];
	[sflag:s23] =	ssyncadd.s32 $0xFFFFFFFF  }
0xa5: {  	s26 =	simm.s32 $execute0_lowered;
	[smem:$0x3FD2] =	sst s25  }
0xa6: {  	s5 =	sshll.u32 s26, $0x1;
	_ =	strace $0x80000049;
	[dreg:$0x1] =	wrdreg $0xFFFFFFFF  }
0xa7: {  	s28 =	simm.s32 $_size_execute0_lowered;
	s3 =	sadd.s32 s3, s5;
	[dreg:$0x0] =	wrdreg $0x0  }
0xa8: {  	s5 =	sshll.u32 s28, $0x1;
	[dreg:$0x2] =	wrdreg s3  }
0xa9: {  	[dreg:$0x3] =	wrdreg s5  }
0xaa: {  	[dreg:$0x4] =	wrdreg $0xC0  }
0xab: {  	_ =	task [dreg:s7], $0x5FFFF  }
0xac: {  	[dreg:$0x1] =	wrdreg $0xFFFFFFFF  }
0xad: {  	[dreg:$0x0] =	wrdreg $0x60  }
0xae: {  	[dreg:$0x2] =	wrdreg s24  }
0xaf: {  	[dreg:$0x3] =	wrdreg s2  }
0xb0: {  	[dreg:$0x4] =	wrdreg $0x98000  }
0xb1: {  	[dreg:$0x5] =	wrdreg $0x9  }
0xb2: {  	_ =	task.clear_ibuf [dreg:s7], $0x6FFFF;
	_ =	strace $0x90000049  }
0xb3: {  	s29 =	simm.s32 $0x9;
	_ =	strace $0x8000004B  }
0xb4: {  	_ =	swait.ge [sflag:s29], $0x1  }
0xb5: {  	[sflag:s29] =	ssyncadd.s32 $0xFFFFFFFF  }
0xb6: {  	_ =	strace $0x9000004B  }
0xb7: {  	_ =	sfence  }
0xb8: {  	s30 =	sld [smem:$0x0];
	_ =	sdelay $0x2  }
0xb9: {  	s31 =	sshll.u32 s1, $0xD;
	s1 =	sshrl.u32 s1, $0x2  }
0xba: {  	s3 =	sand.u32 $0x4000, s31;
	s1 =	sadd.s32 s1, s30  }
0xbb: {  	s0 =	sor.u32 s3, s0;
	s1 =	sshll.u32 s1, $0x11  }
0xbc: {  	s0 =	sor.u32 s1, s0  }
0xbd: {  	s0 =	sadd.s32 $0x8F2B, s0  }
0xbe: {  	[sflag:s0] =	ssyncadd.remote.s32 $0x1  }
0xbf: {  	_ =	sfence.sel $0xFFFF  }
0xc0: {  	[dreg:$0x0] =	wrdreg $0xFFFFFFFF;
	(pc) =	sbr.abs _section_cstart, $3  }
0xc1: {  	[dreg:$0x1] =	wrdreg $0xFFFFFFFF  }
0xc2: {  	_ =	task.clear_ibuf [dreg:s7], $0x2FFFF;
	_ =	strace $0x9FFFFFFF  }
0xc3: {  	(tm) =	ssettm $0x7FFFFFFF  }
tec
execute0_lowered:
.L_overlay_start_1:
0x0: {  	(tag) =	ssettag $0x1  }
0x1: {  	s0 =	rddreg [dreg:$0x0]  }
0x2: {  	s2 =	rddreg [dreg:$0x1]  }
0x3: {  	s3 =	rddreg [dreg:$0x2]  }
0x4: {  	s1 =	srdreg.scid;
	s12 =	stileid.u32;
	s4 =	simm.s32 $0x0  }
0x5: {  	s1 =	sand.u32 $0x1, s1;
	s5 =	sshll.u32 s12, $0x1;
	[smem:$0x7FF] =	sst s4  }
0x6: {  	s6 =	sadd.s32 $0x16200, s0;
	s7 =	sadd.s32 $0x1C00, s0;
	s13 =	sadd.s32 $0x2A200, s0  }
0x7: {  	s14 =	sadd.s32 $0x51400, s0;
	s23 =	sor.u32 $0x10, s12;
	s30 =	smul.u32 $0x32000, s12  }
0x8: {  	s15 =	smul.u32 $0x1900, s12;
	s5 =	sor.u32 s1, s5;
	_ =	strace $0x8000004A  }
0x9: {  	s8 =	ssub.s32 $0x2, s1;
	s16 =	smul.u32 $0x32000, s23;
	[dreg:$0x4] =	wrdreg s13  }
0xa: {  	s21 =	smul.u32 $0x1900, s23;
	[dreg:$0x5] =	wrdreg s14;
	s19 =	sadd.s32 s13, s15  }
0xb: {  	s22 =	sshrl.u32 s8, $0x1;
	s17 =	sshrl.u32 s30, $0x2;
	[dreg:$0x11] =	wrdreg s19  }
0xc: {  	s0 =	ssub.s32 s8, s22;
	[dreg:$0x13] =	wrdreg s21;
	s22 =	sadd.s32 s14, s15  }
0xd: {  	p0 =	seq.s32 s1, $0x1;
	s18 =	sadd.s32 s17, s3;
	[dreg:$0x14] =	wrdreg s22  }
0xe: {  	s5 =	smul.u32 $0x5000, s5;
	s0 =	smax.u32 s0, $0x1;
	[dreg:$0x10] =	wrdreg s18  }
0xf: {  	s20 =	sshrl.u32 s16, $0x2;
	s23 =	sadd.s32 $0x2800, s18;
	[dreg:$0x15] =	wrdreg s0  }
0x10: {  	s5 =	sshrl.u32 s5, $0x3;
	s1 =	sadd.s32 s20, s3;
	[dreg:$0x16] =	wrdreg s23  }
0x11: {  	p1 =	sgt.u32 s12, $0x8;
	s9 =	sadd.s32 s6, s5;
	[dreg:$0x12] =	wrdreg s1  }
0x12: {  	p2 =	slt.u32 s12, $0x9;
	s24 =	sadd.s32 s7, s5;
	[dreg:$0x6] =	wrdreg s9  }
0x13: {  	s25 =	sadd.s32 $0x200, s5;
	s30 =	sadd.s32 $0x7800, s1;
	[dreg:$0x7] =	wrdreg s24  }
0x14: {  	s13 =	simm.s32 $0x3;
	s11 =	sadd.s32 s6, s25;
	[dreg:$0x1c] =	wrdreg s30  }
0x15: {  	s10 =	sadd.s32 $0x400, s5;
	s9 =	sadd.s32 s7, s25;
	[dreg:$0x8] =	wrdreg s11  }
0x16: {  	s21 =	simm.s32 $0x50;
	s26 =	sadd.s32 s6, s10;
	[dreg:$0x9] =	wrdreg s9  }
0x17: {  	s29 =	sadd.s32 $0x600, s5;
	s28 =	sadd.s32 s7, s10;
	[dreg:$0xa] =	wrdreg s26  }
0x18: {  	s5 =	sadd.s32 $0x800, s5;
	s31 =	sadd.s32 s6, s29;
	[dreg:$0xb] =	wrdreg s28  }
0x19: {  	s8 =	simm.s32 $0x7000;
	s6 =	sadd.s32 s6, s5;
	[dreg:$0xc] =	wrdreg s31  }
0x1a: {  	s15 =	simm.s32 $0x5;
	s5 =	sadd.s32 s7, s5;
	[dreg:$0xe] =	wrdreg s6  }
0x1b: {  	s16 =	simm.s32 $0x0;
	s24 =	sadd.s32 $0x5000, s18;
	[dreg:$0xf] =	wrdreg s5  }
0x1c: {  	s0 =	simm.s32 $0x2000;
	s25 =	sadd.s32 $0x7800, s18;
	[dreg:$0x17] =	wrdreg s24  }
0x1d: {  	s23 =	simm.s32 $0x6;
	s9 =	sadd.s32 s7, s29;
	[dreg:$0x18] =	wrdreg s25  }
.Ltmp0:
0x1e: {  	s26 =	sadd.s32 $0xA000, s18;
	[dreg:$0xd] =	wrdreg s9;
	(pc) =	sbr.rel .LBB2_1-.Ltmp0, $4  }
0x1f: {  	s28 =	sadd.s32 $0x2800, s1;
	s29 =	sadd.s32 $0x5000, s1;
	[dreg:$0x19] =	wrdreg s26  }
0x20: {  	s31 =	sadd.s32 $0xA000, s1;
	s18 =	simm.s32 $0x7;
	[dreg:$0x1a] =	wrdreg s28  }
0x21: {  	s6 =	simm.s32 $0x4800;
	s1 =	simm.s32 $0x1;
	[dreg:$0x1b] =	wrdreg s29  }
0x22: {  	v0 =	vimm.f32 $0.0e+00;
	s11 =	simm.s32 $0x4;
	[dreg:$0x1d] =	wrdreg s31;
	s9 =	simm.s32 $0x2  }
.LBB2_6:
0x23: {  	s12 =	rddreg [dreg:$0x13]  }
0x24: {  	s31 =	rddreg [dreg:$0x12]  }
0x25: {  	s10 =	sadd.s32 s10, s12;
	s12 =	sshrl.u32 s31, $0x3  }
0x26: {  	[hbm:s10], [sflag:s7] =	dma.local [spmem:s12], $0x1900  }
0x27: {  	_ =	swait.ge [sflag:s18], $0x1900  }
0x28: {  	[sflag:s18] =	ssyncset.done $0x0  }
0x29: {  	[sflag:s18] =	ssyncadd.s32 $0xFFFFE700  }
.LBB2_7:
0x2a: {  	s16 =	sadd.s32 $0x1, s16;
	s7 =	rddreg [dreg:$0x15]  }
0x2b: {  	p3 =	sne.s32 s16, s7  }
.Ltmp1:
0x2c: {  	_ = 	snop;
	(pc) =	sbr.rel @!p3 .LBB2_8-.Ltmp1, $1  }
0x2d: {  	_ =	sdelay $0x3  }
.LBB2_1:
0x2e: {  	s7 =	sand.u32 $0xFE00, s4  }
0x2f: {  	s10 =	sand.u32 $0x70, s4;
	s12 =	sshrl.u32 s7, $0x2  }
0x30: {  	s7 =	simm.s32 $0x40;
	s12 =	sor.u32 s10, s12;
	s10 =	simm.s32 $0x0  }
.LBB2_2:
0x31: {  	p3 =	sne.s32 s7, $0x9FC0  }
0x32: {  	[tilespmem:s12+$0x2000] =	vst v0;
	s10 =	sadd.s32 $0x10, s10;
	s12 =	smov.u32 s7;
	s7 =	sadd.s32 $0x40, s7  }
.Ltmp2:
0x33: {  	(pc) =	sbr.rel @p3 .LBB2_2-.Ltmp2, $4  }
0x34: {  	_ = 	snop  }
0x35: {  	s12 =	sand.u32 $0xFE00, s12  }
0x36: {  	s14 =	sand.u32 $0x70, s10;
	s12 =	sshrl.u32 s12, $0x2  }
0x37: {  	s12 =	sor.u32 s14, s12  }
0x38: {  	[tilespmem:s12+$0x2000] =	vst v0;
	s7 =	rddreg [dreg:$0x10]  }
0x39: {  	[spmem:s7] =	stream.linear.scatter [tilespmem:s0], [sflag:$0x7], $0x2800, $0x38;
	[tilespmem:$0x1D080] =	vst v63  }
0x3a: {  	_ =	swait.ge [sflag:s18], $0x2800  }
0x3b: {  	[sflag:s18] =	ssyncset.done $0x0  }
0x3c: {  	s19 =	rddreg [dreg:$0x16];
	[sflag:s18] =	ssyncadd.s32 $0xFFFFD800  }
0x3d: {  	[spmem:s19] =	stream.linear.scatter [tilespmem:s0], [sflag:$0x7], $0x2800, $0x38;
	[tilespmem:$0x1D080] =	vst v63  }
0x3e: {  	_ =	swait.ge [sflag:s18], $0x2800  }
0x3f: {  	[sflag:s18] =	ssyncset.done $0x0  }
0x40: {  	s20 =	rddreg [dreg:$0x17];
	[sflag:s18] =	ssyncadd.s32 $0xFFFFD800  }
0x41: {  	[spmem:s20] =	stream.linear.scatter [tilespmem:s0], [sflag:$0x7], $0x2800, $0x38;
	[tilespmem:$0x1D080] =	vst v63  }
0x42: {  	_ =	swait.ge [sflag:s18], $0x2800  }
0x43: {  	[sflag:s18] =	ssyncset.done $0x0  }
0x44: {  	s22 =	rddreg [dreg:$0x18];
	[sflag:s18] =	ssyncadd.s32 $0xFFFFD800  }
0x45: {  	[spmem:s22] =	stream.linear.scatter [tilespmem:s0], [sflag:$0x7], $0x2800, $0x38;
	[tilespmem:$0x1D080] =	vst v63  }
0x46: {  	_ =	swait.ge [sflag:s18], $0x2800  }
0x47: {  	[sflag:s18] =	ssyncset.done $0x0  }
0x48: {  	s24 =	rddreg [dreg:$0x19];
	[sflag:s18] =	ssyncadd.s32 $0xFFFFD800  }
0x49: {  	[spmem:s24] =	stream.linear.scatter [tilespmem:s0], [sflag:$0x7], $0x2800, $0x38;
	[tilespmem:$0x1D080] =	vst v63  }
0x4a: {  	_ =	swait.ge [sflag:s18], $0x2800  }
0x4b: {  	[sflag:s18] =	ssyncset.done $0x0  }
0x4c: {  	s7 =	simm.s32 @!p1 $0x2000;
	s10 =	rddreg [dreg:$0x12];
	[sflag:s18] =	ssyncadd.s32 $0xFFFFD800  }
0x4d: {  	[spmem:s10] =	stream.linear.scatter @!p1 [tilespmem:s7], [sflag:$0x7], $0x2800, $0x38;
	[tilespmem:$0x1D080] =	vst v63  }
0x4e: {  	s10 =	simm.s32 @!p1 $0x7  }
0x4f: {  	_ =	swait.ge @!p1 [sflag:s10], $0x2800  }
0x50: {  	[sflag:s10] =	ssyncset.done @!p1 $0x0  }
0x51: {  	s12 =	rddreg [dreg:$0x1a];
	[sflag:s10] =	ssyncadd.s32 @!p1 $0xFFFFD800  }
0x52: {  	[spmem:s12] =	stream.linear.scatter @!p1 [tilespmem:s7], [sflag:$0x7], $0x2800, $0x38;
	[tilespmem:$0x1D080] =	vst v63  }
0x53: {  	_ =	swait.ge @!p1 [sflag:s10], $0x2800  }
0x54: {  	[sflag:s10] =	ssyncset.done @!p1 $0x0  }
0x55: {  	s12 =	rddreg [dreg:$0x1b];
	[sflag:s10] =	ssyncadd.s32 @!p1 $0xFFFFD800  }
0x56: {  	[spmem:s12] =	stream.linear.scatter @!p1 [tilespmem:s7], [sflag:$0x7], $0x2800, $0x38;
	[tilespmem:$0x1D080] =	vst v63  }
0x57: {  	_ =	swait.ge @!p1 [sflag:s10], $0x2800  }
0x58: {  	[sflag:s10] =	ssyncset.done @!p1 $0x0  }
0x59: {  	s12 =	rddreg [dreg:$0x1c];
	[sflag:s10] =	ssyncadd.s32 @!p1 $0xFFFFD800  }
0x5a: {  	[spmem:s12] =	stream.linear.scatter @!p1 [tilespmem:s7], [sflag:$0x7], $0x2800, $0x38;
	[tilespmem:$0x1D080] =	vst v63  }
0x5b: {  	_ =	swait.ge @!p1 [sflag:s10], $0x2800  }
0x5c: {  	[sflag:s10] =	ssyncset.done @!p1 $0x0  }
0x5d: {  	s12 =	rddreg [dreg:$0x1d];
	[sflag:s10] =	ssyncadd.s32 @!p1 $0xFFFFD800  }
0x5e: {  	[spmem:s12] =	stream.linear.scatter @!p1 [tilespmem:s7], [sflag:$0x7], $0x2800, $0x38;
	[tilespmem:$0x1D080] =	vst v63  }
0x5f: {  	_ =	swait.ge @!p1 [sflag:s10], $0x2800  }
0x60: {  	[sflag:s10] =	ssyncset.done @!p1 $0x0  }
0x61: {  	[sflag:s10] =	ssyncadd.s32 @!p1 $0xFFFFD800  }
0x62: {  	[bflag:$0x0] =	sbarrier.arrive $0xFFFF  }
0x63: {  	s25 =	rddreg [dreg:$0x6]  }
0x64: {  	[tilespmem:s4], [sflag:$0x7] =	stream.linear.gather [hbm4b:s25+s4], $0xC80, $0x38;
	[tilespmem:$0x1D080] =	vst v63  }
0x65: {  	_ =	swait.ge [sflag:s18], $0xC80  }
0x66: {  	[sflag:s18] =	ssyncset.done $0x0  }
0x67: {  	s5 =	simm.s32 $0x1000;
	s26 =	rddreg [dreg:$0x7];
	[sflag:s18] =	ssyncadd.s32 $0xFFFFF380  }
0x68: {  	[tilespmem:s5], [sflag:$0x7] =	stream.linear.gather [hbm4b:s26+s4], $0xC80, $0x38;
	[tilespmem:$0x1D080] =	vst v63  }
0x69: {  	_ =	swait.ge [sflag:s18], $0xC80  }
0x6a: {  	[sflag:s18] =	ssyncset.done $0x0  }
0x6b: {  	[sflag:s18] =	ssyncadd.s32 $0xFFFFF380  }
0x6c: {  	[tilespmem:s0], [sflag:$0x1] =	stream.indirect.gather [hbm4b:s2+s21], $0x80, s4, s21, $0xb8;
	[tilespmem:$0x1D080] =	vst v63  }
0x6d: {  	s28 =	simm.s32 $0x80  }
0x6e: {  	[tilespmem:s6], [sflag:$0x2] =	stream.indirect.gather [hbm4b:s2+s21], $0x80, s28, s21, $0xb8;
	[tilespmem:$0x1D080] =	vst v63  }
0x6f: {  	_ =	swait.ge [sflag:s1], $0x2800  }
0x70: {  	[sflag:s1] =	ssyncset.done $0x0  }
0x71: {  	[sflag:s1] =	ssyncadd.s32 $0xFFFFD800  }
0x72: {  	[spmem:s3] =	stream.indirect.scatter.add.f32 [tilespmem:s0], [sflag:$0x4], $0x80, s5, s21, $0xb8;
	[tilespmem:$0x1D080] =	vst v63  }
0x73: {  	s29 =	simm.s32 $0x100  }
0x74: {  	[tilespmem:s8], [sflag:$0x3] =	stream.indirect.gather [hbm4b:s2+s21], $0x80, s29, s21, $0xb8;
	[tilespmem:$0x1D080] =	vst v63  }
0x75: {  	_ =	swait.ge [sflag:s9], $0x2800  }
0x76: {  	[sflag:s9] =	ssyncset.done $0x0  }
0x77: {  	s30 =	simm.s32 $0x1080;
	[sflag:s9] =	ssyncadd.s32 $0xFFFFD800  }
0x78: {  	[spmem:s3] =	stream.indirect.scatter.add.f32 [tilespmem:s6], [sflag:$0x5], $0x80, s30, s21, $0xb8;
	[tilespmem:$0x1D080] =	vst v63  }
0x79: {  	_ =	swait.ge [sflag:s11], $0x2800  }
0x7a: {  	[sflag:s11] =	ssyncset.done $0x0  }
0x7b: {  	s31 =	simm.s32 $0x180;
	[sflag:s11] =	ssyncadd.s32 $0xFFFFD800  }
0x7c: {  	[tilespmem:s0], [sflag:$0x1] =	stream.indirect.gather [hbm4b:s2+s21], $0x80, s31, s21, $0xb8;
	[tilespmem:$0x1D080] =	vst v63  }
0x7d: {  	_ =	swait.ge [sflag:s13], $0x2800  }
0x7e: {  	[sflag:s13] =	ssyncset.done $0x0  }
0x7f: {  	s10 =	simm.s32 $0x1100;
	[sflag:s13] =	ssyncadd.s32 $0xFFFFD800  }
0x80: {  	[spmem:s3] =	stream.indirect.scatter.add.f32 [tilespmem:s8], [sflag:$0x6], $0x80, s10, s21, $0xb8;
	[tilespmem:$0x1D080] =	vst v63  }
0x81: {  	_ =	swait.ge [sflag:s15], $0x2800  }
0x82: {  	[sflag:s15] =	ssyncset.done $0x0  }
0x83: {  	s12 =	simm.s32 $0x200;
	[sflag:s15] =	ssyncadd.s32 $0xFFFFD800  }
0x84: {  	[tilespmem:s6], [sflag:$0x2] =	stream.indirect.gather [hbm4b:s2+s21], $0x80, s12, s21, $0xb8;
	[tilespmem:$0x1D080] =	vst v63  }
0x85: {  	_ =	swait.ge [sflag:s1], $0x2800  }
0x86: {  	[sflag:s1] =	ssyncset.done $0x0  }
0x87: {  	s14 =	simm.s32 $0x1180;
	[sflag:s1] =	ssyncadd.s32 $0xFFFFD800  }
0x88: {  	[spmem:s3] =	stream.indirect.scatter.add.f32 [tilespmem:s0], [sflag:$0x4], $0x80, s14, s21, $0xb8;
	[tilespmem:$0x1D080] =	vst v63  }
0x89: {  	_ =	swait.ge [sflag:s23], $0x2800  }
0x8a: {  	[sflag:s23] =	ssyncset.done $0x0  }
0x8b: {  	s17 =	simm.s32 $0x280;
	[sflag:s23] =	ssyncadd.s32 $0xFFFFD800  }
0x8c: {  	[tilespmem:s8], [sflag:$0x3] =	stream.indirect.gather [hbm4b:s2+s21], $0x80, s17, s21, $0xb8;
	[tilespmem:$0x1D080] =	vst v63  }
0x8d: {  	_ =	swait.ge [sflag:s9], $0x2800  }
0x8e: {  	[sflag:s9] =	ssyncset.done $0x0  }
0x8f: {  	s19 =	simm.s32 $0x1200;
	[sflag:s9] =	ssyncadd.s32 $0xFFFFD800  }
0x90: {  	[spmem:s3] =	stream.indirect.scatter.add.f32 [tilespmem:s6], [sflag:$0x5], $0x80, s19, s21, $0xb8;
	[tilespmem:$0x1D080] =	vst v63  }
0x91: {  	_ =	swait.ge [sflag:s11], $0x2800  }
0x92: {  	[sflag:s11] =	ssyncset.done $0x0  }
0x93: {  	s20 =	simm.s32 $0x300;
	[sflag:s11] =	ssyncadd.s32 $0xFFFFD800  }
0x94: {  	[tilespmem:s0], [sflag:$0x1] =	stream.indirect.gather [hbm4b:s2+s21], $0x80, s20, s21, $0xb8;
	[tilespmem:$0x1D080] =	vst v63  }
0x95: {  	_ =	swait.ge [sflag:s13], $0x2800  }
0x96: {  	[sflag:s13] =	ssyncset.done $0x0  }
0x97: {  	s22 =	simm.s32 $0x1280;
	[sflag:s13] =	ssyncadd.s32 $0xFFFFD800  }
0x98: {  	[spmem:s3] =	stream.indirect.scatter.add.f32 [tilespmem:s8], [sflag:$0x6], $0x80, s22, s21, $0xb8;
	[tilespmem:$0x1D080] =	vst v63  }
0x99: {  	_ =	swait.ge [sflag:s15], $0x2800  }
0x9a: {  	[sflag:s15] =	ssyncset.done $0x0  }
0x9b: {  	s24 =	simm.s32 $0x380;
	[sflag:s15] =	ssyncadd.s32 $0xFFFFD800  }
0x9c: {  	[tilespmem:s6], [sflag:$0x2] =	stream.indirect.gather [hbm4b:s2+s21], $0x80, s24, s21, $0xb8;
	[tilespmem:$0x1D080] =	vst v63  }
0x9d: {  	_ =	swait.ge [sflag:s1], $0x2800  }
0x9e: {  	[sflag:s1] =	ssyncset.done $0x0  }
0x9f: {  	s25 =	simm.s32 $0x1300;
	[sflag:s1] =	ssyncadd.s32 $0xFFFFD800  }
0xa0: {  	[spmem:s3] =	stream.indirect.scatter.add.f32 [tilespmem:s0], [sflag:$0x4], $0x80, s25, s21, $0xb8;
	[tilespmem:$0x1D080] =	vst v63  }
0xa1: {  	_ =	swait.ge [sflag:s23], $0x2800  }
0xa2: {  	[sflag:s23] =	ssyncset.done $0x0  }
0xa3: {  	s26 =	simm.s32 $0x400;
	[sflag:s23] =	ssyncadd.s32 $0xFFFFD800  }
0xa4: {  	[tilespmem:s8], [sflag:$0x3] =	stream.indirect.gather [hbm4b:s2+s21], $0x80, s26, s21, $0xb8;
	[tilespmem:$0x1D080] =	vst v63  }
0xa5: {  	_ =	swait.ge [sflag:s9], $0x2800  }
0xa6: {  	[sflag:s9] =	ssyncset.done $0x0  }
0xa7: {  	s28 =	simm.s32 $0x1380;
	[sflag:s9] =	ssyncadd.s32 $0xFFFFD800  }
0xa8: {  	[spmem:s3] =	stream.indirect.scatter.add.f32 [tilespmem:s6], [sflag:$0x5], $0x80, s28, s21, $0xb8;
	[tilespmem:$0x1D080] =	vst v63  }
0xa9: {  	_ =	swait.ge [sflag:s11], $0x2800  }
0xaa: {  	[sflag:s11] =	ssyncset.done $0x0  }
0xab: {  	s29 =	simm.s32 $0x480;
	[sflag:s11] =	ssyncadd.s32 $0xFFFFD800  }
0xac: {  	[tilespmem:s0], [sflag:$0x1] =	stream.indirect.gather [hbm4b:s2+s21], $0x80, s29, s21, $0xb8;
	[tilespmem:$0x1D080] =	vst v63  }
0xad: {  	_ =	swait.ge [sflag:s13], $0x2800  }
0xae: {  	[sflag:s13] =	ssyncset.done $0x0  }
0xaf: {  	s30 =	simm.s32 $0x1400;
	[sflag:s13] =	ssyncadd.s32 $0xFFFFD800  }
0xb0: {  	[spmem:s3] =	stream.indirect.scatter.add.f32 [tilespmem:s8], [sflag:$0x6], $0x80, s30, s21, $0xb8;
	[tilespmem:$0x1D080] =	vst v63  }
0xb1: {  	_ =	swait.ge [sflag:s15], $0x2800  }
0xb2: {  	[sflag:s15] =	ssyncset.done $0x0  }
0xb3: {  	s31 =	simm.s32 $0x500;
	[sflag:s15] =	ssyncadd.s32 $0xFFFFD800  }
0xb4: {  	[tilespmem:s6], [sflag:$0x2] =	stream.indirect.gather [hbm4b:s2+s21], $0x80, s31, s21, $0xb8;
	[tilespmem:$0x1D080] =	vst v63  }
0xb5: {  	_ =	swait.ge [sflag:s1], $0x2800  }
0xb6: {  	[sflag:s1] =	ssyncset.done $0x0  }
0xb7: {  	s17 =	simm.s32 $0x1480;
	[sflag:s1] =	ssyncadd.s32 $0xFFFFD800  }
0xb8: {  	[spmem:s3] =	stream.indirect.scatter.add.f32 [tilespmem:s0], [sflag:$0x4], $0x80, s17, s21, $0xb8;
	[tilespmem:$0x1D080] =	vst v63  }
0xb9: {  	_ =	swait.ge [sflag:s23], $0x2800  }
0xba: {  	[sflag:s23] =	ssyncset.done $0x0  }
0xbb: {  	s19 =	simm.s32 $0x580;
	[sflag:s23] =	ssyncadd.s32 $0xFFFFD800  }
0xbc: {  	[tilespmem:s8], [sflag:$0x3] =	stream.indirect.gather [hbm4b:s2+s21], $0x80, s19, s21, $0xb8;
	[tilespmem:$0x1D080] =	vst v63  }
0xbd: {  	_ =	swait.ge [sflag:s9], $0x2800  }
0xbe: {  	[sflag:s9] =	ssyncset.done $0x0  }
0xbf: {  	s20 =	simm.s32 $0x1500;
	[sflag:s9] =	ssyncadd.s32 $0xFFFFD800  }
0xc0: {  	[spmem:s3] =	stream.indirect.scatter.add.f32 [tilespmem:s6], [sflag:$0x5], $0x80, s20, s21, $0xb8;
	[tilespmem:$0x1D080] =	vst v63  }
0xc1: {  	_ =	swait.ge [sflag:s11], $0x2800  }
0xc2: {  	[sflag:s11] =	ssyncset.done $0x0  }
0xc3: {  	s22 =	simm.s32 $0x600;
	[sflag:s11] =	ssyncadd.s32 $0xFFFFD800  }
0xc4: {  	[tilespmem:s0], [sflag:$0x1] =	stream.indirect.gather [hbm4b:s2+s21], $0x80, s22, s21, $0xb8;
	[tilespmem:$0x1D080] =	vst v63  }
0xc5: {  	_ =	swait.ge [sflag:s13], $0x2800  }
0xc6: {  	[sflag:s13] =	ssyncset.done $0x0  }
0xc7: {  	s24 =	simm.s32 $0x1580;
	[sflag:s13] =	ssyncadd.s32 $0xFFFFD800  }
0xc8: {  	[spmem:s3] =	stream.indirect.scatter.add.f32 [tilespmem:s8], [sflag:$0x6], $0x80, s24, s21, $0xb8;
	[tilespmem:$0x1D080] =	vst v63  }
0xc9: {  	_ =	swait.ge [sflag:s15], $0x2800  }
0xca: {  	[sflag:s15] =	ssyncset.done $0x0  }
0xcb: {  	s25 =	simm.s32 $0x680;
	[sflag:s15] =	ssyncadd.s32 $0xFFFFD800  }
0xcc: {  	[tilespmem:s6], [sflag:$0x2] =	stream.indirect.gather [hbm4b:s2+s21], $0x80, s25, s21, $0xb8;
	[tilespmem:$0x1D080] =	vst v63  }
0xcd: {  	_ =	swait.ge [sflag:s1], $0x2800  }
0xce: {  	[sflag:s1] =	ssyncset.done $0x0  }
0xcf: {  	s26 =	simm.s32 $0x1600;
	[sflag:s1] =	ssyncadd.s32 $0xFFFFD800  }
0xd0: {  	[spmem:s3] =	stream.indirect.scatter.add.f32 [tilespmem:s0], [sflag:$0x4], $0x80, s26, s21, $0xb8;
	[tilespmem:$0x1D080] =	vst v63  }
0xd1: {  	_ =	swait.ge [sflag:s23], $0x2800  }
0xd2: {  	[sflag:s23] =	ssyncset.done $0x0  }
0xd3: {  	s28 =	simm.s32 $0x700;
	[sflag:s23] =	ssyncadd.s32 $0xFFFFD800  }
0xd4: {  	[tilespmem:s8], [sflag:$0x3] =	stream.indirect.gather [hbm4b:s2+s21], $0x80, s28, s21, $0xb8;
	[tilespmem:$0x1D080] =	vst v63  }
0xd5: {  	_ =	swait.ge [sflag:s9], $0x2800  }
0xd6: {  	[sflag:s9] =	ssyncset.done $0x0  }
0xd7: {  	s29 =	simm.s32 $0x1680;
	[sflag:s9] =	ssyncadd.s32 $0xFFFFD800  }
0xd8: {  	[spmem:s3] =	stream.indirect.scatter.add.f32 [tilespmem:s6], [sflag:$0x5], $0x80, s29, s21, $0xb8;
	[tilespmem:$0x1D080] =	vst v63  }
0xd9: {  	_ =	swait.ge [sflag:s11], $0x2800  }
0xda: {  	[sflag:s11] =	ssyncset.done $0x0  }
0xdb: {  	s30 =	simm.s32 $0x780;
	[sflag:s11] =	ssyncadd.s32 $0xFFFFD800  }
0xdc: {  	[tilespmem:s0], [sflag:$0x1] =	stream.indirect.gather [hbm4b:s2+s21], $0x80, s30, s21, $0xb8;
	[tilespmem:$0x1D080] =	vst v63  }
0xdd: {  	_ =	swait.ge [sflag:s13], $0x2800  }
0xde: {  	[sflag:s13] =	ssyncset.done $0x0  }
0xdf: {  	s31 =	simm.s32 $0x1700;
	[sflag:s13] =	ssyncadd.s32 $0xFFFFD800  }
0xe0: {  	[spmem:s3] =	stream.indirect.scatter.add.f32 [tilespmem:s8], [sflag:$0x6], $0x80, s31, s21, $0xb8;
	[tilespmem:$0x1D080] =	vst v63  }
0xe1: {  	_ =	swait.ge [sflag:s15], $0x2800  }
0xe2: {  	[sflag:s15] =	ssyncset.done $0x0  }
0xe3: {  	s7 =	simm.s32 $0x800;
	[sflag:s15] =	ssyncadd.s32 $0xFFFFD800  }
0xe4: {  	[tilespmem:s6], [sflag:$0x2] =	stream.indirect.gather [hbm4b:s2+s21], $0x80, s7, s21, $0xb8;
	[tilespmem:$0x1D080] =	vst v63  }
0xe5: {  	_ =	swait.ge [sflag:s1], $0x2800  }
0xe6: {  	[sflag:s1] =	ssyncset.done $0x0  }
0xe7: {  	s7 =	simm.s32 $0x1780;
	[sflag:s1] =	ssyncadd.s32 $0xFFFFD800  }
0xe8: {  	[spmem:s3] =	stream.indirect.scatter.add.f32 [tilespmem:s0], [sflag:$0x4], $0x80, s7, s21, $0xb8;
	[tilespmem:$0x1D080] =	vst v63  }
0xe9: {  	_ =	swait.ge [sflag:s23], $0x2800  }
0xea: {  	[sflag:s23] =	ssyncset.done $0x0  }
0xeb: {  	s7 =	simm.s32 $0x880;
	[sflag:s23] =	ssyncadd.s32 $0xFFFFD800  }
0xec: {  	[tilespmem:s8], [sflag:$0x3] =	stream.indirect.gather [hbm4b:s2+s21], $0x80, s7, s21, $0xb8;
	[tilespmem:$0x1D080] =	vst v63  }
0xed: {  	_ =	swait.ge [sflag:s9], $0x2800  }
0xee: {  	[sflag:s9] =	ssyncset.done $0x0  }
0xef: {  	s7 =	simm.s32 $0x1800;
	[sflag:s9] =	ssyncadd.s32 $0xFFFFD800  }
0xf0: {  	[spmem:s3] =	stream.indirect.scatter.add.f32 [tilespmem:s6], [sflag:$0x5], $0x80, s7, s21, $0xb8;
	[tilespmem:$0x1D080] =	vst v63  }
0xf1: {  	_ =	swait.ge [sflag:s11], $0x2800  }
0xf2: {  	[sflag:s11] =	ssyncset.done $0x0  }
0xf3: {  	s7 =	simm.s32 $0x900;
	[sflag:s11] =	ssyncadd.s32 $0xFFFFD800  }
0xf4: {  	[tilespmem:s0], [sflag:$0x1] =	stream.indirect.gather [hbm4b:s2+s21], $0x80, s7, s21, $0xb8;
	[tilespmem:$0x1D080] =	vst v63  }
0xf5: {  	_ =	swait.ge [sflag:s13], $0x2800  }
0xf6: {  	[sflag:s13] =	ssyncset.done $0x0  }
0xf7: {  	s7 =	simm.s32 $0x1880;
	[sflag:s13] =	ssyncadd.s32 $0xFFFFD800  }
0xf8: {  	[spmem:s3] =	stream.indirect.scatter.add.f32 [tilespmem:s8], [sflag:$0x6], $0x80, s7, s21, $0xb8;
	[tilespmem:$0x1D080] =	vst v63  }
0xf9: {  	_ =	swait.ge [sflag:s15], $0x2800  }
0xfa: {  	[sflag:s15] =	ssyncset.done $0x0  }
0xfb: {  	s7 =	simm.s32 $0x980;
	[sflag:s15] =	ssyncadd.s32 $0xFFFFD800  }
0xfc: {  	[tilespmem:s6], [sflag:$0x2] =	stream.indirect.gather [hbm4b:s2+s21], $0x80, s7, s21, $0xb8;
	[tilespmem:$0x1D080] =	vst v63  }
0xfd: {  	_ =	swait.ge [sflag:s1], $0x2800  }
0xfe: {  	[sflag:s1] =	ssyncset.done $0x0  }
0xff: {  	s7 =	simm.s32 $0x1900;
	[sflag:s1] =	ssyncadd.s32 $0xFFFFD800  }
0x100: {  	[spmem:s3] =	stream.indirect.scatter.add.f32 [tilespmem:s0], [sflag:$0x4], $0x80, s7, s21, $0xb8;
	[tilespmem:$0x1D080] =	vst v63  }
0x101: {  	_ =	swait.ge [sflag:s23], $0x2800  }
0x102: {  	[sflag:s23] =	ssyncset.done $0x0  }
0x103: {  	s7 =	simm.s32 $0xA00;
	[sflag:s23] =	ssyncadd.s32 $0xFFFFD800  }
0x104: {  	[tilespmem:s8], [sflag:$0x3] =	stream.indirect.gather [hbm4b:s2+s21], $0x80, s7, s21, $0xb8;
	[tilespmem:$0x1D080] =	vst v63  }
0x105: {  	_ =	swait.ge [sflag:s9], $0x2800  }
0x106: {  	[sflag:s9] =	ssyncset.done $0x0  }
0x107: {  	s7 =	simm.s32 $0x1980;
	[sflag:s9] =	ssyncadd.s32 $0xFFFFD800  }
0x108: {  	[spmem:s3] =	stream.indirect.scatter.add.f32 [tilespmem:s6], [sflag:$0x5], $0x80, s7, s21, $0xb8;
	[tilespmem:$0x1D080] =	vst v63  }
0x109: {  	_ =	swait.ge [sflag:s11], $0x2800  }
0x10a: {  	[sflag:s11] =	ssyncset.done $0x0  }
0x10b: {  	s7 =	simm.s32 $0xA80;
	[sflag:s11] =	ssyncadd.s32 $0xFFFFD800  }
0x10c: {  	[tilespmem:s0], [sflag:$0x1] =	stream.indirect.gather [hbm4b:s2+s21], $0x80, s7, s21, $0xb8;
	[tilespmem:$0x1D080] =	vst v63  }
0x10d: {  	_ =	swait.ge [sflag:s13], $0x2800  }
0x10e: {  	[sflag:s13] =	ssyncset.done $0x0  }
0x10f: {  	s7 =	simm.s32 $0x1A00;
	[sflag:s13] =	ssyncadd.s32 $0xFFFFD800  }
0x110: {  	[spmem:s3] =	stream.indirect.scatter.add.f32 [tilespmem:s8], [sflag:$0x6], $0x80, s7, s21, $0xb8;
	[tilespmem:$0x1D080] =	vst v63  }
0x111: {  	_ =	swait.ge [sflag:s15], $0x2800  }
0x112: {  	[sflag:s15] =	ssyncset.done $0x0  }
0x113: {  	s7 =	simm.s32 $0xB00;
	[sflag:s15] =	ssyncadd.s32 $0xFFFFD800  }
0x114: {  	[tilespmem:s6], [sflag:$0x2] =	stream.indirect.gather [hbm4b:s2+s21], $0x80, s7, s21, $0xb8;
	[tilespmem:$0x1D080] =	vst v63  }
0x115: {  	_ =	swait.ge [sflag:s1], $0x2800  }
0x116: {  	[sflag:s1] =	ssyncset.done $0x0  }
0x117: {  	s7 =	simm.s32 $0x1A80;
	[sflag:s1] =	ssyncadd.s32 $0xFFFFD800  }
0x118: {  	[spmem:s3] =	stream.indirect.scatter.add.f32 [tilespmem:s0], [sflag:$0x4], $0x80, s7, s21, $0xb8;
	[tilespmem:$0x1D080] =	vst v63  }
0x119: {  	_ =	swait.ge [sflag:s23], $0x2800  }
0x11a: {  	[sflag:s23] =	ssyncset.done $0x0  }
0x11b: {  	s7 =	simm.s32 $0xB80;
	[sflag:s23] =	ssyncadd.s32 $0xFFFFD800  }
0x11c: {  	[tilespmem:s8], [sflag:$0x3] =	stream.indirect.gather [hbm4b:s2+s21], $0x80, s7, s21, $0xb8;
	[tilespmem:$0x1D080] =	vst v63  }
0x11d: {  	_ =	swait.ge [sflag:s9], $0x2800  }
0x11e: {  	[sflag:s9] =	ssyncset.done $0x0  }
0x11f: {  	s7 =	simm.s32 $0x1B00;
	[sflag:s9] =	ssyncadd.s32 $0xFFFFD800  }
0x120: {  	[spmem:s3] =	stream.indirect.scatter.add.f32 [tilespmem:s6], [sflag:$0x5], $0x80, s7, s21, $0xb8;
	[tilespmem:$0x1D080] =	vst v63  }
0x121: {  	_ =	swait.ge [sflag:s11], $0x2800  }
0x122: {  	[sflag:s11] =	ssyncset.done $0x0  }
0x123: {  	s7 =	simm.s32 $0xC00;
	[sflag:s11] =	ssyncadd.s32 $0xFFFFD800  }
0x124: {  	[tilespmem:s0], [sflag:$0x1] =	stream.indirect.gather [hbm4b:s2+s21], $0x80, s7, s21, $0xb8;
	[tilespmem:$0x1D080] =	vst v63  }
0x125: {  	_ =	swait.ge [sflag:s13], $0x2800  }
0x126: {  	[sflag:s13] =	ssyncset.done $0x0  }
0x127: {  	s7 =	simm.s32 $0x1B80;
	[sflag:s13] =	ssyncadd.s32 $0xFFFFD800  }
0x128: {  	[spmem:s3] =	stream.indirect.scatter.add.f32 [tilespmem:s8], [sflag:$0x6], $0x80, s7, s21, $0xb8;
	[tilespmem:$0x1D080] =	vst v63  }
0x129: {  	_ =	swait.ge [sflag:s1], $0x2800  }
0x12a: {  	[sflag:s1] =	ssyncset.done $0x0  }
0x12b: {  	s7 =	simm.s32 $0x1C00;
	[sflag:s1] =	ssyncadd.s32 $0xFFFFD800  }
0x12c: {  	[spmem:s3] =	stream.indirect.scatter.add.f32 [tilespmem:s0], [sflag:$0x4], $0x80, s7, s21, $0xb8;
	[tilespmem:$0x1D080] =	vst v63  }
0x12d: {  	_ =	swait.ge [sflag:s15], $0x2800  }
0x12e: {  	[sflag:s15] =	ssyncset.done $0x0  }
0x12f: {  	[sflag:s15] =	ssyncadd.s32 $0xFFFFD800  }
0x130: {  	_ =	swait.ge [sflag:s23], $0x2800  }
0x131: {  	[sflag:s23] =	ssyncset.done $0x0  }
0x132: {  	[sflag:s23] =	ssyncadd.s32 $0xFFFFD800  }
0x133: {  	_ =	swait.ge [sflag:s11], $0x2800  }
0x134: {  	[sflag:s11] =	ssyncset.done $0x0  }
0x135: {  	s7 =	rddreg [dreg:$0x8];
	[sflag:s11] =	ssyncadd.s32 $0xFFFFD800  }
0x136: {  	[tilespmem:s4], [sflag:$0x7] =	stream.linear.gather [hbm4b:s7+s4], $0xC80, $0x38;
	[tilespmem:$0x1D080] =	vst v63  }
0x137: {  	_ =	swait.ge [sflag:s18], $0xC80  }
0x138: {  	[sflag:s18] =	ssyncset.done $0x0  }
0x139: {  	s7 =	rddreg [dreg:$0x9];
	[sflag:s18] =	ssyncadd.s32 $0xFFFFF380  }
0x13a: {  	[tilespmem:s5], [sflag:$0x7] =	stream.linear.gather [hbm4b:s7+s4], $0xC80, $0x38;
	[tilespmem:$0x1D080] =	vst v63  }
0x13b: {  	_ =	swait.ge [sflag:s18], $0xC80  }
0x13c: {  	[sflag:s18] =	ssyncset.done $0x0  }
0x13d: {  	[sflag:s18] =	ssyncadd.s32 $0xFFFFF380  }
0x13e: {  	[tilespmem:s0], [sflag:$0x1] =	stream.indirect.gather [hbm4b:s2+s21], $0x80, s4, s21, $0xb8;
	[tilespmem:$0x1D080] =	vst v63  }
0x13f: {  	s7 =	simm.s32 $0x80  }
0x140: {  	[tilespmem:s6], [sflag:$0x2] =	stream.indirect.gather [hbm4b:s2+s21], $0x80, s7, s21, $0xb8;
	[tilespmem:$0x1D080] =	vst v63  }
0x141: {  	_ =	swait.ge [sflag:s1], $0x2800  }
0x142: {  	[sflag:s1] =	ssyncset.done $0x0  }
0x143: {  	[sflag:s1] =	ssyncadd.s32 $0xFFFFD800  }
0x144: {  	[spmem:s3] =	stream.indirect.scatter.add.f32 [tilespmem:s0], [sflag:$0x4], $0x80, s5, s21, $0xb8;
	[tilespmem:$0x1D080] =	vst v63  }
0x145: {  	s7 =	simm.s32 $0x100  }
0x146: {  	[tilespmem:s8], [sflag:$0x3] =	stream.indirect.gather [hbm4b:s2+s21], $0x80, s7, s21, $0xb8;
	[tilespmem:$0x1D080] =	vst v63  }
0x147: {  	_ =	swait.ge [sflag:s9], $0x2800  }
0x148: {  	[sflag:s9] =	ssyncset.done $0x0  }
0x149: {  	s7 =	simm.s32 $0x1080;
	[sflag:s9] =	ssyncadd.s32 $0xFFFFD800  }
0x14a: {  	[spmem:s3] =	stream.indirect.scatter.add.f32 [tilespmem:s6], [sflag:$0x5], $0x80, s7, s21, $0xb8;
	[tilespmem:$0x1D080] =	vst v63  }
0x14b: {  	_ =	swait.ge [sflag:s11], $0x2800  }
0x14c: {  	[sflag:s11] =	ssyncset.done $0x0  }
0x14d: {  	s7 =	simm.s32 $0x180;
	[sflag:s11] =	ssyncadd.s32 $0xFFFFD800  }
0x14e: {  	[tilespmem:s0], [sflag:$0x1] =	stream.indirect.gather [hbm4b:s2+s21], $0x80, s7, s21, $0xb8;
	[tilespmem:$0x1D080] =	vst v63  }
0x14f: {  	_ =	swait.ge [sflag:s13], $0x2800  }
0x150: {  	[sflag:s13] =	ssyncset.done $0x0  }
0x151: {  	s7 =	simm.s32 $0x1100;
	[sflag:s13] =	ssyncadd.s32 $0xFFFFD800  }
0x152: {  	[spmem:s3] =	stream.indirect.scatter.add.f32 [tilespmem:s8], [sflag:$0x6], $0x80, s7, s21, $0xb8;
	[tilespmem:$0x1D080] =	vst v63  }
0x153: {  	_ =	swait.ge [sflag:s15], $0x2800  }
0x154: {  	[sflag:s15] =	ssyncset.done $0x0  }
0x155: {  	s7 =	simm.s32 $0x200;
	[sflag:s15] =	ssyncadd.s32 $0xFFFFD800  }
0x156: {  	[tilespmem:s6], [sflag:$0x2] =	stream.indirect.gather [hbm4b:s2+s21], $0x80, s7, s21, $0xb8;
	[tilespmem:$0x1D080] =	vst v63  }
0x157: {  	_ =	swait.ge [sflag:s1], $0x2800  }
0x158: {  	[sflag:s1] =	ssyncset.done $0x0  }
0x159: {  	s7 =	simm.s32 $0x1180;
	[sflag:s1] =	ssyncadd.s32 $0xFFFFD800  }
0x15a: {  	[spmem:s3] =	stream.indirect.scatter.add.f32 [tilespmem:s0], [sflag:$0x4], $0x80, s7, s21, $0xb8;
	[tilespmem:$0x1D080] =	vst v63  }
0x15b: {  	_ =	swait.ge [sflag:s23], $0x2800  }
0x15c: {  	[sflag:s23] =	ssyncset.done $0x0  }
0x15d: {  	s7 =	simm.s32 $0x280;
	[sflag:s23] =	ssyncadd.s32 $0xFFFFD800  }
0x15e: {  	[tilespmem:s8], [sflag:$0x3] =	stream.indirect.gather [hbm4b:s2+s21], $0x80, s7, s21, $0xb8;
	[tilespmem:$0x1D080] =	vst v63  }
0x15f: {  	_ =	swait.ge [sflag:s9], $0x2800  }
0x160: {  	[sflag:s9] =	ssyncset.done $0x0  }
0x161: {  	s7 =	simm.s32 $0x1200;
	[sflag:s9] =	ssyncadd.s32 $0xFFFFD800  }
0x162: {  	[spmem:s3] =	stream.indirect.scatter.add.f32 [tilespmem:s6], [sflag:$0x5], $0x80, s7, s21, $0xb8;
	[tilespmem:$0x1D080] =	vst v63  }
0x163: {  	_ =	swait.ge [sflag:s11], $0x2800  }
0x164: {  	[sflag:s11] =	ssyncset.done $0x0  }
0x165: {  	s7 =	simm.s32 $0x300;
	[sflag:s11] =	ssyncadd.s32 $0xFFFFD800  }
0x166: {  	[tilespmem:s0], [sflag:$0x1] =	stream.indirect.gather [hbm4b:s2+s21], $0x80, s7, s21, $0xb8;
	[tilespmem:$0x1D080] =	vst v63  }
0x167: {  	_ =	swait.ge [sflag:s13], $0x2800  }
0x168: {  	[sflag:s13] =	ssyncset.done $0x0  }
0x169: {  	s7 =	simm.s32 $0x1280;
	[sflag:s13] =	ssyncadd.s32 $0xFFFFD800  }
0x16a: {  	[spmem:s3] =	stream.indirect.scatter.add.f32 [tilespmem:s8], [sflag:$0x6], $0x80, s7, s21, $0xb8;
	[tilespmem:$0x1D080] =	vst v63  }
0x16b: {  	_ =	swait.ge [sflag:s15], $0x2800  }
0x16c: {  	[sflag:s15] =	ssyncset.done $0x0  }
0x16d: {  	s7 =	simm.s32 $0x380;
	[sflag:s15] =	ssyncadd.s32 $0xFFFFD800  }
0x16e: {  	[tilespmem:s6], [sflag:$0x2] =	stream.indirect.gather [hbm4b:s2+s21], $0x80, s7, s21, $0xb8;
	[tilespmem:$0x1D080] =	vst v63  }
0x16f: {  	_ =	swait.ge [sflag:s1], $0x2800  }
0x170: {  	[sflag:s1] =	ssyncset.done $0x0  }
0x171: {  	s7 =	simm.s32 $0x1300;
	[sflag:s1] =	ssyncadd.s32 $0xFFFFD800  }
0x172: {  	[spmem:s3] =	stream.indirect.scatter.add.f32 [tilespmem:s0], [sflag:$0x4], $0x80, s7, s21, $0xb8;
	[tilespmem:$0x1D080] =	vst v63  }
0x173: {  	_ =	swait.ge [sflag:s23], $0x2800  }
0x174: {  	[sflag:s23] =	ssyncset.done $0x0  }
0x175: {  	s7 =	simm.s32 $0x400;
	[sflag:s23] =	ssyncadd.s32 $0xFFFFD800  }
0x176: {  	[tilespmem:s8], [sflag:$0x3] =	stream.indirect.gather [hbm4b:s2+s21], $0x80, s7, s21, $0xb8;
	[tilespmem:$0x1D080] =	vst v63  }
0x177: {  	_ =	swait.ge [sflag:s9], $0x2800  }
0x178: {  	[sflag:s9] =	ssyncset.done $0x0  }
0x179: {  	s10 =	simm.s32 $0x1380;
	[sflag:s9] =	ssyncadd.s32 $0xFFFFD800  }
0x17a: {  	[spmem:s3] =	stream.indirect.scatter.add.f32 [tilespmem:s6], [sflag:$0x5], $0x80, s10, s21, $0xb8;
	[tilespmem:$0x1D080] =	vst v63  }
0x17b: {  	_ =	swait.ge [sflag:s11], $0x2800  }
0x17c: {  	[sflag:s11] =	ssyncset.done $0x0  }
0x17d: {  	s12 =	simm.s32 $0x480;
	[sflag:s11] =	ssyncadd.s32 $0xFFFFD800  }
0x17e: {  	[tilespmem:s0], [sflag:$0x1] =	stream.indirect.gather [hbm4b:s2+s21], $0x80, s12, s21, $0xb8;
	[tilespmem:$0x1D080] =	vst v63  }
0x17f: {  	_ =	swait.ge [sflag:s13], $0x2800  }
0x180: {  	[sflag:s13] =	ssyncset.done $0x0  }
0x181: {  	s14 =	simm.s32 $0x1400;
	[sflag:s13] =	ssyncadd.s32 $0xFFFFD800  }
0x182: {  	[spmem:s3] =	stream.indirect.scatter.add.f32 [tilespmem:s8], [sflag:$0x6], $0x80, s14, s21, $0xb8;
	[tilespmem:$0x1D080] =	vst v63  }
0x183: {  	_ =	swait.ge [sflag:s15], $0x2800  }
0x184: {  	[sflag:s15] =	ssyncset.done $0x0  }
0x185: {  	s7 =	simm.s32 $0x500;
	[sflag:s15] =	ssyncadd.s32 $0xFFFFD800  }
0x186: {  	[tilespmem:s6], [sflag:$0x2] =	stream.indirect.gather [hbm4b:s2+s21], $0x80, s7, s21, $0xb8;
	[tilespmem:$0x1D080] =	vst v63  }
0x187: {  	_ =	swait.ge [sflag:s1], $0x2800  }
0x188: {  	[sflag:s1] =	ssyncset.done $0x0  }
0x189: {  	s17 =	simm.s32 $0x1480;
	[sflag:s1] =	ssyncadd.s32 $0xFFFFD800  }
0x18a: {  	[spmem:s3] =	stream.indirect.scatter.add.f32 [tilespmem:s0], [sflag:$0x4], $0x80, s17, s21, $0xb8;
	[tilespmem:$0x1D080] =	vst v63  }
0x18b: {  	_ =	swait.ge [sflag:s23], $0x2800  }
0x18c: {  	[sflag:s23] =	ssyncset.done $0x0  }
0x18d: {  	s19 =	simm.s32 $0x580;
	[sflag:s23] =	ssyncadd.s32 $0xFFFFD800  }
0x18e: {  	[tilespmem:s8], [sflag:$0x3] =	stream.indirect.gather [hbm4b:s2+s21], $0x80, s19, s21, $0xb8;
	[tilespmem:$0x1D080] =	vst v63  }
0x18f: {  	_ =	swait.ge [sflag:s9], $0x2800  }
0x190: {  	[sflag:s9] =	ssyncset.done $0x0  }
0x191: {  	s20 =	simm.s32 $0x1500;
	[sflag:s9] =	ssyncadd.s32 $0xFFFFD800  }
0x192: {  	[spmem:s3] =	stream.indirect.scatter.add.f32 [tilespmem:s6], [sflag:$0x5], $0x80, s20, s21, $0xb8;
	[tilespmem:$0x1D080] =	vst v63  }
0x193: {  	_ =	swait.ge [sflag:s11], $0x2800  }
0x194: {  	[sflag:s11] =	ssyncset.done $0x0  }
0x195: {  	s22 =	simm.s32 $0x600;
	[sflag:s11] =	ssyncadd.s32 $0xFFFFD800  }
0x196: {  	[tilespmem:s0], [sflag:$0x1] =	stream.indirect.gather [hbm4b:s2+s21], $0x80, s22, s21, $0xb8;
	[tilespmem:$0x1D080] =	vst v63  }
0x197: {  	_ =	swait.ge [sflag:s13], $0x2800  }
0x198: {  	[sflag:s13] =	ssyncset.done $0x0  }
0x199: {  	s24 =	simm.s32 $0x1580;
	[sflag:s13] =	ssyncadd.s32 $0xFFFFD800  }
0x19a: {  	[spmem:s3] =	stream.indirect.scatter.add.f32 [tilespmem:s8], [sflag:$0x6], $0x80, s24, s21, $0xb8;
	[tilespmem:$0x1D080] =	vst v63  }
0x19b: {  	_ =	swait.ge [sflag:s15], $0x2800  }
0x19c: {  	[sflag:s15] =	ssyncset.done $0x0  }
0x19d: {  	s25 =	simm.s32 $0x680;
	[sflag:s15] =	ssyncadd.s32 $0xFFFFD800  }
0x19e: {  	[tilespmem:s6], [sflag:$0x2] =	stream.indirect.gather [hbm4b:s2+s21], $0x80, s25, s21, $0xb8;
	[tilespmem:$0x1D080] =	vst v63  }
0x19f: {  	_ =	swait.ge [sflag:s1], $0x2800  }
0x1a0: {  	[sflag:s1] =	ssyncset.done $0x0  }
0x1a1: {  	s26 =	simm.s32 $0x1600;
	[sflag:s1] =	ssyncadd.s32 $0xFFFFD800  }
0x1a2: {  	[spmem:s3] =	stream.indirect.scatter.add.f32 [tilespmem:s0], [sflag:$0x4], $0x80, s26, s21, $0xb8;
	[tilespmem:$0x1D080] =	vst v63  }
0x1a3: {  	_ =	swait.ge [sflag:s23], $0x2800  }
0x1a4: {  	[sflag:s23] =	ssyncset.done $0x0  }
0x1a5: {  	s28 =	simm.s32 $0x700;
	[sflag:s23] =	ssyncadd.s32 $0xFFFFD800  }
0x1a6: {  	[tilespmem:s8], [sflag:$0x3] =	stream.indirect.gather [hbm4b:s2+s21], $0x80, s28, s21, $0xb8;
	[tilespmem:$0x1D080] =	vst v63  }
0x1a7: {  	_ =	swait.ge [sflag:s9], $0x2800  }
0x1a8: {  	[sflag:s9] =	ssyncset.done $0x0  }
0x1a9: {  	s29 =	simm.s32 $0x1680;
	[sflag:s9] =	ssyncadd.s32 $0xFFFFD800  }
0x1aa: {  	[spmem:s3] =	stream.indirect.scatter.add.f32 [tilespmem:s6], [sflag:$0x5], $0x80, s29, s21, $0xb8;
	[tilespmem:$0x1D080] =	vst v63  }
0x1ab: {  	_ =	swait.ge [sflag:s11], $0x2800  }
0x1ac: {  	[sflag:s11] =	ssyncset.done $0x0  }
0x1ad: {  	s30 =	simm.s32 $0x780;
	[sflag:s11] =	ssyncadd.s32 $0xFFFFD800  }
0x1ae: {  	[tilespmem:s0], [sflag:$0x1] =	stream.indirect.gather [hbm4b:s2+s21], $0x80, s30, s21, $0xb8;
	[tilespmem:$0x1D080] =	vst v63  }
0x1af: {  	_ =	swait.ge [sflag:s13], $0x2800  }
0x1b0: {  	[sflag:s13] =	ssyncset.done $0x0  }
0x1b1: {  	s31 =	simm.s32 $0x1700;
	[sflag:s13] =	ssyncadd.s32 $0xFFFFD800  }
0x1b2: {  	[spmem:s3] =	stream.indirect.scatter.add.f32 [tilespmem:s8], [sflag:$0x6], $0x80, s31, s21, $0xb8;
	[tilespmem:$0x1D080] =	vst v63  }
0x1b3: {  	_ =	swait.ge [sflag:s15], $0x2800  }
0x1b4: {  	[sflag:s15] =	ssyncset.done $0x0  }
0x1b5: {  	s7 =	simm.s32 $0x800;
	[sflag:s15] =	ssyncadd.s32 $0xFFFFD800  }
0x1b6: {  	[tilespmem:s6], [sflag:$0x2] =	stream.indirect.gather [hbm4b:s2+s21], $0x80, s7, s21, $0xb8;
	[tilespmem:$0x1D080] =	vst v63  }
0x1b7: {  	_ =	swait.ge [sflag:s1], $0x2800  }
0x1b8: {  	[sflag:s1] =	ssyncset.done $0x0  }
0x1b9: {  	s7 =	simm.s32 $0x1780;
	[sflag:s1] =	ssyncadd.s32 $0xFFFFD800  }
0x1ba: {  	[spmem:s3] =	stream.indirect.scatter.add.f32 [tilespmem:s0], [sflag:$0x4], $0x80, s7, s21, $0xb8;
	[tilespmem:$0x1D080] =	vst v63  }
0x1bb: {  	_ =	swait.ge [sflag:s23], $0x2800  }
0x1bc: {  	[sflag:s23] =	ssyncset.done $0x0  }
0x1bd: {  	s7 =	simm.s32 $0x880;
	[sflag:s23] =	ssyncadd.s32 $0xFFFFD800  }
0x1be: {  	[tilespmem:s8], [sflag:$0x3] =	stream.indirect.gather [hbm4b:s2+s21], $0x80, s7, s21, $0xb8;
	[tilespmem:$0x1D080] =	vst v63  }
0x1bf: {  	_ =	swait.ge [sflag:s9], $0x2800  }
0x1c0: {  	[sflag:s9] =	ssyncset.done $0x0  }
0x1c1: {  	s7 =	simm.s32 $0x1800;
	[sflag:s9] =	ssyncadd.s32 $0xFFFFD800  }
0x1c2: {  	[spmem:s3] =	stream.indirect.scatter.add.f32 [tilespmem:s6], [sflag:$0x5], $0x80, s7, s21, $0xb8;
	[tilespmem:$0x1D080] =	vst v63  }
0x1c3: {  	_ =	swait.ge [sflag:s11], $0x2800  }
0x1c4: {  	[sflag:s11] =	ssyncset.done $0x0  }
0x1c5: {  	s7 =	simm.s32 $0x900;
	[sflag:s11] =	ssyncadd.s32 $0xFFFFD800  }
0x1c6: {  	[tilespmem:s0], [sflag:$0x1] =	stream.indirect.gather [hbm4b:s2+s21], $0x80, s7, s21, $0xb8;
	[tilespmem:$0x1D080] =	vst v63  }
0x1c7: {  	_ =	swait.ge [sflag:s13], $0x2800  }
0x1c8: {  	[sflag:s13] =	ssyncset.done $0x0  }
0x1c9: {  	s7 =	simm.s32 $0x1880;
	[sflag:s13] =	ssyncadd.s32 $0xFFFFD800  }
0x1ca: {  	[spmem:s3] =	stream.indirect.scatter.add.f32 [tilespmem:s8], [sflag:$0x6], $0x80, s7, s21, $0xb8;
	[tilespmem:$0x1D080] =	vst v63  }
0x1cb: {  	_ =	swait.ge [sflag:s15], $0x2800  }
0x1cc: {  	[sflag:s15] =	ssyncset.done $0x0  }
0x1cd: {  	s7 =	simm.s32 $0x980;
	[sflag:s15] =	ssyncadd.s32 $0xFFFFD800  }
0x1ce: {  	[tilespmem:s6], [sflag:$0x2] =	stream.indirect.gather [hbm4b:s2+s21], $0x80, s7, s21, $0xb8;
	[tilespmem:$0x1D080] =	vst v63  }
0x1cf: {  	_ =	swait.ge [sflag:s1], $0x2800  }
0x1d0: {  	[sflag:s1] =	ssyncset.done $0x0  }
0x1d1: {  	s7 =	simm.s32 $0x1900;
	[sflag:s1] =	ssyncadd.s32 $0xFFFFD800  }
0x1d2: {  	[spmem:s3] =	stream.indirect.scatter.add.f32 [tilespmem:s0], [sflag:$0x4], $0x80, s7, s21, $0xb8;
	[tilespmem:$0x1D080] =	vst v63  }
0x1d3: {  	_ =	swait.ge [sflag:s23], $0x2800  }
0x1d4: {  	[sflag:s23] =	ssyncset.done $0x0  }
0x1d5: {  	s7 =	simm.s32 $0xA00;
	[sflag:s23] =	ssyncadd.s32 $0xFFFFD800  }
0x1d6: {  	[tilespmem:s8], [sflag:$0x3] =	stream.indirect.gather [hbm4b:s2+s21], $0x80, s7, s21, $0xb8;
	[tilespmem:$0x1D080] =	vst v63  }
0x1d7: {  	_ =	swait.ge [sflag:s9], $0x2800  }
0x1d8: {  	[sflag:s9] =	ssyncset.done $0x0  }
0x1d9: {  	s7 =	simm.s32 $0x1980;
	[sflag:s9] =	ssyncadd.s32 $0xFFFFD800  }
0x1da: {  	[spmem:s3] =	stream.indirect.scatter.add.f32 [tilespmem:s6], [sflag:$0x5], $0x80, s7, s21, $0xb8;
	[tilespmem:$0x1D080] =	vst v63  }
0x1db: {  	_ =	swait.ge [sflag:s11], $0x2800  }
0x1dc: {  	[sflag:s11] =	ssyncset.done $0x0  }
0x1dd: {  	s7 =	simm.s32 $0xA80;
	[sflag:s11] =	ssyncadd.s32 $0xFFFFD800  }
0x1de: {  	[tilespmem:s0], [sflag:$0x1] =	stream.indirect.gather [hbm4b:s2+s21], $0x80, s7, s21, $0xb8;
	[tilespmem:$0x1D080] =	vst v63  }
0x1df: {  	_ =	swait.ge [sflag:s13], $0x2800  }
0x1e0: {  	[sflag:s13] =	ssyncset.done $0x0  }
0x1e1: {  	s7 =	simm.s32 $0x1A00;
	[sflag:s13] =	ssyncadd.s32 $0xFFFFD800  }
0x1e2: {  	[spmem:s3] =	stream.indirect.scatter.add.f32 [tilespmem:s8], [sflag:$0x6], $0x80, s7, s21, $0xb8;
	[tilespmem:$0x1D080] =	vst v63  }
0x1e3: {  	_ =	swait.ge [sflag:s15], $0x2800  }
0x1e4: {  	[sflag:s15] =	ssyncset.done $0x0  }
0x1e5: {  	s7 =	simm.s32 $0xB00;
	[sflag:s15] =	ssyncadd.s32 $0xFFFFD800  }
0x1e6: {  	[tilespmem:s6], [sflag:$0x2] =	stream.indirect.gather [hbm4b:s2+s21], $0x80, s7, s21, $0xb8;
	[tilespmem:$0x1D080] =	vst v63  }
0x1e7: {  	_ =	swait.ge [sflag:s1], $0x2800  }
0x1e8: {  	[sflag:s1] =	ssyncset.done $0x0  }
0x1e9: {  	s7 =	simm.s32 $0x1A80;
	[sflag:s1] =	ssyncadd.s32 $0xFFFFD800  }
0x1ea: {  	[spmem:s3] =	stream.indirect.scatter.add.f32 [tilespmem:s0], [sflag:$0x4], $0x80, s7, s21, $0xb8;
	[tilespmem:$0x1D080] =	vst v63  }
0x1eb: {  	_ =	swait.ge [sflag:s23], $0x2800  }
0x1ec: {  	[sflag:s23] =	ssyncset.done $0x0  }
0x1ed: {  	s7 =	simm.s32 $0xB80;
	[sflag:s23] =	ssyncadd.s32 $0xFFFFD800  }
0x1ee: {  	[tilespmem:s8], [sflag:$0x3] =	stream.indirect.gather [hbm4b:s2+s21], $0x80, s7, s21, $0xb8;
	[tilespmem:$0x1D080] =	vst v63  }
0x1ef: {  	_ =	swait.ge [sflag:s9], $0x2800  }
0x1f0: {  	[sflag:s9] =	ssyncset.done $0x0  }
0x1f1: {  	s7 =	simm.s32 $0x1B00;
	[sflag:s9] =	ssyncadd.s32 $0xFFFFD800  }
0x1f2: {  	[spmem:s3] =	stream.indirect.scatter.add.f32 [tilespmem:s6], [sflag:$0x5], $0x80, s7, s21, $0xb8;
	[tilespmem:$0x1D080] =	vst v63  }
0x1f3: {  	_ =	swait.ge [sflag:s11], $0x2800  }
0x1f4: {  	[sflag:s11] =	ssyncset.done $0x0  }
0x1f5: {  	s7 =	simm.s32 $0xC00;
	[sflag:s11] =	ssyncadd.s32 $0xFFFFD800  }
0x1f6: {  	[tilespmem:s0], [sflag:$0x1] =	stream.indirect.gather [hbm4b:s2+s21], $0x80, s7, s21, $0xb8;
	[tilespmem:$0x1D080] =	vst v63  }
0x1f7: {  	_ =	swait.ge [sflag:s13], $0x2800  }
0x1f8: {  	[sflag:s13] =	ssyncset.done $0x0  }
0x1f9: {  	s7 =	simm.s32 $0x1B80;
	[sflag:s13] =	ssyncadd.s32 $0xFFFFD800  }
0x1fa: {  	[spmem:s3] =	stream.indirect.scatter.add.f32 [tilespmem:s8], [sflag:$0x6], $0x80, s7, s21, $0xb8;
	[tilespmem:$0x1D080] =	vst v63  }
0x1fb: {  	_ =	swait.ge [sflag:s1], $0x2800  }
0x1fc: {  	[sflag:s1] =	ssyncset.done $0x0  }
0x1fd: {  	s7 =	simm.s32 $0x1C00;
	[sflag:s1] =	ssyncadd.s32 $0xFFFFD800  }
0x1fe: {  	[spmem:s3] =	stream.indirect.scatter.add.f32 [tilespmem:s0], [sflag:$0x4], $0x80, s7, s21, $0xb8;
	[tilespmem:$0x1D080] =	vst v63  }
0x1ff: {  	_ =	swait.ge [sflag:s15], $0x2800  }
0x200: {  	[sflag:s15] =	ssyncset.done $0x0  }
0x201: {  	[sflag:s15] =	ssyncadd.s32 $0xFFFFD800  }
0x202: {  	_ =	swait.ge [sflag:s23], $0x2800  }
0x203: {  	[sflag:s23] =	ssyncset.done $0x0  }
0x204: {  	[sflag:s23] =	ssyncadd.s32 $0xFFFFD800  }
0x205: {  	_ =	swait.ge [sflag:s11], $0x2800  }
0x206: {  	[sflag:s11] =	ssyncset.done $0x0  }
0x207: {  	s7 =	rddreg [dreg:$0xa];
	[sflag:s11] =	ssyncadd.s32 $0xFFFFD800  }
0x208: {  	[tilespmem:s4], [sflag:$0x7] =	stream.linear.gather [hbm4b:s7+s4], $0xC80, $0x38;
	[tilespmem:$0x1D080] =	vst v63  }
0x209: {  	_ =	swait.ge [sflag:s18], $0xC80  }
0x20a: {  	[sflag:s18] =	ssyncset.done $0x0  }
0x20b: {  	s7 =	rddreg [dreg:$0xb];
	[sflag:s18] =	ssyncadd.s32 $0xFFFFF380  }
0x20c: {  	[tilespmem:s5], [sflag:$0x7] =	stream.linear.gather [hbm4b:s7+s4], $0xC80, $0x38;
	[tilespmem:$0x1D080] =	vst v63  }
0x20d: {  	_ =	swait.ge [sflag:s18], $0xC80  }
0x20e: {  	[sflag:s18] =	ssyncset.done $0x0  }
0x20f: {  	[sflag:s18] =	ssyncadd.s32 $0xFFFFF380  }
0x210: {  	[tilespmem:s0], [sflag:$0x1] =	stream.indirect.gather [hbm4b:s2+s21], $0x80, s4, s21, $0xb8;
	[tilespmem:$0x1D080] =	vst v63  }
0x211: {  	s7 =	simm.s32 $0x80  }
0x212: {  	[tilespmem:s6], [sflag:$0x2] =	stream.indirect.gather [hbm4b:s2+s21], $0x80, s7, s21, $0xb8;
	[tilespmem:$0x1D080] =	vst v63  }
0x213: {  	_ =	swait.ge [sflag:s1], $0x2800  }
0x214: {  	[sflag:s1] =	ssyncset.done $0x0  }
0x215: {  	[sflag:s1] =	ssyncadd.s32 $0xFFFFD800  }
0x216: {  	[spmem:s3] =	stream.indirect.scatter.add.f32 [tilespmem:s0], [sflag:$0x4], $0x80, s5, s21, $0xb8;
	[tilespmem:$0x1D080] =	vst v63  }
0x217: {  	s7 =	simm.s32 $0x100  }
0x218: {  	[tilespmem:s8], [sflag:$0x3] =	stream.indirect.gather [hbm4b:s2+s21], $0x80, s7, s21, $0xb8;
	[tilespmem:$0x1D080] =	vst v63  }
0x219: {  	_ =	swait.ge [sflag:s9], $0x2800  }
0x21a: {  	[sflag:s9] =	ssyncset.done $0x0  }
0x21b: {  	s7 =	simm.s32 $0x1080;
	[sflag:s9] =	ssyncadd.s32 $0xFFFFD800  }
0x21c: {  	[spmem:s3] =	stream.indirect.scatter.add.f32 [tilespmem:s6], [sflag:$0x5], $0x80, s7, s21, $0xb8;
	[tilespmem:$0x1D080] =	vst v63  }
0x21d: {  	_ =	swait.ge [sflag:s11], $0x2800  }
0x21e: {  	[sflag:s11] =	ssyncset.done $0x0  }
0x21f: {  	s7 =	simm.s32 $0x180;
	[sflag:s11] =	ssyncadd.s32 $0xFFFFD800  }
0x220: {  	[tilespmem:s0], [sflag:$0x1] =	stream.indirect.gather [hbm4b:s2+s21], $0x80, s7, s21, $0xb8;
	[tilespmem:$0x1D080] =	vst v63  }
0x221: {  	_ =	swait.ge [sflag:s13], $0x2800  }
0x222: {  	[sflag:s13] =	ssyncset.done $0x0  }
0x223: {  	s7 =	simm.s32 $0x1100;
	[sflag:s13] =	ssyncadd.s32 $0xFFFFD800  }
0x224: {  	[spmem:s3] =	stream.indirect.scatter.add.f32 [tilespmem:s8], [sflag:$0x6], $0x80, s7, s21, $0xb8;
	[tilespmem:$0x1D080] =	vst v63  }
0x225: {  	_ =	swait.ge [sflag:s15], $0x2800  }
0x226: {  	[sflag:s15] =	ssyncset.done $0x0  }
0x227: {  	s7 =	simm.s32 $0x200;
	[sflag:s15] =	ssyncadd.s32 $0xFFFFD800  }
0x228: {  	[tilespmem:s6], [sflag:$0x2] =	stream.indirect.gather [hbm4b:s2+s21], $0x80, s7, s21, $0xb8;
	[tilespmem:$0x1D080] =	vst v63  }
0x229: {  	_ =	swait.ge [sflag:s1], $0x2800  }
0x22a: {  	[sflag:s1] =	ssyncset.done $0x0  }
0x22b: {  	s7 =	simm.s32 $0x1180;
	[sflag:s1] =	ssyncadd.s32 $0xFFFFD800  }
0x22c: {  	[spmem:s3] =	stream.indirect.scatter.add.f32 [tilespmem:s0], [sflag:$0x4], $0x80, s7, s21, $0xb8;
	[tilespmem:$0x1D080] =	vst v63  }
0x22d: {  	_ =	swait.ge [sflag:s23], $0x2800  }
0x22e: {  	[sflag:s23] =	ssyncset.done $0x0  }
0x22f: {  	s7 =	simm.s32 $0x280;
	[sflag:s23] =	ssyncadd.s32 $0xFFFFD800  }
0x230: {  	[tilespmem:s8], [sflag:$0x3] =	stream.indirect.gather [hbm4b:s2+s21], $0x80, s7, s21, $0xb8;
	[tilespmem:$0x1D080] =	vst v63  }
0x231: {  	_ =	swait.ge [sflag:s9], $0x2800  }
0x232: {  	[sflag:s9] =	ssyncset.done $0x0  }
0x233: {  	s7 =	simm.s32 $0x1200;
	[sflag:s9] =	ssyncadd.s32 $0xFFFFD800  }
0x234: {  	[spmem:s3] =	stream.indirect.scatter.add.f32 [tilespmem:s6], [sflag:$0x5], $0x80, s7, s21, $0xb8;
	[tilespmem:$0x1D080] =	vst v63  }
0x235: {  	_ =	swait.ge [sflag:s11], $0x2800  }
0x236: {  	[sflag:s11] =	ssyncset.done $0x0  }
0x237: {  	s7 =	simm.s32 $0x300;
	[sflag:s11] =	ssyncadd.s32 $0xFFFFD800  }
0x238: {  	[tilespmem:s0], [sflag:$0x1] =	stream.indirect.gather [hbm4b:s2+s21], $0x80, s7, s21, $0xb8;
	[tilespmem:$0x1D080] =	vst v63  }
0x239: {  	_ =	swait.ge [sflag:s13], $0x2800  }
0x23a: {  	[sflag:s13] =	ssyncset.done $0x0  }
0x23b: {  	s7 =	simm.s32 $0x1280;
	[sflag:s13] =	ssyncadd.s32 $0xFFFFD800  }
0x23c: {  	[spmem:s3] =	stream.indirect.scatter.add.f32 [tilespmem:s8], [sflag:$0x6], $0x80, s7, s21, $0xb8;
	[tilespmem:$0x1D080] =	vst v63  }
0x23d: {  	_ =	swait.ge [sflag:s15], $0x2800  }
0x23e: {  	[sflag:s15] =	ssyncset.done $0x0  }
0x23f: {  	s7 =	simm.s32 $0x380;
	[sflag:s15] =	ssyncadd.s32 $0xFFFFD800  }
0x240: {  	[tilespmem:s6], [sflag:$0x2] =	stream.indirect.gather [hbm4b:s2+s21], $0x80, s7, s21, $0xb8;
	[tilespmem:$0x1D080] =	vst v63  }
0x241: {  	_ =	swait.ge [sflag:s1], $0x2800  }
0x242: {  	[sflag:s1] =	ssyncset.done $0x0  }
0x243: {  	s7 =	simm.s32 $0x1300;
	[sflag:s1] =	ssyncadd.s32 $0xFFFFD800  }
0x244: {  	[spmem:s3] =	stream.indirect.scatter.add.f32 [tilespmem:s0], [sflag:$0x4], $0x80, s7, s21, $0xb8;
	[tilespmem:$0x1D080] =	vst v63  }
0x245: {  	_ =	swait.ge [sflag:s23], $0x2800  }
0x246: {  	[sflag:s23] =	ssyncset.done $0x0  }
0x247: {  	s7 =	simm.s32 $0x400;
	[sflag:s23] =	ssyncadd.s32 $0xFFFFD800  }
0x248: {  	[tilespmem:s8], [sflag:$0x3] =	stream.indirect.gather [hbm4b:s2+s21], $0x80, s7, s21, $0xb8;
	[tilespmem:$0x1D080] =	vst v63  }
0x249: {  	_ =	swait.ge [sflag:s9], $0x2800  }
0x24a: {  	[sflag:s9] =	ssyncset.done $0x0  }
0x24b: {  	s10 =	simm.s32 $0x1380;
	[sflag:s9] =	ssyncadd.s32 $0xFFFFD800  }
0x24c: {  	[spmem:s3] =	stream.indirect.scatter.add.f32 [tilespmem:s6], [sflag:$0x5], $0x80, s10, s21, $0xb8;
	[tilespmem:$0x1D080] =	vst v63  }
0x24d: {  	_ =	swait.ge [sflag:s11], $0x2800  }
0x24e: {  	[sflag:s11] =	ssyncset.done $0x0  }
0x24f: {  	s12 =	simm.s32 $0x480;
	[sflag:s11] =	ssyncadd.s32 $0xFFFFD800  }
0x250: {  	[tilespmem:s0], [sflag:$0x1] =	stream.indirect.gather [hbm4b:s2+s21], $0x80, s12, s21, $0xb8;
	[tilespmem:$0x1D080] =	vst v63  }
0x251: {  	_ =	swait.ge [sflag:s13], $0x2800  }
0x252: {  	[sflag:s13] =	ssyncset.done $0x0  }
0x253: {  	s14 =	simm.s32 $0x1400;
	[sflag:s13] =	ssyncadd.s32 $0xFFFFD800  }
0x254: {  	[spmem:s3] =	stream.indirect.scatter.add.f32 [tilespmem:s8], [sflag:$0x6], $0x80, s14, s21, $0xb8;
	[tilespmem:$0x1D080] =	vst v63  }
0x255: {  	_ =	swait.ge [sflag:s15], $0x2800  }
0x256: {  	[sflag:s15] =	ssyncset.done $0x0  }
0x257: {  	s14 =	simm.s32 $0x500;
	[sflag:s15] =	ssyncadd.s32 $0xFFFFD800  }
0x258: {  	[tilespmem:s6], [sflag:$0x2] =	stream.indirect.gather [hbm4b:s2+s21], $0x80, s14, s21, $0xb8;
	[tilespmem:$0x1D080] =	vst v63  }
0x259: {  	_ =	swait.ge [sflag:s1], $0x2800  }
0x25a: {  	[sflag:s1] =	ssyncset.done $0x0  }
0x25b: {  	s17 =	simm.s32 $0x1480;
	[sflag:s1] =	ssyncadd.s32 $0xFFFFD800  }
0x25c: {  	[spmem:s3] =	stream.indirect.scatter.add.f32 [tilespmem:s0], [sflag:$0x4], $0x80, s17, s21, $0xb8;
	[tilespmem:$0x1D080] =	vst v63  }
0x25d: {  	_ =	swait.ge [sflag:s23], $0x2800  }
0x25e: {  	[sflag:s23] =	ssyncset.done $0x0  }
0x25f: {  	s19 =	simm.s32 $0x580;
	[sflag:s23] =	ssyncadd.s32 $0xFFFFD800  }
0x260: {  	[tilespmem:s8], [sflag:$0x3] =	stream.indirect.gather [hbm4b:s2+s21], $0x80, s19, s21, $0xb8;
	[tilespmem:$0x1D080] =	vst v63  }
0x261: {  	_ =	swait.ge [sflag:s9], $0x2800  }
0x262: {  	[sflag:s9] =	ssyncset.done $0x0  }
0x263: {  	s20 =	simm.s32 $0x1500;
	[sflag:s9] =	ssyncadd.s32 $0xFFFFD800  }
0x264: {  	[spmem:s3] =	stream.indirect.scatter.add.f32 [tilespmem:s6], [sflag:$0x5], $0x80, s20, s21, $0xb8;
	[tilespmem:$0x1D080] =	vst v63  }
0x265: {  	_ =	swait.ge [sflag:s11], $0x2800  }
0x266: {  	[sflag:s11] =	ssyncset.done $0x0  }
0x267: {  	s22 =	simm.s32 $0x600;
	[sflag:s11] =	ssyncadd.s32 $0xFFFFD800  }
0x268: {  	[tilespmem:s0], [sflag:$0x1] =	stream.indirect.gather [hbm4b:s2+s21], $0x80, s22, s21, $0xb8;
	[tilespmem:$0x1D080] =	vst v63  }
0x269: {  	_ =	swait.ge [sflag:s13], $0x2800  }
0x26a: {  	[sflag:s13] =	ssyncset.done $0x0  }
0x26b: {  	s24 =	simm.s32 $0x1580;
	[sflag:s13] =	ssyncadd.s32 $0xFFFFD800  }
0x26c: {  	[spmem:s3] =	stream.indirect.scatter.add.f32 [tilespmem:s8], [sflag:$0x6], $0x80, s24, s21, $0xb8;
	[tilespmem:$0x1D080] =	vst v63  }
0x26d: {  	_ =	swait.ge [sflag:s15], $0x2800  }
0x26e: {  	[sflag:s15] =	ssyncset.done $0x0  }
0x26f: {  	s25 =	simm.s32 $0x680;
	[sflag:s15] =	ssyncadd.s32 $0xFFFFD800  }
0x270: {  	[tilespmem:s6], [sflag:$0x2] =	stream.indirect.gather [hbm4b:s2+s21], $0x80, s25, s21, $0xb8;
	[tilespmem:$0x1D080] =	vst v63  }
0x271: {  	_ =	swait.ge [sflag:s1], $0x2800  }
0x272: {  	[sflag:s1] =	ssyncset.done $0x0  }
0x273: {  	s26 =	simm.s32 $0x1600;
	[sflag:s1] =	ssyncadd.s32 $0xFFFFD800  }
0x274: {  	[spmem:s3] =	stream.indirect.scatter.add.f32 [tilespmem:s0], [sflag:$0x4], $0x80, s26, s21, $0xb8;
	[tilespmem:$0x1D080] =	vst v63  }
0x275: {  	_ =	swait.ge [sflag:s23], $0x2800  }
0x276: {  	[sflag:s23] =	ssyncset.done $0x0  }
0x277: {  	s28 =	simm.s32 $0x700;
	[sflag:s23] =	ssyncadd.s32 $0xFFFFD800  }
0x278: {  	[tilespmem:s8], [sflag:$0x3] =	stream.indirect.gather [hbm4b:s2+s21], $0x80, s28, s21, $0xb8;
	[tilespmem:$0x1D080] =	vst v63  }
0x279: {  	_ =	swait.ge [sflag:s9], $0x2800  }
0x27a: {  	[sflag:s9] =	ssyncset.done $0x0  }
0x27b: {  	s29 =	simm.s32 $0x1680;
	[sflag:s9] =	ssyncadd.s32 $0xFFFFD800  }
0x27c: {  	[spmem:s3] =	stream.indirect.scatter.add.f32 [tilespmem:s6], [sflag:$0x5], $0x80, s29, s21, $0xb8;
	[tilespmem:$0x1D080] =	vst v63  }
0x27d: {  	_ =	swait.ge [sflag:s11], $0x2800  }
0x27e: {  	[sflag:s11] =	ssyncset.done $0x0  }
0x27f: {  	s30 =	simm.s32 $0x780;
	[sflag:s11] =	ssyncadd.s32 $0xFFFFD800  }
0x280: {  	[tilespmem:s0], [sflag:$0x1] =	stream.indirect.gather [hbm4b:s2+s21], $0x80, s30, s21, $0xb8;
	[tilespmem:$0x1D080] =	vst v63  }
0x281: {  	_ =	swait.ge [sflag:s13], $0x2800  }
0x282: {  	[sflag:s13] =	ssyncset.done $0x0  }
0x283: {  	s31 =	simm.s32 $0x1700;
	[sflag:s13] =	ssyncadd.s32 $0xFFFFD800  }
0x284: {  	[spmem:s3] =	stream.indirect.scatter.add.f32 [tilespmem:s8], [sflag:$0x6], $0x80, s31, s21, $0xb8;
	[tilespmem:$0x1D080] =	vst v63  }
0x285: {  	_ =	swait.ge [sflag:s15], $0x2800  }
0x286: {  	[sflag:s15] =	ssyncset.done $0x0  }
0x287: {  	s20 =	simm.s32 $0x800;
	[sflag:s15] =	ssyncadd.s32 $0xFFFFD800  }
0x288: {  	[tilespmem:s6], [sflag:$0x2] =	stream.indirect.gather [hbm4b:s2+s21], $0x80, s20, s21, $0xb8;
	[tilespmem:$0x1D080] =	vst v63  }
0x289: {  	_ =	swait.ge [sflag:s1], $0x2800  }
0x28a: {  	[sflag:s1] =	ssyncset.done $0x0  }
0x28b: {  	s22 =	simm.s32 $0x1780;
	[sflag:s1] =	ssyncadd.s32 $0xFFFFD800  }
0x28c: {  	[spmem:s3] =	stream.indirect.scatter.add.f32 [tilespmem:s0], [sflag:$0x4], $0x80, s22, s21, $0xb8;
	[tilespmem:$0x1D080] =	vst v63  }
0x28d: {  	_ =	swait.ge [sflag:s23], $0x2800  }
0x28e: {  	[sflag:s23] =	ssyncset.done $0x0  }
0x28f: {  	s24 =	simm.s32 $0x880;
	[sflag:s23] =	ssyncadd.s32 $0xFFFFD800  }
0x290: {  	[tilespmem:s8], [sflag:$0x3] =	stream.indirect.gather [hbm4b:s2+s21], $0x80, s24, s21, $0xb8;
	[tilespmem:$0x1D080] =	vst v63  }
0x291: {  	_ =	swait.ge [sflag:s9], $0x2800  }
0x292: {  	[sflag:s9] =	ssyncset.done $0x0  }
0x293: {  	s25 =	simm.s32 $0x1800;
	[sflag:s9] =	ssyncadd.s32 $0xFFFFD800  }
0x294: {  	[spmem:s3] =	stream.indirect.scatter.add.f32 [tilespmem:s6], [sflag:$0x5], $0x80, s25, s21, $0xb8;
	[tilespmem:$0x1D080] =	vst v63  }
0x295: {  	_ =	swait.ge [sflag:s11], $0x2800  }
0x296: {  	[sflag:s11] =	ssyncset.done $0x0  }
0x297: {  	s26 =	simm.s32 $0x900;
	[sflag:s11] =	ssyncadd.s32 $0xFFFFD800  }
0x298: {  	[tilespmem:s0], [sflag:$0x1] =	stream.indirect.gather [hbm4b:s2+s21], $0x80, s26, s21, $0xb8;
	[tilespmem:$0x1D080] =	vst v63  }
0x299: {  	_ =	swait.ge [sflag:s13], $0x2800  }
0x29a: {  	[sflag:s13] =	ssyncset.done $0x0  }
0x29b: {  	s28 =	simm.s32 $0x1880;
	[sflag:s13] =	ssyncadd.s32 $0xFFFFD800  }
0x29c: {  	[spmem:s3] =	stream.indirect.scatter.add.f32 [tilespmem:s8], [sflag:$0x6], $0x80, s28, s21, $0xb8;
	[tilespmem:$0x1D080] =	vst v63  }
0x29d: {  	_ =	swait.ge [sflag:s15], $0x2800  }
0x29e: {  	[sflag:s15] =	ssyncset.done $0x0  }
0x29f: {  	s29 =	simm.s32 $0x980;
	[sflag:s15] =	ssyncadd.s32 $0xFFFFD800  }
0x2a0: {  	[tilespmem:s6], [sflag:$0x2] =	stream.indirect.gather [hbm4b:s2+s21], $0x80, s29, s21, $0xb8;
	[tilespmem:$0x1D080] =	vst v63  }
0x2a1: {  	_ =	swait.ge [sflag:s1], $0x2800  }
0x2a2: {  	[sflag:s1] =	ssyncset.done $0x0  }
0x2a3: {  	s30 =	simm.s32 $0x1900;
	[sflag:s1] =	ssyncadd.s32 $0xFFFFD800  }
0x2a4: {  	[spmem:s3] =	stream.indirect.scatter.add.f32 [tilespmem:s0], [sflag:$0x4], $0x80, s30, s21, $0xb8;
	[tilespmem:$0x1D080] =	vst v63  }
0x2a5: {  	_ =	swait.ge [sflag:s23], $0x2800  }
0x2a6: {  	[sflag:s23] =	ssyncset.done $0x0  }
0x2a7: {  	s31 =	simm.s32 $0xA00;
	[sflag:s23] =	ssyncadd.s32 $0xFFFFD800  }
0x2a8: {  	[tilespmem:s8], [sflag:$0x3] =	stream.indirect.gather [hbm4b:s2+s21], $0x80, s31, s21, $0xb8;
	[tilespmem:$0x1D080] =	vst v63  }
0x2a9: {  	_ =	swait.ge [sflag:s9], $0x2800  }
0x2aa: {  	[sflag:s9] =	ssyncset.done $0x0  }
0x2ab: {  	s12 =	simm.s32 $0x1980;
	[sflag:s9] =	ssyncadd.s32 $0xFFFFD800  }
0x2ac: {  	[spmem:s3] =	stream.indirect.scatter.add.f32 [tilespmem:s6], [sflag:$0x5], $0x80, s12, s21, $0xb8;
	[tilespmem:$0x1D080] =	vst v63  }
0x2ad: {  	_ =	swait.ge [sflag:s11], $0x2800  }
0x2ae: {  	[sflag:s11] =	ssyncset.done $0x0  }
0x2af: {  	s14 =	simm.s32 $0xA80;
	[sflag:s11] =	ssyncadd.s32 $0xFFFFD800  }
0x2b0: {  	[tilespmem:s0], [sflag:$0x1] =	stream.indirect.gather [hbm4b:s2+s21], $0x80, s14, s21, $0xb8;
	[tilespmem:$0x1D080] =	vst v63  }
0x2b1: {  	_ =	swait.ge [sflag:s13], $0x2800  }
0x2b2: {  	[sflag:s13] =	ssyncset.done $0x0  }
0x2b3: {  	s17 =	simm.s32 $0x1A00;
	[sflag:s13] =	ssyncadd.s32 $0xFFFFD800  }
0x2b4: {  	[spmem:s3] =	stream.indirect.scatter.add.f32 [tilespmem:s8], [sflag:$0x6], $0x80, s17, s21, $0xb8;
	[tilespmem:$0x1D080] =	vst v63  }
0x2b5: {  	_ =	swait.ge [sflag:s15], $0x2800  }
0x2b6: {  	[sflag:s15] =	ssyncset.done $0x0  }
0x2b7: {  	s19 =	simm.s32 $0xB00;
	[sflag:s15] =	ssyncadd.s32 $0xFFFFD800  }
0x2b8: {  	[tilespmem:s6], [sflag:$0x2] =	stream.indirect.gather [hbm4b:s2+s21], $0x80, s19, s21, $0xb8;
	[tilespmem:$0x1D080] =	vst v63  }
0x2b9: {  	_ =	swait.ge [sflag:s1], $0x2800  }
0x2ba: {  	[sflag:s1] =	ssyncset.done $0x0  }
0x2bb: {  	s20 =	simm.s32 $0x1A80;
	[sflag:s1] =	ssyncadd.s32 $0xFFFFD800  }
0x2bc: {  	[spmem:s3] =	stream.indirect.scatter.add.f32 [tilespmem:s0], [sflag:$0x4], $0x80, s20, s21, $0xb8;
	[tilespmem:$0x1D080] =	vst v63  }
0x2bd: {  	_ =	swait.ge [sflag:s23], $0x2800  }
0x2be: {  	[sflag:s23] =	ssyncset.done $0x0  }
0x2bf: {  	s22 =	simm.s32 $0xB80;
	[sflag:s23] =	ssyncadd.s32 $0xFFFFD800  }
0x2c0: {  	[tilespmem:s8], [sflag:$0x3] =	stream.indirect.gather [hbm4b:s2+s21], $0x80, s22, s21, $0xb8;
	[tilespmem:$0x1D080] =	vst v63  }
0x2c1: {  	_ =	swait.ge [sflag:s9], $0x2800  }
0x2c2: {  	[sflag:s9] =	ssyncset.done $0x0  }
0x2c3: {  	s24 =	simm.s32 $0x1B00;
	[sflag:s9] =	ssyncadd.s32 $0xFFFFD800  }
0x2c4: {  	[spmem:s3] =	stream.indirect.scatter.add.f32 [tilespmem:s6], [sflag:$0x5], $0x80, s24, s21, $0xb8;
	[tilespmem:$0x1D080] =	vst v63  }
0x2c5: {  	_ =	swait.ge [sflag:s11], $0x2800  }
0x2c6: {  	[sflag:s11] =	ssyncset.done $0x0  }
0x2c7: {  	s25 =	simm.s32 $0xC00;
	[sflag:s11] =	ssyncadd.s32 $0xFFFFD800  }
0x2c8: {  	[tilespmem:s0], [sflag:$0x1] =	stream.indirect.gather [hbm4b:s2+s21], $0x80, s25, s21, $0xb8;
	[tilespmem:$0x1D080] =	vst v63  }
0x2c9: {  	_ =	swait.ge [sflag:s13], $0x2800  }
0x2ca: {  	[sflag:s13] =	ssyncset.done $0x0  }
0x2cb: {  	s26 =	simm.s32 $0x1B80;
	[sflag:s13] =	ssyncadd.s32 $0xFFFFD800  }
0x2cc: {  	[spmem:s3] =	stream.indirect.scatter.add.f32 [tilespmem:s8], [sflag:$0x6], $0x80, s26, s21, $0xb8;
	[tilespmem:$0x1D080] =	vst v63  }
0x2cd: {  	_ =	swait.ge [sflag:s1], $0x2800  }
0x2ce: {  	[sflag:s1] =	ssyncset.done $0x0  }
0x2cf: {  	s28 =	simm.s32 $0x1C00;
	[sflag:s1] =	ssyncadd.s32 $0xFFFFD800  }
0x2d0: {  	[spmem:s3] =	stream.indirect.scatter.add.f32 [tilespmem:s0], [sflag:$0x4], $0x80, s28, s21, $0xb8;
	[tilespmem:$0x1D080] =	vst v63  }
0x2d1: {  	_ =	swait.ge [sflag:s15], $0x2800  }
0x2d2: {  	[sflag:s15] =	ssyncset.done $0x0  }
0x2d3: {  	[sflag:s15] =	ssyncadd.s32 $0xFFFFD800  }
0x2d4: {  	_ =	swait.ge [sflag:s23], $0x2800  }
0x2d5: {  	[sflag:s23] =	ssyncset.done $0x0  }
0x2d6: {  	[sflag:s23] =	ssyncadd.s32 $0xFFFFD800  }
0x2d7: {  	_ =	swait.ge [sflag:s11], $0x2800  }
0x2d8: {  	[sflag:s11] =	ssyncset.done $0x0  }
0x2d9: {  	s29 =	rddreg [dreg:$0xc];
	[sflag:s11] =	ssyncadd.s32 $0xFFFFD800  }
0x2da: {  	[tilespmem:s4], [sflag:$0x7] =	stream.linear.gather [hbm4b:s29+s4], $0xC80, $0x38;
	[tilespmem:$0x1D080] =	vst v63  }
0x2db: {  	_ =	swait.ge [sflag:s18], $0xC80  }
0x2dc: {  	[sflag:s18] =	ssyncset.done $0x0  }
0x2dd: {  	s30 =	rddreg [dreg:$0xd];
	[sflag:s18] =	ssyncadd.s32 $0xFFFFF380  }
0x2de: {  	[tilespmem:s5], [sflag:$0x7] =	stream.linear.gather [hbm4b:s30+s4], $0xC80, $0x38;
	[tilespmem:$0x1D080] =	vst v63  }
0x2df: {  	_ =	swait.ge [sflag:s18], $0xC80  }
0x2e0: {  	[sflag:s18] =	ssyncset.done $0x0  }
0x2e1: {  	[sflag:s18] =	ssyncadd.s32 $0xFFFFF380  }
0x2e2: {  	[tilespmem:s0], [sflag:$0x1] =	stream.indirect.gather [hbm4b:s2+s21], $0x80, s4, s21, $0xb8;
	[tilespmem:$0x1D080] =	vst v63  }
0x2e3: {  	s31 =	simm.s32 $0x80  }
0x2e4: {  	[tilespmem:s6], [sflag:$0x2] =	stream.indirect.gather [hbm4b:s2+s21], $0x80, s31, s21, $0xb8;
	[tilespmem:$0x1D080] =	vst v63  }
0x2e5: {  	_ =	swait.ge [sflag:s1], $0x2800  }
0x2e6: {  	[sflag:s1] =	ssyncset.done $0x0  }
0x2e7: {  	[sflag:s1] =	ssyncadd.s32 $0xFFFFD800  }
0x2e8: {  	[spmem:s3] =	stream.indirect.scatter.add.f32 [tilespmem:s0], [sflag:$0x4], $0x80, s5, s21, $0xb8;
	[tilespmem:$0x1D080] =	vst v63  }
0x2e9: {  	s12 =	simm.s32 $0x100  }
0x2ea: {  	[tilespmem:s8], [sflag:$0x3] =	stream.indirect.gather [hbm4b:s2+s21], $0x80, s12, s21, $0xb8;
	[tilespmem:$0x1D080] =	vst v63  }
0x2eb: {  	_ =	swait.ge [sflag:s9], $0x2800  }
0x2ec: {  	[sflag:s9] =	ssyncset.done $0x0  }
0x2ed: {  	s14 =	simm.s32 $0x1080;
	[sflag:s9] =	ssyncadd.s32 $0xFFFFD800  }
0x2ee: {  	[spmem:s3] =	stream.indirect.scatter.add.f32 [tilespmem:s6], [sflag:$0x5], $0x80, s14, s21, $0xb8;
	[tilespmem:$0x1D080] =	vst v63  }
0x2ef: {  	_ =	swait.ge [sflag:s11], $0x2800  }
0x2f0: {  	[sflag:s11] =	ssyncset.done $0x0  }
0x2f1: {  	s17 =	simm.s32 $0x180;
	[sflag:s11] =	ssyncadd.s32 $0xFFFFD800  }
0x2f2: {  	[tilespmem:s0], [sflag:$0x1] =	stream.indirect.gather [hbm4b:s2+s21], $0x80, s17, s21, $0xb8;
	[tilespmem:$0x1D080] =	vst v63  }
0x2f3: {  	_ =	swait.ge [sflag:s13], $0x2800  }
0x2f4: {  	[sflag:s13] =	ssyncset.done $0x0  }
0x2f5: {  	s19 =	simm.s32 $0x1100;
	[sflag:s13] =	ssyncadd.s32 $0xFFFFD800  }
0x2f6: {  	[spmem:s3] =	stream.indirect.scatter.add.f32 [tilespmem:s8], [sflag:$0x6], $0x80, s19, s21, $0xb8;
	[tilespmem:$0x1D080] =	vst v63  }
0x2f7: {  	_ =	swait.ge [sflag:s15], $0x2800  }
0x2f8: {  	[sflag:s15] =	ssyncset.done $0x0  }
0x2f9: {  	s20 =	simm.s32 $0x200;
	[sflag:s15] =	ssyncadd.s32 $0xFFFFD800  }
0x2fa: {  	[tilespmem:s6], [sflag:$0x2] =	stream.indirect.gather [hbm4b:s2+s21], $0x80, s20, s21, $0xb8;
	[tilespmem:$0x1D080] =	vst v63  }
0x2fb: {  	_ =	swait.ge [sflag:s1], $0x2800  }
0x2fc: {  	[sflag:s1] =	ssyncset.done $0x0  }
0x2fd: {  	s22 =	simm.s32 $0x1180;
	[sflag:s1] =	ssyncadd.s32 $0xFFFFD800  }
0x2fe: {  	[spmem:s3] =	stream.indirect.scatter.add.f32 [tilespmem:s0], [sflag:$0x4], $0x80, s22, s21, $0xb8;
	[tilespmem:$0x1D080] =	vst v63  }
0x2ff: {  	_ =	swait.ge [sflag:s23], $0x2800  }
0x300: {  	[sflag:s23] =	ssyncset.done $0x0  }
0x301: {  	s24 =	simm.s32 $0x280;
	[sflag:s23] =	ssyncadd.s32 $0xFFFFD800  }
0x302: {  	[tilespmem:s8], [sflag:$0x3] =	stream.indirect.gather [hbm4b:s2+s21], $0x80, s24, s21, $0xb8;
	[tilespmem:$0x1D080] =	vst v63  }
0x303: {  	_ =	swait.ge [sflag:s9], $0x2800  }
0x304: {  	[sflag:s9] =	ssyncset.done $0x0  }
0x305: {  	s25 =	simm.s32 $0x1200;
	[sflag:s9] =	ssyncadd.s32 $0xFFFFD800  }
0x306: {  	[spmem:s3] =	stream.indirect.scatter.add.f32 [tilespmem:s6], [sflag:$0x5], $0x80, s25, s21, $0xb8;
	[tilespmem:$0x1D080] =	vst v63  }
0x307: {  	_ =	swait.ge [sflag:s11], $0x2800  }
0x308: {  	[sflag:s11] =	ssyncset.done $0x0  }
0x309: {  	s26 =	simm.s32 $0x300;
	[sflag:s11] =	ssyncadd.s32 $0xFFFFD800  }
0x30a: {  	[tilespmem:s0], [sflag:$0x1] =	stream.indirect.gather [hbm4b:s2+s21], $0x80, s26, s21, $0xb8;
	[tilespmem:$0x1D080] =	vst v63  }
0x30b: {  	_ =	swait.ge [sflag:s13], $0x2800  }
0x30c: {  	[sflag:s13] =	ssyncset.done $0x0  }
0x30d: {  	s28 =	simm.s32 $0x1280;
	[sflag:s13] =	ssyncadd.s32 $0xFFFFD800  }
0x30e: {  	[spmem:s3] =	stream.indirect.scatter.add.f32 [tilespmem:s8], [sflag:$0x6], $0x80, s28, s21, $0xb8;
	[tilespmem:$0x1D080] =	vst v63  }
0x30f: {  	_ =	swait.ge [sflag:s15], $0x2800  }
0x310: {  	[sflag:s15] =	ssyncset.done $0x0  }
0x311: {  	s29 =	simm.s32 $0x380;
	[sflag:s15] =	ssyncadd.s32 $0xFFFFD800  }
0x312: {  	[tilespmem:s6], [sflag:$0x2] =	stream.indirect.gather [hbm4b:s2+s21], $0x80, s29, s21, $0xb8;
	[tilespmem:$0x1D080] =	vst v63  }
0x313: {  	_ =	swait.ge [sflag:s1], $0x2800  }
0x314: {  	[sflag:s1] =	ssyncset.done $0x0  }
0x315: {  	s30 =	simm.s32 $0x1300;
	[sflag:s1] =	ssyncadd.s32 $0xFFFFD800  }
0x316: {  	[spmem:s3] =	stream.indirect.scatter.add.f32 [tilespmem:s0], [sflag:$0x4], $0x80, s30, s21, $0xb8;
	[tilespmem:$0x1D080] =	vst v63  }
0x317: {  	_ =	swait.ge [sflag:s23], $0x2800  }
0x318: {  	[sflag:s23] =	ssyncset.done $0x0  }
0x319: {  	s31 =	simm.s32 $0x400;
	[sflag:s23] =	ssyncadd.s32 $0xFFFFD800  }
0x31a: {  	[tilespmem:s8], [sflag:$0x3] =	stream.indirect.gather [hbm4b:s2+s21], $0x80, s31, s21, $0xb8;
	[tilespmem:$0x1D080] =	vst v63  }
0x31b: {  	_ =	swait.ge [sflag:s9], $0x2800  }
0x31c: {  	[sflag:s9] =	ssyncset.done $0x0  }
0x31d: {  	s12 =	simm.s32 $0x1380;
	[sflag:s9] =	ssyncadd.s32 $0xFFFFD800  }
0x31e: {  	[spmem:s3] =	stream.indirect.scatter.add.f32 [tilespmem:s6], [sflag:$0x5], $0x80, s12, s21, $0xb8;
	[tilespmem:$0x1D080] =	vst v63  }
0x31f: {  	_ =	swait.ge [sflag:s11], $0x2800  }
0x320: {  	[sflag:s11] =	ssyncset.done $0x0  }
0x321: {  	s14 =	simm.s32 $0x480;
	[sflag:s11] =	ssyncadd.s32 $0xFFFFD800  }
0x322: {  	[tilespmem:s0], [sflag:$0x1] =	stream.indirect.gather [hbm4b:s2+s21], $0x80, s14, s21, $0xb8;
	[tilespmem:$0x1D080] =	vst v63  }
0x323: {  	_ =	swait.ge [sflag:s13], $0x2800  }
0x324: {  	[sflag:s13] =	ssyncset.done $0x0  }
0x325: {  	s17 =	simm.s32 $0x1400;
	[sflag:s13] =	ssyncadd.s32 $0xFFFFD800  }
0x326: {  	[spmem:s3] =	stream.indirect.scatter.add.f32 [tilespmem:s8], [sflag:$0x6], $0x80, s17, s21, $0xb8;
	[tilespmem:$0x1D080] =	vst v63  }
0x327: {  	_ =	swait.ge [sflag:s15], $0x2800  }
0x328: {  	[sflag:s15] =	ssyncset.done $0x0  }
0x329: {  	s10 =	simm.s32 $0x500;
	[sflag:s15] =	ssyncadd.s32 $0xFFFFD800  }
0x32a: {  	[tilespmem:s6], [sflag:$0x2] =	stream.indirect.gather [hbm4b:s2+s21], $0x80, s10, s21, $0xb8;
	[tilespmem:$0x1D080] =	vst v63  }
0x32b: {  	_ =	swait.ge [sflag:s1], $0x2800  }
0x32c: {  	[sflag:s1] =	ssyncset.done $0x0  }
0x32d: {  	s19 =	simm.s32 $0x1480;
	[sflag:s1] =	ssyncadd.s32 $0xFFFFD800  }
0x32e: {  	[spmem:s3] =	stream.indirect.scatter.add.f32 [tilespmem:s0], [sflag:$0x4], $0x80, s19, s21, $0xb8;
	[tilespmem:$0x1D080] =	vst v63  }
0x32f: {  	_ =	swait.ge [sflag:s23], $0x2800  }
0x330: {  	[sflag:s23] =	ssyncset.done $0x0  }
0x331: {  	s20 =	simm.s32 $0x580;
	[sflag:s23] =	ssyncadd.s32 $0xFFFFD800  }
0x332: {  	[tilespmem:s8], [sflag:$0x3] =	stream.indirect.gather [hbm4b:s2+s21], $0x80, s20, s21, $0xb8;
	[tilespmem:$0x1D080] =	vst v63  }
0x333: {  	_ =	swait.ge [sflag:s9], $0x2800  }
0x334: {  	[sflag:s9] =	ssyncset.done $0x0  }
0x335: {  	s22 =	simm.s32 $0x1500;
	[sflag:s9] =	ssyncadd.s32 $0xFFFFD800  }
0x336: {  	[spmem:s3] =	stream.indirect.scatter.add.f32 [tilespmem:s6], [sflag:$0x5], $0x80, s22, s21, $0xb8;
	[tilespmem:$0x1D080] =	vst v63  }
0x337: {  	_ =	swait.ge [sflag:s11], $0x2800  }
0x338: {  	[sflag:s11] =	ssyncset.done $0x0  }
0x339: {  	s24 =	simm.s32 $0x600;
	[sflag:s11] =	ssyncadd.s32 $0xFFFFD800  }
0x33a: {  	[tilespmem:s0], [sflag:$0x1] =	stream.indirect.gather [hbm4b:s2+s21], $0x80, s24, s21, $0xb8;
	[tilespmem:$0x1D080] =	vst v63  }
0x33b: {  	_ =	swait.ge [sflag:s13], $0x2800  }
0x33c: {  	[sflag:s13] =	ssyncset.done $0x0  }
0x33d: {  	s25 =	simm.s32 $0x1580;
	[sflag:s13] =	ssyncadd.s32 $0xFFFFD800  }
0x33e: {  	[spmem:s3] =	stream.indirect.scatter.add.f32 [tilespmem:s8], [sflag:$0x6], $0x80, s25, s21, $0xb8;
	[tilespmem:$0x1D080] =	vst v63  }
0x33f: {  	_ =	swait.ge [sflag:s15], $0x2800  }
0x340: {  	[sflag:s15] =	ssyncset.done $0x0  }
0x341: {  	s26 =	simm.s32 $0x680;
	[sflag:s15] =	ssyncadd.s32 $0xFFFFD800  }
0x342: {  	[tilespmem:s6], [sflag:$0x2] =	stream.indirect.gather [hbm4b:s2+s21], $0x80, s26, s21, $0xb8;
	[tilespmem:$0x1D080] =	vst v63  }
0x343: {  	_ =	swait.ge [sflag:s1], $0x2800  }
0x344: {  	[sflag:s1] =	ssyncset.done $0x0  }
0x345: {  	s28 =	simm.s32 $0x1600;
	[sflag:s1] =	ssyncadd.s32 $0xFFFFD800  }
0x346: {  	[spmem:s3] =	stream.indirect.scatter.add.f32 [tilespmem:s0], [sflag:$0x4], $0x80, s28, s21, $0xb8;
	[tilespmem:$0x1D080] =	vst v63  }
0x347: {  	_ =	swait.ge [sflag:s23], $0x2800  }
0x348: {  	[sflag:s23] =	ssyncset.done $0x0  }
0x349: {  	s29 =	simm.s32 $0x700;
	[sflag:s23] =	ssyncadd.s32 $0xFFFFD800  }
0x34a: {  	[tilespmem:s8], [sflag:$0x3] =	stream.indirect.gather [hbm4b:s2+s21], $0x80, s29, s21, $0xb8;
	[tilespmem:$0x1D080] =	vst v63  }
0x34b: {  	_ =	swait.ge [sflag:s9], $0x2800  }
0x34c: {  	[sflag:s9] =	ssyncset.done $0x0  }
0x34d: {  	s30 =	simm.s32 $0x1680;
	[sflag:s9] =	ssyncadd.s32 $0xFFFFD800  }
0x34e: {  	[spmem:s3] =	stream.indirect.scatter.add.f32 [tilespmem:s6], [sflag:$0x5], $0x80, s30, s21, $0xb8;
	[tilespmem:$0x1D080] =	vst v63  }
0x34f: {  	_ =	swait.ge [sflag:s11], $0x2800  }
0x350: {  	[sflag:s11] =	ssyncset.done $0x0  }
0x351: {  	s31 =	simm.s32 $0x780;
	[sflag:s11] =	ssyncadd.s32 $0xFFFFD800  }
0x352: {  	[tilespmem:s0], [sflag:$0x1] =	stream.indirect.gather [hbm4b:s2+s21], $0x80, s31, s21, $0xb8;
	[tilespmem:$0x1D080] =	vst v63  }
0x353: {  	_ =	swait.ge [sflag:s13], $0x2800  }
0x354: {  	[sflag:s13] =	ssyncset.done $0x0  }
0x355: {  	s7 =	simm.s32 $0x1700;
	[sflag:s13] =	ssyncadd.s32 $0xFFFFD800  }
0x356: {  	[spmem:s3] =	stream.indirect.scatter.add.f32 [tilespmem:s8], [sflag:$0x6], $0x80, s7, s21, $0xb8;
	[tilespmem:$0x1D080] =	vst v63  }
0x357: {  	_ =	swait.ge [sflag:s15], $0x2800  }
0x358: {  	[sflag:s15] =	ssyncset.done $0x0  }
0x359: {  	s7 =	simm.s32 $0x800;
	[sflag:s15] =	ssyncadd.s32 $0xFFFFD800  }
0x35a: {  	[tilespmem:s6], [sflag:$0x2] =	stream.indirect.gather [hbm4b:s2+s21], $0x80, s7, s21, $0xb8;
	[tilespmem:$0x1D080] =	vst v63  }
0x35b: {  	_ =	swait.ge [sflag:s1], $0x2800  }
0x35c: {  	[sflag:s1] =	ssyncset.done $0x0  }
0x35d: {  	s7 =	simm.s32 $0x1780;
	[sflag:s1] =	ssyncadd.s32 $0xFFFFD800  }
0x35e: {  	[spmem:s3] =	stream.indirect.scatter.add.f32 [tilespmem:s0], [sflag:$0x4], $0x80, s7, s21, $0xb8;
	[tilespmem:$0x1D080] =	vst v63  }
0x35f: {  	_ =	swait.ge [sflag:s23], $0x2800  }
0x360: {  	[sflag:s23] =	ssyncset.done $0x0  }
0x361: {  	s7 =	simm.s32 $0x880;
	[sflag:s23] =	ssyncadd.s32 $0xFFFFD800  }
0x362: {  	[tilespmem:s8], [sflag:$0x3] =	stream.indirect.gather [hbm4b:s2+s21], $0x80, s7, s21, $0xb8;
	[tilespmem:$0x1D080] =	vst v63  }
0x363: {  	_ =	swait.ge [sflag:s9], $0x2800  }
0x364: {  	[sflag:s9] =	ssyncset.done $0x0  }
0x365: {  	s7 =	simm.s32 $0x1800;
	[sflag:s9] =	ssyncadd.s32 $0xFFFFD800  }
0x366: {  	[spmem:s3] =	stream.indirect.scatter.add.f32 [tilespmem:s6], [sflag:$0x5], $0x80, s7, s21, $0xb8;
	[tilespmem:$0x1D080] =	vst v63  }
0x367: {  	_ =	swait.ge [sflag:s11], $0x2800  }
0x368: {  	[sflag:s11] =	ssyncset.done $0x0  }
0x369: {  	s7 =	simm.s32 $0x900;
	[sflag:s11] =	ssyncadd.s32 $0xFFFFD800  }
0x36a: {  	[tilespmem:s0], [sflag:$0x1] =	stream.indirect.gather [hbm4b:s2+s21], $0x80, s7, s21, $0xb8;
	[tilespmem:$0x1D080] =	vst v63  }
0x36b: {  	_ =	swait.ge [sflag:s13], $0x2800  }
0x36c: {  	[sflag:s13] =	ssyncset.done $0x0  }
0x36d: {  	s7 =	simm.s32 $0x1880;
	[sflag:s13] =	ssyncadd.s32 $0xFFFFD800  }
0x36e: {  	[spmem:s3] =	stream.indirect.scatter.add.f32 [tilespmem:s8], [sflag:$0x6], $0x80, s7, s21, $0xb8;
	[tilespmem:$0x1D080] =	vst v63  }
0x36f: {  	_ =	swait.ge [sflag:s15], $0x2800  }
0x370: {  	[sflag:s15] =	ssyncset.done $0x0  }
0x371: {  	s7 =	simm.s32 $0x980;
	[sflag:s15] =	ssyncadd.s32 $0xFFFFD800  }
0x372: {  	[tilespmem:s6], [sflag:$0x2] =	stream.indirect.gather [hbm4b:s2+s21], $0x80, s7, s21, $0xb8;
	[tilespmem:$0x1D080] =	vst v63  }
0x373: {  	_ =	swait.ge [sflag:s1], $0x2800  }
0x374: {  	[sflag:s1] =	ssyncset.done $0x0  }
0x375: {  	s7 =	simm.s32 $0x1900;
	[sflag:s1] =	ssyncadd.s32 $0xFFFFD800  }
0x376: {  	[spmem:s3] =	stream.indirect.scatter.add.f32 [tilespmem:s0], [sflag:$0x4], $0x80, s7, s21, $0xb8;
	[tilespmem:$0x1D080] =	vst v63  }
0x377: {  	_ =	swait.ge [sflag:s23], $0x2800  }
0x378: {  	[sflag:s23] =	ssyncset.done $0x0  }
0x379: {  	s7 =	simm.s32 $0xA00;
	[sflag:s23] =	ssyncadd.s32 $0xFFFFD800  }
0x37a: {  	[tilespmem:s8], [sflag:$0x3] =	stream.indirect.gather [hbm4b:s2+s21], $0x80, s7, s21, $0xb8;
	[tilespmem:$0x1D080] =	vst v63  }
0x37b: {  	_ =	swait.ge [sflag:s9], $0x2800  }
0x37c: {  	[sflag:s9] =	ssyncset.done $0x0  }
0x37d: {  	s7 =	simm.s32 $0x1980;
	[sflag:s9] =	ssyncadd.s32 $0xFFFFD800  }
0x37e: {  	[spmem:s3] =	stream.indirect.scatter.add.f32 [tilespmem:s6], [sflag:$0x5], $0x80, s7, s21, $0xb8;
	[tilespmem:$0x1D080] =	vst v63  }
0x37f: {  	_ =	swait.ge [sflag:s11], $0x2800  }
0x380: {  	[sflag:s11] =	ssyncset.done $0x0  }
0x381: {  	s7 =	simm.s32 $0xA80;
	[sflag:s11] =	ssyncadd.s32 $0xFFFFD800  }
0x382: {  	[tilespmem:s0], [sflag:$0x1] =	stream.indirect.gather [hbm4b:s2+s21], $0x80, s7, s21, $0xb8;
	[tilespmem:$0x1D080] =	vst v63  }
0x383: {  	_ =	swait.ge [sflag:s13], $0x2800  }
0x384: {  	[sflag:s13] =	ssyncset.done $0x0  }
0x385: {  	s7 =	simm.s32 $0x1A00;
	[sflag:s13] =	ssyncadd.s32 $0xFFFFD800  }
0x386: {  	[spmem:s3] =	stream.indirect.scatter.add.f32 [tilespmem:s8], [sflag:$0x6], $0x80, s7, s21, $0xb8;
	[tilespmem:$0x1D080] =	vst v63  }
0x387: {  	_ =	swait.ge [sflag:s15], $0x2800  }
0x388: {  	[sflag:s15] =	ssyncset.done $0x0  }
0x389: {  	s7 =	simm.s32 $0xB00;
	[sflag:s15] =	ssyncadd.s32 $0xFFFFD800  }
0x38a: {  	[tilespmem:s6], [sflag:$0x2] =	stream.indirect.gather [hbm4b:s2+s21], $0x80, s7, s21, $0xb8;
	[tilespmem:$0x1D080] =	vst v63  }
0x38b: {  	_ =	swait.ge [sflag:s1], $0x2800  }
0x38c: {  	[sflag:s1] =	ssyncset.done $0x0  }
0x38d: {  	s7 =	simm.s32 $0x1A80;
	[sflag:s1] =	ssyncadd.s32 $0xFFFFD800  }
0x38e: {  	[spmem:s3] =	stream.indirect.scatter.add.f32 [tilespmem:s0], [sflag:$0x4], $0x80, s7, s21, $0xb8;
	[tilespmem:$0x1D080] =	vst v63  }
0x38f: {  	_ =	swait.ge [sflag:s23], $0x2800  }
0x390: {  	[sflag:s23] =	ssyncset.done $0x0  }
0x391: {  	s7 =	simm.s32 $0xB80;
	[sflag:s23] =	ssyncadd.s32 $0xFFFFD800  }
0x392: {  	[tilespmem:s8], [sflag:$0x3] =	stream.indirect.gather [hbm4b:s2+s21], $0x80, s7, s21, $0xb8;
	[tilespmem:$0x1D080] =	vst v63  }
0x393: {  	_ =	swait.ge [sflag:s9], $0x2800  }
0x394: {  	[sflag:s9] =	ssyncset.done $0x0  }
0x395: {  	s7 =	simm.s32 $0x1B00;
	[sflag:s9] =	ssyncadd.s32 $0xFFFFD800  }
0x396: {  	[spmem:s3] =	stream.indirect.scatter.add.f32 [tilespmem:s6], [sflag:$0x5], $0x80, s7, s21, $0xb8;
	[tilespmem:$0x1D080] =	vst v63  }
0x397: {  	_ =	swait.ge [sflag:s11], $0x2800  }
0x398: {  	[sflag:s11] =	ssyncset.done $0x0  }
0x399: {  	s7 =	simm.s32 $0xC00;
	[sflag:s11] =	ssyncadd.s32 $0xFFFFD800  }
0x39a: {  	[tilespmem:s0], [sflag:$0x1] =	stream.indirect.gather [hbm4b:s2+s21], $0x80, s7, s21, $0xb8;
	[tilespmem:$0x1D080] =	vst v63  }
0x39b: {  	_ =	swait.ge [sflag:s13], $0x2800  }
0x39c: {  	[sflag:s13] =	ssyncset.done $0x0  }
0x39d: {  	s7 =	simm.s32 $0x1B80;
	[sflag:s13] =	ssyncadd.s32 $0xFFFFD800  }
0x39e: {  	[spmem:s3] =	stream.indirect.scatter.add.f32 [tilespmem:s8], [sflag:$0x6], $0x80, s7, s21, $0xb8;
	[tilespmem:$0x1D080] =	vst v63  }
0x39f: {  	_ =	swait.ge [sflag:s1], $0x2800  }
0x3a0: {  	[sflag:s1] =	ssyncset.done $0x0  }
0x3a1: {  	s7 =	simm.s32 $0x1C00;
	[sflag:s1] =	ssyncadd.s32 $0xFFFFD800  }
0x3a2: {  	[spmem:s3] =	stream.indirect.scatter.add.f32 [tilespmem:s0], [sflag:$0x4], $0x80, s7, s21, $0xb8;
	[tilespmem:$0x1D080] =	vst v63  }
0x3a3: {  	_ =	swait.ge [sflag:s15], $0x2800  }
0x3a4: {  	[sflag:s15] =	ssyncset.done $0x0  }
0x3a5: {  	[sflag:s15] =	ssyncadd.s32 $0xFFFFD800  }
0x3a6: {  	_ =	swait.ge [sflag:s23], $0x2800  }
0x3a7: {  	[sflag:s23] =	ssyncset.done $0x0  }
0x3a8: {  	[sflag:s23] =	ssyncadd.s32 $0xFFFFD800  }
0x3a9: {  	_ =	swait.ge [sflag:s11], $0x2800  }
0x3aa: {  	[sflag:s11] =	ssyncset.done $0x0  }
0x3ab: {  	s7 =	rddreg [dreg:$0xe];
	[sflag:s11] =	ssyncadd.s32 $0xFFFFD800  }
0x3ac: {  	[tilespmem:s4], [sflag:$0x7] =	stream.linear.gather [hbm4b:s7+s4], $0xC80, $0x38;
	[tilespmem:$0x1D080] =	vst v63  }
0x3ad: {  	_ =	swait.ge [sflag:s18], $0xC80  }
0x3ae: {  	[sflag:s18] =	ssyncset.done $0x0  }
0x3af: {  	s7 =	rddreg [dreg:$0xf];
	[sflag:s18] =	ssyncadd.s32 $0xFFFFF380  }
0x3b0: {  	[tilespmem:s5], [sflag:$0x7] =	stream.linear.gather [hbm4b:s7+s4], $0xC80, $0x38;
	[tilespmem:$0x1D080] =	vst v63  }
0x3b1: {  	_ =	swait.ge [sflag:s18], $0xC80  }
0x3b2: {  	[sflag:s18] =	ssyncset.done $0x0  }
0x3b3: {  	[sflag:s18] =	ssyncadd.s32 $0xFFFFF380  }
0x3b4: {  	[tilespmem:s0], [sflag:$0x1] =	stream.indirect.gather [hbm4b:s2+s21], $0x80, s4, s21, $0xb8;
	[tilespmem:$0x1D080] =	vst v63  }
0x3b5: {  	s7 =	simm.s32 $0x80  }
0x3b6: {  	[tilespmem:s6], [sflag:$0x2] =	stream.indirect.gather [hbm4b:s2+s21], $0x80, s7, s21, $0xb8;
	[tilespmem:$0x1D080] =	vst v63  }
0x3b7: {  	_ =	swait.ge [sflag:s1], $0x2800  }
0x3b8: {  	[sflag:s1] =	ssyncset.done $0x0  }
0x3b9: {  	[sflag:s1] =	ssyncadd.s32 $0xFFFFD800  }
0x3ba: {  	[spmem:s3] =	stream.indirect.scatter.add.f32 [tilespmem:s0], [sflag:$0x4], $0x80, s5, s21, $0xb8;
	[tilespmem:$0x1D080] =	vst v63  }
0x3bb: {  	s7 =	simm.s32 $0x100  }
0x3bc: {  	[tilespmem:s8], [sflag:$0x3] =	stream.indirect.gather [hbm4b:s2+s21], $0x80, s7, s21, $0xb8;
	[tilespmem:$0x1D080] =	vst v63  }
0x3bd: {  	_ =	swait.ge [sflag:s9], $0x2800  }
0x3be: {  	[sflag:s9] =	ssyncset.done $0x0  }
0x3bf: {  	s7 =	simm.s32 $0x1080;
	[sflag:s9] =	ssyncadd.s32 $0xFFFFD800  }
0x3c0: {  	[spmem:s3] =	stream.indirect.scatter.add.f32 [tilespmem:s6], [sflag:$0x5], $0x80, s7, s21, $0xb8;
	[tilespmem:$0x1D080] =	vst v63  }
0x3c1: {  	_ =	swait.ge [sflag:s11], $0x2800  }
0x3c2: {  	[sflag:s11] =	ssyncset.done $0x0  }
0x3c3: {  	s7 =	simm.s32 $0x180;
	[sflag:s11] =	ssyncadd.s32 $0xFFFFD800  }
0x3c4: {  	[tilespmem:s0], [sflag:$0x1] =	stream.indirect.gather [hbm4b:s2+s21], $0x80, s7, s21, $0xb8;
	[tilespmem:$0x1D080] =	vst v63  }
0x3c5: {  	_ =	swait.ge [sflag:s13], $0x2800  }
0x3c6: {  	[sflag:s13] =	ssyncset.done $0x0  }
0x3c7: {  	s7 =	simm.s32 $0x1100;
	[sflag:s13] =	ssyncadd.s32 $0xFFFFD800  }
0x3c8: {  	[spmem:s3] =	stream.indirect.scatter.add.f32 [tilespmem:s8], [sflag:$0x6], $0x80, s7, s21, $0xb8;
	[tilespmem:$0x1D080] =	vst v63  }
0x3c9: {  	_ =	swait.ge [sflag:s15], $0x2800  }
0x3ca: {  	[sflag:s15] =	ssyncset.done $0x0  }
0x3cb: {  	s7 =	simm.s32 $0x200;
	[sflag:s15] =	ssyncadd.s32 $0xFFFFD800  }
0x3cc: {  	[tilespmem:s6], [sflag:$0x2] =	stream.indirect.gather [hbm4b:s2+s21], $0x80, s7, s21, $0xb8;
	[tilespmem:$0x1D080] =	vst v63  }
0x3cd: {  	_ =	swait.ge [sflag:s1], $0x2800  }
0x3ce: {  	[sflag:s1] =	ssyncset.done $0x0  }
0x3cf: {  	s7 =	simm.s32 $0x1180;
	[sflag:s1] =	ssyncadd.s32 $0xFFFFD800  }
0x3d0: {  	[spmem:s3] =	stream.indirect.scatter.add.f32 [tilespmem:s0], [sflag:$0x4], $0x80, s7, s21, $0xb8;
	[tilespmem:$0x1D080] =	vst v63  }
0x3d1: {  	_ =	swait.ge [sflag:s23], $0x2800  }
0x3d2: {  	[sflag:s23] =	ssyncset.done $0x0  }
0x3d3: {  	s7 =	simm.s32 $0x280;
	[sflag:s23] =	ssyncadd.s32 $0xFFFFD800  }
0x3d4: {  	[tilespmem:s8], [sflag:$0x3] =	stream.indirect.gather [hbm4b:s2+s21], $0x80, s7, s21, $0xb8;
	[tilespmem:$0x1D080] =	vst v63  }
0x3d5: {  	_ =	swait.ge [sflag:s9], $0x2800  }
0x3d6: {  	[sflag:s9] =	ssyncset.done $0x0  }
0x3d7: {  	s7 =	simm.s32 $0x1200;
	[sflag:s9] =	ssyncadd.s32 $0xFFFFD800  }
0x3d8: {  	[spmem:s3] =	stream.indirect.scatter.add.f32 [tilespmem:s6], [sflag:$0x5], $0x80, s7, s21, $0xb8;
	[tilespmem:$0x1D080] =	vst v63  }
0x3d9: {  	_ =	swait.ge [sflag:s11], $0x2800  }
0x3da: {  	[sflag:s11] =	ssyncset.done $0x0  }
0x3db: {  	s7 =	simm.s32 $0x300;
	[sflag:s11] =	ssyncadd.s32 $0xFFFFD800  }
0x3dc: {  	[tilespmem:s0], [sflag:$0x1] =	stream.indirect.gather [hbm4b:s2+s21], $0x80, s7, s21, $0xb8;
	[tilespmem:$0x1D080] =	vst v63  }
0x3dd: {  	_ =	swait.ge [sflag:s13], $0x2800  }
0x3de: {  	[sflag:s13] =	ssyncset.done $0x0  }
0x3df: {  	s7 =	simm.s32 $0x1280;
	[sflag:s13] =	ssyncadd.s32 $0xFFFFD800  }
0x3e0: {  	[spmem:s3] =	stream.indirect.scatter.add.f32 [tilespmem:s8], [sflag:$0x6], $0x80, s7, s21, $0xb8;
	[tilespmem:$0x1D080] =	vst v63  }
0x3e1: {  	_ =	swait.ge [sflag:s15], $0x2800  }
0x3e2: {  	[sflag:s15] =	ssyncset.done $0x0  }
0x3e3: {  	s7 =	simm.s32 $0x380;
	[sflag:s15] =	ssyncadd.s32 $0xFFFFD800  }
0x3e4: {  	[tilespmem:s6], [sflag:$0x2] =	stream.indirect.gather [hbm4b:s2+s21], $0x80, s7, s21, $0xb8;
	[tilespmem:$0x1D080] =	vst v63  }
0x3e5: {  	_ =	swait.ge [sflag:s1], $0x2800  }
0x3e6: {  	[sflag:s1] =	ssyncset.done $0x0  }
0x3e7: {  	s7 =	simm.s32 $0x1300;
	[sflag:s1] =	ssyncadd.s32 $0xFFFFD800  }
0x3e8: {  	[spmem:s3] =	stream.indirect.scatter.add.f32 [tilespmem:s0], [sflag:$0x4], $0x80, s7, s21, $0xb8;
	[tilespmem:$0x1D080] =	vst v63  }
0x3e9: {  	_ =	swait.ge [sflag:s23], $0x2800  }
0x3ea: {  	[sflag:s23] =	ssyncset.done $0x0  }
0x3eb: {  	s7 =	simm.s32 $0x400;
	[sflag:s23] =	ssyncadd.s32 $0xFFFFD800  }
0x3ec: {  	[tilespmem:s8], [sflag:$0x3] =	stream.indirect.gather [hbm4b:s2+s21], $0x80, s7, s21, $0xb8;
	[tilespmem:$0x1D080] =	vst v63  }
0x3ed: {  	_ =	swait.ge [sflag:s9], $0x2800  }
0x3ee: {  	[sflag:s9] =	ssyncset.done $0x0  }
0x3ef: {  	s12 =	simm.s32 $0x1380;
	[sflag:s9] =	ssyncadd.s32 $0xFFFFD800  }
0x3f0: {  	[spmem:s3] =	stream.indirect.scatter.add.f32 [tilespmem:s6], [sflag:$0x5], $0x80, s12, s21, $0xb8;
	[tilespmem:$0x1D080] =	vst v63  }
0x3f1: {  	_ =	swait.ge [sflag:s11], $0x2800  }
0x3f2: {  	[sflag:s11] =	ssyncset.done $0x0  }
0x3f3: {  	s14 =	simm.s32 $0x480;
	[sflag:s11] =	ssyncadd.s32 $0xFFFFD800  }
0x3f4: {  	[tilespmem:s0], [sflag:$0x1] =	stream.indirect.gather [hbm4b:s2+s21], $0x80, s14, s21, $0xb8;
	[tilespmem:$0x1D080] =	vst v63  }
0x3f5: {  	_ =	swait.ge [sflag:s13], $0x2800  }
0x3f6: {  	[sflag:s13] =	ssyncset.done $0x0  }
0x3f7: {  	s17 =	simm.s32 $0x1400;
	[sflag:s13] =	ssyncadd.s32 $0xFFFFD800  }
0x3f8: {  	[spmem:s3] =	stream.indirect.scatter.add.f32 [tilespmem:s8], [sflag:$0x6], $0x80, s17, s21, $0xb8;
	[tilespmem:$0x1D080] =	vst v63  }
0x3f9: {  	_ =	swait.ge [sflag:s15], $0x2800  }
0x3fa: {  	[sflag:s15] =	ssyncset.done $0x0  }
0x3fb: {  	s10 =	simm.s32 $0x500;
	[sflag:s15] =	ssyncadd.s32 $0xFFFFD800  }
0x3fc: {  	[tilespmem:s6], [sflag:$0x2] =	stream.indirect.gather [hbm4b:s2+s21], $0x80, s10, s21, $0xb8;
	[tilespmem:$0x1D080] =	vst v63  }
0x3fd: {  	_ =	swait.ge [sflag:s1], $0x2800  }
0x3fe: {  	[sflag:s1] =	ssyncset.done $0x0  }
0x3ff: {  	s19 =	simm.s32 $0x1480;
	[sflag:s1] =	ssyncadd.s32 $0xFFFFD800  }
0x400: {  	[spmem:s3] =	stream.indirect.scatter.add.f32 [tilespmem:s0], [sflag:$0x4], $0x80, s19, s21, $0xb8;
	[tilespmem:$0x1D080] =	vst v63  }
0x401: {  	_ =	swait.ge [sflag:s23], $0x2800  }
0x402: {  	[sflag:s23] =	ssyncset.done $0x0  }
0x403: {  	s20 =	simm.s32 $0x580;
	[sflag:s23] =	ssyncadd.s32 $0xFFFFD800  }
0x404: {  	[tilespmem:s8], [sflag:$0x3] =	stream.indirect.gather [hbm4b:s2+s21], $0x80, s20, s21, $0xb8;
	[tilespmem:$0x1D080] =	vst v63  }
0x405: {  	_ =	swait.ge [sflag:s9], $0x2800  }
0x406: {  	[sflag:s9] =	ssyncset.done $0x0  }
0x407: {  	s22 =	simm.s32 $0x1500;
	[sflag:s9] =	ssyncadd.s32 $0xFFFFD800  }
0x408: {  	[spmem:s3] =	stream.indirect.scatter.add.f32 [tilespmem:s6], [sflag:$0x5], $0x80, s22, s21, $0xb8;
	[tilespmem:$0x1D080] =	vst v63  }
0x409: {  	_ =	swait.ge [sflag:s11], $0x2800  }
0x40a: {  	[sflag:s11] =	ssyncset.done $0x0  }
0x40b: {  	s24 =	simm.s32 $0x600;
	[sflag:s11] =	ssyncadd.s32 $0xFFFFD800  }
0x40c: {  	[tilespmem:s0], [sflag:$0x1] =	stream.indirect.gather [hbm4b:s2+s21], $0x80, s24, s21, $0xb8;
	[tilespmem:$0x1D080] =	vst v63  }
0x40d: {  	_ =	swait.ge [sflag:s13], $0x2800  }
0x40e: {  	[sflag:s13] =	ssyncset.done $0x0  }
0x40f: {  	s25 =	simm.s32 $0x1580;
	[sflag:s13] =	ssyncadd.s32 $0xFFFFD800  }
0x410: {  	[spmem:s3] =	stream.indirect.scatter.add.f32 [tilespmem:s8], [sflag:$0x6], $0x80, s25, s21, $0xb8;
	[tilespmem:$0x1D080] =	vst v63  }
0x411: {  	_ =	swait.ge [sflag:s15], $0x2800  }
0x412: {  	[sflag:s15] =	ssyncset.done $0x0  }
0x413: {  	s26 =	simm.s32 $0x680;
	[sflag:s15] =	ssyncadd.s32 $0xFFFFD800  }
0x414: {  	[tilespmem:s6], [sflag:$0x2] =	stream.indirect.gather [hbm4b:s2+s21], $0x80, s26, s21, $0xb8;
	[tilespmem:$0x1D080] =	vst v63  }
0x415: {  	_ =	swait.ge [sflag:s1], $0x2800  }
0x416: {  	[sflag:s1] =	ssyncset.done $0x0  }
0x417: {  	s28 =	simm.s32 $0x1600;
	[sflag:s1] =	ssyncadd.s32 $0xFFFFD800  }
0x418: {  	[spmem:s3] =	stream.indirect.scatter.add.f32 [tilespmem:s0], [sflag:$0x4], $0x80, s28, s21, $0xb8;
	[tilespmem:$0x1D080] =	vst v63  }
0x419: {  	_ =	swait.ge [sflag:s23], $0x2800  }
0x41a: {  	[sflag:s23] =	ssyncset.done $0x0  }
0x41b: {  	s29 =	simm.s32 $0x700;
	[sflag:s23] =	ssyncadd.s32 $0xFFFFD800  }
0x41c: {  	[tilespmem:s8], [sflag:$0x3] =	stream.indirect.gather [hbm4b:s2+s21], $0x80, s29, s21, $0xb8;
	[tilespmem:$0x1D080] =	vst v63  }
0x41d: {  	_ =	swait.ge [sflag:s9], $0x2800  }
0x41e: {  	[sflag:s9] =	ssyncset.done $0x0  }
0x41f: {  	s30 =	simm.s32 $0x1680;
	[sflag:s9] =	ssyncadd.s32 $0xFFFFD800  }
0x420: {  	[spmem:s3] =	stream.indirect.scatter.add.f32 [tilespmem:s6], [sflag:$0x5], $0x80, s30, s21, $0xb8;
	[tilespmem:$0x1D080] =	vst v63  }
0x421: {  	_ =	swait.ge [sflag:s11], $0x2800  }
0x422: {  	[sflag:s11] =	ssyncset.done $0x0  }
0x423: {  	s31 =	simm.s32 $0x780;
	[sflag:s11] =	ssyncadd.s32 $0xFFFFD800  }
0x424: {  	[tilespmem:s0], [sflag:$0x1] =	stream.indirect.gather [hbm4b:s2+s21], $0x80, s31, s21, $0xb8;
	[tilespmem:$0x1D080] =	vst v63  }
0x425: {  	_ =	swait.ge [sflag:s13], $0x2800  }
0x426: {  	[sflag:s13] =	ssyncset.done $0x0  }
0x427: {  	s24 =	simm.s32 $0x1700;
	[sflag:s13] =	ssyncadd.s32 $0xFFFFD800  }
0x428: {  	[spmem:s3] =	stream.indirect.scatter.add.f32 [tilespmem:s8], [sflag:$0x6], $0x80, s24, s21, $0xb8;
	[tilespmem:$0x1D080] =	vst v63  }
0x429: {  	_ =	swait.ge [sflag:s15], $0x2800  }
0x42a: {  	[sflag:s15] =	ssyncset.done $0x0  }
0x42b: {  	s25 =	simm.s32 $0x800;
	[sflag:s15] =	ssyncadd.s32 $0xFFFFD800  }
0x42c: {  	[tilespmem:s6], [sflag:$0x2] =	stream.indirect.gather [hbm4b:s2+s21], $0x80, s25, s21, $0xb8;
	[tilespmem:$0x1D080] =	vst v63  }
0x42d: {  	_ =	swait.ge [sflag:s1], $0x2800  }
0x42e: {  	[sflag:s1] =	ssyncset.done $0x0  }
0x42f: {  	s26 =	simm.s32 $0x1780;
	[sflag:s1] =	ssyncadd.s32 $0xFFFFD800  }
0x430: {  	[spmem:s3] =	stream.indirect.scatter.add.f32 [tilespmem:s0], [sflag:$0x4], $0x80, s26, s21, $0xb8;
	[tilespmem:$0x1D080] =	vst v63  }
0x431: {  	_ =	swait.ge [sflag:s23], $0x2800  }
0x432: {  	[sflag:s23] =	ssyncset.done $0x0  }
0x433: {  	s28 =	simm.s32 $0x880;
	[sflag:s23] =	ssyncadd.s32 $0xFFFFD800  }
0x434: {  	[tilespmem:s8], [sflag:$0x3] =	stream.indirect.gather [hbm4b:s2+s21], $0x80, s28, s21, $0xb8;
	[tilespmem:$0x1D080] =	vst v63  }
0x435: {  	_ =	swait.ge [sflag:s9], $0x2800  }
0x436: {  	[sflag:s9] =	ssyncset.done $0x0  }
0x437: {  	s29 =	simm.s32 $0x1800;
	[sflag:s9] =	ssyncadd.s32 $0xFFFFD800  }
0x438: {  	[spmem:s3] =	stream.indirect.scatter.add.f32 [tilespmem:s6], [sflag:$0x5], $0x80, s29, s21, $0xb8;
	[tilespmem:$0x1D080] =	vst v63  }
0x439: {  	_ =	swait.ge [sflag:s11], $0x2800  }
0x43a: {  	[sflag:s11] =	ssyncset.done $0x0  }
0x43b: {  	s30 =	simm.s32 $0x900;
	[sflag:s11] =	ssyncadd.s32 $0xFFFFD800  }
0x43c: {  	[tilespmem:s0], [sflag:$0x1] =	stream.indirect.gather [hbm4b:s2+s21], $0x80, s30, s21, $0xb8;
	[tilespmem:$0x1D080] =	vst v63  }
0x43d: {  	_ =	swait.ge [sflag:s13], $0x2800  }
0x43e: {  	[sflag:s13] =	ssyncset.done $0x0  }
0x43f: {  	s31 =	simm.s32 $0x1880;
	[sflag:s13] =	ssyncadd.s32 $0xFFFFD800  }
0x440: {  	[spmem:s3] =	stream.indirect.scatter.add.f32 [tilespmem:s8], [sflag:$0x6], $0x80, s31, s21, $0xb8;
	[tilespmem:$0x1D080] =	vst v63  }
0x441: {  	_ =	swait.ge [sflag:s15], $0x2800  }
0x442: {  	[sflag:s15] =	ssyncset.done $0x0  }
0x443: {  	s7 =	simm.s32 $0x980;
	[sflag:s15] =	ssyncadd.s32 $0xFFFFD800  }
0x444: {  	[tilespmem:s6], [sflag:$0x2] =	stream.indirect.gather [hbm4b:s2+s21], $0x80, s7, s21, $0xb8;
	[tilespmem:$0x1D080] =	vst v63  }
0x445: {  	_ =	swait.ge [sflag:s1], $0x2800  }
0x446: {  	[sflag:s1] =	ssyncset.done $0x0  }
0x447: {  	s10 =	simm.s32 $0x1900;
	[sflag:s1] =	ssyncadd.s32 $0xFFFFD800  }
0x448: {  	[spmem:s3] =	stream.indirect.scatter.add.f32 [tilespmem:s0], [sflag:$0x4], $0x80, s10, s21, $0xb8;
	[tilespmem:$0x1D080] =	vst v63  }
0x449: {  	_ =	swait.ge [sflag:s23], $0x2800  }
0x44a: {  	[sflag:s23] =	ssyncset.done $0x0  }
0x44b: {  	s12 =	simm.s32 $0xA00;
	[sflag:s23] =	ssyncadd.s32 $0xFFFFD800  }
0x44c: {  	[tilespmem:s8], [sflag:$0x3] =	stream.indirect.gather [hbm4b:s2+s21], $0x80, s12, s21, $0xb8;
	[tilespmem:$0x1D080] =	vst v63  }
0x44d: {  	_ =	swait.ge [sflag:s9], $0x2800  }
0x44e: {  	[sflag:s9] =	ssyncset.done $0x0  }
0x44f: {  	s14 =	simm.s32 $0x1980;
	[sflag:s9] =	ssyncadd.s32 $0xFFFFD800  }
0x450: {  	[spmem:s3] =	stream.indirect.scatter.add.f32 [tilespmem:s6], [sflag:$0x5], $0x80, s14, s21, $0xb8;
	[tilespmem:$0x1D080] =	vst v63  }
0x451: {  	_ =	swait.ge [sflag:s11], $0x2800  }
0x452: {  	[sflag:s11] =	ssyncset.done $0x0  }
0x453: {  	s17 =	simm.s32 $0xA80;
	[sflag:s11] =	ssyncadd.s32 $0xFFFFD800  }
0x454: {  	[tilespmem:s0], [sflag:$0x1] =	stream.indirect.gather [hbm4b:s2+s21], $0x80, s17, s21, $0xb8;
	[tilespmem:$0x1D080] =	vst v63  }
0x455: {  	_ =	swait.ge [sflag:s13], $0x2800  }
0x456: {  	[sflag:s13] =	ssyncset.done $0x0  }
0x457: {  	s19 =	simm.s32 $0x1A00;
	[sflag:s13] =	ssyncadd.s32 $0xFFFFD800  }
0x458: {  	[spmem:s3] =	stream.indirect.scatter.add.f32 [tilespmem:s8], [sflag:$0x6], $0x80, s19, s21, $0xb8;
	[tilespmem:$0x1D080] =	vst v63  }
0x459: {  	_ =	swait.ge [sflag:s15], $0x2800  }
0x45a: {  	[sflag:s15] =	ssyncset.done $0x0  }
0x45b: {  	s20 =	simm.s32 $0xB00;
	[sflag:s15] =	ssyncadd.s32 $0xFFFFD800  }
0x45c: {  	[tilespmem:s6], [sflag:$0x2] =	stream.indirect.gather [hbm4b:s2+s21], $0x80, s20, s21, $0xb8;
	[tilespmem:$0x1D080] =	vst v63  }
0x45d: {  	_ =	swait.ge [sflag:s1], $0x2800  }
0x45e: {  	[sflag:s1] =	ssyncset.done $0x0  }
0x45f: {  	s22 =	simm.s32 $0x1A80;
	[sflag:s1] =	ssyncadd.s32 $0xFFFFD800  }
0x460: {  	[spmem:s3] =	stream.indirect.scatter.add.f32 [tilespmem:s0], [sflag:$0x4], $0x80, s22, s21, $0xb8;
	[tilespmem:$0x1D080] =	vst v63  }
0x461: {  	_ =	swait.ge [sflag:s23], $0x2800  }
0x462: {  	[sflag:s23] =	ssyncset.done $0x0  }
0x463: {  	s24 =	simm.s32 $0xB80;
	[sflag:s23] =	ssyncadd.s32 $0xFFFFD800  }
0x464: {  	[tilespmem:s8], [sflag:$0x3] =	stream.indirect.gather [hbm4b:s2+s21], $0x80, s24, s21, $0xb8;
	[tilespmem:$0x1D080] =	vst v63  }
0x465: {  	_ =	swait.ge [sflag:s9], $0x2800  }
0x466: {  	[sflag:s9] =	ssyncset.done $0x0  }
0x467: {  	s25 =	simm.s32 $0x1B00;
	[sflag:s9] =	ssyncadd.s32 $0xFFFFD800  }
0x468: {  	[spmem:s3] =	stream.indirect.scatter.add.f32 [tilespmem:s6], [sflag:$0x5], $0x80, s25, s21, $0xb8;
	[tilespmem:$0x1D080] =	vst v63  }
0x469: {  	_ =	swait.ge [sflag:s11], $0x2800  }
0x46a: {  	[sflag:s11] =	ssyncset.done $0x0  }
0x46b: {  	s26 =	simm.s32 $0xC00;
	[sflag:s11] =	ssyncadd.s32 $0xFFFFD800  }
0x46c: {  	[tilespmem:s0], [sflag:$0x1] =	stream.indirect.gather [hbm4b:s2+s21], $0x80, s26, s21, $0xb8;
	[tilespmem:$0x1D080] =	vst v63  }
0x46d: {  	_ =	swait.ge [sflag:s13], $0x2800  }
0x46e: {  	[sflag:s13] =	ssyncset.done $0x0  }
0x46f: {  	s28 =	simm.s32 $0x1B80;
	[sflag:s13] =	ssyncadd.s32 $0xFFFFD800  }
0x470: {  	[spmem:s3] =	stream.indirect.scatter.add.f32 [tilespmem:s8], [sflag:$0x6], $0x80, s28, s21, $0xb8;
	[tilespmem:$0x1D080] =	vst v63  }
0x471: {  	_ =	swait.ge [sflag:s1], $0x2800  }
0x472: {  	[sflag:s1] =	ssyncset.done $0x0  }
0x473: {  	s29 =	simm.s32 $0x1C00;
	[sflag:s1] =	ssyncadd.s32 $0xFFFFD800  }
0x474: {  	[spmem:s3] =	stream.indirect.scatter.add.f32 [tilespmem:s0], [sflag:$0x4], $0x80, s29, s21, $0xb8;
	[tilespmem:$0x1D080] =	vst v63  }
0x475: {  	_ =	swait.ge [sflag:s15], $0x2800  }
0x476: {  	[sflag:s15] =	ssyncset.done $0x0  }
0x477: {  	[sflag:s15] =	ssyncadd.s32 $0xFFFFD800  }
0x478: {  	_ =	swait.ge [sflag:s23], $0x2800  }
0x479: {  	[sflag:s23] =	ssyncset.done $0x0  }
0x47a: {  	[sflag:s23] =	ssyncadd.s32 $0xFFFFD800  }
0x47b: {  	_ =	swait.ge [sflag:s11], $0x2800  }
.Ltmp3:
0x47c: {  	[sflag:s11] =	ssyncset.done $0x0;
	(pc) =	sbr.rel @!p0 .LBB2_4-.Ltmp3, $4  }
0x47d: {  	[sflag:s11] =	ssyncadd.s32 $0xFFFFD800  }
0x47e: {  	s30 =	stileid.u32;
	[bflag:$0x0] =	sbarrier.arrive $0xFFFF  }
0x47f: {  	s12 =	sshll.u32 s30, $0x6;
	s31 =	rddreg [dreg:$0x10]  }
0x480: {  	s7 =	sor.u32 $0x1C07, s12;
	s10 =	sshrl.u32 s31, $0x3  }
0x481: {  	s7 =	sor.u32 $0x1C07, s12;
	s31 =	rddreg [dreg:$0x14]  }
0x482: {  	[hbm:s31], [sflag:s7] =	dma.local [spmem:s10], $0x1900  }
.Ltmp4:
0x483: {  	_ = 	snop;
	(pc) =	sbr.rel @p1 .LBB2_7-.Ltmp4, $4  }
.Ltmp5:
0x484: {  	_ = 	snop;
	(pc) =	sbr.rel @!p1 .LBB2_6-.Ltmp5, $4  }
0x485: {  	_ =	swait.ge [sflag:s18], $0x1900  }
0x486: {  	[sflag:s18] =	ssyncset.done $0x0  }
0x487: {  	s10 =	rddreg [dreg:$0x5];
	[sflag:s18] =	ssyncadd.s32 $0xFFFFE700  }
0x488: {  	_ = 	snop  }
.LBB2_4:
0x489: {  	s12 =	rddreg [dreg:$0x11]  }
0x48a: {  	[hbm:s12], [sflag:s7] =	dma.local [spmem:s10], $0x1900  }
.Ltmp6:
0x48b: {  	_ = 	snop;
	(pc) =	sbr.rel @p2 .LBB2_6-.Ltmp6, $4  }
.Ltmp7:
0x48c: {  	_ = 	snop;
	(pc) =	sbr.rel @!p2 .LBB2_7-.Ltmp7, $4  }
0x48d: {  	_ =	swait.ge [sflag:s18], $0x1900  }
0x48e: {  	[sflag:s18] =	ssyncset.done $0x0  }
0x48f: {  	s10 =	rddreg [dreg:$0x4];
	[sflag:s18] =	ssyncadd.s32 $0xFFFFE700  }
0x490: {  	_ = 	snop  }
.LBB2_8:
0x491: {  	_ =	sfence.sel $0x180000  }
0x492: {  	[bflag:$0x0] =	sbarrier.arrive $0xFFFF  }
0x493: {  	_ =	strace $0x9000004A  }
0x494: {  	s0 =	stileid.u32;
	[bflag:$0x2] =	sbarrier.arrive $0xFFFF  }
0x495: {  	p0 =	sne.s32 s0, $0x0;
	s0 =	rddreg [dreg:$0x3]  }
0x496: {  	s0 =	sadd.s32 @!p0 $0x100000, s0  }
0x497: {  	[sflag:s0] =	ssyncadd.tile.s32 @!p0 $0x1;
	_ =	shalt  }
.Lfunc_end2:
_tile_overlayer_lowered:
.L_overlay_start_2:
0x498: {  	(tag) =	ssettag $0x2  }
0x499: {  	s0 =	rddreg [dreg:$0x0];
	s2 =	stileid.u32  }
0x49a: {  	s1 =	rddreg [dreg:$0x1];
	p0 =	sne.s32 s2, $0x0  }
0x49b: {  	s3 =	rddreg [dreg:$0x2];
	[bflag:$0x3] =	sbarrier.arrive $0xFFFF;
	s2 =	simm.s32 @!p0 $0x1C07  }
0x49c: {  	[timem:s3], [sflag:s2] =	dma.local @!p0 [hbm:s0], s1  }
0x49d: {  	s0 =	simm.s32 @!p0 $0x7  }
0x49e: {  	_ =	swait.ge @!p0 [sflag:s0], s1  }
0x49f: {  	s1 =	ssub.s32 @!p0 $0x0, s1;
	[sflag:s0] =	ssyncset.done @!p0 $0x0  }
0x4a0: {  	[sflag:s0] =	ssyncadd.s32 @!p0 s1  }
0x4a1: {  	[bflag:$0x3] =	sbarrier.arrive $0xFFFF  }
0x4a2: {  	_ =	shalt  }

</sc_bundles>
